<compile_context>
chip_gen: v7x
topology: tpu7x:2x2x1
jax: 0.10.2.dev20260603
libtpu: 0.0.44.dev20260713+nightly
codegen_flags: <defaults>
</compile_context>

<pallas_src>
import functools

import jax
import jax.numpy as jnp
from jax import lax
from jax.experimental import pallas as pl
from jax.experimental.pallas import tpu as pltpu
from jax.experimental.pallas import tpu_sc as plsc

N = 1600000
G = 4096
NCH = 4
NC = 2
NS = 16
L = 16
NW = NC * NS
CHUNK = N // NW
BLK = 2000
NB = CHUNK // BLK
VPB = BLK // L
K = 5
WPB = VPB // K

_mesh = plsc.VectorSubcoreMesh(core_axis_name="c", subcore_axis_name="s")


def _lane_gather(x, idx):
    dnums = lax.GatherDimensionNumbers(
        offset_dims=(), collapsed_slice_dims=(0,), start_index_map=(0,))
    return lax.gather(x, idx[:, None], dnums, (1,),
                      mode=lax.GatherScatterMode.PROMISE_IN_BOUNDS)


def _cumsum16(x, iota):
    del iota
    return plsc.cumsum(x)


@functools.partial(
    pl.kernel,
    mesh=_mesh,
    out_type=jax.ShapeDtypeStruct((NW, NCH, G), jnp.float32),
    compiler_params=pltpu.CompilerParams(needs_layout_passes=False),
    scratch_types=(
        [pltpu.VMEM((BLK,), jnp.int32) for _ in range(2)]
        + [pltpu.VMEM((BLK,), jnp.float32) for _ in range(10)]
        + [
            pltpu.VMEM((G,), jnp.float32),
            pltpu.VMEM((G,), jnp.float32),
            pltpu.VMEM((G,), jnp.float32),
            pltpu.VMEM((G,), jnp.float32),
            pltpu.VMEM((L,), jnp.int32),
            pltpu.SemaphoreType.DMA,
            pltpu.SemaphoreType.DMA,
        ]
    ),
)
def _sc_partials(batch_hbm, e_hbm, se_hbm, y_hbm, p0_hbm, p1_hbm, out_hbm,
                 b_buf0, b_buf1, e_buf0, e_buf1, se_buf0, se_buf1,
                 y_buf0, y_buf1, p0_buf0, p0_buf1, p1_buf0, p1_buf1,
                 acc_a, acc_b, acc_f, acc_g, pv_buf, sem0, sem1):
    wid = lax.axis_index("s") * NC + lax.axis_index("c")
    base = wid * CHUNK
    zero = jnp.zeros((L,), jnp.float32)
    iota = lax.iota(jnp.int32, L)
    lane0 = iota == 0
    izero = jnp.zeros((L,), jnp.int32)
    ilast = izero + (L - 1)
    wincheck = jnp.where(iota < 8, 0, K * L - 1)

    def zinit(i, carry):
        off = i * L
        acc_a[pl.ds(off, L)] = zero
        acc_b[pl.ds(off, L)] = zero
        acc_f[pl.ds(off, L)] = zero
        acc_g[pl.ds(off, L)] = zero
        return carry

    lax.fori_loop(0, G // L, zinit, 0)
    pltpu.sync_copy(batch_hbm.at[pl.ds(base, L)], pv_buf)
    prev0 = _lane_gather(pv_buf[...], izero)

    def _vsum(x):
        for d in (1, 2, 4, 8):
            x = x + _lane_gather(x, iota ^ d)
        return x

    def _flush(prev, va, vb, vf, vg):
        plsc.addupdate_scatter(acc_a, [prev], _vsum(va), mask=lane0)
        plsc.addupdate_scatter(acc_b, [prev], _vsum(vb), mask=lane0)
        plsc.addupdate_scatter(acc_f, [prev], _vsum(vf), mask=lane0)
        plsc.addupdate_scatter(acc_g, [prev], _vsum(vg), mask=lane0)

    sets = (
        (b_buf0, e_buf0, se_buf0, y_buf0, p0_buf0, p1_buf0, sem0),
        (b_buf1, e_buf1, se_buf1, y_buf1, p0_buf1, p1_buf1, sem1),
    )

    def _hbm_slices(bi):
        blk_base = base + bi * BLK
        sl = pl.ds(blk_base, BLK)
        return (batch_hbm.at[sl], e_hbm.at[sl], se_hbm.at[sl],
                y_hbm.at[sl], p0_hbm.at[sl], p1_hbm.at[sl])

    def _issue(bi, bset):
        *bufs, sem = bset
        for src, dst in zip(_hbm_slices(bi), bufs):
            pltpu.async_copy(src, dst, sem)

    def _drain(bi, bset):
        *bufs, sem = bset
        for src, dst in zip(_hbm_slices(bi), bufs):
            pltpu.make_async_copy(src, dst, sem).wait()

    def _make_channels(e_buf, se_buf, y_buf, p0_buf, p1_buf):
        def _channels(off):
            ev = e_buf[pl.ds(off, L)]
            sev = se_buf[pl.ds(off, L)]
            yv = y_buf[pl.ds(off, L)]
            p0 = p0_buf[pl.ds(off, L)]
            p1 = p1_buf[pl.ds(off, L)]
            emsv = ev - sev
            d0 = p0 - yv
            d1 = p1 - (1.0 - yv)
            fv = sev * d0 * d0
            gv = emsv * d1 * d1
            return ev, emsv, fv, gv
        return _channels

    def _process(bset, carry):
        b_buf, e_buf, se_buf, y_buf, p0_buf, p1_buf, _ = bset
        _channels = _make_channels(e_buf, se_buf, y_buf, p0_buf, p1_buf)

        def do_win(w, wcarry):
            va, vb, vf, vg, prev = wcarry
            off = w * (K * L)
            vfl = plsc.load_gather(b_buf, [off + wincheck])
            mixed = jnp.any(vfl != prev)

            def fast(ops):
                va, vb, vf, vg, prev = ops
                for k in range(K):
                    ev, emsv, fv, gv = _channels(off + k * L)
                    va = va + ev
                    vb = vb + emsv
                    vf = vf + fv
                    vg = vg + gv
                return va, vb, vf, vg, prev

            def slow(ops):
                def one_vreg(ops, offk):
                    va, vb, vf, vg, prev = ops
                    bv = b_buf[pl.ds(offk, L)]
                    ev, emsv, fv, gv = _channels(offk)
                    bshift = _lane_gather(bv, jnp.minimum(iota + 1, L - 1))
                    mb = bv != bshift
                    vmixed = jnp.any(mb | (bv != prev))

                    def vfast(ops):
                        va, vb, vf, vg, prev = ops
                        return va + ev, vb + emsv, vf + fv, vg + gv, prev

                    def vslow(ops):
                        va, vb, vf, vg, prev = ops
                        _flush(prev, va, vb, vf, vg)
                        m_end = mb | (iota == L - 1)
                        ca = _cumsum16(ev, iota)
                        cb = _cumsum16(emsv, iota)
                        cf = _cumsum16(fv, iota)
                        cg = _cumsum16(gv, iota)
                        plsc.addupdate_scatter(acc_a, [bv], ca, mask=m_end)
                        plsc.addupdate_scatter(acc_b, [bv], cb, mask=m_end)
                        plsc.addupdate_scatter(acc_f, [bv], cf, mask=m_end)
                        plsc.addupdate_scatter(acc_g, [bv], cg, mask=m_end)
                        plsc.addupdate_scatter(acc_a, [bshift], -ca, mask=mb)
                        plsc.addupdate_scatter(acc_b, [bshift], -cb, mask=mb)
                        plsc.addupdate_scatter(acc_f, [bshift], -cf, mask=mb)
                        plsc.addupdate_scatter(acc_g, [bshift], -cg, mask=mb)
                        newprev = _lane_gather(bv, ilast)
                        return zero, zero, zero, zero, newprev

                    return lax.cond(vmixed, vslow, vfast, ops)

                for k in range(K):
                    ops = one_vreg(ops, off + k * L)
                return ops

            return lax.cond(mixed, slow, fast, (va, vb, vf, vg, prev))

        return lax.fori_loop(0, WPB, do_win, carry)

    _issue(0, sets[0])
    _issue(1, sets[1])

    def do_pair(t, carry):
        b0 = 2 * t
        _drain(b0, sets[0])
        carry = _process(sets[0], carry)
        _issue(b0 + 2, sets[0])
        _drain(b0 + 1, sets[1])
        carry = _process(sets[1], carry)

        @pl.when(b0 + 3 < NB)
        def _():
            _issue(b0 + 3, sets[1])

        return carry

    carry = lax.fori_loop(0, (NB - 1) // 2, do_pair,
                          (zero, zero, zero, zero, prev0))
    _drain(NB - 1, sets[0])
    va, vb, vf, vg, prev = _process(sets[0], carry)
    _flush(prev, va, vb, vf, vg)

    pltpu.sync_copy(acc_a, out_hbm.at[wid, 0])
    pltpu.sync_copy(acc_b, out_hbm.at[wid, 1])
    pltpu.sync_copy(acc_f, out_hbm.at[wid, 2])
    pltpu.sync_copy(acc_g, out_hbm.at[wid, 3])


def _combine_body(x_ref, o_ref):
    t = jnp.sum(x_ref[...], axis=0)
    a = t[0:1, :]
    b = t[1:2, :]
    f = t[2:3, :]
    g = t[3:4, :]
    batches = f / (1.0 + a) + g / (1.0 + b)
    o_ref[...] = jnp.full((1, 1), jnp.sum(batches), jnp.float32)


_combine = pl.pallas_call(
    _combine_body,
    out_shape=jax.ShapeDtypeStruct((1, 1), jnp.float32),
)


def kernel(preds, e, shared_e, y, batch):
    batch = batch.astype(jnp.int32)
    p0 = preds[:, 0]
    p1 = preds[:, 1]
    partials = _sc_partials(batch, e, shared_e, y, p0, p1)
    return _combine(partials)[0, 0]

# --- scband reference (transcript-rebuilt; emitter-appended) ---
"""Pipeline reference for scband-graph-classification-loss-14757507629507 (READ-ONLY COPY).

The authoritative reference and input builder live on the scoring server;
editing this copy changes nothing except your own understanding.
"""

import jax, jax.numpy as jnp
import numpy as np

N = 1600000
NUM_GRAPHS = 4096

def setup_inputs(seed: int = 0) -> dict:
    key = jax.random.key(seed)
    k1, k2, k3, k4, k5 = jax.random.split(key, 5)
    preds = jax.random.uniform(k1, (N, 2), dtype=jnp.float32)
    e = jax.random.uniform(k2, (N,), dtype=jnp.float32)
    shared_e = jax.random.uniform(k3, (N,), dtype=jnp.float32)
    y = jax.random.uniform(k4, (N,), dtype=jnp.float32)
    batch = jnp.sort(jax.random.randint(k5, (N,), 0, NUM_GRAPHS, dtype=jnp.int64))
    return {"preds": preds, "e": e, "shared_e": shared_e, "y": y, "batch": batch}

def reference(preds, e, shared_e, y, batch):
    # batch_sum == scatter-add (segment_sum) over graph ids
    foreground_shared_e = 1.0 + jax.ops.segment_sum(e, batch, num_segments=NUM_GRAPHS)
    background_shared_e = 1.0 + jax.ops.segment_sum(e - shared_e, batch, num_segments=NUM_GRAPHS)
    foreground = jax.ops.segment_sum(shared_e * (preds[:, 0] - y) ** 2, batch, num_segments=NUM_GRAPHS)
    background = jax.ops.segment_sum((e - shared_e) * (preds[:, 1] - (1.0 - y)) ** 2, batch, num_segments=NUM_GRAPHS)
    batches = foreground / foreground_shared_e + background / background_shared_e
    return batches.sum()

if __name__ == "__main__":
    import jax
    _d = setup_inputs()
    print(jax.jit(kernel)(*tuple(_d.values())))

</pallas_src>

<mosaic_0001>
#map = affine_map<(d0, d1) -> (0)>
#map1 = affine_map<(d0, d1) -> (0, 0, 0)>
module attributes {stable_mosaic.version = 14 : i64} {
  func.func @_sc_partials(%arg0: i32, %arg1: i32, %arg2: memref<1600000xi32, #tpu.memory_space<hbm>>, %arg3: memref<1600000xf32, #tpu.memory_space<hbm>>, %arg4: memref<1600000xf32, #tpu.memory_space<hbm>>, %arg5: memref<1600000xf32, #tpu.memory_space<hbm>>, %arg6: memref<1600000xf32, #tpu.memory_space<hbm>>, %arg7: memref<1600000xf32, #tpu.memory_space<hbm>>, %arg8: memref<32x4x4096xf32, #tpu.memory_space<hbm>>, %arg9: memref<2000xi32, #tpu.memory_space<vmem>>, %arg10: memref<2000xi32, #tpu.memory_space<vmem>>, %arg11: memref<2000xf32, #tpu.memory_space<vmem>>, %arg12: memref<2000xf32, #tpu.memory_space<vmem>>, %arg13: memref<2000xf32, #tpu.memory_space<vmem>>, %arg14: memref<2000xf32, #tpu.memory_space<vmem>>, %arg15: memref<2000xf32, #tpu.memory_space<vmem>>, %arg16: memref<2000xf32, #tpu.memory_space<vmem>>, %arg17: memref<2000xf32, #tpu.memory_space<vmem>>, %arg18: memref<2000xf32, #tpu.memory_space<vmem>>, %arg19: memref<2000xf32, #tpu.memory_space<vmem>>, %arg20: memref<2000xf32, #tpu.memory_space<vmem>>, %arg21: memref<4096xf32, #tpu.memory_space<vmem>>, %arg22: memref<4096xf32, #tpu.memory_space<vmem>>, %arg23: memref<4096xf32, #tpu.memory_space<vmem>>, %arg24: memref<4096xf32, #tpu.memory_space<vmem>>, %arg25: memref<16xi32, #tpu.memory_space<vmem>>, %arg26: memref<!tpu.dma_semaphore, #tpu.memory_space<semaphore_mem>>, %arg27: memref<!tpu.dma_semaphore, #tpu.memory_space<semaphore_mem>>) attributes {dimension_semantics = [#tpu.dimension_semantics<core_parallel>, #tpu.dimension_semantics<subcore_parallel>], iteration_bounds = array<i64: 2, 16>, scalar_prefetch = 0 : i64, scratch_operands = 19 : i64, tpu.core_type = #tpu.core_type<sc_vector_subcore>, window_params = [{transform_indices = #map}, {transform_indices = #map}, {transform_indices = #map}, {transform_indices = #map}, {transform_indices = #map}, {transform_indices = #map}, {transform_indices = #map1}]} {
    %mul3A = arith.constant 2 : i32
    %mul3A_0 = arith.muli %arg1, %mul3A : i32
    %add3A = arith.addi %mul3A_0, %arg0 : i32
    %mul3A_1 = arith.constant 50000 : i32
    %mul3A_2 = arith.muli %add3A, %mul3A_1 : i32
    %broadcast_in_dim3A = arith.constant 0.000000e+00 : f32
    %broadcast_in_dim3A_3 = vector.broadcast %broadcast_in_dim3A : f32 to vector<16xf32>
    %iota3A = tpu.iota {dimensions = array<i32: 0>} : vector<16xi32>
    %eq3A = arith.constant 0 : i32
    %eq3A_4 = vector.broadcast %eq3A : i32 to vector<16xi32>
    %eq3A_5 = arith.cmpi eq, %iota3A, %eq3A_4 : vector<16xi32>
    %broadcast_in_dim3A_6 = arith.constant 0 : i32
    %broadcast_in_dim3A_7 = vector.broadcast %broadcast_in_dim3A_6 : i32 to vector<16xi32>
    %add3A_8 = arith.constant 15 : i32
    %add3A_9 = vector.broadcast %add3A_8 : i32 to vector<16xi32>
    %add3A_10 = arith.addi %broadcast_in_dim3A_7, %add3A_9 : vector<16xi32>
    %lt3A = arith.constant 8 : i32
    %lt3A_11 = vector.broadcast %lt3A : i32 to vector<16xi32>
    %lt3A_12 = arith.cmpi slt, %iota3A, %lt3A_11 : vector<16xi32>
    %jit3A = arith.constant 0 : i32
    %jit3A_13 = arith.constant 79 : i32
    %broadcast_in_dim3A_14 = vector.broadcast %jit3A : i32 to vector<16xi32>
    %broadcast_in_dim3A_15 = vector.broadcast %jit3A_13 : i32 to vector<16xi32>
    %select_n3A = arith.select %lt3A_12, %broadcast_in_dim3A_14, %broadcast_in_dim3A_15 : vector<16xi1>, vector<16xi32>
    %scan3A = arith.constant 0 : i32
    %scan3A_16 = arith.constant 0 : i32
    %scan3A_17 = arith.constant 256 : i32
    %scan3A_18 = arith.addi %scan3A_16, %scan3A_17 : i32
    %scan3A_19 = arith.constant 1 : i32
    scf.for %scan3A_190 = %scan3A_16 to %scan3A_18 step %scan3A_19  : i32 {
      %mul3A_191 = arith.constant 16 : i32
      %mul3A_192 = arith.muli %scan3A_190, %mul3A_191 : i32
      %swap3A = arith.index_cast %mul3A_192 : i32 to index
      %swap3A_193 = tpu.vector_load %arg21[%swap3A] {strides = array<i32>} : memref<4096xf32, #tpu.memory_space<vmem>>, vector<16xf32>,
      tpu.vector_store %arg21[%swap3A], %broadcast_in_dim3A_3 {strides = array<i32>} : memref<4096xf32, #tpu.memory_space<vmem>>, vector<16xf32>,
      %swap3A_194 = arith.index_cast %mul3A_192 : i32 to index
      %swap3A_195 = tpu.vector_load %arg22[%swap3A_194] {strides = array<i32>} : memref<4096xf32, #tpu.memory_space<vmem>>, vector<16xf32>,
      tpu.vector_store %arg22[%swap3A_194], %broadcast_in_dim3A_3 {strides = array<i32>} : memref<4096xf32, #tpu.memory_space<vmem>>, vector<16xf32>,
      %swap3A_196 = arith.index_cast %mul3A_192 : i32 to index
      %swap3A_197 = tpu.vector_load %arg23[%swap3A_196] {strides = array<i32>} : memref<4096xf32, #tpu.memory_space<vmem>>, vector<16xf32>,
      tpu.vector_store %arg23[%swap3A_196], %broadcast_in_dim3A_3 {strides = array<i32>} : memref<4096xf32, #tpu.memory_space<vmem>>, vector<16xf32>,
      %swap3A_198 = arith.index_cast %mul3A_192 : i32 to index
      %swap3A_199 = tpu.vector_load %arg24[%swap3A_198] {strides = array<i32>} : memref<4096xf32, #tpu.memory_space<vmem>>, vector<16xf32>,
      tpu.vector_store %arg24[%swap3A_198], %broadcast_in_dim3A_3 {strides = array<i32>} : memref<4096xf32, #tpu.memory_space<vmem>>, vector<16xf32>,
    }
    %scan3A_20 = arith.constant 256 : i32
    "tpu.region"() ({
      %run_scoped3A_190 = tpu.sem_alloc : memref<!tpu.dma_semaphore, #tpu.memory_space<semaphore_mem>>
      %dma_start3A_191 = tpu.memref_slice %arg2[%mul3A_2] : memref<1600000xi32, #tpu.memory_space<hbm>> -> memref<16xi32, #tpu.memory_space<hbm>>
      %dma_start3A_192 = tpu.memref_slice %arg2[%mul3A_2] : memref<1600000xi32, #tpu.memory_space<hbm>> -> memref<16xi32, #tpu.memory_space<hbm>>
      tpu.enqueue_dma source(%dma_start3A_192 : memref<16xi32, #tpu.memory_space<hbm>>) target(%arg25 : memref<16xi32, #tpu.memory_space<vmem>>) target_semaphore(%run_scoped3A_190 : memref<!tpu.dma_semaphore, #tpu.memory_space<semaphore_mem>>)
      %dma_wait3A_193 = tpu.memref_slice %arg2[%mul3A_2] : memref<1600000xi32, #tpu.memory_space<hbm>> -> memref<16xi32, #tpu.memory_space<hbm>>
      %dma_wait3A_194 = tpu.memref_slice %arg2[%mul3A_2] : memref<1600000xi32, #tpu.memory_space<hbm>> -> memref<16xi32, #tpu.memory_space<hbm>>
      tpu.wait_dma2 semaphore(%run_scoped3A_190 : memref<!tpu.dma_semaphore, #tpu.memory_space<semaphore_mem>>) src(%dma_wait3A_194 : memref<16xi32, #tpu.memory_space<hbm>>) dst(%arg25 : memref<16xi32, #tpu.memory_space<vmem>>)
      tpu.yield
    }) : () -> ()
    %get3A = arith.constant 0 : index
    %get3A_21 = tpu.vector_load %arg25[%get3A] {strides = array<i32>} : memref<16xi32, #tpu.memory_space<vmem>>, vector<16xi32>,
    %broadcast_in_dim3A_22 = vector.shape_cast %broadcast_in_dim3A_7 : vector<16xi32> to vector<16x1xi32>
    %gather3A = vector.shape_cast %broadcast_in_dim3A_22 : vector<16x1xi32> to vector<16xi32>
    %gather3A_23 = tpu.dynamic_gather %get3A_21[%gather3A] in [0] : vector<16xi32>, vector<16xi32> -> vector<16xi32>
    %add3A_24 = arith.constant 0 : i32
    %add3A_25 = arith.addi %mul3A_2, %add3A_24 : i32
    %dma_start3A = tpu.memref_slice %arg2[%add3A_25] : memref<1600000xi32, #tpu.memory_space<hbm>> -> memref<2000xi32, #tpu.memory_space<hbm>>
    %dma_start3A_26 = tpu.memref_slice %arg2[%add3A_25] : memref<1600000xi32, #tpu.memory_space<hbm>> -> memref<2000xi32, #tpu.memory_space<hbm>>
    tpu.enqueue_dma source(%dma_start3A_26 : memref<2000xi32, #tpu.memory_space<hbm>>) target(%arg9 : memref<2000xi32, #tpu.memory_space<vmem>>) target_semaphore(%arg26 : memref<!tpu.dma_semaphore, #tpu.memory_space<semaphore_mem>>)
    %dma_start3A_27 = tpu.memref_slice %arg3[%add3A_25] : memref<1600000xf32, #tpu.memory_space<hbm>> -> memref<2000xf32, #tpu.memory_space<hbm>>
    %dma_start3A_28 = tpu.memref_slice %arg3[%add3A_25] : memref<1600000xf32, #tpu.memory_space<hbm>> -> memref<2000xf32, #tpu.memory_space<hbm>>
    tpu.enqueue_dma source(%dma_start3A_28 : memref<2000xf32, #tpu.memory_space<hbm>>) target(%arg11 : memref<2000xf32, #tpu.memory_space<vmem>>) target_semaphore(%arg26 : memref<!tpu.dma_semaphore, #tpu.memory_space<semaphore_mem>>)
    %dma_start3A_29 = tpu.memref_slice %arg4[%add3A_25] : memref<1600000xf32, #tpu.memory_space<hbm>> -> memref<2000xf32, #tpu.memory_space<hbm>>
    %dma_start3A_30 = tpu.memref_slice %arg4[%add3A_25] : memref<1600000xf32, #tpu.memory_space<hbm>> -> memref<2000xf32, #tpu.memory_space<hbm>>
    tpu.enqueue_dma source(%dma_start3A_30 : memref<2000xf32, #tpu.memory_space<hbm>>) target(%arg13 : memref<2000xf32, #tpu.memory_space<vmem>>) target_semaphore(%arg26 : memref<!tpu.dma_semaphore, #tpu.memory_space<semaphore_mem>>)
    %dma_start3A_31 = tpu.memref_slice %arg5[%add3A_25] : memref<1600000xf32, #tpu.memory_space<hbm>> -> memref<2000xf32, #tpu.memory_space<hbm>>
    %dma_start3A_32 = tpu.memref_slice %arg5[%add3A_25] : memref<1600000xf32, #tpu.memory_space<hbm>> -> memref<2000xf32, #tpu.memory_space<hbm>>
    tpu.enqueue_dma source(%dma_start3A_32 : memref<2000xf32, #tpu.memory_space<hbm>>) target(%arg15 : memref<2000xf32, #tpu.memory_space<vmem>>) target_semaphore(%arg26 : memref<!tpu.dma_semaphore, #tpu.memory_space<semaphore_mem>>)
    %dma_start3A_33 = tpu.memref_slice %arg6[%add3A_25] : memref<1600000xf32, #tpu.memory_space<hbm>> -> memref<2000xf32, #tpu.memory_space<hbm>>
    %dma_start3A_34 = tpu.memref_slice %arg6[%add3A_25] : memref<1600000xf32, #tpu.memory_space<hbm>> -> memref<2000xf32, #tpu.memory_space<hbm>>
    tpu.enqueue_dma source(%dma_start3A_34 : memref<2000xf32, #tpu.memory_space<hbm>>) target(%arg17 : memref<2000xf32, #tpu.memory_space<vmem>>) target_semaphore(%arg26 : memref<!tpu.dma_semaphore, #tpu.memory_space<semaphore_mem>>)
    %dma_start3A_35 = tpu.memref_slice %arg7[%add3A_25] : memref<1600000xf32, #tpu.memory_space<hbm>> -> memref<2000xf32, #tpu.memory_space<hbm>>
    %dma_start3A_36 = tpu.memref_slice %arg7[%add3A_25] : memref<1600000xf32, #tpu.memory_space<hbm>> -> memref<2000xf32, #tpu.memory_space<hbm>>
    tpu.enqueue_dma source(%dma_start3A_36 : memref<2000xf32, #tpu.memory_space<hbm>>) target(%arg19 : memref<2000xf32, #tpu.memory_space<vmem>>) target_semaphore(%arg26 : memref<!tpu.dma_semaphore, #tpu.memory_space<semaphore_mem>>)
    %add3A_37 = arith.constant 2000 : i32
    %add3A_38 = arith.addi %mul3A_2, %add3A_37 : i32
    %dma_start3A_39 = tpu.memref_slice %arg2[%add3A_38] : memref<1600000xi32, #tpu.memory_space<hbm>> -> memref<2000xi32, #tpu.memory_space<hbm>>
    %dma_start3A_40 = tpu.memref_slice %arg2[%add3A_38] : memref<1600000xi32, #tpu.memory_space<hbm>> -> memref<2000xi32, #tpu.memory_space<hbm>>
    tpu.enqueue_dma source(%dma_start3A_40 : memref<2000xi32, #tpu.memory_space<hbm>>) target(%arg10 : memref<2000xi32, #tpu.memory_space<vmem>>) target_semaphore(%arg27 : memref<!tpu.dma_semaphore, #tpu.memory_space<semaphore_mem>>)
    %dma_start3A_41 = tpu.memref_slice %arg3[%add3A_38] : memref<1600000xf32, #tpu.memory_space<hbm>> -> memref<2000xf32, #tpu.memory_space<hbm>>
    %dma_start3A_42 = tpu.memref_slice %arg3[%add3A_38] : memref<1600000xf32, #tpu.memory_space<hbm>> -> memref<2000xf32, #tpu.memory_space<hbm>>
    tpu.enqueue_dma source(%dma_start3A_42 : memref<2000xf32, #tpu.memory_space<hbm>>) target(%arg12 : memref<2000xf32, #tpu.memory_space<vmem>>) target_semaphore(%arg27 : memref<!tpu.dma_semaphore, #tpu.memory_space<semaphore_mem>>)
    %dma_start3A_43 = tpu.memref_slice %arg4[%add3A_38] : memref<1600000xf32, #tpu.memory_space<hbm>> -> memref<2000xf32, #tpu.memory_space<hbm>>
    %dma_start3A_44 = tpu.memref_slice %arg4[%add3A_38] : memref<1600000xf32, #tpu.memory_space<hbm>> -> memref<2000xf32, #tpu.memory_space<hbm>>
    tpu.enqueue_dma source(%dma_start3A_44 : memref<2000xf32, #tpu.memory_space<hbm>>) target(%arg14 : memref<2000xf32, #tpu.memory_space<vmem>>) target_semaphore(%arg27 : memref<!tpu.dma_semaphore, #tpu.memory_space<semaphore_mem>>)
    %dma_start3A_45 = tpu.memref_slice %arg5[%add3A_38] : memref<1600000xf32, #tpu.memory_space<hbm>> -> memref<2000xf32, #tpu.memory_space<hbm>>
    %dma_start3A_46 = tpu.memref_slice %arg5[%add3A_38] : memref<1600000xf32, #tpu.memory_space<hbm>> -> memref<2000xf32, #tpu.memory_space<hbm>>
    tpu.enqueue_dma source(%dma_start3A_46 : memref<2000xf32, #tpu.memory_space<hbm>>) target(%arg16 : memref<2000xf32, #tpu.memory_space<vmem>>) target_semaphore(%arg27 : memref<!tpu.dma_semaphore, #tpu.memory_space<semaphore_mem>>)
    %dma_start3A_47 = tpu.memref_slice %arg6[%add3A_38] : memref<1600000xf32, #tpu.memory_space<hbm>> -> memref<2000xf32, #tpu.memory_space<hbm>>
    %dma_start3A_48 = tpu.memref_slice %arg6[%add3A_38] : memref<1600000xf32, #tpu.memory_space<hbm>> -> memref<2000xf32, #tpu.memory_space<hbm>>
    tpu.enqueue_dma source(%dma_start3A_48 : memref<2000xf32, #tpu.memory_space<hbm>>) target(%arg18 : memref<2000xf32, #tpu.memory_space<vmem>>) target_semaphore(%arg27 : memref<!tpu.dma_semaphore, #tpu.memory_space<semaphore_mem>>)
    %dma_start3A_49 = tpu.memref_slice %arg7[%add3A_38] : memref<1600000xf32, #tpu.memory_space<hbm>> -> memref<2000xf32, #tpu.memory_space<hbm>>
    %dma_start3A_50 = tpu.memref_slice %arg7[%add3A_38] : memref<1600000xf32, #tpu.memory_space<hbm>> -> memref<2000xf32, #tpu.memory_space<hbm>>
    tpu.enqueue_dma source(%dma_start3A_50 : memref<2000xf32, #tpu.memory_space<hbm>>) target(%arg20 : memref<2000xf32, #tpu.memory_space<vmem>>) target_semaphore(%arg27 : memref<!tpu.dma_semaphore, #tpu.memory_space<semaphore_mem>>)
    %scan3A_51 = arith.constant 0 : i32
    %scan3A_52 = arith.constant 12 : i32
    %scan3A_53 = arith.addi %scan3A_51, %scan3A_52 : i32
    %scan3A_54 = arith.constant 1 : i32
    %scan3A_55:5 = scf.for %scan3A_190 = %scan3A_51 to %scan3A_53 step %scan3A_54 iter_args(%scan3A_191 = %broadcast_in_dim3A_3, %scan3A_192 = %broadcast_in_dim3A_3, %scan3A_193 = %broadcast_in_dim3A_3, %scan3A_194 = %broadcast_in_dim3A_3, %scan3A_195 = %gather3A_23) -> (vector<16xf32>, vector<16xf32>, vector<16xf32>, vector<16xf32>, vector<16xi32>)  : i32 {
      %mul3A_196 = arith.constant 2 : i32
      %mul3A_197 = arith.muli %mul3A_196, %scan3A_190 : i32
      %mul3A_198 = arith.constant 2000 : i32
      %mul3A_199 = arith.muli %mul3A_197, %mul3A_198 : i32
      %add3A_200 = arith.addi %mul3A_2, %mul3A_199 : i32
      %dma_wait3A_201 = tpu.memref_slice %arg2[%add3A_200] : memref<1600000xi32, #tpu.memory_space<hbm>> -> memref<2000xi32, #tpu.memory_space<hbm>>
      %dma_wait3A_202 = tpu.memref_slice %arg2[%add3A_200] : memref<1600000xi32, #tpu.memory_space<hbm>> -> memref<2000xi32, #tpu.memory_space<hbm>>
      tpu.wait_dma2 semaphore(%arg26 : memref<!tpu.dma_semaphore, #tpu.memory_space<semaphore_mem>>) src(%dma_wait3A_202 : memref<2000xi32, #tpu.memory_space<hbm>>) dst(%arg9 : memref<2000xi32, #tpu.memory_space<vmem>>)
      %dma_wait3A_203 = tpu.memref_slice %arg3[%add3A_200] : memref<1600000xf32, #tpu.memory_space<hbm>> -> memref<2000xf32, #tpu.memory_space<hbm>>
      %dma_wait3A_204 = tpu.memref_slice %arg3[%add3A_200] : memref<1600000xf32, #tpu.memory_space<hbm>> -> memref<2000xf32, #tpu.memory_space<hbm>>
      tpu.wait_dma2 semaphore(%arg26 : memref<!tpu.dma_semaphore, #tpu.memory_space<semaphore_mem>>) src(%dma_wait3A_204 : memref<2000xf32, #tpu.memory_space<hbm>>) dst(%arg11 : memref<2000xf32, #tpu.memory_space<vmem>>)
      %dma_wait3A_205 = tpu.memref_slice %arg4[%add3A_200] : memref<1600000xf32, #tpu.memory_space<hbm>> -> memref<2000xf32, #tpu.memory_space<hbm>>
      %dma_wait3A_206 = tpu.memref_slice %arg4[%add3A_200] : memref<1600000xf32, #tpu.memory_space<hbm>> -> memref<2000xf32, #tpu.memory_space<hbm>>
      tpu.wait_dma2 semaphore(%arg26 : memref<!tpu.dma_semaphore, #tpu.memory_space<semaphore_mem>>) src(%dma_wait3A_206 : memref<2000xf32, #tpu.memory_space<hbm>>) dst(%arg13 : memref<2000xf32, #tpu.memory_space<vmem>>)
      %dma_wait3A_207 = tpu.memref_slice %arg5[%add3A_200] : memref<1600000xf32, #tpu.memory_space<hbm>> -> memref<2000xf32, #tpu.memory_space<hbm>>
      %dma_wait3A_208 = tpu.memref_slice %arg5[%add3A_200] : memref<1600000xf32, #tpu.memory_space<hbm>> -> memref<2000xf32, #tpu.memory_space<hbm>>
      tpu.wait_dma2 semaphore(%arg26 : memref<!tpu.dma_semaphore, #tpu.memory_space<semaphore_mem>>) src(%dma_wait3A_208 : memref<2000xf32, #tpu.memory_space<hbm>>) dst(%arg15 : memref<2000xf32, #tpu.memory_space<vmem>>)
      %dma_wait3A_209 = tpu.memref_slice %arg6[%add3A_200] : memref<1600000xf32, #tpu.memory_space<hbm>> -> memref<2000xf32, #tpu.memory_space<hbm>>
      %dma_wait3A_210 = tpu.memref_slice %arg6[%add3A_200] : memref<1600000xf32, #tpu.memory_space<hbm>> -> memref<2000xf32, #tpu.memory_space<hbm>>
      tpu.wait_dma2 semaphore(%arg26 : memref<!tpu.dma_semaphore, #tpu.memory_space<semaphore_mem>>) src(%dma_wait3A_210 : memref<2000xf32, #tpu.memory_space<hbm>>) dst(%arg17 : memref<2000xf32, #tpu.memory_space<vmem>>)
      %dma_wait3A_211 = tpu.memref_slice %arg7[%add3A_200] : memref<1600000xf32, #tpu.memory_space<hbm>> -> memref<2000xf32, #tpu.memory_space<hbm>>
      %dma_wait3A_212 = tpu.memref_slice %arg7[%add3A_200] : memref<1600000xf32, #tpu.memory_space<hbm>> -> memref<2000xf32, #tpu.memory_space<hbm>>
      tpu.wait_dma2 semaphore(%arg26 : memref<!tpu.dma_semaphore, #tpu.memory_space<semaphore_mem>>) src(%dma_wait3A_212 : memref<2000xf32, #tpu.memory_space<hbm>>) dst(%arg19 : memref<2000xf32, #tpu.memory_space<vmem>>)
      %scan3A_213 = arith.constant 0 : i32
      %scan3A_214 = arith.constant 25 : i32
      %scan3A_215 = arith.addi %scan3A_213, %scan3A_214 : i32
      %scan3A_216 = arith.constant 1 : i32
      %scan3A_217:5 = scf.for %scan3A_264 = %scan3A_213 to %scan3A_215 step %scan3A_216 iter_args(%scan3A_265 = %scan3A_191, %scan3A_266 = %scan3A_192, %scan3A_267 = %scan3A_193, %scan3A_268 = %scan3A_194, %scan3A_269 = %scan3A_195) -> (vector<16xf32>, vector<16xf32>, vector<16xf32>, vector<16xf32>, vector<16xi32>)  : i32 {
        %mul3A_270 = arith.constant 80 : i32
        %mul3A_271 = arith.muli %scan3A_264, %mul3A_270 : i32
        %add3A_272 = vector.broadcast %mul3A_271 : i32 to vector<16xi32>
        %add3A_273 = arith.addi %add3A_272, %select_n3A : vector<16xi32>
        %gather3A_274 = tpu.vector_load_idx %arg9[%add3A_273] : memref<2000xi32, #tpu.memory_space<vmem>>[vector<16xi32>], vector<16xi32>,
        %ne3A = arith.cmpi ne, %gather3A_274, %scan3A_269 : vector<16xi32>
        %reduce_or3A = arith.constant 1.000000e+00 : f32
        %reduce_or3A_275 = arith.constant 0.000000e+00 : f32
        %reduce_or3A_276 = vector.broadcast %reduce_or3A : f32 to vector<16xf32>
        %reduce_or3A_277 = vector.broadcast %reduce_or3A_275 : f32 to vector<16xf32>
        %reduce_or3A_278 = arith.select %ne3A, %reduce_or3A_276, %reduce_or3A_277 : vector<16xi1>, vector<16xf32>
        %reduce_or3A_279 = arith.constant true
        %reduce_or3A_280 = vector.broadcast %reduce_or3A_279 : i1 to vector<16xi1>
        %reduce_or3A_281 = tpu.scan <max>, %reduce_or3A_278 masked %reduce_or3A_280 : vector<16xf32>, vector<16xi1> -> vector<16xf32>
        %reduce_or3A_282 = vector.extract %reduce_or3A_281[15] : f32 from vector<16xf32>
        %reduce_or3A_283 = arith.constant 0.000000e+00 : f32
        %reduce_or3A_284 = arith.cmpf ogt, %reduce_or3A_282, %reduce_or3A_283 : f32
        %convert_element_type3A_285 = arith.extui %reduce_or3A_284 : i1 to i32
        %cond3A_286 = arith.constant 0 : i32
        %cond3A_287 = arith.cmpi ne, %convert_element_type3A_285, %cond3A_286 : i32
        %cond3A_288:5 = scf.if %cond3A_287 -> (vector<16xf32>, vector<16xf32>, vector<16xf32>, vector<16xf32>, vector<16xi32>) {
          %add3A_289 = arith.constant 0 : i32
          %add3A_290 = arith.addi %mul3A_271, %add3A_289 : i32
          %get3A_291 = arith.index_cast %add3A_290 : i32 to index
          %get3A_292 = tpu.vector_load %arg9[%get3A_291] {strides = array<i32>} : memref<2000xi32, #tpu.memory_space<vmem>>, vector<16xi32>,
          %get3A_293 = arith.index_cast %add3A_290 : i32 to index
          %get3A_294 = tpu.vector_load %arg11[%get3A_293] {strides = array<i32>} : memref<2000xf32, #tpu.memory_space<vmem>>, vector<16xf32>,
          %get3A_295 = arith.index_cast %add3A_290 : i32 to index
          %get3A_296 = tpu.vector_load %arg13[%get3A_295] {strides = array<i32>} : memref<2000xf32, #tpu.memory_space<vmem>>, vector<16xf32>,
          %get3A_297 = arith.index_cast %add3A_290 : i32 to index
          %get3A_298 = tpu.vector_load %arg15[%get3A_297] {strides = array<i32>} : memref<2000xf32, #tpu.memory_space<vmem>>, vector<16xf32>,
          %get3A_299 = arith.index_cast %add3A_290 : i32 to index
          %get3A_300 = tpu.vector_load %arg17[%get3A_299] {strides = array<i32>} : memref<2000xf32, #tpu.memory_space<vmem>>, vector<16xf32>,
          %get3A_301 = arith.index_cast %add3A_290 : i32 to index
          %get3A_302 = tpu.vector_load %arg19[%get3A_301] {strides = array<i32>} : memref<2000xf32, #tpu.memory_space<vmem>>, vector<16xf32>,
          %sub3A = arith.subf %get3A_294, %get3A_296 : vector<16xf32>
          %sub3A_303 = arith.subf %get3A_300, %get3A_298 : vector<16xf32>
          %sub3A_304 = arith.constant 1.000000e+00 : f32
          %sub3A_305 = vector.broadcast %sub3A_304 : f32 to vector<16xf32>
          %sub3A_306 = arith.subf %sub3A_305, %get3A_298 : vector<16xf32>
          %sub3A_307 = arith.subf %get3A_302, %sub3A_306 : vector<16xf32>
          %mul3A_308 = arith.mulf %get3A_296, %sub3A_303 : vector<16xf32>
          %mul3A_309 = arith.mulf %mul3A_308, %sub3A_303 : vector<16xf32>
          %mul3A_310 = arith.mulf %sub3A, %sub3A_307 : vector<16xf32>
          %mul3A_311 = arith.mulf %mul3A_310, %sub3A_307 : vector<16xf32>
          %add3A_312 = arith.constant 1 : i32
          %add3A_313 = vector.broadcast %add3A_312 : i32 to vector<16xi32>
          %add3A_314 = arith.addi %iota3A, %add3A_313 : vector<16xi32>
          %min3A = arith.constant 15 : i32
          %min3A_315 = vector.broadcast %min3A : i32 to vector<16xi32>
          %min3A_316 = arith.minsi %add3A_314, %min3A_315 : vector<16xi32>
          %broadcast_in_dim3A_317 = vector.shape_cast %min3A_316 : vector<16xi32> to vector<16x1xi32>
          %gather3A_318 = vector.shape_cast %broadcast_in_dim3A_317 : vector<16x1xi32> to vector<16xi32>
          %gather3A_319 = tpu.dynamic_gather %get3A_292[%gather3A_318] in [0] : vector<16xi32>, vector<16xi32> -> vector<16xi32>
          %ne3A_320 = arith.cmpi ne, %get3A_292, %gather3A_319 : vector<16xi32>
          %ne3A_321 = arith.cmpi ne, %get3A_292, %scan3A_269 : vector<16xi32>
          %or3A = arith.ori %ne3A_320, %ne3A_321 : vector<16xi1>
          %reduce_or3A_322 = arith.constant 1.000000e+00 : f32
          %reduce_or3A_323 = arith.constant 0.000000e+00 : f32
          %reduce_or3A_324 = vector.broadcast %reduce_or3A_322 : f32 to vector<16xf32>
          %reduce_or3A_325 = vector.broadcast %reduce_or3A_323 : f32 to vector<16xf32>
          %reduce_or3A_326 = arith.select %or3A, %reduce_or3A_324, %reduce_or3A_325 : vector<16xi1>, vector<16xf32>
          %reduce_or3A_327 = arith.constant true
          %reduce_or3A_328 = vector.broadcast %reduce_or3A_327 : i1 to vector<16xi1>
          %reduce_or3A_329 = tpu.scan <max>, %reduce_or3A_326 masked %reduce_or3A_328 : vector<16xf32>, vector<16xi1> -> vector<16xf32>
          %reduce_or3A_330 = vector.extract %reduce_or3A_329[15] : f32 from vector<16xf32>
          %reduce_or3A_331 = arith.constant 0.000000e+00 : f32
          %reduce_or3A_332 = arith.cmpf ogt, %reduce_or3A_330, %reduce_or3A_331 : f32
          %convert_element_type3A_333 = arith.extui %reduce_or3A_332 : i1 to i32
          %cond3A_334 = arith.constant 0 : i32
          %cond3A_335 = arith.cmpi ne, %convert_element_type3A_333, %cond3A_334 : i32
          %cond3A_336:5 = scf.if %cond3A_335 -> (vector<16xf32>, vector<16xf32>, vector<16xf32>, vector<16xf32>, vector<16xi32>) {
            %xor3A_541 = arith.constant 1 : i32
            %xor3A_542 = vector.broadcast %xor3A_541 : i32 to vector<16xi32>
            %xor3A_543 = arith.xori %iota3A, %xor3A_542 : vector<16xi32>
            %broadcast_in_dim3A_544 = vector.shape_cast %xor3A_543 : vector<16xi32> to vector<16x1xi32>
            %gather3A_545 = vector.shape_cast %broadcast_in_dim3A_544 : vector<16x1xi32> to vector<16xi32>
            %gather3A_546 = tpu.dynamic_gather %scan3A_265[%gather3A_545] in [0] : vector<16xf32>, vector<16xi32> -> vector<16xf32>
            %add3A_547 = arith.addf %scan3A_265, %gather3A_546 : vector<16xf32>
            %xor3A_548 = arith.constant 2 : i32
            %xor3A_549 = vector.broadcast %xor3A_548 : i32 to vector<16xi32>
            %xor3A_550 = arith.xori %iota3A, %xor3A_549 : vector<16xi32>
            %broadcast_in_dim3A_551 = vector.shape_cast %xor3A_550 : vector<16xi32> to vector<16x1xi32>
            %gather3A_552 = vector.shape_cast %broadcast_in_dim3A_551 : vector<16x1xi32> to vector<16xi32>
            %gather3A_553 = tpu.dynamic_gather %add3A_547[%gather3A_552] in [0] : vector<16xf32>, vector<16xi32> -> vector<16xf32>
            %add3A_554 = arith.addf %add3A_547, %gather3A_553 : vector<16xf32>
            %xor3A_555 = arith.constant 4 : i32
            %xor3A_556 = vector.broadcast %xor3A_555 : i32 to vector<16xi32>
            %xor3A_557 = arith.xori %iota3A, %xor3A_556 : vector<16xi32>
            %broadcast_in_dim3A_558 = vector.shape_cast %xor3A_557 : vector<16xi32> to vector<16x1xi32>
            %gather3A_559 = vector.shape_cast %broadcast_in_dim3A_558 : vector<16x1xi32> to vector<16xi32>
            %gather3A_560 = tpu.dynamic_gather %add3A_554[%gather3A_559] in [0] : vector<16xf32>, vector<16xi32> -> vector<16xf32>
            %add3A_561 = arith.addf %add3A_554, %gather3A_560 : vector<16xf32>
            %xor3A_562 = arith.constant 8 : i32
            %xor3A_563 = vector.broadcast %xor3A_562 : i32 to vector<16xi32>
            %xor3A_564 = arith.xori %iota3A, %xor3A_563 : vector<16xi32>
            %broadcast_in_dim3A_565 = vector.shape_cast %xor3A_564 : vector<16xi32> to vector<16x1xi32>
            %gather3A_566 = vector.shape_cast %broadcast_in_dim3A_565 : vector<16x1xi32> to vector<16xi32>
            %gather3A_567 = tpu.dynamic_gather %add3A_561[%gather3A_566] in [0] : vector<16xf32>, vector<16xi32> -> vector<16xf32>
            %add3A_568 = arith.addf %add3A_561, %gather3A_567 : vector<16xf32>
            tpu.vector_store_idx %arg21[%scan3A_269], %add3A_568 masked %eq3A_5 {add = true} : memref<4096xf32, #tpu.memory_space<vmem>>[vector<16xi32>], vector<16xf32>, vector<16xi1>
            %xor3A_569 = arith.constant 1 : i32
            %xor3A_570 = vector.broadcast %xor3A_569 : i32 to vector<16xi32>
            %xor3A_571 = arith.xori %iota3A, %xor3A_570 : vector<16xi32>
            %broadcast_in_dim3A_572 = vector.shape_cast %xor3A_571 : vector<16xi32> to vector<16x1xi32>
            %gather3A_573 = vector.shape_cast %broadcast_in_dim3A_572 : vector<16x1xi32> to vector<16xi32>
            %gather3A_574 = tpu.dynamic_gather %scan3A_266[%gather3A_573] in [0] : vector<16xf32>, vector<16xi32> -> vector<16xf32>
            %add3A_575 = arith.addf %scan3A_266, %gather3A_574 : vector<16xf32>
            %xor3A_576 = arith.constant 2 : i32
            %xor3A_577 = vector.broadcast %xor3A_576 : i32 to vector<16xi32>
            %xor3A_578 = arith.xori %iota3A, %xor3A_577 : vector<16xi32>
            %broadcast_in_dim3A_579 = vector.shape_cast %xor3A_578 : vector<16xi32> to vector<16x1xi32>
            %gather3A_580 = vector.shape_cast %broadcast_in_dim3A_579 : vector<16x1xi32> to vector<16xi32>
            %gather3A_581 = tpu.dynamic_gather %add3A_575[%gather3A_580] in [0] : vector<16xf32>, vector<16xi32> -> vector<16xf32>
            %add3A_582 = arith.addf %add3A_575, %gather3A_581 : vector<16xf32>
            %xor3A_583 = arith.constant 4 : i32
            %xor3A_584 = vector.broadcast %xor3A_583 : i32 to vector<16xi32>
            %xor3A_585 = arith.xori %iota3A, %xor3A_584 : vector<16xi32>
            %broadcast_in_dim3A_586 = vector.shape_cast %xor3A_585 : vector<16xi32> to vector<16x1xi32>
            %gather3A_587 = vector.shape_cast %broadcast_in_dim3A_586 : vector<16x1xi32> to vector<16xi32>
            %gather3A_588 = tpu.dynamic_gather %add3A_582[%gather3A_587] in [0] : vector<16xf32>, vector<16xi32> -> vector<16xf32>
            %add3A_589 = arith.addf %add3A_582, %gather3A_588 : vector<16xf32>
            %xor3A_590 = arith.constant 8 : i32
            %xor3A_591 = vector.broadcast %xor3A_590 : i32 to vector<16xi32>
            %xor3A_592 = arith.xori %iota3A, %xor3A_591 : vector<16xi32>
            %broadcast_in_dim3A_593 = vector.shape_cast %xor3A_592 : vector<16xi32> to vector<16x1xi32>
            %gather3A_594 = vector.shape_cast %broadcast_in_dim3A_593 : vector<16x1xi32> to vector<16xi32>
            %gather3A_595 = tpu.dynamic_gather %add3A_589[%gather3A_594] in [0] : vector<16xf32>, vector<16xi32> -> vector<16xf32>
            %add3A_596 = arith.addf %add3A_589, %gather3A_595 : vector<16xf32>
            tpu.vector_store_idx %arg22[%scan3A_269], %add3A_596 masked %eq3A_5 {add = true} : memref<4096xf32, #tpu.memory_space<vmem>>[vector<16xi32>], vector<16xf32>, vector<16xi1>
            %xor3A_597 = arith.constant 1 : i32
            %xor3A_598 = vector.broadcast %xor3A_597 : i32 to vector<16xi32>
            %xor3A_599 = arith.xori %iota3A, %xor3A_598 : vector<16xi32>
            %broadcast_in_dim3A_600 = vector.shape_cast %xor3A_599 : vector<16xi32> to vector<16x1xi32>
            %gather3A_601 = vector.shape_cast %broadcast_in_dim3A_600 : vector<16x1xi32> to vector<16xi32>
            %gather3A_602 = tpu.dynamic_gather %scan3A_267[%gather3A_601] in [0] : vector<16xf32>, vector<16xi32> -> vector<16xf32>
            %add3A_603 = arith.addf %scan3A_267, %gather3A_602 : vector<16xf32>
            %xor3A_604 = arith.constant 2 : i32
            %xor3A_605 = vector.broadcast %xor3A_604 : i32 to vector<16xi32>
            %xor3A_606 = arith.xori %iota3A, %xor3A_605 : vector<16xi32>
            %broadcast_in_dim3A_607 = vector.shape_cast %xor3A_606 : vector<16xi32> to vector<16x1xi32>
            %gather3A_608 = vector.shape_cast %broadcast_in_dim3A_607 : vector<16x1xi32> to vector<16xi32>
            %gather3A_609 = tpu.dynamic_gather %add3A_603[%gather3A_608] in [0] : vector<16xf32>, vector<16xi32> -> vector<16xf32>
            %add3A_610 = arith.addf %add3A_603, %gather3A_609 : vector<16xf32>
            %xor3A_611 = arith.constant 4 : i32
            %xor3A_612 = vector.broadcast %xor3A_611 : i32 to vector<16xi32>
            %xor3A_613 = arith.xori %iota3A, %xor3A_612 : vector<16xi32>
            %broadcast_in_dim3A_614 = vector.shape_cast %xor3A_613 : vector<16xi32> to vector<16x1xi32>
            %gather3A_615 = vector.shape_cast %broadcast_in_dim3A_614 : vector<16x1xi32> to vector<16xi32>
            %gather3A_616 = tpu.dynamic_gather %add3A_610[%gather3A_615] in [0] : vector<16xf32>, vector<16xi32> -> vector<16xf32>
            %add3A_617 = arith.addf %add3A_610, %gather3A_616 : vector<16xf32>
            %xor3A_618 = arith.constant 8 : i32
            %xor3A_619 = vector.broadcast %xor3A_618 : i32 to vector<16xi32>
            %xor3A_620 = arith.xori %iota3A, %xor3A_619 : vector<16xi32>
            %broadcast_in_dim3A_621 = vector.shape_cast %xor3A_620 : vector<16xi32> to vector<16x1xi32>
            %gather3A_622 = vector.shape_cast %broadcast_in_dim3A_621 : vector<16x1xi32> to vector<16xi32>
            %gather3A_623 = tpu.dynamic_gather %add3A_617[%gather3A_622] in [0] : vector<16xf32>, vector<16xi32> -> vector<16xf32>
            %add3A_624 = arith.addf %add3A_617, %gather3A_623 : vector<16xf32>
            tpu.vector_store_idx %arg23[%scan3A_269], %add3A_624 masked %eq3A_5 {add = true} : memref<4096xf32, #tpu.memory_space<vmem>>[vector<16xi32>], vector<16xf32>, vector<16xi1>
            %xor3A_625 = arith.constant 1 : i32
            %xor3A_626 = vector.broadcast %xor3A_625 : i32 to vector<16xi32>
            %xor3A_627 = arith.xori %iota3A, %xor3A_626 : vector<16xi32>
            %broadcast_in_dim3A_628 = vector.shape_cast %xor3A_627 : vector<16xi32> to vector<16x1xi32>
            %gather3A_629 = vector.shape_cast %broadcast_in_dim3A_628 : vector<16x1xi32> to vector<16xi32>
            %gather3A_630 = tpu.dynamic_gather %scan3A_268[%gather3A_629] in [0] : vector<16xf32>, vector<16xi32> -> vector<16xf32>
            %add3A_631 = arith.addf %scan3A_268, %gather3A_630 : vector<16xf32>
            %xor3A_632 = arith.constant 2 : i32
            %xor3A_633 = vector.broadcast %xor3A_632 : i32 to vector<16xi32>
            %xor3A_634 = arith.xori %iota3A, %xor3A_633 : vector<16xi32>
            %broadcast_in_dim3A_635 = vector.shape_cast %xor3A_634 : vector<16xi32> to vector<16x1xi32>
            %gather3A_636 = vector.shape_cast %broadcast_in_dim3A_635 : vector<16x1xi32> to vector<16xi32>
            %gather3A_637 = tpu.dynamic_gather %add3A_631[%gather3A_636] in [0] : vector<16xf32>, vector<16xi32> -> vector<16xf32>
            %add3A_638 = arith.addf %add3A_631, %gather3A_637 : vector<16xf32>
            %xor3A_639 = arith.constant 4 : i32
            %xor3A_640 = vector.broadcast %xor3A_639 : i32 to vector<16xi32>
            %xor3A_641 = arith.xori %iota3A, %xor3A_640 : vector<16xi32>
            %broadcast_in_dim3A_642 = vector.shape_cast %xor3A_641 : vector<16xi32> to vector<16x1xi32>
            %gather3A_643 = vector.shape_cast %broadcast_in_dim3A_642 : vector<16x1xi32> to vector<16xi32>
            %gather3A_644 = tpu.dynamic_gather %add3A_638[%gather3A_643] in [0] : vector<16xf32>, vector<16xi32> -> vector<16xf32>
            %add3A_645 = arith.addf %add3A_638, %gather3A_644 : vector<16xf32>
            %xor3A_646 = arith.constant 8 : i32
            %xor3A_647 = vector.broadcast %xor3A_646 : i32 to vector<16xi32>
            %xor3A_648 = arith.xori %iota3A, %xor3A_647 : vector<16xi32>
            %broadcast_in_dim3A_649 = vector.shape_cast %xor3A_648 : vector<16xi32> to vector<16x1xi32>
            %gather3A_650 = vector.shape_cast %broadcast_in_dim3A_649 : vector<16x1xi32> to vector<16xi32>
            %gather3A_651 = tpu.dynamic_gather %add3A_645[%gather3A_650] in [0] : vector<16xf32>, vector<16xi32> -> vector<16xf32>
            %add3A_652 = arith.addf %add3A_645, %gather3A_651 : vector<16xf32>
            tpu.vector_store_idx %arg24[%scan3A_269], %add3A_652 masked %eq3A_5 {add = true} : memref<4096xf32, #tpu.memory_space<vmem>>[vector<16xi32>], vector<16xf32>, vector<16xi1>
            %eq3A_653 = arith.constant 15 : i32
            %eq3A_654 = vector.broadcast %eq3A_653 : i32 to vector<16xi32>
            %eq3A_655 = arith.cmpi eq, %iota3A, %eq3A_654 : vector<16xi32>
            %or3A_656 = arith.ori %ne3A_320, %eq3A_655 : vector<16xi1>
            %broadcast_in_dim3A_657 = arith.constant true
            %broadcast_in_dim3A_658 = vector.broadcast %broadcast_in_dim3A_657 : i1 to vector<16xi1>
            %masked_cumsum3A = tpu.scan <sum>, %get3A_294 masked %broadcast_in_dim3A_658 : vector<16xf32>, vector<16xi1> -> vector<16xf32>
            %broadcast_in_dim3A_659 = arith.constant true
            %broadcast_in_dim3A_660 = vector.broadcast %broadcast_in_dim3A_659 : i1 to vector<16xi1>
            %masked_cumsum3A_661 = tpu.scan <sum>, %sub3A masked %broadcast_in_dim3A_660 : vector<16xf32>, vector<16xi1> -> vector<16xf32>
            %broadcast_in_dim3A_662 = arith.constant true
            %broadcast_in_dim3A_663 = vector.broadcast %broadcast_in_dim3A_662 : i1 to vector<16xi1>
            %masked_cumsum3A_664 = tpu.scan <sum>, %mul3A_309 masked %broadcast_in_dim3A_663 : vector<16xf32>, vector<16xi1> -> vector<16xf32>
            %broadcast_in_dim3A_665 = arith.constant true
            %broadcast_in_dim3A_666 = vector.broadcast %broadcast_in_dim3A_665 : i1 to vector<16xi1>
            %masked_cumsum3A_667 = tpu.scan <sum>, %mul3A_311 masked %broadcast_in_dim3A_666 : vector<16xf32>, vector<16xi1> -> vector<16xf32>
            tpu.vector_store_idx %arg21[%get3A_292], %masked_cumsum3A masked %or3A_656 {add = true} : memref<4096xf32, #tpu.memory_space<vmem>>[vector<16xi32>], vector<16xf32>, vector<16xi1>
            tpu.vector_store_idx %arg22[%get3A_292], %masked_cumsum3A_661 masked %or3A_656 {add = true} : memref<4096xf32, #tpu.memory_space<vmem>>[vector<16xi32>], vector<16xf32>, vector<16xi1>
            tpu.vector_store_idx %arg23[%get3A_292], %masked_cumsum3A_664 masked %or3A_656 {add = true} : memref<4096xf32, #tpu.memory_space<vmem>>[vector<16xi32>], vector<16xf32>, vector<16xi1>
            tpu.vector_store_idx %arg24[%get3A_292], %masked_cumsum3A_667 masked %or3A_656 {add = true} : memref<4096xf32, #tpu.memory_space<vmem>>[vector<16xi32>], vector<16xf32>, vector<16xi1>
            %neg3A = arith.constant 0.000000e+00 : f32
            %neg3A_668 = vector.broadcast %neg3A : f32 to vector<16xf32>
            %neg3A_669 = arith.subf %neg3A_668, %masked_cumsum3A : vector<16xf32>
            tpu.vector_store_idx %arg21[%gather3A_319], %neg3A_669 masked %ne3A_320 {add = true} : memref<4096xf32, #tpu.memory_space<vmem>>[vector<16xi32>], vector<16xf32>, vector<16xi1>
            %neg3A_670 = arith.constant 0.000000e+00 : f32
            %neg3A_671 = vector.broadcast %neg3A_670 : f32 to vector<16xf32>
            %neg3A_672 = arith.subf %neg3A_671, %masked_cumsum3A_661 : vector<16xf32>
            tpu.vector_store_idx %arg22[%gather3A_319], %neg3A_672 masked %ne3A_320 {add = true} : memref<4096xf32, #tpu.memory_space<vmem>>[vector<16xi32>], vector<16xf32>, vector<16xi1>
            %neg3A_673 = arith.constant 0.000000e+00 : f32
            %neg3A_674 = vector.broadcast %neg3A_673 : f32 to vector<16xf32>
            %neg3A_675 = arith.subf %neg3A_674, %masked_cumsum3A_664 : vector<16xf32>
            tpu.vector_store_idx %arg23[%gather3A_319], %neg3A_675 masked %ne3A_320 {add = true} : memref<4096xf32, #tpu.memory_space<vmem>>[vector<16xi32>], vector<16xf32>, vector<16xi1>
            %neg3A_676 = arith.constant 0.000000e+00 : f32
            %neg3A_677 = vector.broadcast %neg3A_676 : f32 to vector<16xf32>
            %neg3A_678 = arith.subf %neg3A_677, %masked_cumsum3A_667 : vector<16xf32>
            tpu.vector_store_idx %arg24[%gather3A_319], %neg3A_678 masked %ne3A_320 {add = true} : memref<4096xf32, #tpu.memory_space<vmem>>[vector<16xi32>], vector<16xf32>, vector<16xi1>
            %broadcast_in_dim3A_679 = vector.shape_cast %add3A_10 : vector<16xi32> to vector<16x1xi32>
            %gather3A_680 = vector.shape_cast %broadcast_in_dim3A_679 : vector<16x1xi32> to vector<16xi32>
            %gather3A_681 = tpu.dynamic_gather %get3A_292[%gather3A_680] in [0] : vector<16xi32>, vector<16xi32> -> vector<16xi32>
            scf.yield %broadcast_in_dim3A_3, %broadcast_in_dim3A_3, %broadcast_in_dim3A_3, %broadcast_in_dim3A_3, %gather3A_681 : vector<16xf32>, vector<16xf32>, vector<16xf32>, vector<16xf32>, vector<16xi32>
          } else {
            %add3A_541 = arith.addf %scan3A_265, %get3A_294 : vector<16xf32>
            %add3A_542 = arith.addf %scan3A_266, %sub3A : vector<16xf32>
            %add3A_543 = arith.addf %scan3A_267, %mul3A_309 : vector<16xf32>
            %add3A_544 = arith.addf %scan3A_268, %mul3A_311 : vector<16xf32>
            scf.yield %add3A_541, %add3A_542, %add3A_543, %add3A_544, %scan3A_269 : vector<16xf32>, vector<16xf32>, vector<16xf32>, vector<16xf32>, vector<16xi32>
          }
          %add3A_337 = arith.constant 16 : i32
          %add3A_338 = arith.addi %mul3A_271, %add3A_337 : i32
          %get3A_339 = arith.index_cast %add3A_338 : i32 to index
          %get3A_340 = tpu.vector_load %arg9[%get3A_339] {strides = array<i32>} : memref<2000xi32, #tpu.memory_space<vmem>>, vector<16xi32>,
          %get3A_341 = arith.index_cast %add3A_338 : i32 to index
          %get3A_342 = tpu.vector_load %arg11[%get3A_341] {strides = array<i32>} : memref<2000xf32, #tpu.memory_space<vmem>>, vector<16xf32>,
          %get3A_343 = arith.index_cast %add3A_338 : i32 to index
          %get3A_344 = tpu.vector_load %arg13[%get3A_343] {strides = array<i32>} : memref<2000xf32, #tpu.memory_space<vmem>>, vector<16xf32>,
          %get3A_345 = arith.index_cast %add3A_338 : i32 to index
          %get3A_346 = tpu.vector_load %arg15[%get3A_345] {strides = array<i32>} : memref<2000xf32, #tpu.memory_space<vmem>>, vector<16xf32>,
          %get3A_347 = arith.index_cast %add3A_338 : i32 to index
          %get3A_348 = tpu.vector_load %arg17[%get3A_347] {strides = array<i32>} : memref<2000xf32, #tpu.memory_space<vmem>>, vector<16xf32>,
          %get3A_349 = arith.index_cast %add3A_338 : i32 to index
          %get3A_350 = tpu.vector_load %arg19[%get3A_349] {strides = array<i32>} : memref<2000xf32, #tpu.memory_space<vmem>>, vector<16xf32>,
          %sub3A_351 = arith.subf %get3A_342, %get3A_344 : vector<16xf32>
          %sub3A_352 = arith.subf %get3A_348, %get3A_346 : vector<16xf32>
          %sub3A_353 = arith.constant 1.000000e+00 : f32
          %sub3A_354 = vector.broadcast %sub3A_353 : f32 to vector<16xf32>
          %sub3A_355 = arith.subf %sub3A_354, %get3A_346 : vector<16xf32>
          %sub3A_356 = arith.subf %get3A_350, %sub3A_355 : vector<16xf32>
          %mul3A_357 = arith.mulf %get3A_344, %sub3A_352 : vector<16xf32>
          %mul3A_358 = arith.mulf %mul3A_357, %sub3A_352 : vector<16xf32>
          %mul3A_359 = arith.mulf %sub3A_351, %sub3A_356 : vector<16xf32>
          %mul3A_360 = arith.mulf %mul3A_359, %sub3A_356 : vector<16xf32>
          %add3A_361 = arith.constant 1 : i32
          %add3A_362 = vector.broadcast %add3A_361 : i32 to vector<16xi32>
          %add3A_363 = arith.addi %iota3A, %add3A_362 : vector<16xi32>
          %min3A_364 = arith.constant 15 : i32
          %min3A_365 = vector.broadcast %min3A_364 : i32 to vector<16xi32>
          %min3A_366 = arith.minsi %add3A_363, %min3A_365 : vector<16xi32>
          %broadcast_in_dim3A_367 = vector.shape_cast %min3A_366 : vector<16xi32> to vector<16x1xi32>
          %gather3A_368 = vector.shape_cast %broadcast_in_dim3A_367 : vector<16x1xi32> to vector<16xi32>
          %gather3A_369 = tpu.dynamic_gather %get3A_340[%gather3A_368] in [0] : vector<16xi32>, vector<16xi32> -> vector<16xi32>
          %ne3A_370 = arith.cmpi ne, %get3A_340, %gather3A_369 : vector<16xi32>
          %ne3A_371 = arith.cmpi ne, %get3A_340, %cond3A_336#4 : vector<16xi32>
          %or3A_372 = arith.ori %ne3A_370, %ne3A_371 : vector<16xi1>
          %reduce_or3A_373 = arith.constant 1.000000e+00 : f32
          %reduce_or3A_374 = arith.constant 0.000000e+00 : f32
          %reduce_or3A_375 = vector.broadcast %reduce_or3A_373 : f32 to vector<16xf32>
          %reduce_or3A_376 = vector.broadcast %reduce_or3A_374 : f32 to vector<16xf32>
          %reduce_or3A_377 = arith.select %or3A_372, %reduce_or3A_375, %reduce_or3A_376 : vector<16xi1>, vector<16xf32>
          %reduce_or3A_378 = arith.constant true
          %reduce_or3A_379 = vector.broadcast %reduce_or3A_378 : i1 to vector<16xi1>
          %reduce_or3A_380 = tpu.scan <max>, %reduce_or3A_377 masked %reduce_or3A_379 : vector<16xf32>, vector<16xi1> -> vector<16xf32>
          %reduce_or3A_381 = vector.extract %reduce_or3A_380[15] : f32 from vector<16xf32>
          %reduce_or3A_382 = arith.constant 0.000000e+00 : f32
          %reduce_or3A_383 = arith.cmpf ogt, %reduce_or3A_381, %reduce_or3A_382 : f32
          %convert_element_type3A_384 = arith.extui %reduce_or3A_383 : i1 to i32
          %cond3A_385 = arith.constant 0 : i32
          %cond3A_386 = arith.cmpi ne, %convert_element_type3A_384, %cond3A_385 : i32
          %cond3A_387:5 = scf.if %cond3A_386 -> (vector<16xf32>, vector<16xf32>, vector<16xf32>, vector<16xf32>, vector<16xi32>) {
            %xor3A_541 = arith.constant 1 : i32
            %xor3A_542 = vector.broadcast %xor3A_541 : i32 to vector<16xi32>
            %xor3A_543 = arith.xori %iota3A, %xor3A_542 : vector<16xi32>
            %broadcast_in_dim3A_544 = vector.shape_cast %xor3A_543 : vector<16xi32> to vector<16x1xi32>
            %gather3A_545 = vector.shape_cast %broadcast_in_dim3A_544 : vector<16x1xi32> to vector<16xi32>
            %gather3A_546 = tpu.dynamic_gather %cond3A_336#0[%gather3A_545] in [0] : vector<16xf32>, vector<16xi32> -> vector<16xf32>
            %add3A_547 = arith.addf %cond3A_336#0, %gather3A_546 : vector<16xf32>
            %xor3A_548 = arith.constant 2 : i32
            %xor3A_549 = vector.broadcast %xor3A_548 : i32 to vector<16xi32>
            %xor3A_550 = arith.xori %iota3A, %xor3A_549 : vector<16xi32>
            %broadcast_in_dim3A_551 = vector.shape_cast %xor3A_550 : vector<16xi32> to vector<16x1xi32>
            %gather3A_552 = vector.shape_cast %broadcast_in_dim3A_551 : vector<16x1xi32> to vector<16xi32>
            %gather3A_553 = tpu.dynamic_gather %add3A_547[%gather3A_552] in [0] : vector<16xf32>, vector<16xi32> -> vector<16xf32>
            %add3A_554 = arith.addf %add3A_547, %gather3A_553 : vector<16xf32>
            %xor3A_555 = arith.constant 4 : i32
            %xor3A_556 = vector.broadcast %xor3A_555 : i32 to vector<16xi32>
            %xor3A_557 = arith.xori %iota3A, %xor3A_556 : vector<16xi32>
            %broadcast_in_dim3A_558 = vector.shape_cast %xor3A_557 : vector<16xi32> to vector<16x1xi32>
            %gather3A_559 = vector.shape_cast %broadcast_in_dim3A_558 : vector<16x1xi32> to vector<16xi32>
            %gather3A_560 = tpu.dynamic_gather %add3A_554[%gather3A_559] in [0] : vector<16xf32>, vector<16xi32> -> vector<16xf32>
            %add3A_561 = arith.addf %add3A_554, %gather3A_560 : vector<16xf32>
            %xor3A_562 = arith.constant 8 : i32
            %xor3A_563 = vector.broadcast %xor3A_562 : i32 to vector<16xi32>
            %xor3A_564 = arith.xori %iota3A, %xor3A_563 : vector<16xi32>
            %broadcast_in_dim3A_565 = vector.shape_cast %xor3A_564 : vector<16xi32> to vector<16x1xi32>
            %gather3A_566 = vector.shape_cast %broadcast_in_dim3A_565 : vector<16x1xi32> to vector<16xi32>
            %gather3A_567 = tpu.dynamic_gather %add3A_561[%gather3A_566] in [0] : vector<16xf32>, vector<16xi32> -> vector<16xf32>
            %add3A_568 = arith.addf %add3A_561, %gather3A_567 : vector<16xf32>
            tpu.vector_store_idx %arg21[%cond3A_336#4], %add3A_568 masked %eq3A_5 {add = true} : memref<4096xf32, #tpu.memory_space<vmem>>[vector<16xi32>], vector<16xf32>, vector<16xi1>
            %xor3A_569 = arith.constant 1 : i32
            %xor3A_570 = vector.broadcast %xor3A_569 : i32 to vector<16xi32>
            %xor3A_571 = arith.xori %iota3A, %xor3A_570 : vector<16xi32>
            %broadcast_in_dim3A_572 = vector.shape_cast %xor3A_571 : vector<16xi32> to vector<16x1xi32>
            %gather3A_573 = vector.shape_cast %broadcast_in_dim3A_572 : vector<16x1xi32> to vector<16xi32>
            %gather3A_574 = tpu.dynamic_gather %cond3A_336#1[%gather3A_573] in [0] : vector<16xf32>, vector<16xi32> -> vector<16xf32>
            %add3A_575 = arith.addf %cond3A_336#1, %gather3A_574 : vector<16xf32>
            %xor3A_576 = arith.constant 2 : i32
            %xor3A_577 = vector.broadcast %xor3A_576 : i32 to vector<16xi32>
            %xor3A_578 = arith.xori %iota3A, %xor3A_577 : vector<16xi32>
            %broadcast_in_dim3A_579 = vector.shape_cast %xor3A_578 : vector<16xi32> to vector<16x1xi32>
            %gather3A_580 = vector.shape_cast %broadcast_in_dim3A_579 : vector<16x1xi32> to vector<16xi32>
            %gather3A_581 = tpu.dynamic_gather %add3A_575[%gather3A_580] in [0] : vector<16xf32>, vector<16xi32> -> vector<16xf32>
            %add3A_582 = arith.addf %add3A_575, %gather3A_581 : vector<16xf32>
            %xor3A_583 = arith.constant 4 : i32
            %xor3A_584 = vector.broadcast %xor3A_583 : i32 to vector<16xi32>
            %xor3A_585 = arith.xori %iota3A, %xor3A_584 : vector<16xi32>
            %broadcast_in_dim3A_586 = vector.shape_cast %xor3A_585 : vector<16xi32> to vector<16x1xi32>
            %gather3A_587 = vector.shape_cast %broadcast_in_dim3A_586 : vector<16x1xi32> to vector<16xi32>
            %gather3A_588 = tpu.dynamic_gather %add3A_582[%gather3A_587] in [0] : vector<16xf32>, vector<16xi32> -> vector<16xf32>
            %add3A_589 = arith.addf %add3A_582, %gather3A_588 : vector<16xf32>
            %xor3A_590 = arith.constant 8 : i32
            %xor3A_591 = vector.broadcast %xor3A_590 : i32 to vector<16xi32>
            %xor3A_592 = arith.xori %iota3A, %xor3A_591 : vector<16xi32>
            %broadcast_in_dim3A_593 = vector.shape_cast %xor3A_592 : vector<16xi32> to vector<16x1xi32>
            %gather3A_594 = vector.shape_cast %broadcast_in_dim3A_593 : vector<16x1xi32> to vector<16xi32>
            %gather3A_595 = tpu.dynamic_gather %add3A_589[%gather3A_594] in [0] : vector<16xf32>, vector<16xi32> -> vector<16xf32>
            %add3A_596 = arith.addf %add3A_589, %gather3A_595 : vector<16xf32>
            tpu.vector_store_idx %arg22[%cond3A_336#4], %add3A_596 masked %eq3A_5 {add = true} : memref<4096xf32, #tpu.memory_space<vmem>>[vector<16xi32>], vector<16xf32>, vector<16xi1>
            %xor3A_597 = arith.constant 1 : i32
            %xor3A_598 = vector.broadcast %xor3A_597 : i32 to vector<16xi32>
            %xor3A_599 = arith.xori %iota3A, %xor3A_598 : vector<16xi32>
            %broadcast_in_dim3A_600 = vector.shape_cast %xor3A_599 : vector<16xi32> to vector<16x1xi32>
            %gather3A_601 = vector.shape_cast %broadcast_in_dim3A_600 : vector<16x1xi32> to vector<16xi32>
            %gather3A_602 = tpu.dynamic_gather %cond3A_336#2[%gather3A_601] in [0] : vector<16xf32>, vector<16xi32> -> vector<16xf32>
            %add3A_603 = arith.addf %cond3A_336#2, %gather3A_602 : vector<16xf32>
            %xor3A_604 = arith.constant 2 : i32
            %xor3A_605 = vector.broadcast %xor3A_604 : i32 to vector<16xi32>
            %xor3A_606 = arith.xori %iota3A, %xor3A_605 : vector<16xi32>
            %broadcast_in_dim3A_607 = vector.shape_cast %xor3A_606 : vector<16xi32> to vector<16x1xi32>
            %gather3A_608 = vector.shape_cast %broadcast_in_dim3A_607 : vector<16x1xi32> to vector<16xi32>
            %gather3A_609 = tpu.dynamic_gather %add3A_603[%gather3A_608] in [0] : vector<16xf32>, vector<16xi32> -> vector<16xf32>
            %add3A_610 = arith.addf %add3A_603, %gather3A_609 : vector<16xf32>
            %xor3A_611 = arith.constant 4 : i32
            %xor3A_612 = vector.broadcast %xor3A_611 : i32 to vector<16xi32>
            %xor3A_613 = arith.xori %iota3A, %xor3A_612 : vector<16xi32>
            %broadcast_in_dim3A_614 = vector.shape_cast %xor3A_613 : vector<16xi32> to vector<16x1xi32>
            %gather3A_615 = vector.shape_cast %broadcast_in_dim3A_614 : vector<16x1xi32> to vector<16xi32>
            %gather3A_616 = tpu.dynamic_gather %add3A_610[%gather3A_615] in [0] : vector<16xf32>, vector<16xi32> -> vector<16xf32>
            %add3A_617 = arith.addf %add3A_610, %gather3A_616 : vector<16xf32>
            %xor3A_618 = arith.constant 8 : i32
            %xor3A_619 = vector.broadcast %xor3A_618 : i32 to vector<16xi32>
            %xor3A_620 = arith.xori %iota3A, %xor3A_619 : vector<16xi32>
            %broadcast_in_dim3A_621 = vector.shape_cast %xor3A_620 : vector<16xi32> to vector<16x1xi32>
            %gather3A_622 = vector.shape_cast %broadcast_in_dim3A_621 : vector<16x1xi32> to vector<16xi32>
            %gather3A_623 = tpu.dynamic_gather %add3A_617[%gather3A_622] in [0] : vector<16xf32>, vector<16xi32> -> vector<16xf32>
            %add3A_624 = arith.addf %add3A_617, %gather3A_623 : vector<16xf32>
            tpu.vector_store_idx %arg23[%cond3A_336#4], %add3A_624 masked %eq3A_5 {add = true} : memref<4096xf32, #tpu.memory_space<vmem>>[vector<16xi32>], vector<16xf32>, vector<16xi1>
            %xor3A_625 = arith.constant 1 : i32
            %xor3A_626 = vector.broadcast %xor3A_625 : i32 to vector<16xi32>
            %xor3A_627 = arith.xori %iota3A, %xor3A_626 : vector<16xi32>
            %broadcast_in_dim3A_628 = vector.shape_cast %xor3A_627 : vector<16xi32> to vector<16x1xi32>
            %gather3A_629 = vector.shape_cast %broadcast_in_dim3A_628 : vector<16x1xi32> to vector<16xi32>
            %gather3A_630 = tpu.dynamic_gather %cond3A_336#3[%gather3A_629] in [0] : vector<16xf32>, vector<16xi32> -> vector<16xf32>
            %add3A_631 = arith.addf %cond3A_336#3, %gather3A_630 : vector<16xf32>
            %xor3A_632 = arith.constant 2 : i32
            %xor3A_633 = vector.broadcast %xor3A_632 : i32 to vector<16xi32>
            %xor3A_634 = arith.xori %iota3A, %xor3A_633 : vector<16xi32>
            %broadcast_in_dim3A_635 = vector.shape_cast %xor3A_634 : vector<16xi32> to vector<16x1xi32>
            %gather3A_636 = vector.shape_cast %broadcast_in_dim3A_635 : vector<16x1xi32> to vector<16xi32>
            %gather3A_637 = tpu.dynamic_gather %add3A_631[%gather3A_636] in [0] : vector<16xf32>, vector<16xi32> -> vector<16xf32>
            %add3A_638 = arith.addf %add3A_631, %gather3A_637 : vector<16xf32>
            %xor3A_639 = arith.constant 4 : i32
            %xor3A_640 = vector.broadcast %xor3A_639 : i32 to vector<16xi32>
            %xor3A_641 = arith.xori %iota3A, %xor3A_640 : vector<16xi32>
            %broadcast_in_dim3A_642 = vector.shape_cast %xor3A_641 : vector<16xi32> to vector<16x1xi32>
            %gather3A_643 = vector.shape_cast %broadcast_in_dim3A_642 : vector<16x1xi32> to vector<16xi32>
            %gather3A_644 = tpu.dynamic_gather %add3A_638[%gather3A_643] in [0] : vector<16xf32>, vector<16xi32> -> vector<16xf32>
            %add3A_645 = arith.addf %add3A_638, %gather3A_644 : vector<16xf32>
            %xor3A_646 = arith.constant 8 : i32
            %xor3A_647 = vector.broadcast %xor3A_646 : i32 to vector<16xi32>
            %xor3A_648 = arith.xori %iota3A, %xor3A_647 : vector<16xi32>
            %broadcast_in_dim3A_649 = vector.shape_cast %xor3A_648 : vector<16xi32> to vector<16x1xi32>
            %gather3A_650 = vector.shape_cast %broadcast_in_dim3A_649 : vector<16x1xi32> to vector<16xi32>
            %gather3A_651 = tpu.dynamic_gather %add3A_645[%gather3A_650] in [0] : vector<16xf32>, vector<16xi32> -> vector<16xf32>
            %add3A_652 = arith.addf %add3A_645, %gather3A_651 : vector<16xf32>
            tpu.vector_store_idx %arg24[%cond3A_336#4], %add3A_652 masked %eq3A_5 {add = true} : memref<4096xf32, #tpu.memory_space<vmem>>[vector<16xi32>], vector<16xf32>, vector<16xi1>
            %eq3A_653 = arith.constant 15 : i32
            %eq3A_654 = vector.broadcast %eq3A_653 : i32 to vector<16xi32>
            %eq3A_655 = arith.cmpi eq, %iota3A, %eq3A_654 : vector<16xi32>
            %or3A_656 = arith.ori %ne3A_370, %eq3A_655 : vector<16xi1>
            %broadcast_in_dim3A_657 = arith.constant true
            %broadcast_in_dim3A_658 = vector.broadcast %broadcast_in_dim3A_657 : i1 to vector<16xi1>
            %masked_cumsum3A = tpu.scan <sum>, %get3A_342 masked %broadcast_in_dim3A_658 : vector<16xf32>, vector<16xi1> -> vector<16xf32>
            %broadcast_in_dim3A_659 = arith.constant true
            %broadcast_in_dim3A_660 = vector.broadcast %broadcast_in_dim3A_659 : i1 to vector<16xi1>
            %masked_cumsum3A_661 = tpu.scan <sum>, %sub3A_351 masked %broadcast_in_dim3A_660 : vector<16xf32>, vector<16xi1> -> vector<16xf32>
            %broadcast_in_dim3A_662 = arith.constant true
            %broadcast_in_dim3A_663 = vector.broadcast %broadcast_in_dim3A_662 : i1 to vector<16xi1>
            %masked_cumsum3A_664 = tpu.scan <sum>, %mul3A_358 masked %broadcast_in_dim3A_663 : vector<16xf32>, vector<16xi1> -> vector<16xf32>
            %broadcast_in_dim3A_665 = arith.constant true
            %broadcast_in_dim3A_666 = vector.broadcast %broadcast_in_dim3A_665 : i1 to vector<16xi1>
            %masked_cumsum3A_667 = tpu.scan <sum>, %mul3A_360 masked %broadcast_in_dim3A_666 : vector<16xf32>, vector<16xi1> -> vector<16xf32>
            tpu.vector_store_idx %arg21[%get3A_340], %masked_cumsum3A masked %or3A_656 {add = true} : memref<4096xf32, #tpu.memory_space<vmem>>[vector<16xi32>], vector<16xf32>, vector<16xi1>
            tpu.vector_store_idx %arg22[%get3A_340], %masked_cumsum3A_661 masked %or3A_656 {add = true} : memref<4096xf32, #tpu.memory_space<vmem>>[vector<16xi32>], vector<16xf32>, vector<16xi1>
            tpu.vector_store_idx %arg23[%get3A_340], %masked_cumsum3A_664 masked %or3A_656 {add = true} : memref<4096xf32, #tpu.memory_space<vmem>>[vector<16xi32>], vector<16xf32>, vector<16xi1>
            tpu.vector_store_idx %arg24[%get3A_340], %masked_cumsum3A_667 masked %or3A_656 {add = true} : memref<4096xf32, #tpu.memory_space<vmem>>[vector<16xi32>], vector<16xf32>, vector<16xi1>
            %neg3A = arith.constant 0.000000e+00 : f32
            %neg3A_668 = vector.broadcast %neg3A : f32 to vector<16xf32>
            %neg3A_669 = arith.subf %neg3A_668, %masked_cumsum3A : vector<16xf32>
            tpu.vector_store_idx %arg21[%gather3A_369], %neg3A_669 masked %ne3A_370 {add = true} : memref<4096xf32, #tpu.memory_space<vmem>>[vector<16xi32>], vector<16xf32>, vector<16xi1>
            %neg3A_670 = arith.constant 0.000000e+00 : f32
            %neg3A_671 = vector.broadcast %neg3A_670 : f32 to vector<16xf32>
            %neg3A_672 = arith.subf %neg3A_671, %masked_cumsum3A_661 : vector<16xf32>
            tpu.vector_store_idx %arg22[%gather3A_369], %neg3A_672 masked %ne3A_370 {add = true} : memref<4096xf32, #tpu.memory_space<vmem>>[vector<16xi32>], vector<16xf32>, vector<16xi1>
            %neg3A_673 = arith.constant 0.000000e+00 : f32
            %neg3A_674 = vector.broadcast %neg3A_673 : f32 to vector<16xf32>
            %neg3A_675 = arith.subf %neg3A_674, %masked_cumsum3A_664 : vector<16xf32>
            tpu.vector_store_idx %arg23[%gather3A_369], %neg3A_675 masked %ne3A_370 {add = true} : memref<4096xf32, #tpu.memory_space<vmem>>[vector<16xi32>], vector<16xf32>, vector<16xi1>
            %neg3A_676 = arith.constant 0.000000e+00 : f32
            %neg3A_677 = vector.broadcast %neg3A_676 : f32 to vector<16xf32>
            %neg3A_678 = arith.subf %neg3A_677, %masked_cumsum3A_667 : vector<16xf32>
            tpu.vector_store_idx %arg24[%gather3A_369], %neg3A_678 masked %ne3A_370 {add = true} : memref<4096xf32, #tpu.memory_space<vmem>>[vector<16xi32>], vector<16xf32>, vector<16xi1>
            %broadcast_in_dim3A_679 = vector.shape_cast %add3A_10 : vector<16xi32> to vector<16x1xi32>
            %gather3A_680 = vector.shape_cast %broadcast_in_dim3A_679 : vector<16x1xi32> to vector<16xi32>
            %gather3A_681 = tpu.dynamic_gather %get3A_340[%gather3A_680] in [0] : vector<16xi32>, vector<16xi32> -> vector<16xi32>
            scf.yield %broadcast_in_dim3A_3, %broadcast_in_dim3A_3, %broadcast_in_dim3A_3, %broadcast_in_dim3A_3, %gather3A_681 : vector<16xf32>, vector<16xf32>, vector<16xf32>, vector<16xf32>, vector<16xi32>
          } else {
            %add3A_541 = arith.addf %cond3A_336#0, %get3A_342 : vector<16xf32>
            %add3A_542 = arith.addf %cond3A_336#1, %sub3A_351 : vector<16xf32>
            %add3A_543 = arith.addf %cond3A_336#2, %mul3A_358 : vector<16xf32>
            %add3A_544 = arith.addf %cond3A_336#3, %mul3A_360 : vector<16xf32>
            scf.yield %add3A_541, %add3A_542, %add3A_543, %add3A_544, %cond3A_336#4 : vector<16xf32>, vector<16xf32>, vector<16xf32>, vector<16xf32>, vector<16xi32>
          }
          %add3A_388 = arith.constant 32 : i32
          %add3A_389 = arith.addi %mul3A_271, %add3A_388 : i32
          %get3A_390 = arith.index_cast %add3A_389 : i32 to index
          %get3A_391 = tpu.vector_load %arg9[%get3A_390] {strides = array<i32>} : memref<2000xi32, #tpu.memory_space<vmem>>, vector<16xi32>,
          %get3A_392 = arith.index_cast %add3A_389 : i32 to index
          %get3A_393 = tpu.vector_load %arg11[%get3A_392] {strides = array<i32>} : memref<2000xf32, #tpu.memory_space<vmem>>, vector<16xf32>,
          %get3A_394 = arith.index_cast %add3A_389 : i32 to index
          %get3A_395 = tpu.vector_load %arg13[%get3A_394] {strides = array<i32>} : memref<2000xf32, #tpu.memory_space<vmem>>, vector<16xf32>,
          %get3A_396 = arith.index_cast %add3A_389 : i32 to index
          %get3A_397 = tpu.vector_load %arg15[%get3A_396] {strides = array<i32>} : memref<2000xf32, #tpu.memory_space<vmem>>, vector<16xf32>,
          %get3A_398 = arith.index_cast %add3A_389 : i32 to index
          %get3A_399 = tpu.vector_load %arg17[%get3A_398] {strides = array<i32>} : memref<2000xf32, #tpu.memory_space<vmem>>, vector<16xf32>,
          %get3A_400 = arith.index_cast %add3A_389 : i32 to index
          %get3A_401 = tpu.vector_load %arg19[%get3A_400] {strides = array<i32>} : memref<2000xf32, #tpu.memory_space<vmem>>, vector<16xf32>,
          %sub3A_402 = arith.subf %get3A_393, %get3A_395 : vector<16xf32>
          %sub3A_403 = arith.subf %get3A_399, %get3A_397 : vector<16xf32>
          %sub3A_404 = arith.constant 1.000000e+00 : f32
          %sub3A_405 = vector.broadcast %sub3A_404 : f32 to vector<16xf32>
          %sub3A_406 = arith.subf %sub3A_405, %get3A_397 : vector<16xf32>
          %sub3A_407 = arith.subf %get3A_401, %sub3A_406 : vector<16xf32>
          %mul3A_408 = arith.mulf %get3A_395, %sub3A_403 : vector<16xf32>
          %mul3A_409 = arith.mulf %mul3A_408, %sub3A_403 : vector<16xf32>
          %mul3A_410 = arith.mulf %sub3A_402, %sub3A_407 : vector<16xf32>
          %mul3A_411 = arith.mulf %mul3A_410, %sub3A_407 : vector<16xf32>
          %add3A_412 = arith.constant 1 : i32
          %add3A_413 = vector.broadcast %add3A_412 : i32 to vector<16xi32>
          %add3A_414 = arith.addi %iota3A, %add3A_413 : vector<16xi32>
          %min3A_415 = arith.constant 15 : i32
          %min3A_416 = vector.broadcast %min3A_415 : i32 to vector<16xi32>
          %min3A_417 = arith.minsi %add3A_414, %min3A_416 : vector<16xi32>
          %broadcast_in_dim3A_418 = vector.shape_cast %min3A_417 : vector<16xi32> to vector<16x1xi32>
          %gather3A_419 = vector.shape_cast %broadcast_in_dim3A_418 : vector<16x1xi32> to vector<16xi32>
          %gather3A_420 = tpu.dynamic_gather %get3A_391[%gather3A_419] in [0] : vector<16xi32>, vector<16xi32> -> vector<16xi32>
          %ne3A_421 = arith.cmpi ne, %get3A_391, %gather3A_420 : vector<16xi32>
          %ne3A_422 = arith.cmpi ne, %get3A_391, %cond3A_387#4 : vector<16xi32>
          %or3A_423 = arith.ori %ne3A_421, %ne3A_422 : vector<16xi1>
          %reduce_or3A_424 = arith.constant 1.000000e+00 : f32
          %reduce_or3A_425 = arith.constant 0.000000e+00 : f32
          %reduce_or3A_426 = vector.broadcast %reduce_or3A_424 : f32 to vector<16xf32>
          %reduce_or3A_427 = vector.broadcast %reduce_or3A_425 : f32 to vector<16xf32>
          %reduce_or3A_428 = arith.select %or3A_423, %reduce_or3A_426, %reduce_or3A_427 : vector<16xi1>, vector<16xf32>
          %reduce_or3A_429 = arith.constant true
          %reduce_or3A_430 = vector.broadcast %reduce_or3A_429 : i1 to vector<16xi1>
          %reduce_or3A_431 = tpu.scan <max>, %reduce_or3A_428 masked %reduce_or3A_430 : vector<16xf32>, vector<16xi1> -> vector<16xf32>
          %reduce_or3A_432 = vector.extract %reduce_or3A_431[15] : f32 from vector<16xf32>
          %reduce_or3A_433 = arith.constant 0.000000e+00 : f32
          %reduce_or3A_434 = arith.cmpf ogt, %reduce_or3A_432, %reduce_or3A_433 : f32
          %convert_element_type3A_435 = arith.extui %reduce_or3A_434 : i1 to i32
          %cond3A_436 = arith.constant 0 : i32
          %cond3A_437 = arith.cmpi ne, %convert_element_type3A_435, %cond3A_436 : i32
          %cond3A_438:5 = scf.if %cond3A_437 -> (vector<16xf32>, vector<16xf32>, vector<16xf32>, vector<16xf32>, vector<16xi32>) {
            %xor3A_541 = arith.constant 1 : i32
            %xor3A_542 = vector.broadcast %xor3A_541 : i32 to vector<16xi32>
            %xor3A_543 = arith.xori %iota3A, %xor3A_542 : vector<16xi32>
            %broadcast_in_dim3A_544 = vector.shape_cast %xor3A_543 : vector<16xi32> to vector<16x1xi32>
            %gather3A_545 = vector.shape_cast %broadcast_in_dim3A_544 : vector<16x1xi32> to vector<16xi32>
            %gather3A_546 = tpu.dynamic_gather %cond3A_387#0[%gather3A_545] in [0] : vector<16xf32>, vector<16xi32> -> vector<16xf32>
            %add3A_547 = arith.addf %cond3A_387#0, %gather3A_546 : vector<16xf32>
            %xor3A_548 = arith.constant 2 : i32
            %xor3A_549 = vector.broadcast %xor3A_548 : i32 to vector<16xi32>
            %xor3A_550 = arith.xori %iota3A, %xor3A_549 : vector<16xi32>
            %broadcast_in_dim3A_551 = vector.shape_cast %xor3A_550 : vector<16xi32> to vector<16x1xi32>
            %gather3A_552 = vector.shape_cast %broadcast_in_dim3A_551 : vector<16x1xi32> to vector<16xi32>
            %gather3A_553 = tpu.dynamic_gather %add3A_547[%gather3A_552] in [0] : vector<16xf32>, vector<16xi32> -> vector<16xf32>
            %add3A_554 = arith.addf %add3A_547, %gather3A_553 : vector<16xf32>
            %xor3A_555 = arith.constant 4 : i32
            %xor3A_556 = vector.broadcast %xor3A_555 : i32 to vector<16xi32>
            %xor3A_557 = arith.xori %iota3A, %xor3A_556 : vector<16xi32>
            %broadcast_in_dim3A_558 = vector.shape_cast %xor3A_557 : vector<16xi32> to vector<16x1xi32>
            %gather3A_559 = vector.shape_cast %broadcast_in_dim3A_558 : vector<16x1xi32> to vector<16xi32>
            %gather3A_560 = tpu.dynamic_gather %add3A_554[%gather3A_559] in [0] : vector<16xf32>, vector<16xi32> -> vector<16xf32>
            %add3A_561 = arith.addf %add3A_554, %gather3A_560 : vector<16xf32>
            %xor3A_562 = arith.constant 8 : i32
            %xor3A_563 = vector.broadcast %xor3A_562 : i32 to vector<16xi32>
            %xor3A_564 = arith.xori %iota3A, %xor3A_563 : vector<16xi32>
            %broadcast_in_dim3A_565 = vector.shape_cast %xor3A_564 : vector<16xi32> to vector<16x1xi32>
            %gather3A_566 = vector.shape_cast %broadcast_in_dim3A_565 : vector<16x1xi32> to vector<16xi32>
            %gather3A_567 = tpu.dynamic_gather %add3A_561[%gather3A_566] in [0] : vector<16xf32>, vector<16xi32> -> vector<16xf32>
            %add3A_568 = arith.addf %add3A_561, %gather3A_567 : vector<16xf32>
            tpu.vector_store_idx %arg21[%cond3A_387#4], %add3A_568 masked %eq3A_5 {add = true} : memref<4096xf32, #tpu.memory_space<vmem>>[vector<16xi32>], vector<16xf32>, vector<16xi1>
            %xor3A_569 = arith.constant 1 : i32
            %xor3A_570 = vector.broadcast %xor3A_569 : i32 to vector<16xi32>
            %xor3A_571 = arith.xori %iota3A, %xor3A_570 : vector<16xi32>
            %broadcast_in_dim3A_572 = vector.shape_cast %xor3A_571 : vector<16xi32> to vector<16x1xi32>
            %gather3A_573 = vector.shape_cast %broadcast_in_dim3A_572 : vector<16x1xi32> to vector<16xi32>
            %gather3A_574 = tpu.dynamic_gather %cond3A_387#1[%gather3A_573] in [0] : vector<16xf32>, vector<16xi32> -> vector<16xf32>
            %add3A_575 = arith.addf %cond3A_387#1, %gather3A_574 : vector<16xf32>
            %xor3A_576 = arith.constant 2 : i32
            %xor3A_577 = vector.broadcast %xor3A_576 : i32 to vector<16xi32>
            %xor3A_578 = arith.xori %iota3A, %xor3A_577 : vector<16xi32>
            %broadcast_in_dim3A_579 = vector.shape_cast %xor3A_578 : vector<16xi32> to vector<16x1xi32>
            %gather3A_580 = vector.shape_cast %broadcast_in_dim3A_579 : vector<16x1xi32> to vector<16xi32>
            %gather3A_581 = tpu.dynamic_gather %add3A_575[%gather3A_580] in [0] : vector<16xf32>, vector<16xi32> -> vector<16xf32>
            %add3A_582 = arith.addf %add3A_575, %gather3A_581 : vector<16xf32>
            %xor3A_583 = arith.constant 4 : i32
            %xor3A_584 = vector.broadcast %xor3A_583 : i32 to vector<16xi32>
            %xor3A_585 = arith.xori %iota3A, %xor3A_584 : vector<16xi32>
            %broadcast_in_dim3A_586 = vector.shape_cast %xor3A_585 : vector<16xi32> to vector<16x1xi32>
            %gather3A_587 = vector.shape_cast %broadcast_in_dim3A_586 : vector<16x1xi32> to vector<16xi32>
            %gather3A_588 = tpu.dynamic_gather %add3A_582[%gather3A_587] in [0] : vector<16xf32>, vector<16xi32> -> vector<16xf32>
            %add3A_589 = arith.addf %add3A_582, %gather3A_588 : vector<16xf32>
            %xor3A_590 = arith.constant 8 : i32
            %xor3A_591 = vector.broadcast %xor3A_590 : i32 to vector<16xi32>
            %xor3A_592 = arith.xori %iota3A, %xor3A_591 : vector<16xi32>
            %broadcast_in_dim3A_593 = vector.shape_cast %xor3A_592 : vector<16xi32> to vector<16x1xi32>
            %gather3A_594 = vector.shape_cast %broadcast_in_dim3A_593 : vector<16x1xi32> to vector<16xi32>
            %gather3A_595 = tpu.dynamic_gather %add3A_589[%gather3A_594] in [0] : vector<16xf32>, vector<16xi32> -> vector<16xf32>
            %add3A_596 = arith.addf %add3A_589, %gather3A_595 : vector<16xf32>
            tpu.vector_store_idx %arg22[%cond3A_387#4], %add3A_596 masked %eq3A_5 {add = true} : memref<4096xf32, #tpu.memory_space<vmem>>[vector<16xi32>], vector<16xf32>, vector<16xi1>
            %xor3A_597 = arith.constant 1 : i32
            %xor3A_598 = vector.broadcast %xor3A_597 : i32 to vector<16xi32>
            %xor3A_599 = arith.xori %iota3A, %xor3A_598 : vector<16xi32>
            %broadcast_in_dim3A_600 = vector.shape_cast %xor3A_599 : vector<16xi32> to vector<16x1xi32>
            %gather3A_601 = vector.shape_cast %broadcast_in_dim3A_600 : vector<16x1xi32> to vector<16xi32>
            %gather3A_602 = tpu.dynamic_gather %cond3A_387#2[%gather3A_601] in [0] : vector<16xf32>, vector<16xi32> -> vector<16xf32>
            %add3A_603 = arith.addf %cond3A_387#2, %gather3A_602 : vector<16xf32>
            %xor3A_604 = arith.constant 2 : i32
            %xor3A_605 = vector.broadcast %xor3A_604 : i32 to vector<16xi32>
            %xor3A_606 = arith.xori %iota3A, %xor3A_605 : vector<16xi32>
            %broadcast_in_dim3A_607 = vector.shape_cast %xor3A_606 : vector<16xi32> to vector<16x1xi32>
            %gather3A_608 = vector.shape_cast %broadcast_in_dim3A_607 : vector<16x1xi32> to vector<16xi32>
            %gather3A_609 = tpu.dynamic_gather %add3A_603[%gather3A_608] in [0] : vector<16xf32>, vector<16xi32> -> vector<16xf32>
            %add3A_610 = arith.addf %add3A_603, %gather3A_609 : vector<16xf32>
            %xor3A_611 = arith.constant 4 : i32
            %xor3A_612 = vector.broadcast %xor3A_611 : i32 to vector<16xi32>
            %xor3A_613 = arith.xori %iota3A, %xor3A_612 : vector<16xi32>
            %broadcast_in_dim3A_614 = vector.shape_cast %xor3A_613 : vector<16xi32> to vector<16x1xi32>
            %gather3A_615 = vector.shape_cast %broadcast_in_dim3A_614 : vector<16x1xi32> to vector<16xi32>
            %gather3A_616 = tpu.dynamic_gather %add3A_610[%gather3A_615] in [0] : vector<16xf32>, vector<16xi32> -> vector<16xf32>
            %add3A_617 = arith.addf %add3A_610, %gather3A_616 : vector<16xf32>
            %xor3A_618 = arith.constant 8 : i32
            %xor3A_619 = vector.broadcast %xor3A_618 : i32 to vector<16xi32>
            %xor3A_620 = arith.xori %iota3A, %xor3A_619 : vector<16xi32>
            %broadcast_in_dim3A_621 = vector.shape_cast %xor3A_620 : vector<16xi32> to vector<16x1xi32>
            %gather3A_622 = vector.shape_cast %broadcast_in_dim3A_621 : vector<16x1xi32> to vector<16xi32>
            %gather3A_623 = tpu.dynamic_gather %add3A_617[%gather3A_622] in [0] : vector<16xf32>, vector<16xi32> -> vector<16xf32>
            %add3A_624 = arith.addf %add3A_617, %gather3A_623 : vector<16xf32>
            tpu.vector_store_idx %arg23[%cond3A_387#4], %add3A_624 masked %eq3A_5 {add = true} : memref<4096xf32, #tpu.memory_space<vmem>>[vector<16xi32>], vector<16xf32>, vector<16xi1>
            %xor3A_625 = arith.constant 1 : i32
            %xor3A_626 = vector.broadcast %xor3A_625 : i32 to vector<16xi32>
            %xor3A_627 = arith.xori %iota3A, %xor3A_626 : vector<16xi32>
            %broadcast_in_dim3A_628 = vector.shape_cast %xor3A_627 : vector<16xi32> to vector<16x1xi32>
            %gather3A_629 = vector.shape_cast %broadcast_in_dim3A_628 : vector<16x1xi32> to vector<16xi32>
            %gather3A_630 = tpu.dynamic_gather %cond3A_387#3[%gather3A_629] in [0] : vector<16xf32>, vector<16xi32> -> vector<16xf32>
            %add3A_631 = arith.addf %cond3A_387#3, %gather3A_630 : vector<16xf32>
            %xor3A_632 = arith.constant 2 : i32
            %xor3A_633 = vector.broadcast %xor3A_632 : i32 to vector<16xi32>
            %xor3A_634 = arith.xori %iota3A, %xor3A_633 : vector<16xi32>
            %broadcast_in_dim3A_635 = vector.shape_cast %xor3A_634 : vector<16xi32> to vector<16x1xi32>
            %gather3A_636 = vector.shape_cast %broadcast_in_dim3A_635 : vector<16x1xi32> to vector<16xi32>
            %gather3A_637 = tpu.dynamic_gather %add3A_631[%gather3A_636] in [0] : vector<16xf32>, vector<16xi32> -> vector<16xf32>
            %add3A_638 = arith.addf %add3A_631, %gather3A_637 : vector<16xf32>
            %xor3A_639 = arith.constant 4 : i32
            %xor3A_640 = vector.broadcast %xor3A_639 : i32 to vector<16xi32>
            %xor3A_641 = arith.xori %iota3A, %xor3A_640 : vector<16xi32>
            %broadcast_in_dim3A_642 = vector.shape_cast %xor3A_641 : vector<16xi32> to vector<16x1xi32>
            %gather3A_643 = vector.shape_cast %broadcast_in_dim3A_642 : vector<16x1xi32> to vector<16xi32>
            %gather3A_644 = tpu.dynamic_gather %add3A_638[%gather3A_643] in [0] : vector<16xf32>, vector<16xi32> -> vector<16xf32>
            %add3A_645 = arith.addf %add3A_638, %gather3A_644 : vector<16xf32>
            %xor3A_646 = arith.constant 8 : i32
            %xor3A_647 = vector.broadcast %xor3A_646 : i32 to vector<16xi32>
            %xor3A_648 = arith.xori %iota3A, %xor3A_647 : vector<16xi32>
            %broadcast_in_dim3A_649 = vector.shape_cast %xor3A_648 : vector<16xi32> to vector<16x1xi32>
            %gather3A_650 = vector.shape_cast %broadcast_in_dim3A_649 : vector<16x1xi32> to vector<16xi32>
            %gather3A_651 = tpu.dynamic_gather %add3A_645[%gather3A_650] in [0] : vector<16xf32>, vector<16xi32> -> vector<16xf32>
            %add3A_652 = arith.addf %add3A_645, %gather3A_651 : vector<16xf32>
            tpu.vector_store_idx %arg24[%cond3A_387#4], %add3A_652 masked %eq3A_5 {add = true} : memref<4096xf32, #tpu.memory_space<vmem>>[vector<16xi32>], vector<16xf32>, vector<16xi1>
            %eq3A_653 = arith.constant 15 : i32
            %eq3A_654 = vector.broadcast %eq3A_653 : i32 to vector<16xi32>
            %eq3A_655 = arith.cmpi eq, %iota3A, %eq3A_654 : vector<16xi32>
            %or3A_656 = arith.ori %ne3A_421, %eq3A_655 : vector<16xi1>
            %broadcast_in_dim3A_657 = arith.constant true
            %broadcast_in_dim3A_658 = vector.broadcast %broadcast_in_dim3A_657 : i1 to vector<16xi1>
            %masked_cumsum3A = tpu.scan <sum>, %get3A_393 masked %broadcast_in_dim3A_658 : vector<16xf32>, vector<16xi1> -> vector<16xf32>
            %broadcast_in_dim3A_659 = arith.constant true
            %broadcast_in_dim3A_660 = vector.broadcast %broadcast_in_dim3A_659 : i1 to vector<16xi1>
            %masked_cumsum3A_661 = tpu.scan <sum>, %sub3A_402 masked %broadcast_in_dim3A_660 : vector<16xf32>, vector<16xi1> -> vector<16xf32>
            %broadcast_in_dim3A_662 = arith.constant true
            %broadcast_in_dim3A_663 = vector.broadcast %broadcast_in_dim3A_662 : i1 to vector<16xi1>
            %masked_cumsum3A_664 = tpu.scan <sum>, %mul3A_409 masked %broadcast_in_dim3A_663 : vector<16xf32>, vector<16xi1> -> vector<16xf32>
            %broadcast_in_dim3A_665 = arith.constant true
            %broadcast_in_dim3A_666 = vector.broadcast %broadcast_in_dim3A_665 : i1 to vector<16xi1>
            %masked_cumsum3A_667 = tpu.scan <sum>, %mul3A_411 masked %broadcast_in_dim3A_666 : vector<16xf32>, vector<16xi1> -> vector<16xf32>
            tpu.vector_store_idx %arg21[%get3A_391], %masked_cumsum3A masked %or3A_656 {add = true} : memref<4096xf32, #tpu.memory_space<vmem>>[vector<16xi32>], vector<16xf32>, vector<16xi1>
            tpu.vector_store_idx %arg22[%get3A_391], %masked_cumsum3A_661 masked %or3A_656 {add = true} : memref<4096xf32, #tpu.memory_space<vmem>>[vector<16xi32>], vector<16xf32>, vector<16xi1>
            tpu.vector_store_idx %arg23[%get3A_391], %masked_cumsum3A_664 masked %or3A_656 {add = true} : memref<4096xf32, #tpu.memory_space<vmem>>[vector<16xi32>], vector<16xf32>, vector<16xi1>
            tpu.vector_store_idx %arg24[%get3A_391], %masked_cumsum3A_667 masked %or3A_656 {add = true} : memref<4096xf32, #tpu.memory_space<vmem>>[vector<16xi32>], vector<16xf32>, vector<16xi1>
            %neg3A = arith.constant 0.000000e+00 : f32
            %neg3A_668 = vector.broadcast %neg3A : f32 to vector<16xf32>
            %neg3A_669 = arith.subf %neg3A_668, %masked_cumsum3A : vector<16xf32>
            tpu.vector_store_idx %arg21[%gather3A_420], %neg3A_669 masked %ne3A_421 {add = true} : memref<4096xf32, #tpu.memory_space<vmem>>[vector<16xi32>], vector<16xf32>, vector<16xi1>
            %neg3A_670 = arith.constant 0.000000e+00 : f32
            %neg3A_671 = vector.broadcast %neg3A_670 : f32 to vector<16xf32>
            %neg3A_672 = arith.subf %neg3A_671, %masked_cumsum3A_661 : vector<16xf32>
            tpu.vector_store_idx %arg22[%gather3A_420], %neg3A_672 masked %ne3A_421 {add = true} : memref<4096xf32, #tpu.memory_space<vmem>>[vector<16xi32>], vector<16xf32>, vector<16xi1>
            %neg3A_673 = arith.constant 0.000000e+00 : f32
            %neg3A_674 = vector.broadcast %neg3A_673 : f32 to vector<16xf32>
            %neg3A_675 = arith.subf %neg3A_674, %masked_cumsum3A_664 : vector<16xf32>
            tpu.vector_store_idx %arg23[%gather3A_420], %neg3A_675 masked %ne3A_421 {add = true} : memref<4096xf32, #tpu.memory_space<vmem>>[vector<16xi32>], vector<16xf32>, vector<16xi1>
            %neg3A_676 = arith.constant 0.000000e+00 : f32
            %neg3A_677 = vector.broadcast %neg3A_676 : f32 to vector<16xf32>
            %neg3A_678 = arith.subf %neg3A_677, %masked_cumsum3A_667 : vector<16xf32>
            tpu.vector_store_idx %arg24[%gather3A_420], %neg3A_678 masked %ne3A_421 {add = true} : memref<4096xf32, #tpu.memory_space<vmem>>[vector<16xi32>], vector<16xf32>, vector<16xi1>
            %broadcast_in_dim3A_679 = vector.shape_cast %add3A_10 : vector<16xi32> to vector<16x1xi32>
            %gather3A_680 = vector.shape_cast %broadcast_in_dim3A_679 : vector<16x1xi32> to vector<16xi32>
            %gather3A_681 = tpu.dynamic_gather %get3A_391[%gather3A_680] in [0] : vector<16xi32>, vector<16xi32> -> vector<16xi32>
            scf.yield %broadcast_in_dim3A_3, %broadcast_in_dim3A_3, %broadcast_in_dim3A_3, %broadcast_in_dim3A_3, %gather3A_681 : vector<16xf32>, vector<16xf32>, vector<16xf32>, vector<16xf32>, vector<16xi32>
          } else {
            %add3A_541 = arith.addf %cond3A_387#0, %get3A_393 : vector<16xf32>
            %add3A_542 = arith.addf %cond3A_387#1, %sub3A_402 : vector<16xf32>
            %add3A_543 = arith.addf %cond3A_387#2, %mul3A_409 : vector<16xf32>
            %add3A_544 = arith.addf %cond3A_387#3, %mul3A_411 : vector<16xf32>
            scf.yield %add3A_541, %add3A_542, %add3A_543, %add3A_544, %cond3A_387#4 : vector<16xf32>, vector<16xf32>, vector<16xf32>, vector<16xf32>, vector<16xi32>
          }
          %add3A_439 = arith.constant 48 : i32
          %add3A_440 = arith.addi %mul3A_271, %add3A_439 : i32
          %get3A_441 = arith.index_cast %add3A_440 : i32 to index
          %get3A_442 = tpu.vector_load %arg9[%get3A_441] {strides = array<i32>} : memref<2000xi32, #tpu.memory_space<vmem>>, vector<16xi32>,
          %get3A_443 = arith.index_cast %add3A_440 : i32 to index
          %get3A_444 = tpu.vector_load %arg11[%get3A_443] {strides = array<i32>} : memref<2000xf32, #tpu.memory_space<vmem>>, vector<16xf32>,
          %get3A_445 = arith.index_cast %add3A_440 : i32 to index
          %get3A_446 = tpu.vector_load %arg13[%get3A_445] {strides = array<i32>} : memref<2000xf32, #tpu.memory_space<vmem>>, vector<16xf32>,
          %get3A_447 = arith.index_cast %add3A_440 : i32 to index
          %get3A_448 = tpu.vector_load %arg15[%get3A_447] {strides = array<i32>} : memref<2000xf32, #tpu.memory_space<vmem>>, vector<16xf32>,
          %get3A_449 = arith.index_cast %add3A_440 : i32 to index
          %get3A_450 = tpu.vector_load %arg17[%get3A_449] {strides = array<i32>} : memref<2000xf32, #tpu.memory_space<vmem>>, vector<16xf32>,
          %get3A_451 = arith.index_cast %add3A_440 : i32 to index
          %get3A_452 = tpu.vector_load %arg19[%get3A_451] {strides = array<i32>} : memref<2000xf32, #tpu.memory_space<vmem>>, vector<16xf32>,
          %sub3A_453 = arith.subf %get3A_444, %get3A_446 : vector<16xf32>
          %sub3A_454 = arith.subf %get3A_450, %get3A_448 : vector<16xf32>
          %sub3A_455 = arith.constant 1.000000e+00 : f32
          %sub3A_456 = vector.broadcast %sub3A_455 : f32 to vector<16xf32>
          %sub3A_457 = arith.subf %sub3A_456, %get3A_448 : vector<16xf32>
          %sub3A_458 = arith.subf %get3A_452, %sub3A_457 : vector<16xf32>
          %mul3A_459 = arith.mulf %get3A_446, %sub3A_454 : vector<16xf32>
          %mul3A_460 = arith.mulf %mul3A_459, %sub3A_454 : vector<16xf32>
          %mul3A_461 = arith.mulf %sub3A_453, %sub3A_458 : vector<16xf32>
          %mul3A_462 = arith.mulf %mul3A_461, %sub3A_458 : vector<16xf32>
          %add3A_463 = arith.constant 1 : i32
          %add3A_464 = vector.broadcast %add3A_463 : i32 to vector<16xi32>
          %add3A_465 = arith.addi %iota3A, %add3A_464 : vector<16xi32>
          %min3A_466 = arith.constant 15 : i32
          %min3A_467 = vector.broadcast %min3A_466 : i32 to vector<16xi32>
          %min3A_468 = arith.minsi %add3A_465, %min3A_467 : vector<16xi32>
          %broadcast_in_dim3A_469 = vector.shape_cast %min3A_468 : vector<16xi32> to vector<16x1xi32>
          %gather3A_470 = vector.shape_cast %broadcast_in_dim3A_469 : vector<16x1xi32> to vector<16xi32>
          %gather3A_471 = tpu.dynamic_gather %get3A_442[%gather3A_470] in [0] : vector<16xi32>, vector<16xi32> -> vector<16xi32>
          %ne3A_472 = arith.cmpi ne, %get3A_442, %gather3A_471 : vector<16xi32>
          %ne3A_473 = arith.cmpi ne, %get3A_442, %cond3A_438#4 : vector<16xi32>
          %or3A_474 = arith.ori %ne3A_472, %ne3A_473 : vector<16xi1>
          %reduce_or3A_475 = arith.constant 1.000000e+00 : f32
          %reduce_or3A_476 = arith.constant 0.000000e+00 : f32
          %reduce_or3A_477 = vector.broadcast %reduce_or3A_475 : f32 to vector<16xf32>
          %reduce_or3A_478 = vector.broadcast %reduce_or3A_476 : f32 to vector<16xf32>
          %reduce_or3A_479 = arith.select %or3A_474, %reduce_or3A_477, %reduce_or3A_478 : vector<16xi1>, vector<16xf32>
          %reduce_or3A_480 = arith.constant true
          %reduce_or3A_481 = vector.broadcast %reduce_or3A_480 : i1 to vector<16xi1>
          %reduce_or3A_482 = tpu.scan <max>, %reduce_or3A_479 masked %reduce_or3A_481 : vector<16xf32>, vector<16xi1> -> vector<16xf32>
          %reduce_or3A_483 = vector.extract %reduce_or3A_482[15] : f32 from vector<16xf32>
          %reduce_or3A_484 = arith.constant 0.000000e+00 : f32
          %reduce_or3A_485 = arith.cmpf ogt, %reduce_or3A_483, %reduce_or3A_484 : f32
          %convert_element_type3A_486 = arith.extui %reduce_or3A_485 : i1 to i32
          %cond3A_487 = arith.constant 0 : i32
          %cond3A_488 = arith.cmpi ne, %convert_element_type3A_486, %cond3A_487 : i32
          %cond3A_489:5 = scf.if %cond3A_488 -> (vector<16xf32>, vector<16xf32>, vector<16xf32>, vector<16xf32>, vector<16xi32>) {
            %xor3A_541 = arith.constant 1 : i32
            %xor3A_542 = vector.broadcast %xor3A_541 : i32 to vector<16xi32>
            %xor3A_543 = arith.xori %iota3A, %xor3A_542 : vector<16xi32>
            %broadcast_in_dim3A_544 = vector.shape_cast %xor3A_543 : vector<16xi32> to vector<16x1xi32>
            %gather3A_545 = vector.shape_cast %broadcast_in_dim3A_544 : vector<16x1xi32> to vector<16xi32>
            %gather3A_546 = tpu.dynamic_gather %cond3A_438#0[%gather3A_545] in [0] : vector<16xf32>, vector<16xi32> -> vector<16xf32>
            %add3A_547 = arith.addf %cond3A_438#0, %gather3A_546 : vector<16xf32>
            %xor3A_548 = arith.constant 2 : i32
            %xor3A_549 = vector.broadcast %xor3A_548 : i32 to vector<16xi32>
            %xor3A_550 = arith.xori %iota3A, %xor3A_549 : vector<16xi32>
            %broadcast_in_dim3A_551 = vector.shape_cast %xor3A_550 : vector<16xi32> to vector<16x1xi32>
            %gather3A_552 = vector.shape_cast %broadcast_in_dim3A_551 : vector<16x1xi32> to vector<16xi32>
            %gather3A_553 = tpu.dynamic_gather %add3A_547[%gather3A_552] in [0] : vector<16xf32>, vector<16xi32> -> vector<16xf32>
            %add3A_554 = arith.addf %add3A_547, %gather3A_553 : vector<16xf32>
            %xor3A_555 = arith.constant 4 : i32
            %xor3A_556 = vector.broadcast %xor3A_555 : i32 to vector<16xi32>
            %xor3A_557 = arith.xori %iota3A, %xor3A_556 : vector<16xi32>
            %broadcast_in_dim3A_558 = vector.shape_cast %xor3A_557 : vector<16xi32> to vector<16x1xi32>
            %gather3A_559 = vector.shape_cast %broadcast_in_dim3A_558 : vector<16x1xi32> to vector<16xi32>
            %gather3A_560 = tpu.dynamic_gather %add3A_554[%gather3A_559] in [0] : vector<16xf32>, vector<16xi32> -> vector<16xf32>
            %add3A_561 = arith.addf %add3A_554, %gather3A_560 : vector<16xf32>
            %xor3A_562 = arith.constant 8 : i32
            %xor3A_563 = vector.broadcast %xor3A_562 : i32 to vector<16xi32>
            %xor3A_564 = arith.xori %iota3A, %xor3A_563 : vector<16xi32>
            %broadcast_in_dim3A_565 = vector.shape_cast %xor3A_564 : vector<16xi32> to vector<16x1xi32>
            %gather3A_566 = vector.shape_cast %broadcast_in_dim3A_565 : vector<16x1xi32> to vector<16xi32>
            %gather3A_567 = tpu.dynamic_gather %add3A_561[%gather3A_566] in [0] : vector<16xf32>, vector<16xi32> -> vector<16xf32>
            %add3A_568 = arith.addf %add3A_561, %gather3A_567 : vector<16xf32>
            tpu.vector_store_idx %arg21[%cond3A_438#4], %add3A_568 masked %eq3A_5 {add = true} : memref<4096xf32, #tpu.memory_space<vmem>>[vector<16xi32>], vector<16xf32>, vector<16xi1>
            %xor3A_569 = arith.constant 1 : i32
            %xor3A_570 = vector.broadcast %xor3A_569 : i32 to vector<16xi32>
            %xor3A_571 = arith.xori %iota3A, %xor3A_570 : vector<16xi32>
            %broadcast_in_dim3A_572 = vector.shape_cast %xor3A_571 : vector<16xi32> to vector<16x1xi32>
            %gather3A_573 = vector.shape_cast %broadcast_in_dim3A_572 : vector<16x1xi32> to vector<16xi32>
            %gather3A_574 = tpu.dynamic_gather %cond3A_438#1[%gather3A_573] in [0] : vector<16xf32>, vector<16xi32> -> vector<16xf32>
            %add3A_575 = arith.addf %cond3A_438#1, %gather3A_574 : vector<16xf32>
            %xor3A_576 = arith.constant 2 : i32
            %xor3A_577 = vector.broadcast %xor3A_576 : i32 to vector<16xi32>
            %xor3A_578 = arith.xori %iota3A, %xor3A_577 : vector<16xi32>
            %broadcast_in_dim3A_579 = vector.shape_cast %xor3A_578 : vector<16xi32> to vector<16x1xi32>
            %gather3A_580 = vector.shape_cast %broadcast_in_dim3A_579 : vector<16x1xi32> to vector<16xi32>
            %gather3A_581 = tpu.dynamic_gather %add3A_575[%gather3A_580] in [0] : vector<16xf32>, vector<16xi32> -> vector<16xf32>
            %add3A_582 = arith.addf %add3A_575, %gather3A_581 : vector<16xf32>
            %xor3A_583 = arith.constant 4 : i32
            %xor3A_584 = vector.broadcast %xor3A_583 : i32 to vector<16xi32>
            %xor3A_585 = arith.xori %iota3A, %xor3A_584 : vector<16xi32>
            %broadcast_in_dim3A_586 = vector.shape_cast %xor3A_585 : vector<16xi32> to vector<16x1xi32>
            %gather3A_587 = vector.shape_cast %broadcast_in_dim3A_586 : vector<16x1xi32> to vector<16xi32>
            %gather3A_588 = tpu.dynamic_gather %add3A_582[%gather3A_587] in [0] : vector<16xf32>, vector<16xi32> -> vector<16xf32>
            %add3A_589 = arith.addf %add3A_582, %gather3A_588 : vector<16xf32>
            %xor3A_590 = arith.constant 8 : i32
            %xor3A_591 = vector.broadcast %xor3A_590 : i32 to vector<16xi32>
            %xor3A_592 = arith.xori %iota3A, %xor3A_591 : vector<16xi32>
            %broadcast_in_dim3A_593 = vector.shape_cast %xor3A_592 : vector<16xi32> to vector<16x1xi32>
            %gather3A_594 = vector.shape_cast %broadcast_in_dim3A_593 : vector<16x1xi32> to vector<16xi32>
            %gather3A_595 = tpu.dynamic_gather %add3A_589[%gather3A_594] in [0] : vector<16xf32>, vector<16xi32> -> vector<16xf32>
            %add3A_596 = arith.addf %add3A_589, %gather3A_595 : vector<16xf32>
            tpu.vector_store_idx %arg22[%cond3A_438#4], %add3A_596 masked %eq3A_5 {add = true} : memref<4096xf32, #tpu.memory_space<vmem>>[vector<16xi32>], vector<16xf32>, vector<16xi1>
            %xor3A_597 = arith.constant 1 : i32
            %xor3A_598 = vector.broadcast %xor3A_597 : i32 to vector<16xi32>
            %xor3A_599 = arith.xori %iota3A, %xor3A_598 : vector<16xi32>
            %broadcast_in_dim3A_600 = vector.shape_cast %xor3A_599 : vector<16xi32> to vector<16x1xi32>
            %gather3A_601 = vector.shape_cast %broadcast_in_dim3A_600 : vector<16x1xi32> to vector<16xi32>
            %gather3A_602 = tpu.dynamic_gather %cond3A_438#2[%gather3A_601] in [0] : vector<16xf32>, vector<16xi32> -> vector<16xf32>
            %add3A_603 = arith.addf %cond3A_438#2, %gather3A_602 : vector<16xf32>
            %xor3A_604 = arith.constant 2 : i32
            %xor3A_605 = vector.broadcast %xor3A_604 : i32 to vector<16xi32>
            %xor3A_606 = arith.xori %iota3A, %xor3A_605 : vector<16xi32>
            %broadcast_in_dim3A_607 = vector.shape_cast %xor3A_606 : vector<16xi32> to vector<16x1xi32>
            %gather3A_608 = vector.shape_cast %broadcast_in_dim3A_607 : vector<16x1xi32> to vector<16xi32>
            %gather3A_609 = tpu.dynamic_gather %add3A_603[%gather3A_608] in [0] : vector<16xf32>, vector<16xi32> -> vector<16xf32>
            %add3A_610 = arith.addf %add3A_603, %gather3A_609 : vector<16xf32>
            %xor3A_611 = arith.constant 4 : i32
            %xor3A_612 = vector.broadcast %xor3A_611 : i32 to vector<16xi32>
            %xor3A_613 = arith.xori %iota3A, %xor3A_612 : vector<16xi32>
            %broadcast_in_dim3A_614 = vector.shape_cast %xor3A_613 : vector<16xi32> to vector<16x1xi32>
            %gather3A_615 = vector.shape_cast %broadcast_in_dim3A_614 : vector<16x1xi32> to vector<16xi32>
            %gather3A_616 = tpu.dynamic_gather %add3A_610[%gather3A_615] in [0] : vector<16xf32>, vector<16xi32> -> vector<16xf32>
            %add3A_617 = arith.addf %add3A_610, %gather3A_616 : vector<16xf32>
            %xor3A_618 = arith.constant 8 : i32
            %xor3A_619 = vector.broadcast %xor3A_618 : i32 to vector<16xi32>
            %xor3A_620 = arith.xori %iota3A, %xor3A_619 : vector<16xi32>
            %broadcast_in_dim3A_621 = vector.shape_cast %xor3A_620 : vector<16xi32> to vector<16x1xi32>
            %gather3A_622 = vector.shape_cast %broadcast_in_dim3A_621 : vector<16x1xi32> to vector<16xi32>
            %gather3A_623 = tpu.dynamic_gather %add3A_617[%gather3A_622] in [0] : vector<16xf32>, vector<16xi32> -> vector<16xf32>
            %add3A_624 = arith.addf %add3A_617, %gather3A_623 : vector<16xf32>
            tpu.vector_store_idx %arg23[%cond3A_438#4], %add3A_624 masked %eq3A_5 {add = true} : memref<4096xf32, #tpu.memory_space<vmem>>[vector<16xi32>], vector<16xf32>, vector<16xi1>
            %xor3A_625 = arith.constant 1 : i32
            %xor3A_626 = vector.broadcast %xor3A_625 : i32 to vector<16xi32>
            %xor3A_627 = arith.xori %iota3A, %xor3A_626 : vector<16xi32>
            %broadcast_in_dim3A_628 = vector.shape_cast %xor3A_627 : vector<16xi32> to vector<16x1xi32>
            %gather3A_629 = vector.shape_cast %broadcast_in_dim3A_628 : vector<16x1xi32> to vector<16xi32>
            %gather3A_630 = tpu.dynamic_gather %cond3A_438#3[%gather3A_629] in [0] : vector<16xf32>, vector<16xi32> -> vector<16xf32>
            %add3A_631 = arith.addf %cond3A_438#3, %gather3A_630 : vector<16xf32>
            %xor3A_632 = arith.constant 2 : i32
            %xor3A_633 = vector.broadcast %xor3A_632 : i32 to vector<16xi32>
            %xor3A_634 = arith.xori %iota3A, %xor3A_633 : vector<16xi32>
            %broadcast_in_dim3A_635 = vector.shape_cast %xor3A_634 : vector<16xi32> to vector<16x1xi32>
            %gather3A_636 = vector.shape_cast %broadcast_in_dim3A_635 : vector<16x1xi32> to vector<16xi32>
            %gather3A_637 = tpu.dynamic_gather %add3A_631[%gather3A_636] in [0] : vector<16xf32>, vector<16xi32> -> vector<16xf32>
            %add3A_638 = arith.addf %add3A_631, %gather3A_637 : vector<16xf32>
            %xor3A_639 = arith.constant 4 : i32
            %xor3A_640 = vector.broadcast %xor3A_639 : i32 to vector<16xi32>
            %xor3A_641 = arith.xori %iota3A, %xor3A_640 : vector<16xi32>
            %broadcast_in_dim3A_642 = vector.shape_cast %xor3A_641 : vector<16xi32> to vector<16x1xi32>
            %gather3A_643 = vector.shape_cast %broadcast_in_dim3A_642 : vector<16x1xi32> to vector<16xi32>
            %gather3A_644 = tpu.dynamic_gather %add3A_638[%gather3A_643] in [0] : vector<16xf32>, vector<16xi32> -> vector<16xf32>
            %add3A_645 = arith.addf %add3A_638, %gather3A_644 : vector<16xf32>
            %xor3A_646 = arith.constant 8 : i32
            %xor3A_647 = vector.broadcast %xor3A_646 : i32 to vector<16xi32>
            %xor3A_648 = arith.xori %iota3A, %xor3A_647 : vector<16xi32>
            %broadcast_in_dim3A_649 = vector.shape_cast %xor3A_648 : vector<16xi32> to vector<16x1xi32>
            %gather3A_650 = vector.shape_cast %broadcast_in_dim3A_649 : vector<16x1xi32> to vector<16xi32>
            %gather3A_651 = tpu.dynamic_gather %add3A_645[%gather3A_650] in [0] : vector<16xf32>, vector<16xi32> -> vector<16xf32>
            %add3A_652 = arith.addf %add3A_645, %gather3A_651 : vector<16xf32>
            tpu.vector_store_idx %arg24[%cond3A_438#4], %add3A_652 masked %eq3A_5 {add = true} : memref<4096xf32, #tpu.memory_space<vmem>>[vector<16xi32>], vector<16xf32>, vector<16xi1>
            %eq3A_653 = arith.constant 15 : i32
            %eq3A_654 = vector.broadcast %eq3A_653 : i32 to vector<16xi32>
            %eq3A_655 = arith.cmpi eq, %iota3A, %eq3A_654 : vector<16xi32>
            %or3A_656 = arith.ori %ne3A_472, %eq3A_655 : vector<16xi1>
            %broadcast_in_dim3A_657 = arith.constant true
            %broadcast_in_dim3A_658 = vector.broadcast %broadcast_in_dim3A_657 : i1 to vector<16xi1>
            %masked_cumsum3A = tpu.scan <sum>, %get3A_444 masked %broadcast_in_dim3A_658 : vector<16xf32>, vector<16xi1> -> vector<16xf32>
            %broadcast_in_dim3A_659 = arith.constant true
            %broadcast_in_dim3A_660 = vector.broadcast %broadcast_in_dim3A_659 : i1 to vector<16xi1>
            %masked_cumsum3A_661 = tpu.scan <sum>, %sub3A_453 masked %broadcast_in_dim3A_660 : vector<16xf32>, vector<16xi1> -> vector<16xf32>
            %broadcast_in_dim3A_662 = arith.constant true
            %broadcast_in_dim3A_663 = vector.broadcast %broadcast_in_dim3A_662 : i1 to vector<16xi1>
            %masked_cumsum3A_664 = tpu.scan <sum>, %mul3A_460 masked %broadcast_in_dim3A_663 : vector<16xf32>, vector<16xi1> -> vector<16xf32>
            %broadcast_in_dim3A_665 = arith.constant true
            %broadcast_in_dim3A_666 = vector.broadcast %broadcast_in_dim3A_665 : i1 to vector<16xi1>
            %masked_cumsum3A_667 = tpu.scan <sum>, %mul3A_462 masked %broadcast_in_dim3A_666 : vector<16xf32>, vector<16xi1> -> vector<16xf32>
            tpu.vector_store_idx %arg21[%get3A_442], %masked_cumsum3A masked %or3A_656 {add = true} : memref<4096xf32, #tpu.memory_space<vmem>>[vector<16xi32>], vector<16xf32>, vector<16xi1>
            tpu.vector_store_idx %arg22[%get3A_442], %masked_cumsum3A_661 masked %or3A_656 {add = true} : memref<4096xf32, #tpu.memory_space<vmem>>[vector<16xi32>], vector<16xf32>, vector<16xi1>
            tpu.vector_store_idx %arg23[%get3A_442], %masked_cumsum3A_664 masked %or3A_656 {add = true} : memref<4096xf32, #tpu.memory_space<vmem>>[vector<16xi32>], vector<16xf32>, vector<16xi1>
            tpu.vector_store_idx %arg24[%get3A_442], %masked_cumsum3A_667 masked %or3A_656 {add = true} : memref<4096xf32, #tpu.memory_space<vmem>>[vector<16xi32>], vector<16xf32>, vector<16xi1>
            %neg3A = arith.constant 0.000000e+00 : f32
            %neg3A_668 = vector.broadcast %neg3A : f32 to vector<16xf32>
            %neg3A_669 = arith.subf %neg3A_668, %masked_cumsum3A : vector<16xf32>
            tpu.vector_store_idx %arg21[%gather3A_471], %neg3A_669 masked %ne3A_472 {add = true} : memref<4096xf32, #tpu.memory_space<vmem>>[vector<16xi32>], vector<16xf32>, vector<16xi1>
            %neg3A_670 = arith.constant 0.000000e+00 : f32
            %neg3A_671 = vector.broadcast %neg3A_670 : f32 to vector<16xf32>
            %neg3A_672 = arith.subf %neg3A_671, %masked_cumsum3A_661 : vector<16xf32>
            tpu.vector_store_idx %arg22[%gather3A_471], %neg3A_672 masked %ne3A_472 {add = true} : memref<4096xf32, #tpu.memory_space<vmem>>[vector<16xi32>], vector<16xf32>, vector<16xi1>
            %neg3A_673 = arith.constant 0.000000e+00 : f32
            %neg3A_674 = vector.broadcast %neg3A_673 : f32 to vector<16xf32>
            %neg3A_675 = arith.subf %neg3A_674, %masked_cumsum3A_664 : vector<16xf32>
            tpu.vector_store_idx %arg23[%gather3A_471], %neg3A_675 masked %ne3A_472 {add = true} : memref<4096xf32, #tpu.memory_space<vmem>>[vector<16xi32>], vector<16xf32>, vector<16xi1>
            %neg3A_676 = arith.constant 0.000000e+00 : f32
            %neg3A_677 = vector.broadcast %neg3A_676 : f32 to vector<16xf32>
            %neg3A_678 = arith.subf %neg3A_677, %masked_cumsum3A_667 : vector<16xf32>
            tpu.vector_store_idx %arg24[%gather3A_471], %neg3A_678 masked %ne3A_472 {add = true} : memref<4096xf32, #tpu.memory_space<vmem>>[vector<16xi32>], vector<16xf32>, vector<16xi1>
            %broadcast_in_dim3A_679 = vector.shape_cast %add3A_10 : vector<16xi32> to vector<16x1xi32>
            %gather3A_680 = vector.shape_cast %broadcast_in_dim3A_679 : vector<16x1xi32> to vector<16xi32>
            %gather3A_681 = tpu.dynamic_gather %get3A_442[%gather3A_680] in [0] : vector<16xi32>, vector<16xi32> -> vector<16xi32>
            scf.yield %broadcast_in_dim3A_3, %broadcast_in_dim3A_3, %broadcast_in_dim3A_3, %broadcast_in_dim3A_3, %gather3A_681 : vector<16xf32>, vector<16xf32>, vector<16xf32>, vector<16xf32>, vector<16xi32>
          } else {
            %add3A_541 = arith.addf %cond3A_438#0, %get3A_444 : vector<16xf32>
            %add3A_542 = arith.addf %cond3A_438#1, %sub3A_453 : vector<16xf32>
            %add3A_543 = arith.addf %cond3A_438#2, %mul3A_460 : vector<16xf32>
            %add3A_544 = arith.addf %cond3A_438#3, %mul3A_462 : vector<16xf32>
            scf.yield %add3A_541, %add3A_542, %add3A_543, %add3A_544, %cond3A_438#4 : vector<16xf32>, vector<16xf32>, vector<16xf32>, vector<16xf32>, vector<16xi32>
          }
          %add3A_490 = arith.constant 64 : i32
          %add3A_491 = arith.addi %mul3A_271, %add3A_490 : i32
          %get3A_492 = arith.index_cast %add3A_491 : i32 to index
          %get3A_493 = tpu.vector_load %arg9[%get3A_492] {strides = array<i32>} : memref<2000xi32, #tpu.memory_space<vmem>>, vector<16xi32>,
          %get3A_494 = arith.index_cast %add3A_491 : i32 to index
          %get3A_495 = tpu.vector_load %arg11[%get3A_494] {strides = array<i32>} : memref<2000xf32, #tpu.memory_space<vmem>>, vector<16xf32>,
          %get3A_496 = arith.index_cast %add3A_491 : i32 to index
          %get3A_497 = tpu.vector_load %arg13[%get3A_496] {strides = array<i32>} : memref<2000xf32, #tpu.memory_space<vmem>>, vector<16xf32>,
          %get3A_498 = arith.index_cast %add3A_491 : i32 to index
          %get3A_499 = tpu.vector_load %arg15[%get3A_498] {strides = array<i32>} : memref<2000xf32, #tpu.memory_space<vmem>>, vector<16xf32>,
          %get3A_500 = arith.index_cast %add3A_491 : i32 to index
          %get3A_501 = tpu.vector_load %arg17[%get3A_500] {strides = array<i32>} : memref<2000xf32, #tpu.memory_space<vmem>>, vector<16xf32>,
          %get3A_502 = arith.index_cast %add3A_491 : i32 to index
          %get3A_503 = tpu.vector_load %arg19[%get3A_502] {strides = array<i32>} : memref<2000xf32, #tpu.memory_space<vmem>>, vector<16xf32>,
          %sub3A_504 = arith.subf %get3A_495, %get3A_497 : vector<16xf32>
          %sub3A_505 = arith.subf %get3A_501, %get3A_499 : vector<16xf32>
          %sub3A_506 = arith.constant 1.000000e+00 : f32
          %sub3A_507 = vector.broadcast %sub3A_506 : f32 to vector<16xf32>
          %sub3A_508 = arith.subf %sub3A_507, %get3A_499 : vector<16xf32>
          %sub3A_509 = arith.subf %get3A_503, %sub3A_508 : vector<16xf32>
          %mul3A_510 = arith.mulf %get3A_497, %sub3A_505 : vector<16xf32>
          %mul3A_511 = arith.mulf %mul3A_510, %sub3A_505 : vector<16xf32>
          %mul3A_512 = arith.mulf %sub3A_504, %sub3A_509 : vector<16xf32>
          %mul3A_513 = arith.mulf %mul3A_512, %sub3A_509 : vector<16xf32>
          %add3A_514 = arith.constant 1 : i32
          %add3A_515 = vector.broadcast %add3A_514 : i32 to vector<16xi32>
          %add3A_516 = arith.addi %iota3A, %add3A_515 : vector<16xi32>
          %min3A_517 = arith.constant 15 : i32
          %min3A_518 = vector.broadcast %min3A_517 : i32 to vector<16xi32>
          %min3A_519 = arith.minsi %add3A_516, %min3A_518 : vector<16xi32>
          %broadcast_in_dim3A_520 = vector.shape_cast %min3A_519 : vector<16xi32> to vector<16x1xi32>
          %gather3A_521 = vector.shape_cast %broadcast_in_dim3A_520 : vector<16x1xi32> to vector<16xi32>
          %gather3A_522 = tpu.dynamic_gather %get3A_493[%gather3A_521] in [0] : vector<16xi32>, vector<16xi32> -> vector<16xi32>
          %ne3A_523 = arith.cmpi ne, %get3A_493, %gather3A_522 : vector<16xi32>
          %ne3A_524 = arith.cmpi ne, %get3A_493, %cond3A_489#4 : vector<16xi32>
          %or3A_525 = arith.ori %ne3A_523, %ne3A_524 : vector<16xi1>
          %reduce_or3A_526 = arith.constant 1.000000e+00 : f32
          %reduce_or3A_527 = arith.constant 0.000000e+00 : f32
          %reduce_or3A_528 = vector.broadcast %reduce_or3A_526 : f32 to vector<16xf32>
          %reduce_or3A_529 = vector.broadcast %reduce_or3A_527 : f32 to vector<16xf32>
          %reduce_or3A_530 = arith.select %or3A_525, %reduce_or3A_528, %reduce_or3A_529 : vector<16xi1>, vector<16xf32>
          %reduce_or3A_531 = arith.constant true
          %reduce_or3A_532 = vector.broadcast %reduce_or3A_531 : i1 to vector<16xi1>
          %reduce_or3A_533 = tpu.scan <max>, %reduce_or3A_530 masked %reduce_or3A_532 : vector<16xf32>, vector<16xi1> -> vector<16xf32>
          %reduce_or3A_534 = vector.extract %reduce_or3A_533[15] : f32 from vector<16xf32>
          %reduce_or3A_535 = arith.constant 0.000000e+00 : f32
          %reduce_or3A_536 = arith.cmpf ogt, %reduce_or3A_534, %reduce_or3A_535 : f32
          %convert_element_type3A_537 = arith.extui %reduce_or3A_536 : i1 to i32
          %cond3A_538 = arith.constant 0 : i32
          %cond3A_539 = arith.cmpi ne, %convert_element_type3A_537, %cond3A_538 : i32
          %cond3A_540:5 = scf.if %cond3A_539 -> (vector<16xf32>, vector<16xf32>, vector<16xf32>, vector<16xf32>, vector<16xi32>) {
            %xor3A_541 = arith.constant 1 : i32
            %xor3A_542 = vector.broadcast %xor3A_541 : i32 to vector<16xi32>
            %xor3A_543 = arith.xori %iota3A, %xor3A_542 : vector<16xi32>
            %broadcast_in_dim3A_544 = vector.shape_cast %xor3A_543 : vector<16xi32> to vector<16x1xi32>
            %gather3A_545 = vector.shape_cast %broadcast_in_dim3A_544 : vector<16x1xi32> to vector<16xi32>
            %gather3A_546 = tpu.dynamic_gather %cond3A_489#0[%gather3A_545] in [0] : vector<16xf32>, vector<16xi32> -> vector<16xf32>
            %add3A_547 = arith.addf %cond3A_489#0, %gather3A_546 : vector<16xf32>
            %xor3A_548 = arith.constant 2 : i32
            %xor3A_549 = vector.broadcast %xor3A_548 : i32 to vector<16xi32>
            %xor3A_550 = arith.xori %iota3A, %xor3A_549 : vector<16xi32>
            %broadcast_in_dim3A_551 = vector.shape_cast %xor3A_550 : vector<16xi32> to vector<16x1xi32>
            %gather3A_552 = vector.shape_cast %broadcast_in_dim3A_551 : vector<16x1xi32> to vector<16xi32>
            %gather3A_553 = tpu.dynamic_gather %add3A_547[%gather3A_552] in [0] : vector<16xf32>, vector<16xi32> -> vector<16xf32>
            %add3A_554 = arith.addf %add3A_547, %gather3A_553 : vector<16xf32>
            %xor3A_555 = arith.constant 4 : i32
            %xor3A_556 = vector.broadcast %xor3A_555 : i32 to vector<16xi32>
            %xor3A_557 = arith.xori %iota3A, %xor3A_556 : vector<16xi32>
            %broadcast_in_dim3A_558 = vector.shape_cast %xor3A_557 : vector<16xi32> to vector<16x1xi32>
            %gather3A_559 = vector.shape_cast %broadcast_in_dim3A_558 : vector<16x1xi32> to vector<16xi32>
            %gather3A_560 = tpu.dynamic_gather %add3A_554[%gather3A_559] in [0] : vector<16xf32>, vector<16xi32> -> vector<16xf32>
            %add3A_561 = arith.addf %add3A_554, %gather3A_560 : vector<16xf32>
            %xor3A_562 = arith.constant 8 : i32
            %xor3A_563 = vector.broadcast %xor3A_562 : i32 to vector<16xi32>
            %xor3A_564 = arith.xori %iota3A, %xor3A_563 : vector<16xi32>
            %broadcast_in_dim3A_565 = vector.shape_cast %xor3A_564 : vector<16xi32> to vector<16x1xi32>
            %gather3A_566 = vector.shape_cast %broadcast_in_dim3A_565 : vector<16x1xi32> to vector<16xi32>
            %gather3A_567 = tpu.dynamic_gather %add3A_561[%gather3A_566] in [0] : vector<16xf32>, vector<16xi32> -> vector<16xf32>
            %add3A_568 = arith.addf %add3A_561, %gather3A_567 : vector<16xf32>
            tpu.vector_store_idx %arg21[%cond3A_489#4], %add3A_568 masked %eq3A_5 {add = true} : memref<4096xf32, #tpu.memory_space<vmem>>[vector<16xi32>], vector<16xf32>, vector<16xi1>
            %xor3A_569 = arith.constant 1 : i32
            %xor3A_570 = vector.broadcast %xor3A_569 : i32 to vector<16xi32>
            %xor3A_571 = arith.xori %iota3A, %xor3A_570 : vector<16xi32>
            %broadcast_in_dim3A_572 = vector.shape_cast %xor3A_571 : vector<16xi32> to vector<16x1xi32>
            %gather3A_573 = vector.shape_cast %broadcast_in_dim3A_572 : vector<16x1xi32> to vector<16xi32>
            %gather3A_574 = tpu.dynamic_gather %cond3A_489#1[%gather3A_573] in [0] : vector<16xf32>, vector<16xi32> -> vector<16xf32>
            %add3A_575 = arith.addf %cond3A_489#1, %gather3A_574 : vector<16xf32>
            %xor3A_576 = arith.constant 2 : i32
            %xor3A_577 = vector.broadcast %xor3A_576 : i32 to vector<16xi32>
            %xor3A_578 = arith.xori %iota3A, %xor3A_577 : vector<16xi32>
            %broadcast_in_dim3A_579 = vector.shape_cast %xor3A_578 : vector<16xi32> to vector<16x1xi32>
            %gather3A_580 = vector.shape_cast %broadcast_in_dim3A_579 : vector<16x1xi32> to vector<16xi32>
            %gather3A_581 = tpu.dynamic_gather %add3A_575[%gather3A_580] in [0] : vector<16xf32>, vector<16xi32> -> vector<16xf32>
            %add3A_582 = arith.addf %add3A_575, %gather3A_581 : vector<16xf32>
            %xor3A_583 = arith.constant 4 : i32
            %xor3A_584 = vector.broadcast %xor3A_583 : i32 to vector<16xi32>
            %xor3A_585 = arith.xori %iota3A, %xor3A_584 : vector<16xi32>
            %broadcast_in_dim3A_586 = vector.shape_cast %xor3A_585 : vector<16xi32> to vector<16x1xi32>
            %gather3A_587 = vector.shape_cast %broadcast_in_dim3A_586 : vector<16x1xi32> to vector<16xi32>
            %gather3A_588 = tpu.dynamic_gather %add3A_582[%gather3A_587] in [0] : vector<16xf32>, vector<16xi32> -> vector<16xf32>
            %add3A_589 = arith.addf %add3A_582, %gather3A_588 : vector<16xf32>
            %xor3A_590 = arith.constant 8 : i32
            %xor3A_591 = vector.broadcast %xor3A_590 : i32 to vector<16xi32>
            %xor3A_592 = arith.xori %iota3A, %xor3A_591 : vector<16xi32>
            %broadcast_in_dim3A_593 = vector.shape_cast %xor3A_592 : vector<16xi32> to vector<16x1xi32>
            %gather3A_594 = vector.shape_cast %broadcast_in_dim3A_593 : vector<16x1xi32> to vector<16xi32>
            %gather3A_595 = tpu.dynamic_gather %add3A_589[%gather3A_594] in [0] : vector<16xf32>, vector<16xi32> -> vector<16xf32>
            %add3A_596 = arith.addf %add3A_589, %gather3A_595 : vector<16xf32>
            tpu.vector_store_idx %arg22[%cond3A_489#4], %add3A_596 masked %eq3A_5 {add = true} : memref<4096xf32, #tpu.memory_space<vmem>>[vector<16xi32>], vector<16xf32>, vector<16xi1>
            %xor3A_597 = arith.constant 1 : i32
            %xor3A_598 = vector.broadcast %xor3A_597 : i32 to vector<16xi32>
            %xor3A_599 = arith.xori %iota3A, %xor3A_598 : vector<16xi32>
            %broadcast_in_dim3A_600 = vector.shape_cast %xor3A_599 : vector<16xi32> to vector<16x1xi32>
            %gather3A_601 = vector.shape_cast %broadcast_in_dim3A_600 : vector<16x1xi32> to vector<16xi32>
            %gather3A_602 = tpu.dynamic_gather %cond3A_489#2[%gather3A_601] in [0] : vector<16xf32>, vector<16xi32> -> vector<16xf32>
            %add3A_603 = arith.addf %cond3A_489#2, %gather3A_602 : vector<16xf32>
            %xor3A_604 = arith.constant 2 : i32
            %xor3A_605 = vector.broadcast %xor3A_604 : i32 to vector<16xi32>
            %xor3A_606 = arith.xori %iota3A, %xor3A_605 : vector<16xi32>
            %broadcast_in_dim3A_607 = vector.shape_cast %xor3A_606 : vector<16xi32> to vector<16x1xi32>
            %gather3A_608 = vector.shape_cast %broadcast_in_dim3A_607 : vector<16x1xi32> to vector<16xi32>
            %gather3A_609 = tpu.dynamic_gather %add3A_603[%gather3A_608] in [0] : vector<16xf32>, vector<16xi32> -> vector<16xf32>
            %add3A_610 = arith.addf %add3A_603, %gather3A_609 : vector<16xf32>
            %xor3A_611 = arith.constant 4 : i32
            %xor3A_612 = vector.broadcast %xor3A_611 : i32 to vector<16xi32>
            %xor3A_613 = arith.xori %iota3A, %xor3A_612 : vector<16xi32>
            %broadcast_in_dim3A_614 = vector.shape_cast %xor3A_613 : vector<16xi32> to vector<16x1xi32>
            %gather3A_615 = vector.shape_cast %broadcast_in_dim3A_614 : vector<16x1xi32> to vector<16xi32>
            %gather3A_616 = tpu.dynamic_gather %add3A_610[%gather3A_615] in [0] : vector<16xf32>, vector<16xi32> -> vector<16xf32>
            %add3A_617 = arith.addf %add3A_610, %gather3A_616 : vector<16xf32>
            %xor3A_618 = arith.constant 8 : i32
            %xor3A_619 = vector.broadcast %xor3A_618 : i32 to vector<16xi32>
            %xor3A_620 = arith.xori %iota3A, %xor3A_619 : vector<16xi32>
            %broadcast_in_dim3A_621 = vector.shape_cast %xor3A_620 : vector<16xi32> to vector<16x1xi32>
            %gather3A_622 = vector.shape_cast %broadcast_in_dim3A_621 : vector<16x1xi32> to vector<16xi32>
            %gather3A_623 = tpu.dynamic_gather %add3A_617[%gather3A_622] in [0] : vector<16xf32>, vector<16xi32> -> vector<16xf32>
            %add3A_624 = arith.addf %add3A_617, %gather3A_623 : vector<16xf32>
            tpu.vector_store_idx %arg23[%cond3A_489#4], %add3A_624 masked %eq3A_5 {add = true} : memref<4096xf32, #tpu.memory_space<vmem>>[vector<16xi32>], vector<16xf32>, vector<16xi1>
            %xor3A_625 = arith.constant 1 : i32
            %xor3A_626 = vector.broadcast %xor3A_625 : i32 to vector<16xi32>
            %xor3A_627 = arith.xori %iota3A, %xor3A_626 : vector<16xi32>
            %broadcast_in_dim3A_628 = vector.shape_cast %xor3A_627 : vector<16xi32> to vector<16x1xi32>
            %gather3A_629 = vector.shape_cast %broadcast_in_dim3A_628 : vector<16x1xi32> to vector<16xi32>
            %gather3A_630 = tpu.dynamic_gather %cond3A_489#3[%gather3A_629] in [0] : vector<16xf32>, vector<16xi32> -> vector<16xf32>
            %add3A_631 = arith.addf %cond3A_489#3, %gather3A_630 : vector<16xf32>
            %xor3A_632 = arith.constant 2 : i32
            %xor3A_633 = vector.broadcast %xor3A_632 : i32 to vector<16xi32>
            %xor3A_634 = arith.xori %iota3A, %xor3A_633 : vector<16xi32>
            %broadcast_in_dim3A_635 = vector.shape_cast %xor3A_634 : vector<16xi32> to vector<16x1xi32>
            %gather3A_636 = vector.shape_cast %broadcast_in_dim3A_635 : vector<16x1xi32> to vector<16xi32>
            %gather3A_637 = tpu.dynamic_gather %add3A_631[%gather3A_636] in [0] : vector<16xf32>, vector<16xi32> -> vector<16xf32>
            %add3A_638 = arith.addf %add3A_631, %gather3A_637 : vector<16xf32>
            %xor3A_639 = arith.constant 4 : i32
            %xor3A_640 = vector.broadcast %xor3A_639 : i32 to vector<16xi32>
            %xor3A_641 = arith.xori %iota3A, %xor3A_640 : vector<16xi32>
            %broadcast_in_dim3A_642 = vector.shape_cast %xor3A_641 : vector<16xi32> to vector<16x1xi32>
            %gather3A_643 = vector.shape_cast %broadcast_in_dim3A_642 : vector<16x1xi32> to vector<16xi32>
            %gather3A_644 = tpu.dynamic_gather %add3A_638[%gather3A_643] in [0] : vector<16xf32>, vector<16xi32> -> vector<16xf32>
            %add3A_645 = arith.addf %add3A_638, %gather3A_644 : vector<16xf32>
            %xor3A_646 = arith.constant 8 : i32
            %xor3A_647 = vector.broadcast %xor3A_646 : i32 to vector<16xi32>
            %xor3A_648 = arith.xori %iota3A, %xor3A_647 : vector<16xi32>
            %broadcast_in_dim3A_649 = vector.shape_cast %xor3A_648 : vector<16xi32> to vector<16x1xi32>
            %gather3A_650 = vector.shape_cast %broadcast_in_dim3A_649 : vector<16x1xi32> to vector<16xi32>
            %gather3A_651 = tpu.dynamic_gather %add3A_645[%gather3A_650] in [0] : vector<16xf32>, vector<16xi32> -> vector<16xf32>
            %add3A_652 = arith.addf %add3A_645, %gather3A_651 : vector<16xf32>
            tpu.vector_store_idx %arg24[%cond3A_489#4], %add3A_652 masked %eq3A_5 {add = true} : memref<4096xf32, #tpu.memory_space<vmem>>[vector<16xi32>], vector<16xf32>, vector<16xi1>
            %eq3A_653 = arith.constant 15 : i32
            %eq3A_654 = vector.broadcast %eq3A_653 : i32 to vector<16xi32>
            %eq3A_655 = arith.cmpi eq, %iota3A, %eq3A_654 : vector<16xi32>
            %or3A_656 = arith.ori %ne3A_523, %eq3A_655 : vector<16xi1>
            %broadcast_in_dim3A_657 = arith.constant true
            %broadcast_in_dim3A_658 = vector.broadcast %broadcast_in_dim3A_657 : i1 to vector<16xi1>
            %masked_cumsum3A = tpu.scan <sum>, %get3A_495 masked %broadcast_in_dim3A_658 : vector<16xf32>, vector<16xi1> -> vector<16xf32>
            %broadcast_in_dim3A_659 = arith.constant true
            %broadcast_in_dim3A_660 = vector.broadcast %broadcast_in_dim3A_659 : i1 to vector<16xi1>
            %masked_cumsum3A_661 = tpu.scan <sum>, %sub3A_504 masked %broadcast_in_dim3A_660 : vector<16xf32>, vector<16xi1> -> vector<16xf32>
            %broadcast_in_dim3A_662 = arith.constant true
            %broadcast_in_dim3A_663 = vector.broadcast %broadcast_in_dim3A_662 : i1 to vector<16xi1>
            %masked_cumsum3A_664 = tpu.scan <sum>, %mul3A_511 masked %broadcast_in_dim3A_663 : vector<16xf32>, vector<16xi1> -> vector<16xf32>
            %broadcast_in_dim3A_665 = arith.constant true
            %broadcast_in_dim3A_666 = vector.broadcast %broadcast_in_dim3A_665 : i1 to vector<16xi1>
            %masked_cumsum3A_667 = tpu.scan <sum>, %mul3A_513 masked %broadcast_in_dim3A_666 : vector<16xf32>, vector<16xi1> -> vector<16xf32>
            tpu.vector_store_idx %arg21[%get3A_493], %masked_cumsum3A masked %or3A_656 {add = true} : memref<4096xf32, #tpu.memory_space<vmem>>[vector<16xi32>], vector<16xf32>, vector<16xi1>
            tpu.vector_store_idx %arg22[%get3A_493], %masked_cumsum3A_661 masked %or3A_656 {add = true} : memref<4096xf32, #tpu.memory_space<vmem>>[vector<16xi32>], vector<16xf32>, vector<16xi1>
            tpu.vector_store_idx %arg23[%get3A_493], %masked_cumsum3A_664 masked %or3A_656 {add = true} : memref<4096xf32, #tpu.memory_space<vmem>>[vector<16xi32>], vector<16xf32>, vector<16xi1>
            tpu.vector_store_idx %arg24[%get3A_493], %masked_cumsum3A_667 masked %or3A_656 {add = true} : memref<4096xf32, #tpu.memory_space<vmem>>[vector<16xi32>], vector<16xf32>, vector<16xi1>
            %neg3A = arith.constant 0.000000e+00 : f32
            %neg3A_668 = vector.broadcast %neg3A : f32 to vector<16xf32>
            %neg3A_669 = arith.subf %neg3A_668, %masked_cumsum3A : vector<16xf32>
            tpu.vector_store_idx %arg21[%gather3A_522], %neg3A_669 masked %ne3A_523 {add = true} : memref<4096xf32, #tpu.memory_space<vmem>>[vector<16xi32>], vector<16xf32>, vector<16xi1>
            %neg3A_670 = arith.constant 0.000000e+00 : f32
            %neg3A_671 = vector.broadcast %neg3A_670 : f32 to vector<16xf32>
            %neg3A_672 = arith.subf %neg3A_671, %masked_cumsum3A_661 : vector<16xf32>
            tpu.vector_store_idx %arg22[%gather3A_522], %neg3A_672 masked %ne3A_523 {add = true} : memref<4096xf32, #tpu.memory_space<vmem>>[vector<16xi32>], vector<16xf32>, vector<16xi1>
            %neg3A_673 = arith.constant 0.000000e+00 : f32
            %neg3A_674 = vector.broadcast %neg3A_673 : f32 to vector<16xf32>
            %neg3A_675 = arith.subf %neg3A_674, %masked_cumsum3A_664 : vector<16xf32>
            tpu.vector_store_idx %arg23[%gather3A_522], %neg3A_675 masked %ne3A_523 {add = true} : memref<4096xf32, #tpu.memory_space<vmem>>[vector<16xi32>], vector<16xf32>, vector<16xi1>
            %neg3A_676 = arith.constant 0.000000e+00 : f32
            %neg3A_677 = vector.broadcast %neg3A_676 : f32 to vector<16xf32>
            %neg3A_678 = arith.subf %neg3A_677, %masked_cumsum3A_667 : vector<16xf32>
            tpu.vector_store_idx %arg24[%gather3A_522], %neg3A_678 masked %ne3A_523 {add = true} : memref<4096xf32, #tpu.memory_space<vmem>>[vector<16xi32>], vector<16xf32>, vector<16xi1>
            %broadcast_in_dim3A_679 = vector.shape_cast %add3A_10 : vector<16xi32> to vector<16x1xi32>
            %gather3A_680 = vector.shape_cast %broadcast_in_dim3A_679 : vector<16x1xi32> to vector<16xi32>
            %gather3A_681 = tpu.dynamic_gather %get3A_493[%gather3A_680] in [0] : vector<16xi32>, vector<16xi32> -> vector<16xi32>
            scf.yield %broadcast_in_dim3A_3, %broadcast_in_dim3A_3, %broadcast_in_dim3A_3, %broadcast_in_dim3A_3, %gather3A_681 : vector<16xf32>, vector<16xf32>, vector<16xf32>, vector<16xf32>, vector<16xi32>
          } else {
            %add3A_541 = arith.addf %cond3A_489#0, %get3A_495 : vector<16xf32>
            %add3A_542 = arith.addf %cond3A_489#1, %sub3A_504 : vector<16xf32>
            %add3A_543 = arith.addf %cond3A_489#2, %mul3A_511 : vector<16xf32>
            %add3A_544 = arith.addf %cond3A_489#3, %mul3A_513 : vector<16xf32>
            scf.yield %add3A_541, %add3A_542, %add3A_543, %add3A_544, %cond3A_489#4 : vector<16xf32>, vector<16xf32>, vector<16xf32>, vector<16xf32>, vector<16xi32>
          }
          scf.yield %cond3A_540#0, %cond3A_540#1, %cond3A_540#2, %cond3A_540#3, %cond3A_540#4 : vector<16xf32>, vector<16xf32>, vector<16xf32>, vector<16xf32>, vector<16xi32>
        } else {
          %add3A_289 = arith.constant 0 : i32
          %add3A_290 = arith.addi %mul3A_271, %add3A_289 : i32
          %get3A_291 = arith.index_cast %add3A_290 : i32 to index
          %get3A_292 = tpu.vector_load %arg11[%get3A_291] {strides = array<i32>} : memref<2000xf32, #tpu.memory_space<vmem>>, vector<16xf32>,
          %get3A_293 = arith.index_cast %add3A_290 : i32 to index
          %get3A_294 = tpu.vector_load %arg13[%get3A_293] {strides = array<i32>} : memref<2000xf32, #tpu.memory_space<vmem>>, vector<16xf32>,
          %get3A_295 = arith.index_cast %add3A_290 : i32 to index
          %get3A_296 = tpu.vector_load %arg15[%get3A_295] {strides = array<i32>} : memref<2000xf32, #tpu.memory_space<vmem>>, vector<16xf32>,
          %get3A_297 = arith.index_cast %add3A_290 : i32 to index
          %get3A_298 = tpu.vector_load %arg17[%get3A_297] {strides = array<i32>} : memref<2000xf32, #tpu.memory_space<vmem>>, vector<16xf32>,
          %get3A_299 = arith.index_cast %add3A_290 : i32 to index
          %get3A_300 = tpu.vector_load %arg19[%get3A_299] {strides = array<i32>} : memref<2000xf32, #tpu.memory_space<vmem>>, vector<16xf32>,
          %sub3A = arith.subf %get3A_292, %get3A_294 : vector<16xf32>
          %sub3A_301 = arith.subf %get3A_298, %get3A_296 : vector<16xf32>
          %sub3A_302 = arith.constant 1.000000e+00 : f32
          %sub3A_303 = vector.broadcast %sub3A_302 : f32 to vector<16xf32>
          %sub3A_304 = arith.subf %sub3A_303, %get3A_296 : vector<16xf32>
          %sub3A_305 = arith.subf %get3A_300, %sub3A_304 : vector<16xf32>
          %mul3A_306 = arith.mulf %get3A_294, %sub3A_301 : vector<16xf32>
          %mul3A_307 = arith.mulf %mul3A_306, %sub3A_301 : vector<16xf32>
          %mul3A_308 = arith.mulf %sub3A, %sub3A_305 : vector<16xf32>
          %mul3A_309 = arith.mulf %mul3A_308, %sub3A_305 : vector<16xf32>
          %add3A_310 = arith.addf %scan3A_265, %get3A_292 : vector<16xf32>
          %add3A_311 = arith.addf %scan3A_266, %sub3A : vector<16xf32>
          %add3A_312 = arith.addf %scan3A_267, %mul3A_307 : vector<16xf32>
          %add3A_313 = arith.addf %scan3A_268, %mul3A_309 : vector<16xf32>
          %add3A_314 = arith.constant 16 : i32
          %add3A_315 = arith.addi %mul3A_271, %add3A_314 : i32
          %get3A_316 = arith.index_cast %add3A_315 : i32 to index
          %get3A_317 = tpu.vector_load %arg11[%get3A_316] {strides = array<i32>} : memref<2000xf32, #tpu.memory_space<vmem>>, vector<16xf32>,
          %get3A_318 = arith.index_cast %add3A_315 : i32 to index
          %get3A_319 = tpu.vector_load %arg13[%get3A_318] {strides = array<i32>} : memref<2000xf32, #tpu.memory_space<vmem>>, vector<16xf32>,
          %get3A_320 = arith.index_cast %add3A_315 : i32 to index
          %get3A_321 = tpu.vector_load %arg15[%get3A_320] {strides = array<i32>} : memref<2000xf32, #tpu.memory_space<vmem>>, vector<16xf32>,
          %get3A_322 = arith.index_cast %add3A_315 : i32 to index
          %get3A_323 = tpu.vector_load %arg17[%get3A_322] {strides = array<i32>} : memref<2000xf32, #tpu.memory_space<vmem>>, vector<16xf32>,
          %get3A_324 = arith.index_cast %add3A_315 : i32 to index
          %get3A_325 = tpu.vector_load %arg19[%get3A_324] {strides = array<i32>} : memref<2000xf32, #tpu.memory_space<vmem>>, vector<16xf32>,
          %sub3A_326 = arith.subf %get3A_317, %get3A_319 : vector<16xf32>
          %sub3A_327 = arith.subf %get3A_323, %get3A_321 : vector<16xf32>
          %sub3A_328 = arith.constant 1.000000e+00 : f32
          %sub3A_329 = vector.broadcast %sub3A_328 : f32 to vector<16xf32>
          %sub3A_330 = arith.subf %sub3A_329, %get3A_321 : vector<16xf32>
          %sub3A_331 = arith.subf %get3A_325, %sub3A_330 : vector<16xf32>
          %mul3A_332 = arith.mulf %get3A_319, %sub3A_327 : vector<16xf32>
          %mul3A_333 = arith.mulf %mul3A_332, %sub3A_327 : vector<16xf32>
          %mul3A_334 = arith.mulf %sub3A_326, %sub3A_331 : vector<16xf32>
          %mul3A_335 = arith.mulf %mul3A_334, %sub3A_331 : vector<16xf32>
          %add3A_336 = arith.addf %add3A_310, %get3A_317 : vector<16xf32>
          %add3A_337 = arith.addf %add3A_311, %sub3A_326 : vector<16xf32>
          %add3A_338 = arith.addf %add3A_312, %mul3A_333 : vector<16xf32>
          %add3A_339 = arith.addf %add3A_313, %mul3A_335 : vector<16xf32>
          %add3A_340 = arith.constant 32 : i32
          %add3A_341 = arith.addi %mul3A_271, %add3A_340 : i32
          %get3A_342 = arith.index_cast %add3A_341 : i32 to index
          %get3A_343 = tpu.vector_load %arg11[%get3A_342] {strides = array<i32>} : memref<2000xf32, #tpu.memory_space<vmem>>, vector<16xf32>,
          %get3A_344 = arith.index_cast %add3A_341 : i32 to index
          %get3A_345 = tpu.vector_load %arg13[%get3A_344] {strides = array<i32>} : memref<2000xf32, #tpu.memory_space<vmem>>, vector<16xf32>,
          %get3A_346 = arith.index_cast %add3A_341 : i32 to index
          %get3A_347 = tpu.vector_load %arg15[%get3A_346] {strides = array<i32>} : memref<2000xf32, #tpu.memory_space<vmem>>, vector<16xf32>,
          %get3A_348 = arith.index_cast %add3A_341 : i32 to index
          %get3A_349 = tpu.vector_load %arg17[%get3A_348] {strides = array<i32>} : memref<2000xf32, #tpu.memory_space<vmem>>, vector<16xf32>,
          %get3A_350 = arith.index_cast %add3A_341 : i32 to index
          %get3A_351 = tpu.vector_load %arg19[%get3A_350] {strides = array<i32>} : memref<2000xf32, #tpu.memory_space<vmem>>, vector<16xf32>,
          %sub3A_352 = arith.subf %get3A_343, %get3A_345 : vector<16xf32>
          %sub3A_353 = arith.subf %get3A_349, %get3A_347 : vector<16xf32>
          %sub3A_354 = arith.constant 1.000000e+00 : f32
          %sub3A_355 = vector.broadcast %sub3A_354 : f32 to vector<16xf32>
          %sub3A_356 = arith.subf %sub3A_355, %get3A_347 : vector<16xf32>
          %sub3A_357 = arith.subf %get3A_351, %sub3A_356 : vector<16xf32>
          %mul3A_358 = arith.mulf %get3A_345, %sub3A_353 : vector<16xf32>
          %mul3A_359 = arith.mulf %mul3A_358, %sub3A_353 : vector<16xf32>
          %mul3A_360 = arith.mulf %sub3A_352, %sub3A_357 : vector<16xf32>
          %mul3A_361 = arith.mulf %mul3A_360, %sub3A_357 : vector<16xf32>
          %add3A_362 = arith.addf %add3A_336, %get3A_343 : vector<16xf32>
          %add3A_363 = arith.addf %add3A_337, %sub3A_352 : vector<16xf32>
          %add3A_364 = arith.addf %add3A_338, %mul3A_359 : vector<16xf32>
          %add3A_365 = arith.addf %add3A_339, %mul3A_361 : vector<16xf32>
          %add3A_366 = arith.constant 48 : i32
          %add3A_367 = arith.addi %mul3A_271, %add3A_366 : i32
          %get3A_368 = arith.index_cast %add3A_367 : i32 to index
          %get3A_369 = tpu.vector_load %arg11[%get3A_368] {strides = array<i32>} : memref<2000xf32, #tpu.memory_space<vmem>>, vector<16xf32>,
          %get3A_370 = arith.index_cast %add3A_367 : i32 to index
          %get3A_371 = tpu.vector_load %arg13[%get3A_370] {strides = array<i32>} : memref<2000xf32, #tpu.memory_space<vmem>>, vector<16xf32>,
          %get3A_372 = arith.index_cast %add3A_367 : i32 to index
          %get3A_373 = tpu.vector_load %arg15[%get3A_372] {strides = array<i32>} : memref<2000xf32, #tpu.memory_space<vmem>>, vector<16xf32>,
          %get3A_374 = arith.index_cast %add3A_367 : i32 to index
          %get3A_375 = tpu.vector_load %arg17[%get3A_374] {strides = array<i32>} : memref<2000xf32, #tpu.memory_space<vmem>>, vector<16xf32>,
          %get3A_376 = arith.index_cast %add3A_367 : i32 to index
          %get3A_377 = tpu.vector_load %arg19[%get3A_376] {strides = array<i32>} : memref<2000xf32, #tpu.memory_space<vmem>>, vector<16xf32>,
          %sub3A_378 = arith.subf %get3A_369, %get3A_371 : vector<16xf32>
          %sub3A_379 = arith.subf %get3A_375, %get3A_373 : vector<16xf32>
          %sub3A_380 = arith.constant 1.000000e+00 : f32
          %sub3A_381 = vector.broadcast %sub3A_380 : f32 to vector<16xf32>
          %sub3A_382 = arith.subf %sub3A_381, %get3A_373 : vector<16xf32>
          %sub3A_383 = arith.subf %get3A_377, %sub3A_382 : vector<16xf32>
          %mul3A_384 = arith.mulf %get3A_371, %sub3A_379 : vector<16xf32>
          %mul3A_385 = arith.mulf %mul3A_384, %sub3A_379 : vector<16xf32>
          %mul3A_386 = arith.mulf %sub3A_378, %sub3A_383 : vector<16xf32>
          %mul3A_387 = arith.mulf %mul3A_386, %sub3A_383 : vector<16xf32>
          %add3A_388 = arith.addf %add3A_362, %get3A_369 : vector<16xf32>
          %add3A_389 = arith.addf %add3A_363, %sub3A_378 : vector<16xf32>
          %add3A_390 = arith.addf %add3A_364, %mul3A_385 : vector<16xf32>
          %add3A_391 = arith.addf %add3A_365, %mul3A_387 : vector<16xf32>
          %add3A_392 = arith.constant 64 : i32
          %add3A_393 = arith.addi %mul3A_271, %add3A_392 : i32
          %get3A_394 = arith.index_cast %add3A_393 : i32 to index
          %get3A_395 = tpu.vector_load %arg11[%get3A_394] {strides = array<i32>} : memref<2000xf32, #tpu.memory_space<vmem>>, vector<16xf32>,
          %get3A_396 = arith.index_cast %add3A_393 : i32 to index
          %get3A_397 = tpu.vector_load %arg13[%get3A_396] {strides = array<i32>} : memref<2000xf32, #tpu.memory_space<vmem>>, vector<16xf32>,
          %get3A_398 = arith.index_cast %add3A_393 : i32 to index
          %get3A_399 = tpu.vector_load %arg15[%get3A_398] {strides = array<i32>} : memref<2000xf32, #tpu.memory_space<vmem>>, vector<16xf32>,
          %get3A_400 = arith.index_cast %add3A_393 : i32 to index
          %get3A_401 = tpu.vector_load %arg17[%get3A_400] {strides = array<i32>} : memref<2000xf32, #tpu.memory_space<vmem>>, vector<16xf32>,
          %get3A_402 = arith.index_cast %add3A_393 : i32 to index
          %get3A_403 = tpu.vector_load %arg19[%get3A_402] {strides = array<i32>} : memref<2000xf32, #tpu.memory_space<vmem>>, vector<16xf32>,
          %sub3A_404 = arith.subf %get3A_395, %get3A_397 : vector<16xf32>
          %sub3A_405 = arith.subf %get3A_401, %get3A_399 : vector<16xf32>
          %sub3A_406 = arith.constant 1.000000e+00 : f32
          %sub3A_407 = vector.broadcast %sub3A_406 : f32 to vector<16xf32>
          %sub3A_408 = arith.subf %sub3A_407, %get3A_399 : vector<16xf32>
          %sub3A_409 = arith.subf %get3A_403, %sub3A_408 : vector<16xf32>
          %mul3A_410 = arith.mulf %get3A_397, %sub3A_405 : vector<16xf32>
          %mul3A_411 = arith.mulf %mul3A_410, %sub3A_405 : vector<16xf32>
          %mul3A_412 = arith.mulf %sub3A_404, %sub3A_409 : vector<16xf32>
          %mul3A_413 = arith.mulf %mul3A_412, %sub3A_409 : vector<16xf32>
          %add3A_414 = arith.addf %add3A_388, %get3A_395 : vector<16xf32>
          %add3A_415 = arith.addf %add3A_389, %sub3A_404 : vector<16xf32>
          %add3A_416 = arith.addf %add3A_390, %mul3A_411 : vector<16xf32>
          %add3A_417 = arith.addf %add3A_391, %mul3A_413 : vector<16xf32>
          scf.yield %add3A_414, %add3A_415, %add3A_416, %add3A_417, %scan3A_269 : vector<16xf32>, vector<16xf32>, vector<16xf32>, vector<16xf32>, vector<16xi32>
        }
        scf.yield %cond3A_288#0, %cond3A_288#1, %cond3A_288#2, %cond3A_288#3, %cond3A_288#4 : vector<16xf32>, vector<16xf32>, vector<16xf32>, vector<16xf32>, vector<16xi32>
      }
      %scan3A_218 = arith.constant 25 : i32
      %add3A_219 = arith.constant 2 : i32
      %add3A_220 = arith.addi %mul3A_197, %add3A_219 : i32
      %mul3A_221 = arith.constant 2000 : i32
      %mul3A_222 = arith.muli %add3A_220, %mul3A_221 : i32
      %add3A_223 = arith.addi %mul3A_2, %mul3A_222 : i32
      %dma_start3A_224 = tpu.memref_slice %arg2[%add3A_223] : memref<1600000xi32, #tpu.memory_space<hbm>> -> memref<2000xi32, #tpu.memory_space<hbm>>
      %dma_start3A_225 = tpu.memref_slice %arg2[%add3A_223] : memref<1600000xi32, #tpu.memory_space<hbm>> -> memref<2000xi32, #tpu.memory_space<hbm>>
      tpu.enqueue_dma source(%dma_start3A_225 : memref<2000xi32, #tpu.memory_space<hbm>>) target(%arg9 : memref<2000xi32, #tpu.memory_space<vmem>>) target_semaphore(%arg26 : memref<!tpu.dma_semaphore, #tpu.memory_space<semaphore_mem>>)
      %dma_start3A_226 = tpu.memref_slice %arg3[%add3A_223] : memref<1600000xf32, #tpu.memory_space<hbm>> -> memref<2000xf32, #tpu.memory_space<hbm>>
      %dma_start3A_227 = tpu.memref_slice %arg3[%add3A_223] : memref<1600000xf32, #tpu.memory_space<hbm>> -> memref<2000xf32, #tpu.memory_space<hbm>>
      tpu.enqueue_dma source(%dma_start3A_227 : memref<2000xf32, #tpu.memory_space<hbm>>) target(%arg11 : memref<2000xf32, #tpu.memory_space<vmem>>) target_semaphore(%arg26 : memref<!tpu.dma_semaphore, #tpu.memory_space<semaphore_mem>>)
      %dma_start3A_228 = tpu.memref_slice %arg4[%add3A_223] : memref<1600000xf32, #tpu.memory_space<hbm>> -> memref<2000xf32, #tpu.memory_space<hbm>>
      %dma_start3A_229 = tpu.memref_slice %arg4[%add3A_223] : memref<1600000xf32, #tpu.memory_space<hbm>> -> memref<2000xf32, #tpu.memory_space<hbm>>
      tpu.enqueue_dma source(%dma_start3A_229 : memref<2000xf32, #tpu.memory_space<hbm>>) target(%arg13 : memref<2000xf32, #tpu.memory_space<vmem>>) target_semaphore(%arg26 : memref<!tpu.dma_semaphore, #tpu.memory_space<semaphore_mem>>)
      %dma_start3A_230 = tpu.memref_slice %arg5[%add3A_223] : memref<1600000xf32, #tpu.memory_space<hbm>> -> memref<2000xf32, #tpu.memory_space<hbm>>
      %dma_start3A_231 = tpu.memref_slice %arg5[%add3A_223] : memref<1600000xf32, #tpu.memory_space<hbm>> -> memref<2000xf32, #tpu.memory_space<hbm>>
      tpu.enqueue_dma source(%dma_start3A_231 : memref<2000xf32, #tpu.memory_space<hbm>>) target(%arg15 : memref<2000xf32, #tpu.memory_space<vmem>>) target_semaphore(%arg26 : memref<!tpu.dma_semaphore, #tpu.memory_space<semaphore_mem>>)
      %dma_start3A_232 = tpu.memref_slice %arg6[%add3A_223] : memref<1600000xf32, #tpu.memory_space<hbm>> -> memref<2000xf32, #tpu.memory_space<hbm>>
      %dma_start3A_233 = tpu.memref_slice %arg6[%add3A_223] : memref<1600000xf32, #tpu.memory_space<hbm>> -> memref<2000xf32, #tpu.memory_space<hbm>>
      tpu.enqueue_dma source(%dma_start3A_233 : memref<2000xf32, #tpu.memory_space<hbm>>) target(%arg17 : memref<2000xf32, #tpu.memory_space<vmem>>) target_semaphore(%arg26 : memref<!tpu.dma_semaphore, #tpu.memory_space<semaphore_mem>>)
      %dma_start3A_234 = tpu.memref_slice %arg7[%add3A_223] : memref<1600000xf32, #tpu.memory_space<hbm>> -> memref<2000xf32, #tpu.memory_space<hbm>>
      %dma_start3A_235 = tpu.memref_slice %arg7[%add3A_223] : memref<1600000xf32, #tpu.memory_space<hbm>> -> memref<2000xf32, #tpu.memory_space<hbm>>
      tpu.enqueue_dma source(%dma_start3A_235 : memref<2000xf32, #tpu.memory_space<hbm>>) target(%arg19 : memref<2000xf32, #tpu.memory_space<vmem>>) target_semaphore(%arg26 : memref<!tpu.dma_semaphore, #tpu.memory_space<semaphore_mem>>)
      %add3A_236 = arith.constant 1 : i32
      %add3A_237 = arith.addi %mul3A_197, %add3A_236 : i32
      %mul3A_238 = arith.constant 2000 : i32
      %mul3A_239 = arith.muli %add3A_237, %mul3A_238 : i32
      %add3A_240 = arith.addi %mul3A_2, %mul3A_239 : i32
      %dma_wait3A_241 = tpu.memref_slice %arg2[%add3A_240] : memref<1600000xi32, #tpu.memory_space<hbm>> -> memref<2000xi32, #tpu.memory_space<hbm>>
      %dma_wait3A_242 = tpu.memref_slice %arg2[%add3A_240] : memref<1600000xi32, #tpu.memory_space<hbm>> -> memref<2000xi32, #tpu.memory_space<hbm>>
      tpu.wait_dma2 semaphore(%arg27 : memref<!tpu.dma_semaphore, #tpu.memory_space<semaphore_mem>>) src(%dma_wait3A_242 : memref<2000xi32, #tpu.memory_space<hbm>>) dst(%arg10 : memref<2000xi32, #tpu.memory_space<vmem>>)
      %dma_wait3A_243 = tpu.memref_slice %arg3[%add3A_240] : memref<1600000xf32, #tpu.memory_space<hbm>> -> memref<2000xf32, #tpu.memory_space<hbm>>
      %dma_wait3A_244 = tpu.memref_slice %arg3[%add3A_240] : memref<1600000xf32, #tpu.memory_space<hbm>> -> memref<2000xf32, #tpu.memory_space<hbm>>
      tpu.wait_dma2 semaphore(%arg27 : memref<!tpu.dma_semaphore, #tpu.memory_space<semaphore_mem>>) src(%dma_wait3A_244 : memref<2000xf32, #tpu.memory_space<hbm>>) dst(%arg12 : memref<2000xf32, #tpu.memory_space<vmem>>)
      %dma_wait3A_245 = tpu.memref_slice %arg4[%add3A_240] : memref<1600000xf32, #tpu.memory_space<hbm>> -> memref<2000xf32, #tpu.memory_space<hbm>>
      %dma_wait3A_246 = tpu.memref_slice %arg4[%add3A_240] : memref<1600000xf32, #tpu.memory_space<hbm>> -> memref<2000xf32, #tpu.memory_space<hbm>>
      tpu.wait_dma2 semaphore(%arg27 : memref<!tpu.dma_semaphore, #tpu.memory_space<semaphore_mem>>) src(%dma_wait3A_246 : memref<2000xf32, #tpu.memory_space<hbm>>) dst(%arg14 : memref<2000xf32, #tpu.memory_space<vmem>>)
      %dma_wait3A_247 = tpu.memref_slice %arg5[%add3A_240] : memref<1600000xf32, #tpu.memory_space<hbm>> -> memref<2000xf32, #tpu.memory_space<hbm>>
      %dma_wait3A_248 = tpu.memref_slice %arg5[%add3A_240] : memref<1600000xf32, #tpu.memory_space<hbm>> -> memref<2000xf32, #tpu.memory_space<hbm>>
      tpu.wait_dma2 semaphore(%arg27 : memref<!tpu.dma_semaphore, #tpu.memory_space<semaphore_mem>>) src(%dma_wait3A_248 : memref<2000xf32, #tpu.memory_space<hbm>>) dst(%arg16 : memref<2000xf32, #tpu.memory_space<vmem>>)
      %dma_wait3A_249 = tpu.memref_slice %arg6[%add3A_240] : memref<1600000xf32, #tpu.memory_space<hbm>> -> memref<2000xf32, #tpu.memory_space<hbm>>
      %dma_wait3A_250 = tpu.memref_slice %arg6[%add3A_240] : memref<1600000xf32, #tpu.memory_space<hbm>> -> memref<2000xf32, #tpu.memory_space<hbm>>
      tpu.wait_dma2 semaphore(%arg27 : memref<!tpu.dma_semaphore, #tpu.memory_space<semaphore_mem>>) src(%dma_wait3A_250 : memref<2000xf32, #tpu.memory_space<hbm>>) dst(%arg18 : memref<2000xf32, #tpu.memory_space<vmem>>)
      %dma_wait3A_251 = tpu.memref_slice %arg7[%add3A_240] : memref<1600000xf32, #tpu.memory_space<hbm>> -> memref<2000xf32, #tpu.memory_space<hbm>>
      %dma_wait3A_252 = tpu.memref_slice %arg7[%add3A_240] : memref<1600000xf32, #tpu.memory_space<hbm>> -> memref<2000xf32, #tpu.memory_space<hbm>>
      tpu.wait_dma2 semaphore(%arg27 : memref<!tpu.dma_semaphore, #tpu.memory_space<semaphore_mem>>) src(%dma_wait3A_252 : memref<2000xf32, #tpu.memory_space<hbm>>) dst(%arg20 : memref<2000xf32, #tpu.memory_space<vmem>>)
      %scan3A_253 = arith.constant 0 : i32
      %scan3A_254 = arith.constant 25 : i32
      %scan3A_255 = arith.addi %scan3A_253, %scan3A_254 : i32
      %scan3A_256 = arith.constant 1 : i32
      %scan3A_257:5 = scf.for %scan3A_264 = %scan3A_253 to %scan3A_255 step %scan3A_256 iter_args(%scan3A_265 = %scan3A_217#0, %scan3A_266 = %scan3A_217#1, %scan3A_267 = %scan3A_217#2, %scan3A_268 = %scan3A_217#3, %scan3A_269 = %scan3A_217#4) -> (vector<16xf32>, vector<16xf32>, vector<16xf32>, vector<16xf32>, vector<16xi32>)  : i32 {
        %mul3A_270 = arith.constant 80 : i32
        %mul3A_271 = arith.muli %scan3A_264, %mul3A_270 : i32
        %add3A_272 = vector.broadcast %mul3A_271 : i32 to vector<16xi32>
        %add3A_273 = arith.addi %add3A_272, %select_n3A : vector<16xi32>
        %gather3A_274 = tpu.vector_load_idx %arg10[%add3A_273] : memref<2000xi32, #tpu.memory_space<vmem>>[vector<16xi32>], vector<16xi32>,
        %ne3A = arith.cmpi ne, %gather3A_274, %scan3A_269 : vector<16xi32>
        %reduce_or3A = arith.constant 1.000000e+00 : f32
        %reduce_or3A_275 = arith.constant 0.000000e+00 : f32
        %reduce_or3A_276 = vector.broadcast %reduce_or3A : f32 to vector<16xf32>
        %reduce_or3A_277 = vector.broadcast %reduce_or3A_275 : f32 to vector<16xf32>
        %reduce_or3A_278 = arith.select %ne3A, %reduce_or3A_276, %reduce_or3A_277 : vector<16xi1>, vector<16xf32>
        %reduce_or3A_279 = arith.constant true
        %reduce_or3A_280 = vector.broadcast %reduce_or3A_279 : i1 to vector<16xi1>
        %reduce_or3A_281 = tpu.scan <max>, %reduce_or3A_278 masked %reduce_or3A_280 : vector<16xf32>, vector<16xi1> -> vector<16xf32>
        %reduce_or3A_282 = vector.extract %reduce_or3A_281[15] : f32 from vector<16xf32>
        %reduce_or3A_283 = arith.constant 0.000000e+00 : f32
        %reduce_or3A_284 = arith.cmpf ogt, %reduce_or3A_282, %reduce_or3A_283 : f32
        %convert_element_type3A_285 = arith.extui %reduce_or3A_284 : i1 to i32
        %cond3A_286 = arith.constant 0 : i32
        %cond3A_287 = arith.cmpi ne, %convert_element_type3A_285, %cond3A_286 : i32
        %cond3A_288:5 = scf.if %cond3A_287 -> (vector<16xf32>, vector<16xf32>, vector<16xf32>, vector<16xf32>, vector<16xi32>) {
          %add3A_289 = arith.constant 0 : i32
          %add3A_290 = arith.addi %mul3A_271, %add3A_289 : i32
          %get3A_291 = arith.index_cast %add3A_290 : i32 to index
          %get3A_292 = tpu.vector_load %arg10[%get3A_291] {strides = array<i32>} : memref<2000xi32, #tpu.memory_space<vmem>>, vector<16xi32>,
          %get3A_293 = arith.index_cast %add3A_290 : i32 to index
          %get3A_294 = tpu.vector_load %arg12[%get3A_293] {strides = array<i32>} : memref<2000xf32, #tpu.memory_space<vmem>>, vector<16xf32>,
          %get3A_295 = arith.index_cast %add3A_290 : i32 to index
          %get3A_296 = tpu.vector_load %arg14[%get3A_295] {strides = array<i32>} : memref<2000xf32, #tpu.memory_space<vmem>>, vector<16xf32>,
          %get3A_297 = arith.index_cast %add3A_290 : i32 to index
          %get3A_298 = tpu.vector_load %arg16[%get3A_297] {strides = array<i32>} : memref<2000xf32, #tpu.memory_space<vmem>>, vector<16xf32>,
          %get3A_299 = arith.index_cast %add3A_290 : i32 to index
          %get3A_300 = tpu.vector_load %arg18[%get3A_299] {strides = array<i32>} : memref<2000xf32, #tpu.memory_space<vmem>>, vector<16xf32>,
          %get3A_301 = arith.index_cast %add3A_290 : i32 to index
          %get3A_302 = tpu.vector_load %arg20[%get3A_301] {strides = array<i32>} : memref<2000xf32, #tpu.memory_space<vmem>>, vector<16xf32>,
          %sub3A = arith.subf %get3A_294, %get3A_296 : vector<16xf32>
          %sub3A_303 = arith.subf %get3A_300, %get3A_298 : vector<16xf32>
          %sub3A_304 = arith.constant 1.000000e+00 : f32
          %sub3A_305 = vector.broadcast %sub3A_304 : f32 to vector<16xf32>
          %sub3A_306 = arith.subf %sub3A_305, %get3A_298 : vector<16xf32>
          %sub3A_307 = arith.subf %get3A_302, %sub3A_306 : vector<16xf32>
          %mul3A_308 = arith.mulf %get3A_296, %sub3A_303 : vector<16xf32>
          %mul3A_309 = arith.mulf %mul3A_308, %sub3A_303 : vector<16xf32>
          %mul3A_310 = arith.mulf %sub3A, %sub3A_307 : vector<16xf32>
          %mul3A_311 = arith.mulf %mul3A_310, %sub3A_307 : vector<16xf32>
          %add3A_312 = arith.constant 1 : i32
          %add3A_313 = vector.broadcast %add3A_312 : i32 to vector<16xi32>
          %add3A_314 = arith.addi %iota3A, %add3A_313 : vector<16xi32>
          %min3A = arith.constant 15 : i32
          %min3A_315 = vector.broadcast %min3A : i32 to vector<16xi32>
          %min3A_316 = arith.minsi %add3A_314, %min3A_315 : vector<16xi32>
          %broadcast_in_dim3A_317 = vector.shape_cast %min3A_316 : vector<16xi32> to vector<16x1xi32>
          %gather3A_318 = vector.shape_cast %broadcast_in_dim3A_317 : vector<16x1xi32> to vector<16xi32>
          %gather3A_319 = tpu.dynamic_gather %get3A_292[%gather3A_318] in [0] : vector<16xi32>, vector<16xi32> -> vector<16xi32>
          %ne3A_320 = arith.cmpi ne, %get3A_292, %gather3A_319 : vector<16xi32>
          %ne3A_321 = arith.cmpi ne, %get3A_292, %scan3A_269 : vector<16xi32>
          %or3A = arith.ori %ne3A_320, %ne3A_321 : vector<16xi1>
          %reduce_or3A_322 = arith.constant 1.000000e+00 : f32
          %reduce_or3A_323 = arith.constant 0.000000e+00 : f32
          %reduce_or3A_324 = vector.broadcast %reduce_or3A_322 : f32 to vector<16xf32>
          %reduce_or3A_325 = vector.broadcast %reduce_or3A_323 : f32 to vector<16xf32>
          %reduce_or3A_326 = arith.select %or3A, %reduce_or3A_324, %reduce_or3A_325 : vector<16xi1>, vector<16xf32>
          %reduce_or3A_327 = arith.constant true
          %reduce_or3A_328 = vector.broadcast %reduce_or3A_327 : i1 to vector<16xi1>
          %reduce_or3A_329 = tpu.scan <max>, %reduce_or3A_326 masked %reduce_or3A_328 : vector<16xf32>, vector<16xi1> -> vector<16xf32>
          %reduce_or3A_330 = vector.extract %reduce_or3A_329[15] : f32 from vector<16xf32>
          %reduce_or3A_331 = arith.constant 0.000000e+00 : f32
          %reduce_or3A_332 = arith.cmpf ogt, %reduce_or3A_330, %reduce_or3A_331 : f32
          %convert_element_type3A_333 = arith.extui %reduce_or3A_332 : i1 to i32
          %cond3A_334 = arith.constant 0 : i32
          %cond3A_335 = arith.cmpi ne, %convert_element_type3A_333, %cond3A_334 : i32
          %cond3A_336:5 = scf.if %cond3A_335 -> (vector<16xf32>, vector<16xf32>, vector<16xf32>, vector<16xf32>, vector<16xi32>) {
            %xor3A_541 = arith.constant 1 : i32
            %xor3A_542 = vector.broadcast %xor3A_541 : i32 to vector<16xi32>
            %xor3A_543 = arith.xori %iota3A, %xor3A_542 : vector<16xi32>
            %broadcast_in_dim3A_544 = vector.shape_cast %xor3A_543 : vector<16xi32> to vector<16x1xi32>
            %gather3A_545 = vector.shape_cast %broadcast_in_dim3A_544 : vector<16x1xi32> to vector<16xi32>
            %gather3A_546 = tpu.dynamic_gather %scan3A_265[%gather3A_545] in [0] : vector<16xf32>, vector<16xi32> -> vector<16xf32>
            %add3A_547 = arith.addf %scan3A_265, %gather3A_546 : vector<16xf32>
            %xor3A_548 = arith.constant 2 : i32
            %xor3A_549 = vector.broadcast %xor3A_548 : i32 to vector<16xi32>
            %xor3A_550 = arith.xori %iota3A, %xor3A_549 : vector<16xi32>
            %broadcast_in_dim3A_551 = vector.shape_cast %xor3A_550 : vector<16xi32> to vector<16x1xi32>
            %gather3A_552 = vector.shape_cast %broadcast_in_dim3A_551 : vector<16x1xi32> to vector<16xi32>
            %gather3A_553 = tpu.dynamic_gather %add3A_547[%gather3A_552] in [0] : vector<16xf32>, vector<16xi32> -> vector<16xf32>
            %add3A_554 = arith.addf %add3A_547, %gather3A_553 : vector<16xf32>
            %xor3A_555 = arith.constant 4 : i32
            %xor3A_556 = vector.broadcast %xor3A_555 : i32 to vector<16xi32>
            %xor3A_557 = arith.xori %iota3A, %xor3A_556 : vector<16xi32>
            %broadcast_in_dim3A_558 = vector.shape_cast %xor3A_557 : vector<16xi32> to vector<16x1xi32>
            %gather3A_559 = vector.shape_cast %broadcast_in_dim3A_558 : vector<16x1xi32> to vector<16xi32>
            %gather3A_560 = tpu.dynamic_gather %add3A_554[%gather3A_559] in [0] : vector<16xf32>, vector<16xi32> -> vector<16xf32>
            %add3A_561 = arith.addf %add3A_554, %gather3A_560 : vector<16xf32>
            %xor3A_562 = arith.constant 8 : i32
            %xor3A_563 = vector.broadcast %xor3A_562 : i32 to vector<16xi32>
            %xor3A_564 = arith.xori %iota3A, %xor3A_563 : vector<16xi32>
            %broadcast_in_dim3A_565 = vector.shape_cast %xor3A_564 : vector<16xi32> to vector<16x1xi32>
            %gather3A_566 = vector.shape_cast %broadcast_in_dim3A_565 : vector<16x1xi32> to vector<16xi32>
            %gather3A_567 = tpu.dynamic_gather %add3A_561[%gather3A_566] in [0] : vector<16xf32>, vector<16xi32> -> vector<16xf32>
            %add3A_568 = arith.addf %add3A_561, %gather3A_567 : vector<16xf32>
            tpu.vector_store_idx %arg21[%scan3A_269], %add3A_568 masked %eq3A_5 {add = true} : memref<4096xf32, #tpu.memory_space<vmem>>[vector<16xi32>], vector<16xf32>, vector<16xi1>
            %xor3A_569 = arith.constant 1 : i32
            %xor3A_570 = vector.broadcast %xor3A_569 : i32 to vector<16xi32>
            %xor3A_571 = arith.xori %iota3A, %xor3A_570 : vector<16xi32>
            %broadcast_in_dim3A_572 = vector.shape_cast %xor3A_571 : vector<16xi32> to vector<16x1xi32>
            %gather3A_573 = vector.shape_cast %broadcast_in_dim3A_572 : vector<16x1xi32> to vector<16xi32>
            %gather3A_574 = tpu.dynamic_gather %scan3A_266[%gather3A_573] in [0] : vector<16xf32>, vector<16xi32> -> vector<16xf32>
            %add3A_575 = arith.addf %scan3A_266, %gather3A_574 : vector<16xf32>
            %xor3A_576 = arith.constant 2 : i32
            %xor3A_577 = vector.broadcast %xor3A_576 : i32 to vector<16xi32>
            %xor3A_578 = arith.xori %iota3A, %xor3A_577 : vector<16xi32>
            %broadcast_in_dim3A_579 = vector.shape_cast %xor3A_578 : vector<16xi32> to vector<16x1xi32>
            %gather3A_580 = vector.shape_cast %broadcast_in_dim3A_579 : vector<16x1xi32> to vector<16xi32>
            %gather3A_581 = tpu.dynamic_gather %add3A_575[%gather3A_580] in [0] : vector<16xf32>, vector<16xi32> -> vector<16xf32>
            %add3A_582 = arith.addf %add3A_575, %gather3A_581 : vector<16xf32>
            %xor3A_583 = arith.constant 4 : i32
            %xor3A_584 = vector.broadcast %xor3A_583 : i32 to vector<16xi32>
            %xor3A_585 = arith.xori %iota3A, %xor3A_584 : vector<16xi32>
            %broadcast_in_dim3A_586 = vector.shape_cast %xor3A_585 : vector<16xi32> to vector<16x1xi32>
            %gather3A_587 = vector.shape_cast %broadcast_in_dim3A_586 : vector<16x1xi32> to vector<16xi32>
            %gather3A_588 = tpu.dynamic_gather %add3A_582[%gather3A_587] in [0] : vector<16xf32>, vector<16xi32> -> vector<16xf32>
            %add3A_589 = arith.addf %add3A_582, %gather3A_588 : vector<16xf32>
            %xor3A_590 = arith.constant 8 : i32
            %xor3A_591 = vector.broadcast %xor3A_590 : i32 to vector<16xi32>
            %xor3A_592 = arith.xori %iota3A, %xor3A_591 : vector<16xi32>
            %broadcast_in_dim3A_593 = vector.shape_cast %xor3A_592 : vector<16xi32> to vector<16x1xi32>
            %gather3A_594 = vector.shape_cast %broadcast_in_dim3A_593 : vector<16x1xi32> to vector<16xi32>
            %gather3A_595 = tpu.dynamic_gather %add3A_589[%gather3A_594] in [0] : vector<16xf32>, vector<16xi32> -> vector<16xf32>
            %add3A_596 = arith.addf %add3A_589, %gather3A_595 : vector<16xf32>
            tpu.vector_store_idx %arg22[%scan3A_269], %add3A_596 masked %eq3A_5 {add = true} : memref<4096xf32, #tpu.memory_space<vmem>>[vector<16xi32>], vector<16xf32>, vector<16xi1>
            %xor3A_597 = arith.constant 1 : i32
            %xor3A_598 = vector.broadcast %xor3A_597 : i32 to vector<16xi32>
            %xor3A_599 = arith.xori %iota3A, %xor3A_598 : vector<16xi32>
            %broadcast_in_dim3A_600 = vector.shape_cast %xor3A_599 : vector<16xi32> to vector<16x1xi32>
            %gather3A_601 = vector.shape_cast %broadcast_in_dim3A_600 : vector<16x1xi32> to vector<16xi32>
            %gather3A_602 = tpu.dynamic_gather %scan3A_267[%gather3A_601] in [0] : vector<16xf32>, vector<16xi32> -> vector<16xf32>
            %add3A_603 = arith.addf %scan3A_267, %gather3A_602 : vector<16xf32>
            %xor3A_604 = arith.constant 2 : i32
            %xor3A_605 = vector.broadcast %xor3A_604 : i32 to vector<16xi32>
            %xor3A_606 = arith.xori %iota3A, %xor3A_605 : vector<16xi32>
            %broadcast_in_dim3A_607 = vector.shape_cast %xor3A_606 : vector<16xi32> to vector<16x1xi32>
            %gather3A_608 = vector.shape_cast %broadcast_in_dim3A_607 : vector<16x1xi32> to vector<16xi32>
            %gather3A_609 = tpu.dynamic_gather %add3A_603[%gather3A_608] in [0] : vector<16xf32>, vector<16xi32> -> vector<16xf32>
            %add3A_610 = arith.addf %add3A_603, %gather3A_609 : vector<16xf32>
            %xor3A_611 = arith.constant 4 : i32
            %xor3A_612 = vector.broadcast %xor3A_611 : i32 to vector<16xi32>
            %xor3A_613 = arith.xori %iota3A, %xor3A_612 : vector<16xi32>
            %broadcast_in_dim3A_614 = vector.shape_cast %xor3A_613 : vector<16xi32> to vector<16x1xi32>
            %gather3A_615 = vector.shape_cast %broadcast_in_dim3A_614 : vector<16x1xi32> to vector<16xi32>
            %gather3A_616 = tpu.dynamic_gather %add3A_610[%gather3A_615] in [0] : vector<16xf32>, vector<16xi32> -> vector<16xf32>
            %add3A_617 = arith.addf %add3A_610, %gather3A_616 : vector<16xf32>
            %xor3A_618 = arith.constant 8 : i32
            %xor3A_619 = vector.broadcast %xor3A_618 : i32 to vector<16xi32>
            %xor3A_620 = arith.xori %iota3A, %xor3A_619 : vector<16xi32>
            %broadcast_in_dim3A_621 = vector.shape_cast %xor3A_620 : vector<16xi32> to vector<16x1xi32>
            %gather3A_622 = vector.shape_cast %broadcast_in_dim3A_621 : vector<16x1xi32> to vector<16xi32>
            %gather3A_623 = tpu.dynamic_gather %add3A_617[%gather3A_622] in [0] : vector<16xf32>, vector<16xi32> -> vector<16xf32>
            %add3A_624 = arith.addf %add3A_617, %gather3A_623 : vector<16xf32>
            tpu.vector_store_idx %arg23[%scan3A_269], %add3A_624 masked %eq3A_5 {add = true} : memref<4096xf32, #tpu.memory_space<vmem>>[vector<16xi32>], vector<16xf32>, vector<16xi1>
            %xor3A_625 = arith.constant 1 : i32
            %xor3A_626 = vector.broadcast %xor3A_625 : i32 to vector<16xi32>
            %xor3A_627 = arith.xori %iota3A, %xor3A_626 : vector<16xi32>
            %broadcast_in_dim3A_628 = vector.shape_cast %xor3A_627 : vector<16xi32> to vector<16x1xi32>
            %gather3A_629 = vector.shape_cast %broadcast_in_dim3A_628 : vector<16x1xi32> to vector<16xi32>
            %gather3A_630 = tpu.dynamic_gather %scan3A_268[%gather3A_629] in [0] : vector<16xf32>, vector<16xi32> -> vector<16xf32>
            %add3A_631 = arith.addf %scan3A_268, %gather3A_630 : vector<16xf32>
            %xor3A_632 = arith.constant 2 : i32
            %xor3A_633 = vector.broadcast %xor3A_632 : i32 to vector<16xi32>
            %xor3A_634 = arith.xori %iota3A, %xor3A_633 : vector<16xi32>
            %broadcast_in_dim3A_635 = vector.shape_cast %xor3A_634 : vector<16xi32> to vector<16x1xi32>
            %gather3A_636 = vector.shape_cast %broadcast_in_dim3A_635 : vector<16x1xi32> to vector<16xi32>
            %gather3A_637 = tpu.dynamic_gather %add3A_631[%gather3A_636] in [0] : vector<16xf32>, vector<16xi32> -> vector<16xf32>
            %add3A_638 = arith.addf %add3A_631, %gather3A_637 : vector<16xf32>
            %xor3A_639 = arith.constant 4 : i32
            %xor3A_640 = vector.broadcast %xor3A_639 : i32 to vector<16xi32>
            %xor3A_641 = arith.xori %iota3A, %xor3A_640 : vector<16xi32>
            %broadcast_in_dim3A_642 = vector.shape_cast %xor3A_641 : vector<16xi32> to vector<16x1xi32>
            %gather3A_643 = vector.shape_cast %broadcast_in_dim3A_642 : vector<16x1xi32> to vector<16xi32>
            %gather3A_644 = tpu.dynamic_gather %add3A_638[%gather3A_643] in [0] : vector<16xf32>, vector<16xi32> -> vector<16xf32>
            %add3A_645 = arith.addf %add3A_638, %gather3A_644 : vector<16xf32>
            %xor3A_646 = arith.constant 8 : i32
            %xor3A_647 = vector.broadcast %xor3A_646 : i32 to vector<16xi32>
            %xor3A_648 = arith.xori %iota3A, %xor3A_647 : vector<16xi32>
            %broadcast_in_dim3A_649 = vector.shape_cast %xor3A_648 : vector<16xi32> to vector<16x1xi32>
            %gather3A_650 = vector.shape_cast %broadcast_in_dim3A_649 : vector<16x1xi32> to vector<16xi32>
            %gather3A_651 = tpu.dynamic_gather %add3A_645[%gather3A_650] in [0] : vector<16xf32>, vector<16xi32> -> vector<16xf32>
            %add3A_652 = arith.addf %add3A_645, %gather3A_651 : vector<16xf32>
            tpu.vector_store_idx %arg24[%scan3A_269], %add3A_652 masked %eq3A_5 {add = true} : memref<4096xf32, #tpu.memory_space<vmem>>[vector<16xi32>], vector<16xf32>, vector<16xi1>
            %eq3A_653 = arith.constant 15 : i32
            %eq3A_654 = vector.broadcast %eq3A_653 : i32 to vector<16xi32>
            %eq3A_655 = arith.cmpi eq, %iota3A, %eq3A_654 : vector<16xi32>
            %or3A_656 = arith.ori %ne3A_320, %eq3A_655 : vector<16xi1>
            %broadcast_in_dim3A_657 = arith.constant true
            %broadcast_in_dim3A_658 = vector.broadcast %broadcast_in_dim3A_657 : i1 to vector<16xi1>
            %masked_cumsum3A = tpu.scan <sum>, %get3A_294 masked %broadcast_in_dim3A_658 : vector<16xf32>, vector<16xi1> -> vector<16xf32>
            %broadcast_in_dim3A_659 = arith.constant true
            %broadcast_in_dim3A_660 = vector.broadcast %broadcast_in_dim3A_659 : i1 to vector<16xi1>
            %masked_cumsum3A_661 = tpu.scan <sum>, %sub3A masked %broadcast_in_dim3A_660 : vector<16xf32>, vector<16xi1> -> vector<16xf32>
            %broadcast_in_dim3A_662 = arith.constant true
            %broadcast_in_dim3A_663 = vector.broadcast %broadcast_in_dim3A_662 : i1 to vector<16xi1>
            %masked_cumsum3A_664 = tpu.scan <sum>, %mul3A_309 masked %broadcast_in_dim3A_663 : vector<16xf32>, vector<16xi1> -> vector<16xf32>
            %broadcast_in_dim3A_665 = arith.constant true
            %broadcast_in_dim3A_666 = vector.broadcast %broadcast_in_dim3A_665 : i1 to vector<16xi1>
            %masked_cumsum3A_667 = tpu.scan <sum>, %mul3A_311 masked %broadcast_in_dim3A_666 : vector<16xf32>, vector<16xi1> -> vector<16xf32>
            tpu.vector_store_idx %arg21[%get3A_292], %masked_cumsum3A masked %or3A_656 {add = true} : memref<4096xf32, #tpu.memory_space<vmem>>[vector<16xi32>], vector<16xf32>, vector<16xi1>
            tpu.vector_store_idx %arg22[%get3A_292], %masked_cumsum3A_661 masked %or3A_656 {add = true} : memref<4096xf32, #tpu.memory_space<vmem>>[vector<16xi32>], vector<16xf32>, vector<16xi1>
            tpu.vector_store_idx %arg23[%get3A_292], %masked_cumsum3A_664 masked %or3A_656 {add = true} : memref<4096xf32, #tpu.memory_space<vmem>>[vector<16xi32>], vector<16xf32>, vector<16xi1>
            tpu.vector_store_idx %arg24[%get3A_292], %masked_cumsum3A_667 masked %or3A_656 {add = true} : memref<4096xf32, #tpu.memory_space<vmem>>[vector<16xi32>], vector<16xf32>, vector<16xi1>
            %neg3A = arith.constant 0.000000e+00 : f32
            %neg3A_668 = vector.broadcast %neg3A : f32 to vector<16xf32>
            %neg3A_669 = arith.subf %neg3A_668, %masked_cumsum3A : vector<16xf32>
            tpu.vector_store_idx %arg21[%gather3A_319], %neg3A_669 masked %ne3A_320 {add = true} : memref<4096xf32, #tpu.memory_space<vmem>>[vector<16xi32>], vector<16xf32>, vector<16xi1>
            %neg3A_670 = arith.constant 0.000000e+00 : f32
            %neg3A_671 = vector.broadcast %neg3A_670 : f32 to vector<16xf32>
            %neg3A_672 = arith.subf %neg3A_671, %masked_cumsum3A_661 : vector<16xf32>
            tpu.vector_store_idx %arg22[%gather3A_319], %neg3A_672 masked %ne3A_320 {add = true} : memref<4096xf32, #tpu.memory_space<vmem>>[vector<16xi32>], vector<16xf32>, vector<16xi1>
            %neg3A_673 = arith.constant 0.000000e+00 : f32
            %neg3A_674 = vector.broadcast %neg3A_673 : f32 to vector<16xf32>
            %neg3A_675 = arith.subf %neg3A_674, %masked_cumsum3A_664 : vector<16xf32>
            tpu.vector_store_idx %arg23[%gather3A_319], %neg3A_675 masked %ne3A_320 {add = true} : memref<4096xf32, #tpu.memory_space<vmem>>[vector<16xi32>], vector<16xf32>, vector<16xi1>
            %neg3A_676 = arith.constant 0.000000e+00 : f32
            %neg3A_677 = vector.broadcast %neg3A_676 : f32 to vector<16xf32>
            %neg3A_678 = arith.subf %neg3A_677, %masked_cumsum3A_667 : vector<16xf32>
            tpu.vector_store_idx %arg24[%gather3A_319], %neg3A_678 masked %ne3A_320 {add = true} : memref<4096xf32, #tpu.memory_space<vmem>>[vector<16xi32>], vector<16xf32>, vector<16xi1>
            %broadcast_in_dim3A_679 = vector.shape_cast %add3A_10 : vector<16xi32> to vector<16x1xi32>
            %gather3A_680 = vector.shape_cast %broadcast_in_dim3A_679 : vector<16x1xi32> to vector<16xi32>
            %gather3A_681 = tpu.dynamic_gather %get3A_292[%gather3A_680] in [0] : vector<16xi32>, vector<16xi32> -> vector<16xi32>
            scf.yield %broadcast_in_dim3A_3, %broadcast_in_dim3A_3, %broadcast_in_dim3A_3, %broadcast_in_dim3A_3, %gather3A_681 : vector<16xf32>, vector<16xf32>, vector<16xf32>, vector<16xf32>, vector<16xi32>
          } else {
            %add3A_541 = arith.addf %scan3A_265, %get3A_294 : vector<16xf32>
            %add3A_542 = arith.addf %scan3A_266, %sub3A : vector<16xf32>
            %add3A_543 = arith.addf %scan3A_267, %mul3A_309 : vector<16xf32>
            %add3A_544 = arith.addf %scan3A_268, %mul3A_311 : vector<16xf32>
            scf.yield %add3A_541, %add3A_542, %add3A_543, %add3A_544, %scan3A_269 : vector<16xf32>, vector<16xf32>, vector<16xf32>, vector<16xf32>, vector<16xi32>
          }
          %add3A_337 = arith.constant 16 : i32
          %add3A_338 = arith.addi %mul3A_271, %add3A_337 : i32
          %get3A_339 = arith.index_cast %add3A_338 : i32 to index
          %get3A_340 = tpu.vector_load %arg10[%get3A_339] {strides = array<i32>} : memref<2000xi32, #tpu.memory_space<vmem>>, vector<16xi32>,
          %get3A_341 = arith.index_cast %add3A_338 : i32 to index
          %get3A_342 = tpu.vector_load %arg12[%get3A_341] {strides = array<i32>} : memref<2000xf32, #tpu.memory_space<vmem>>, vector<16xf32>,
          %get3A_343 = arith.index_cast %add3A_338 : i32 to index
          %get3A_344 = tpu.vector_load %arg14[%get3A_343] {strides = array<i32>} : memref<2000xf32, #tpu.memory_space<vmem>>, vector<16xf32>,
          %get3A_345 = arith.index_cast %add3A_338 : i32 to index
          %get3A_346 = tpu.vector_load %arg16[%get3A_345] {strides = array<i32>} : memref<2000xf32, #tpu.memory_space<vmem>>, vector<16xf32>,
          %get3A_347 = arith.index_cast %add3A_338 : i32 to index
          %get3A_348 = tpu.vector_load %arg18[%get3A_347] {strides = array<i32>} : memref<2000xf32, #tpu.memory_space<vmem>>, vector<16xf32>,
          %get3A_349 = arith.index_cast %add3A_338 : i32 to index
          %get3A_350 = tpu.vector_load %arg20[%get3A_349] {strides = array<i32>} : memref<2000xf32, #tpu.memory_space<vmem>>, vector<16xf32>,
          %sub3A_351 = arith.subf %get3A_342, %get3A_344 : vector<16xf32>
          %sub3A_352 = arith.subf %get3A_348, %get3A_346 : vector<16xf32>
          %sub3A_353 = arith.constant 1.000000e+00 : f32
          %sub3A_354 = vector.broadcast %sub3A_353 : f32 to vector<16xf32>
          %sub3A_355 = arith.subf %sub3A_354, %get3A_346 : vector<16xf32>
          %sub3A_356 = arith.subf %get3A_350, %sub3A_355 : vector<16xf32>
          %mul3A_357 = arith.mulf %get3A_344, %sub3A_352 : vector<16xf32>
          %mul3A_358 = arith.mulf %mul3A_357, %sub3A_352 : vector<16xf32>
          %mul3A_359 = arith.mulf %sub3A_351, %sub3A_356 : vector<16xf32>
          %mul3A_360 = arith.mulf %mul3A_359, %sub3A_356 : vector<16xf32>
          %add3A_361 = arith.constant 1 : i32
          %add3A_362 = vector.broadcast %add3A_361 : i32 to vector<16xi32>
          %add3A_363 = arith.addi %iota3A, %add3A_362 : vector<16xi32>
          %min3A_364 = arith.constant 15 : i32
          %min3A_365 = vector.broadcast %min3A_364 : i32 to vector<16xi32>
          %min3A_366 = arith.minsi %add3A_363, %min3A_365 : vector<16xi32>
          %broadcast_in_dim3A_367 = vector.shape_cast %min3A_366 : vector<16xi32> to vector<16x1xi32>
          %gather3A_368 = vector.shape_cast %broadcast_in_dim3A_367 : vector<16x1xi32> to vector<16xi32>
          %gather3A_369 = tpu.dynamic_gather %get3A_340[%gather3A_368] in [0] : vector<16xi32>, vector<16xi32> -> vector<16xi32>
          %ne3A_370 = arith.cmpi ne, %get3A_340, %gather3A_369 : vector<16xi32>
          %ne3A_371 = arith.cmpi ne, %get3A_340, %cond3A_336#4 : vector<16xi32>
          %or3A_372 = arith.ori %ne3A_370, %ne3A_371 : vector<16xi1>
          %reduce_or3A_373 = arith.constant 1.000000e+00 : f32
          %reduce_or3A_374 = arith.constant 0.000000e+00 : f32
          %reduce_or3A_375 = vector.broadcast %reduce_or3A_373 : f32 to vector<16xf32>
          %reduce_or3A_376 = vector.broadcast %reduce_or3A_374 : f32 to vector<16xf32>
          %reduce_or3A_377 = arith.select %or3A_372, %reduce_or3A_375, %reduce_or3A_376 : vector<16xi1>, vector<16xf32>
          %reduce_or3A_378 = arith.constant true
          %reduce_or3A_379 = vector.broadcast %reduce_or3A_378 : i1 to vector<16xi1>
          %reduce_or3A_380 = tpu.scan <max>, %reduce_or3A_377 masked %reduce_or3A_379 : vector<16xf32>, vector<16xi1> -> vector<16xf32>
          %reduce_or3A_381 = vector.extract %reduce_or3A_380[15] : f32 from vector<16xf32>
          %reduce_or3A_382 = arith.constant 0.000000e+00 : f32
          %reduce_or3A_383 = arith.cmpf ogt, %reduce_or3A_381, %reduce_or3A_382 : f32
          %convert_element_type3A_384 = arith.extui %reduce_or3A_383 : i1 to i32
          %cond3A_385 = arith.constant 0 : i32
          %cond3A_386 = arith.cmpi ne, %convert_element_type3A_384, %cond3A_385 : i32
          %cond3A_387:5 = scf.if %cond3A_386 -> (vector<16xf32>, vector<16xf32>, vector<16xf32>, vector<16xf32>, vector<16xi32>) {
            %xor3A_541 = arith.constant 1 : i32
            %xor3A_542 = vector.broadcast %xor3A_541 : i32 to vector<16xi32>
            %xor3A_543 = arith.xori %iota3A, %xor3A_542 : vector<16xi32>
            %broadcast_in_dim3A_544 = vector.shape_cast %xor3A_543 : vector<16xi32> to vector<16x1xi32>
            %gather3A_545 = vector.shape_cast %broadcast_in_dim3A_544 : vector<16x1xi32> to vector<16xi32>
            %gather3A_546 = tpu.dynamic_gather %cond3A_336#0[%gather3A_545] in [0] : vector<16xf32>, vector<16xi32> -> vector<16xf32>
            %add3A_547 = arith.addf %cond3A_336#0, %gather3A_546 : vector<16xf32>
            %xor3A_548 = arith.constant 2 : i32
            %xor3A_549 = vector.broadcast %xor3A_548 : i32 to vector<16xi32>
            %xor3A_550 = arith.xori %iota3A, %xor3A_549 : vector<16xi32>
            %broadcast_in_dim3A_551 = vector.shape_cast %xor3A_550 : vector<16xi32> to vector<16x1xi32>
            %gather3A_552 = vector.shape_cast %broadcast_in_dim3A_551 : vector<16x1xi32> to vector<16xi32>
            %gather3A_553 = tpu.dynamic_gather %add3A_547[%gather3A_552] in [0] : vector<16xf32>, vector<16xi32> -> vector<16xf32>
            %add3A_554 = arith.addf %add3A_547, %gather3A_553 : vector<16xf32>
            %xor3A_555 = arith.constant 4 : i32
            %xor3A_556 = vector.broadcast %xor3A_555 : i32 to vector<16xi32>
            %xor3A_557 = arith.xori %iota3A, %xor3A_556 : vector<16xi32>
            %broadcast_in_dim3A_558 = vector.shape_cast %xor3A_557 : vector<16xi32> to vector<16x1xi32>
            %gather3A_559 = vector.shape_cast %broadcast_in_dim3A_558 : vector<16x1xi32> to vector<16xi32>
            %gather3A_560 = tpu.dynamic_gather %add3A_554[%gather3A_559] in [0] : vector<16xf32>, vector<16xi32> -> vector<16xf32>
            %add3A_561 = arith.addf %add3A_554, %gather3A_560 : vector<16xf32>
            %xor3A_562 = arith.constant 8 : i32
            %xor3A_563 = vector.broadcast %xor3A_562 : i32 to vector<16xi32>
            %xor3A_564 = arith.xori %iota3A, %xor3A_563 : vector<16xi32>
            %broadcast_in_dim3A_565 = vector.shape_cast %xor3A_564 : vector<16xi32> to vector<16x1xi32>
            %gather3A_566 = vector.shape_cast %broadcast_in_dim3A_565 : vector<16x1xi32> to vector<16xi32>
            %gather3A_567 = tpu.dynamic_gather %add3A_561[%gather3A_566] in [0] : vector<16xf32>, vector<16xi32> -> vector<16xf32>
            %add3A_568 = arith.addf %add3A_561, %gather3A_567 : vector<16xf32>
            tpu.vector_store_idx %arg21[%cond3A_336#4], %add3A_568 masked %eq3A_5 {add = true} : memref<4096xf32, #tpu.memory_space<vmem>>[vector<16xi32>], vector<16xf32>, vector<16xi1>
            %xor3A_569 = arith.constant 1 : i32
            %xor3A_570 = vector.broadcast %xor3A_569 : i32 to vector<16xi32>
            %xor3A_571 = arith.xori %iota3A, %xor3A_570 : vector<16xi32>
            %broadcast_in_dim3A_572 = vector.shape_cast %xor3A_571 : vector<16xi32> to vector<16x1xi32>
            %gather3A_573 = vector.shape_cast %broadcast_in_dim3A_572 : vector<16x1xi32> to vector<16xi32>
            %gather3A_574 = tpu.dynamic_gather %cond3A_336#1[%gather3A_573] in [0] : vector<16xf32>, vector<16xi32> -> vector<16xf32>
            %add3A_575 = arith.addf %cond3A_336#1, %gather3A_574 : vector<16xf32>
            %xor3A_576 = arith.constant 2 : i32
            %xor3A_577 = vector.broadcast %xor3A_576 : i32 to vector<16xi32>
            %xor3A_578 = arith.xori %iota3A, %xor3A_577 : vector<16xi32>
            %broadcast_in_dim3A_579 = vector.shape_cast %xor3A_578 : vector<16xi32> to vector<16x1xi32>
            %gather3A_580 = vector.shape_cast %broadcast_in_dim3A_579 : vector<16x1xi32> to vector<16xi32>
            %gather3A_581 = tpu.dynamic_gather %add3A_575[%gather3A_580] in [0] : vector<16xf32>, vector<16xi32> -> vector<16xf32>
            %add3A_582 = arith.addf %add3A_575, %gather3A_581 : vector<16xf32>
            %xor3A_583 = arith.constant 4 : i32
            %xor3A_584 = vector.broadcast %xor3A_583 : i32 to vector<16xi32>
            %xor3A_585 = arith.xori %iota3A, %xor3A_584 : vector<16xi32>
            %broadcast_in_dim3A_586 = vector.shape_cast %xor3A_585 : vector<16xi32> to vector<16x1xi32>
            %gather3A_587 = vector.shape_cast %broadcast_in_dim3A_586 : vector<16x1xi32> to vector<16xi32>
            %gather3A_588 = tpu.dynamic_gather %add3A_582[%gather3A_587] in [0] : vector<16xf32>, vector<16xi32> -> vector<16xf32>
            %add3A_589 = arith.addf %add3A_582, %gather3A_588 : vector<16xf32>
            %xor3A_590 = arith.constant 8 : i32
            %xor3A_591 = vector.broadcast %xor3A_590 : i32 to vector<16xi32>
            %xor3A_592 = arith.xori %iota3A, %xor3A_591 : vector<16xi32>
            %broadcast_in_dim3A_593 = vector.shape_cast %xor3A_592 : vector<16xi32> to vector<16x1xi32>
            %gather3A_594 = vector.shape_cast %broadcast_in_dim3A_593 : vector<16x1xi32> to vector<16xi32>
            %gather3A_595 = tpu.dynamic_gather %add3A_589[%gather3A_594] in [0] : vector<16xf32>, vector<16xi32> -> vector<16xf32>
            %add3A_596 = arith.addf %add3A_589, %gather3A_595 : vector<16xf32>
            tpu.vector_store_idx %arg22[%cond3A_336#4], %add3A_596 masked %eq3A_5 {add = true} : memref<4096xf32, #tpu.memory_space<vmem>>[vector<16xi32>], vector<16xf32>, vector<16xi1>
            %xor3A_597 = arith.constant 1 : i32
            %xor3A_598 = vector.broadcast %xor3A_597 : i32 to vector<16xi32>
            %xor3A_599 = arith.xori %iota3A, %xor3A_598 : vector<16xi32>
            %broadcast_in_dim3A_600 = vector.shape_cast %xor3A_599 : vector<16xi32> to vector<16x1xi32>
            %gather3A_601 = vector.shape_cast %broadcast_in_dim3A_600 : vector<16x1xi32> to vector<16xi32>
            %gather3A_602 = tpu.dynamic_gather %cond3A_336#2[%gather3A_601] in [0] : vector<16xf32>, vector<16xi32> -> vector<16xf32>
            %add3A_603 = arith.addf %cond3A_336#2, %gather3A_602 : vector<16xf32>
            %xor3A_604 = arith.constant 2 : i32
            %xor3A_605 = vector.broadcast %xor3A_604 : i32 to vector<16xi32>
            %xor3A_606 = arith.xori %iota3A, %xor3A_605 : vector<16xi32>
            %broadcast_in_dim3A_607 = vector.shape_cast %xor3A_606 : vector<16xi32> to vector<16x1xi32>
            %gather3A_608 = vector.shape_cast %broadcast_in_dim3A_607 : vector<16x1xi32> to vector<16xi32>
            %gather3A_609 = tpu.dynamic_gather %add3A_603[%gather3A_608] in [0] : vector<16xf32>, vector<16xi32> -> vector<16xf32>
            %add3A_610 = arith.addf %add3A_603, %gather3A_609 : vector<16xf32>
            %xor3A_611 = arith.constant 4 : i32
            %xor3A_612 = vector.broadcast %xor3A_611 : i32 to vector<16xi32>
            %xor3A_613 = arith.xori %iota3A, %xor3A_612 : vector<16xi32>
            %broadcast_in_dim3A_614 = vector.shape_cast %xor3A_613 : vector<16xi32> to vector<16x1xi32>
            %gather3A_615 = vector.shape_cast %broadcast_in_dim3A_614 : vector<16x1xi32> to vector<16xi32>
            %gather3A_616 = tpu.dynamic_gather %add3A_610[%gather3A_615] in [0] : vector<16xf32>, vector<16xi32> -> vector<16xf32>
            %add3A_617 = arith.addf %add3A_610, %gather3A_616 : vector<16xf32>
            %xor3A_618 = arith.constant 8 : i32
            %xor3A_619 = vector.broadcast %xor3A_618 : i32 to vector<16xi32>
            %xor3A_620 = arith.xori %iota3A, %xor3A_619 : vector<16xi32>
            %broadcast_in_dim3A_621 = vector.shape_cast %xor3A_620 : vector<16xi32> to vector<16x1xi32>
            %gather3A_622 = vector.shape_cast %broadcast_in_dim3A_621 : vector<16x1xi32> to vector<16xi32>
            %gather3A_623 = tpu.dynamic_gather %add3A_617[%gather3A_622] in [0] : vector<16xf32>, vector<16xi32> -> vector<16xf32>
            %add3A_624 = arith.addf %add3A_617, %gather3A_623 : vector<16xf32>
            tpu.vector_store_idx %arg23[%cond3A_336#4], %add3A_624 masked %eq3A_5 {add = true} : memref<4096xf32, #tpu.memory_space<vmem>>[vector<16xi32>], vector<16xf32>, vector<16xi1>
            %xor3A_625 = arith.constant 1 : i32
            %xor3A_626 = vector.broadcast %xor3A_625 : i32 to vector<16xi32>
            %xor3A_627 = arith.xori %iota3A, %xor3A_626 : vector<16xi32>
            %broadcast_in_dim3A_628 = vector.shape_cast %xor3A_627 : vector<16xi32> to vector<16x1xi32>
            %gather3A_629 = vector.shape_cast %broadcast_in_dim3A_628 : vector<16x1xi32> to vector<16xi32>
            %gather3A_630 = tpu.dynamic_gather %cond3A_336#3[%gather3A_629] in [0] : vector<16xf32>, vector<16xi32> -> vector<16xf32>
            %add3A_631 = arith.addf %cond3A_336#3, %gather3A_630 : vector<16xf32>
            %xor3A_632 = arith.constant 2 : i32
            %xor3A_633 = vector.broadcast %xor3A_632 : i32 to vector<16xi32>
            %xor3A_634 = arith.xori %iota3A, %xor3A_633 : vector<16xi32>
            %broadcast_in_dim3A_635 = vector.shape_cast %xor3A_634 : vector<16xi32> to vector<16x1xi32>
            %gather3A_636 = vector.shape_cast %broadcast_in_dim3A_635 : vector<16x1xi32> to vector<16xi32>
            %gather3A_637 = tpu.dynamic_gather %add3A_631[%gather3A_636] in [0] : vector<16xf32>, vector<16xi32> -> vector<16xf32>
            %add3A_638 = arith.addf %add3A_631, %gather3A_637 : vector<16xf32>
            %xor3A_639 = arith.constant 4 : i32
            %xor3A_640 = vector.broadcast %xor3A_639 : i32 to vector<16xi32>
            %xor3A_641 = arith.xori %iota3A, %xor3A_640 : vector<16xi32>
            %broadcast_in_dim3A_642 = vector.shape_cast %xor3A_641 : vector<16xi32> to vector<16x1xi32>
            %gather3A_643 = vector.shape_cast %broadcast_in_dim3A_642 : vector<16x1xi32> to vector<16xi32>
            %gather3A_644 = tpu.dynamic_gather %add3A_638[%gather3A_643] in [0] : vector<16xf32>, vector<16xi32> -> vector<16xf32>
            %add3A_645 = arith.addf %add3A_638, %gather3A_644 : vector<16xf32>
            %xor3A_646 = arith.constant 8 : i32
            %xor3A_647 = vector.broadcast %xor3A_646 : i32 to vector<16xi32>
            %xor3A_648 = arith.xori %iota3A, %xor3A_647 : vector<16xi32>
            %broadcast_in_dim3A_649 = vector.shape_cast %xor3A_648 : vector<16xi32> to vector<16x1xi32>
            %gather3A_650 = vector.shape_cast %broadcast_in_dim3A_649 : vector<16x1xi32> to vector<16xi32>
            %gather3A_651 = tpu.dynamic_gather %add3A_645[%gather3A_650] in [0] : vector<16xf32>, vector<16xi32> -> vector<16xf32>
            %add3A_652 = arith.addf %add3A_645, %gather3A_651 : vector<16xf32>
            tpu.vector_store_idx %arg24[%cond3A_336#4], %add3A_652 masked %eq3A_5 {add = true} : memref<4096xf32, #tpu.memory_space<vmem>>[vector<16xi32>], vector<16xf32>, vector<16xi1>
            %eq3A_653 = arith.constant 15 : i32
            %eq3A_654 = vector.broadcast %eq3A_653 : i32 to vector<16xi32>
            %eq3A_655 = arith.cmpi eq, %iota3A, %eq3A_654 : vector<16xi32>
            %or3A_656 = arith.ori %ne3A_370, %eq3A_655 : vector<16xi1>
            %broadcast_in_dim3A_657 = arith.constant true
            %broadcast_in_dim3A_658 = vector.broadcast %broadcast_in_dim3A_657 : i1 to vector<16xi1>
            %masked_cumsum3A = tpu.scan <sum>, %get3A_342 masked %broadcast_in_dim3A_658 : vector<16xf32>, vector<16xi1> -> vector<16xf32>
            %broadcast_in_dim3A_659 = arith.constant true
            %broadcast_in_dim3A_660 = vector.broadcast %broadcast_in_dim3A_659 : i1 to vector<16xi1>
            %masked_cumsum3A_661 = tpu.scan <sum>, %sub3A_351 masked %broadcast_in_dim3A_660 : vector<16xf32>, vector<16xi1> -> vector<16xf32>
            %broadcast_in_dim3A_662 = arith.constant true
            %broadcast_in_dim3A_663 = vector.broadcast %broadcast_in_dim3A_662 : i1 to vector<16xi1>
            %masked_cumsum3A_664 = tpu.scan <sum>, %mul3A_358 masked %broadcast_in_dim3A_663 : vector<16xf32>, vector<16xi1> -> vector<16xf32>
            %broadcast_in_dim3A_665 = arith.constant true
            %broadcast_in_dim3A_666 = vector.broadcast %broadcast_in_dim3A_665 : i1 to vector<16xi1>
            %masked_cumsum3A_667 = tpu.scan <sum>, %mul3A_360 masked %broadcast_in_dim3A_666 : vector<16xf32>, vector<16xi1> -> vector<16xf32>
            tpu.vector_store_idx %arg21[%get3A_340], %masked_cumsum3A masked %or3A_656 {add = true} : memref<4096xf32, #tpu.memory_space<vmem>>[vector<16xi32>], vector<16xf32>, vector<16xi1>
            tpu.vector_store_idx %arg22[%get3A_340], %masked_cumsum3A_661 masked %or3A_656 {add = true} : memref<4096xf32, #tpu.memory_space<vmem>>[vector<16xi32>], vector<16xf32>, vector<16xi1>
            tpu.vector_store_idx %arg23[%get3A_340], %masked_cumsum3A_664 masked %or3A_656 {add = true} : memref<4096xf32, #tpu.memory_space<vmem>>[vector<16xi32>], vector<16xf32>, vector<16xi1>
            tpu.vector_store_idx %arg24[%get3A_340], %masked_cumsum3A_667 masked %or3A_656 {add = true} : memref<4096xf32, #tpu.memory_space<vmem>>[vector<16xi32>], vector<16xf32>, vector<16xi1>
            %neg3A = arith.constant 0.000000e+00 : f32
            %neg3A_668 = vector.broadcast %neg3A : f32 to vector<16xf32>
            %neg3A_669 = arith.subf %neg3A_668, %masked_cumsum3A : vector<16xf32>
            tpu.vector_store_idx %arg21[%gather3A_369], %neg3A_669 masked %ne3A_370 {add = true} : memref<4096xf32, #tpu.memory_space<vmem>>[vector<16xi32>], vector<16xf32>, vector<16xi1>
            %neg3A_670 = arith.constant 0.000000e+00 : f32
            %neg3A_671 = vector.broadcast %neg3A_670 : f32 to vector<16xf32>
            %neg3A_672 = arith.subf %neg3A_671, %masked_cumsum3A_661 : vector<16xf32>
            tpu.vector_store_idx %arg22[%gather3A_369], %neg3A_672 masked %ne3A_370 {add = true} : memref<4096xf32, #tpu.memory_space<vmem>>[vector<16xi32>], vector<16xf32>, vector<16xi1>
            %neg3A_673 = arith.constant 0.000000e+00 : f32
            %neg3A_674 = vector.broadcast %neg3A_673 : f32 to vector<16xf32>
            %neg3A_675 = arith.subf %neg3A_674, %masked_cumsum3A_664 : vector<16xf32>
            tpu.vector_store_idx %arg23[%gather3A_369], %neg3A_675 masked %ne3A_370 {add = true} : memref<4096xf32, #tpu.memory_space<vmem>>[vector<16xi32>], vector<16xf32>, vector<16xi1>
            %neg3A_676 = arith.constant 0.000000e+00 : f32
            %neg3A_677 = vector.broadcast %neg3A_676 : f32 to vector<16xf32>
            %neg3A_678 = arith.subf %neg3A_677, %masked_cumsum3A_667 : vector<16xf32>
            tpu.vector_store_idx %arg24[%gather3A_369], %neg3A_678 masked %ne3A_370 {add = true} : memref<4096xf32, #tpu.memory_space<vmem>>[vector<16xi32>], vector<16xf32>, vector<16xi1>
            %broadcast_in_dim3A_679 = vector.shape_cast %add3A_10 : vector<16xi32> to vector<16x1xi32>
            %gather3A_680 = vector.shape_cast %broadcast_in_dim3A_679 : vector<16x1xi32> to vector<16xi32>
            %gather3A_681 = tpu.dynamic_gather %get3A_340[%gather3A_680] in [0] : vector<16xi32>, vector<16xi32> -> vector<16xi32>
            scf.yield %broadcast_in_dim3A_3, %broadcast_in_dim3A_3, %broadcast_in_dim3A_3, %broadcast_in_dim3A_3, %gather3A_681 : vector<16xf32>, vector<16xf32>, vector<16xf32>, vector<16xf32>, vector<16xi32>
          } else {
            %add3A_541 = arith.addf %cond3A_336#0, %get3A_342 : vector<16xf32>
            %add3A_542 = arith.addf %cond3A_336#1, %sub3A_351 : vector<16xf32>
            %add3A_543 = arith.addf %cond3A_336#2, %mul3A_358 : vector<16xf32>
            %add3A_544 = arith.addf %cond3A_336#3, %mul3A_360 : vector<16xf32>
            scf.yield %add3A_541, %add3A_542, %add3A_543, %add3A_544, %cond3A_336#4 : vector<16xf32>, vector<16xf32>, vector<16xf32>, vector<16xf32>, vector<16xi32>
          }
          %add3A_388 = arith.constant 32 : i32
          %add3A_389 = arith.addi %mul3A_271, %add3A_388 : i32
          %get3A_390 = arith.index_cast %add3A_389 : i32 to index
          %get3A_391 = tpu.vector_load %arg10[%get3A_390] {strides = array<i32>} : memref<2000xi32, #tpu.memory_space<vmem>>, vector<16xi32>,
          %get3A_392 = arith.index_cast %add3A_389 : i32 to index
          %get3A_393 = tpu.vector_load %arg12[%get3A_392] {strides = array<i32>} : memref<2000xf32, #tpu.memory_space<vmem>>, vector<16xf32>,
          %get3A_394 = arith.index_cast %add3A_389 : i32 to index
          %get3A_395 = tpu.vector_load %arg14[%get3A_394] {strides = array<i32>} : memref<2000xf32, #tpu.memory_space<vmem>>, vector<16xf32>,
          %get3A_396 = arith.index_cast %add3A_389 : i32 to index
          %get3A_397 = tpu.vector_load %arg16[%get3A_396] {strides = array<i32>} : memref<2000xf32, #tpu.memory_space<vmem>>, vector<16xf32>,
          %get3A_398 = arith.index_cast %add3A_389 : i32 to index
          %get3A_399 = tpu.vector_load %arg18[%get3A_398] {strides = array<i32>} : memref<2000xf32, #tpu.memory_space<vmem>>, vector<16xf32>,
          %get3A_400 = arith.index_cast %add3A_389 : i32 to index
          %get3A_401 = tpu.vector_load %arg20[%get3A_400] {strides = array<i32>} : memref<2000xf32, #tpu.memory_space<vmem>>, vector<16xf32>,
          %sub3A_402 = arith.subf %get3A_393, %get3A_395 : vector<16xf32>
          %sub3A_403 = arith.subf %get3A_399, %get3A_397 : vector<16xf32>
          %sub3A_404 = arith.constant 1.000000e+00 : f32
          %sub3A_405 = vector.broadcast %sub3A_404 : f32 to vector<16xf32>
          %sub3A_406 = arith.subf %sub3A_405, %get3A_397 : vector<16xf32>
          %sub3A_407 = arith.subf %get3A_401, %sub3A_406 : vector<16xf32>
          %mul3A_408 = arith.mulf %get3A_395, %sub3A_403 : vector<16xf32>
          %mul3A_409 = arith.mulf %mul3A_408, %sub3A_403 : vector<16xf32>
          %mul3A_410 = arith.mulf %sub3A_402, %sub3A_407 : vector<16xf32>
          %mul3A_411 = arith.mulf %mul3A_410, %sub3A_407 : vector<16xf32>
          %add3A_412 = arith.constant 1 : i32
          %add3A_413 = vector.broadcast %add3A_412 : i32 to vector<16xi32>
          %add3A_414 = arith.addi %iota3A, %add3A_413 : vector<16xi32>
          %min3A_415 = arith.constant 15 : i32
          %min3A_416 = vector.broadcast %min3A_415 : i32 to vector<16xi32>
          %min3A_417 = arith.minsi %add3A_414, %min3A_416 : vector<16xi32>
          %broadcast_in_dim3A_418 = vector.shape_cast %min3A_417 : vector<16xi32> to vector<16x1xi32>
          %gather3A_419 = vector.shape_cast %broadcast_in_dim3A_418 : vector<16x1xi32> to vector<16xi32>
          %gather3A_420 = tpu.dynamic_gather %get3A_391[%gather3A_419] in [0] : vector<16xi32>, vector<16xi32> -> vector<16xi32>
          %ne3A_421 = arith.cmpi ne, %get3A_391, %gather3A_420 : vector<16xi32>
          %ne3A_422 = arith.cmpi ne, %get3A_391, %cond3A_387#4 : vector<16xi32>
          %or3A_423 = arith.ori %ne3A_421, %ne3A_422 : vector<16xi1>
          %reduce_or3A_424 = arith.constant 1.000000e+00 : f32
          %reduce_or3A_425 = arith.constant 0.000000e+00 : f32
          %reduce_or3A_426 = vector.broadcast %reduce_or3A_424 : f32 to vector<16xf32>
          %reduce_or3A_427 = vector.broadcast %reduce_or3A_425 : f32 to vector<16xf32>
          %reduce_or3A_428 = arith.select %or3A_423, %reduce_or3A_426, %reduce_or3A_427 : vector<16xi1>, vector<16xf32>
          %reduce_or3A_429 = arith.constant true
          %reduce_or3A_430 = vector.broadcast %reduce_or3A_429 : i1 to vector<16xi1>
          %reduce_or3A_431 = tpu.scan <max>, %reduce_or3A_428 masked %reduce_or3A_430 : vector<16xf32>, vector<16xi1> -> vector<16xf32>
          %reduce_or3A_432 = vector.extract %reduce_or3A_431[15] : f32 from vector<16xf32>
          %reduce_or3A_433 = arith.constant 0.000000e+00 : f32
          %reduce_or3A_434 = arith.cmpf ogt, %reduce_or3A_432, %reduce_or3A_433 : f32
          %convert_element_type3A_435 = arith.extui %reduce_or3A_434 : i1 to i32
          %cond3A_436 = arith.constant 0 : i32
          %cond3A_437 = arith.cmpi ne, %convert_element_type3A_435, %cond3A_436 : i32
          %cond3A_438:5 = scf.if %cond3A_437 -> (vector<16xf32>, vector<16xf32>, vector<16xf32>, vector<16xf32>, vector<16xi32>) {
            %xor3A_541 = arith.constant 1 : i32
            %xor3A_542 = vector.broadcast %xor3A_541 : i32 to vector<16xi32>
            %xor3A_543 = arith.xori %iota3A, %xor3A_542 : vector<16xi32>
            %broadcast_in_dim3A_544 = vector.shape_cast %xor3A_543 : vector<16xi32> to vector<16x1xi32>
            %gather3A_545 = vector.shape_cast %broadcast_in_dim3A_544 : vector<16x1xi32> to vector<16xi32>
            %gather3A_546 = tpu.dynamic_gather %cond3A_387#0[%gather3A_545] in [0] : vector<16xf32>, vector<16xi32> -> vector<16xf32>
            %add3A_547 = arith.addf %cond3A_387#0, %gather3A_546 : vector<16xf32>
            %xor3A_548 = arith.constant 2 : i32
            %xor3A_549 = vector.broadcast %xor3A_548 : i32 to vector<16xi32>
            %xor3A_550 = arith.xori %iota3A, %xor3A_549 : vector<16xi32>
            %broadcast_in_dim3A_551 = vector.shape_cast %xor3A_550 : vector<16xi32> to vector<16x1xi32>
            %gather3A_552 = vector.shape_cast %broadcast_in_dim3A_551 : vector<16x1xi32> to vector<16xi32>
            %gather3A_553 = tpu.dynamic_gather %add3A_547[%gather3A_552] in [0] : vector<16xf32>, vector<16xi32> -> vector<16xf32>
            %add3A_554 = arith.addf %add3A_547, %gather3A_553 : vector<16xf32>
            %xor3A_555 = arith.constant 4 : i32
            %xor3A_556 = vector.broadcast %xor3A_555 : i32 to vector<16xi32>
            %xor3A_557 = arith.xori %iota3A, %xor3A_556 : vector<16xi32>
            %broadcast_in_dim3A_558 = vector.shape_cast %xor3A_557 : vector<16xi32> to vector<16x1xi32>
            %gather3A_559 = vector.shape_cast %broadcast_in_dim3A_558 : vector<16x1xi32> to vector<16xi32>
            %gather3A_560 = tpu.dynamic_gather %add3A_554[%gather3A_559] in [0] : vector<16xf32>, vector<16xi32> -> vector<16xf32>
            %add3A_561 = arith.addf %add3A_554, %gather3A_560 : vector<16xf32>
            %xor3A_562 = arith.constant 8 : i32
            %xor3A_563 = vector.broadcast %xor3A_562 : i32 to vector<16xi32>
            %xor3A_564 = arith.xori %iota3A, %xor3A_563 : vector<16xi32>
            %broadcast_in_dim3A_565 = vector.shape_cast %xor3A_564 : vector<16xi32> to vector<16x1xi32>
            %gather3A_566 = vector.shape_cast %broadcast_in_dim3A_565 : vector<16x1xi32> to vector<16xi32>
            %gather3A_567 = tpu.dynamic_gather %add3A_561[%gather3A_566] in [0] : vector<16xf32>, vector<16xi32> -> vector<16xf32>
            %add3A_568 = arith.addf %add3A_561, %gather3A_567 : vector<16xf32>
            tpu.vector_store_idx %arg21[%cond3A_387#4], %add3A_568 masked %eq3A_5 {add = true} : memref<4096xf32, #tpu.memory_space<vmem>>[vector<16xi32>], vector<16xf32>, vector<16xi1>
            %xor3A_569 = arith.constant 1 : i32
            %xor3A_570 = vector.broadcast %xor3A_569 : i32 to vector<16xi32>
            %xor3A_571 = arith.xori %iota3A, %xor3A_570 : vector<16xi32>
            %broadcast_in_dim3A_572 = vector.shape_cast %xor3A_571 : vector<16xi32> to vector<16x1xi32>
            %gather3A_573 = vector.shape_cast %broadcast_in_dim3A_572 : vector<16x1xi32> to vector<16xi32>
            %gather3A_574 = tpu.dynamic_gather %cond3A_387#1[%gather3A_573] in [0] : vector<16xf32>, vector<16xi32> -> vector<16xf32>
            %add3A_575 = arith.addf %cond3A_387#1, %gather3A_574 : vector<16xf32>
            %xor3A_576 = arith.constant 2 : i32
            %xor3A_577 = vector.broadcast %xor3A_576 : i32 to vector<16xi32>
            %xor3A_578 = arith.xori %iota3A, %xor3A_577 : vector<16xi32>
            %broadcast_in_dim3A_579 = vector.shape_cast %xor3A_578 : vector<16xi32> to vector<16x1xi32>
            %gather3A_580 = vector.shape_cast %broadcast_in_dim3A_579 : vector<16x1xi32> to vector<16xi32>
            %gather3A_581 = tpu.dynamic_gather %add3A_575[%gather3A_580] in [0] : vector<16xf32>, vector<16xi32> -> vector<16xf32>
            %add3A_582 = arith.addf %add3A_575, %gather3A_581 : vector<16xf32>
            %xor3A_583 = arith.constant 4 : i32
            %xor3A_584 = vector.broadcast %xor3A_583 : i32 to vector<16xi32>
            %xor3A_585 = arith.xori %iota3A, %xor3A_584 : vector<16xi32>
            %broadcast_in_dim3A_586 = vector.shape_cast %xor3A_585 : vector<16xi32> to vector<16x1xi32>
            %gather3A_587 = vector.shape_cast %broadcast_in_dim3A_586 : vector<16x1xi32> to vector<16xi32>
            %gather3A_588 = tpu.dynamic_gather %add3A_582[%gather3A_587] in [0] : vector<16xf32>, vector<16xi32> -> vector<16xf32>
            %add3A_589 = arith.addf %add3A_582, %gather3A_588 : vector<16xf32>
            %xor3A_590 = arith.constant 8 : i32
            %xor3A_591 = vector.broadcast %xor3A_590 : i32 to vector<16xi32>
            %xor3A_592 = arith.xori %iota3A, %xor3A_591 : vector<16xi32>
            %broadcast_in_dim3A_593 = vector.shape_cast %xor3A_592 : vector<16xi32> to vector<16x1xi32>
            %gather3A_594 = vector.shape_cast %broadcast_in_dim3A_593 : vector<16x1xi32> to vector<16xi32>
            %gather3A_595 = tpu.dynamic_gather %add3A_589[%gather3A_594] in [0] : vector<16xf32>, vector<16xi32> -> vector<16xf32>
            %add3A_596 = arith.addf %add3A_589, %gather3A_595 : vector<16xf32>
            tpu.vector_store_idx %arg22[%cond3A_387#4], %add3A_596 masked %eq3A_5 {add = true} : memref<4096xf32, #tpu.memory_space<vmem>>[vector<16xi32>], vector<16xf32>, vector<16xi1>
            %xor3A_597 = arith.constant 1 : i32
            %xor3A_598 = vector.broadcast %xor3A_597 : i32 to vector<16xi32>
            %xor3A_599 = arith.xori %iota3A, %xor3A_598 : vector<16xi32>
            %broadcast_in_dim3A_600 = vector.shape_cast %xor3A_599 : vector<16xi32> to vector<16x1xi32>
            %gather3A_601 = vector.shape_cast %broadcast_in_dim3A_600 : vector<16x1xi32> to vector<16xi32>
            %gather3A_602 = tpu.dynamic_gather %cond3A_387#2[%gather3A_601] in [0] : vector<16xf32>, vector<16xi32> -> vector<16xf32>
            %add3A_603 = arith.addf %cond3A_387#2, %gather3A_602 : vector<16xf32>
            %xor3A_604 = arith.constant 2 : i32
            %xor3A_605 = vector.broadcast %xor3A_604 : i32 to vector<16xi32>
            %xor3A_606 = arith.xori %iota3A, %xor3A_605 : vector<16xi32>
            %broadcast_in_dim3A_607 = vector.shape_cast %xor3A_606 : vector<16xi32> to vector<16x1xi32>
            %gather3A_608 = vector.shape_cast %broadcast_in_dim3A_607 : vector<16x1xi32> to vector<16xi32>
            %gather3A_609 = tpu.dynamic_gather %add3A_603[%gather3A_608] in [0] : vector<16xf32>, vector<16xi32> -> vector<16xf32>
            %add3A_610 = arith.addf %add3A_603, %gather3A_609 : vector<16xf32>
            %xor3A_611 = arith.constant 4 : i32
            %xor3A_612 = vector.broadcast %xor3A_611 : i32 to vector<16xi32>
            %xor3A_613 = arith.xori %iota3A, %xor3A_612 : vector<16xi32>
            %broadcast_in_dim3A_614 = vector.shape_cast %xor3A_613 : vector<16xi32> to vector<16x1xi32>
            %gather3A_615 = vector.shape_cast %broadcast_in_dim3A_614 : vector<16x1xi32> to vector<16xi32>
            %gather3A_616 = tpu.dynamic_gather %add3A_610[%gather3A_615] in [0] : vector<16xf32>, vector<16xi32> -> vector<16xf32>
            %add3A_617 = arith.addf %add3A_610, %gather3A_616 : vector<16xf32>
            %xor3A_618 = arith.constant 8 : i32
            %xor3A_619 = vector.broadcast %xor3A_618 : i32 to vector<16xi32>
            %xor3A_620 = arith.xori %iota3A, %xor3A_619 : vector<16xi32>
            %broadcast_in_dim3A_621 = vector.shape_cast %xor3A_620 : vector<16xi32> to vector<16x1xi32>
            %gather3A_622 = vector.shape_cast %broadcast_in_dim3A_621 : vector<16x1xi32> to vector<16xi32>
            %gather3A_623 = tpu.dynamic_gather %add3A_617[%gather3A_622] in [0] : vector<16xf32>, vector<16xi32> -> vector<16xf32>
            %add3A_624 = arith.addf %add3A_617, %gather3A_623 : vector<16xf32>
            tpu.vector_store_idx %arg23[%cond3A_387#4], %add3A_624 masked %eq3A_5 {add = true} : memref<4096xf32, #tpu.memory_space<vmem>>[vector<16xi32>], vector<16xf32>, vector<16xi1>
            %xor3A_625 = arith.constant 1 : i32
            %xor3A_626 = vector.broadcast %xor3A_625 : i32 to vector<16xi32>
            %xor3A_627 = arith.xori %iota3A, %xor3A_626 : vector<16xi32>
            %broadcast_in_dim3A_628 = vector.shape_cast %xor3A_627 : vector<16xi32> to vector<16x1xi32>
            %gather3A_629 = vector.shape_cast %broadcast_in_dim3A_628 : vector<16x1xi32> to vector<16xi32>
            %gather3A_630 = tpu.dynamic_gather %cond3A_387#3[%gather3A_629] in [0] : vector<16xf32>, vector<16xi32> -> vector<16xf32>
            %add3A_631 = arith.addf %cond3A_387#3, %gather3A_630 : vector<16xf32>
            %xor3A_632 = arith.constant 2 : i32
            %xor3A_633 = vector.broadcast %xor3A_632 : i32 to vector<16xi32>
            %xor3A_634 = arith.xori %iota3A, %xor3A_633 : vector<16xi32>
            %broadcast_in_dim3A_635 = vector.shape_cast %xor3A_634 : vector<16xi32> to vector<16x1xi32>
            %gather3A_636 = vector.shape_cast %broadcast_in_dim3A_635 : vector<16x1xi32> to vector<16xi32>
            %gather3A_637 = tpu.dynamic_gather %add3A_631[%gather3A_636] in [0] : vector<16xf32>, vector<16xi32> -> vector<16xf32>
            %add3A_638 = arith.addf %add3A_631, %gather3A_637 : vector<16xf32>
            %xor3A_639 = arith.constant 4 : i32
            %xor3A_640 = vector.broadcast %xor3A_639 : i32 to vector<16xi32>
            %xor3A_641 = arith.xori %iota3A, %xor3A_640 : vector<16xi32>
            %broadcast_in_dim3A_642 = vector.shape_cast %xor3A_641 : vector<16xi32> to vector<16x1xi32>
            %gather3A_643 = vector.shape_cast %broadcast_in_dim3A_642 : vector<16x1xi32> to vector<16xi32>
            %gather3A_644 = tpu.dynamic_gather %add3A_638[%gather3A_643] in [0] : vector<16xf32>, vector<16xi32> -> vector<16xf32>
            %add3A_645 = arith.addf %add3A_638, %gather3A_644 : vector<16xf32>
            %xor3A_646 = arith.constant 8 : i32
            %xor3A_647 = vector.broadcast %xor3A_646 : i32 to vector<16xi32>
            %xor3A_648 = arith.xori %iota3A, %xor3A_647 : vector<16xi32>
            %broadcast_in_dim3A_649 = vector.shape_cast %xor3A_648 : vector<16xi32> to vector<16x1xi32>
            %gather3A_650 = vector.shape_cast %broadcast_in_dim3A_649 : vector<16x1xi32> to vector<16xi32>
            %gather3A_651 = tpu.dynamic_gather %add3A_645[%gather3A_650] in [0] : vector<16xf32>, vector<16xi32> -> vector<16xf32>
            %add3A_652 = arith.addf %add3A_645, %gather3A_651 : vector<16xf32>
            tpu.vector_store_idx %arg24[%cond3A_387#4], %add3A_652 masked %eq3A_5 {add = true} : memref<4096xf32, #tpu.memory_space<vmem>>[vector<16xi32>], vector<16xf32>, vector<16xi1>
            %eq3A_653 = arith.constant 15 : i32
            %eq3A_654 = vector.broadcast %eq3A_653 : i32 to vector<16xi32>
            %eq3A_655 = arith.cmpi eq, %iota3A, %eq3A_654 : vector<16xi32>
            %or3A_656 = arith.ori %ne3A_421, %eq3A_655 : vector<16xi1>
            %broadcast_in_dim3A_657 = arith.constant true
            %broadcast_in_dim3A_658 = vector.broadcast %broadcast_in_dim3A_657 : i1 to vector<16xi1>
            %masked_cumsum3A = tpu.scan <sum>, %get3A_393 masked %broadcast_in_dim3A_658 : vector<16xf32>, vector<16xi1> -> vector<16xf32>
            %broadcast_in_dim3A_659 = arith.constant true
            %broadcast_in_dim3A_660 = vector.broadcast %broadcast_in_dim3A_659 : i1 to vector<16xi1>
            %masked_cumsum3A_661 = tpu.scan <sum>, %sub3A_402 masked %broadcast_in_dim3A_660 : vector<16xf32>, vector<16xi1> -> vector<16xf32>
            %broadcast_in_dim3A_662 = arith.constant true
            %broadcast_in_dim3A_663 = vector.broadcast %broadcast_in_dim3A_662 : i1 to vector<16xi1>
            %masked_cumsum3A_664 = tpu.scan <sum>, %mul3A_409 masked %broadcast_in_dim3A_663 : vector<16xf32>, vector<16xi1> -> vector<16xf32>
            %broadcast_in_dim3A_665 = arith.constant true
            %broadcast_in_dim3A_666 = vector.broadcast %broadcast_in_dim3A_665 : i1 to vector<16xi1>
            %masked_cumsum3A_667 = tpu.scan <sum>, %mul3A_411 masked %broadcast_in_dim3A_666 : vector<16xf32>, vector<16xi1> -> vector<16xf32>
            tpu.vector_store_idx %arg21[%get3A_391], %masked_cumsum3A masked %or3A_656 {add = true} : memref<4096xf32, #tpu.memory_space<vmem>>[vector<16xi32>], vector<16xf32>, vector<16xi1>
            tpu.vector_store_idx %arg22[%get3A_391], %masked_cumsum3A_661 masked %or3A_656 {add = true} : memref<4096xf32, #tpu.memory_space<vmem>>[vector<16xi32>], vector<16xf32>, vector<16xi1>
            tpu.vector_store_idx %arg23[%get3A_391], %masked_cumsum3A_664 masked %or3A_656 {add = true} : memref<4096xf32, #tpu.memory_space<vmem>>[vector<16xi32>], vector<16xf32>, vector<16xi1>
            tpu.vector_store_idx %arg24[%get3A_391], %masked_cumsum3A_667 masked %or3A_656 {add = true} : memref<4096xf32, #tpu.memory_space<vmem>>[vector<16xi32>], vector<16xf32>, vector<16xi1>
            %neg3A = arith.constant 0.000000e+00 : f32
            %neg3A_668 = vector.broadcast %neg3A : f32 to vector<16xf32>
            %neg3A_669 = arith.subf %neg3A_668, %masked_cumsum3A : vector<16xf32>
            tpu.vector_store_idx %arg21[%gather3A_420], %neg3A_669 masked %ne3A_421 {add = true} : memref<4096xf32, #tpu.memory_space<vmem>>[vector<16xi32>], vector<16xf32>, vector<16xi1>
            %neg3A_670 = arith.constant 0.000000e+00 : f32
            %neg3A_671 = vector.broadcast %neg3A_670 : f32 to vector<16xf32>
            %neg3A_672 = arith.subf %neg3A_671, %masked_cumsum3A_661 : vector<16xf32>
            tpu.vector_store_idx %arg22[%gather3A_420], %neg3A_672 masked %ne3A_421 {add = true} : memref<4096xf32, #tpu.memory_space<vmem>>[vector<16xi32>], vector<16xf32>, vector<16xi1>
            %neg3A_673 = arith.constant 0.000000e+00 : f32
            %neg3A_674 = vector.broadcast %neg3A_673 : f32 to vector<16xf32>
            %neg3A_675 = arith.subf %neg3A_674, %masked_cumsum3A_664 : vector<16xf32>
            tpu.vector_store_idx %arg23[%gather3A_420], %neg3A_675 masked %ne3A_421 {add = true} : memref<4096xf32, #tpu.memory_space<vmem>>[vector<16xi32>], vector<16xf32>, vector<16xi1>
            %neg3A_676 = arith.constant 0.000000e+00 : f32
            %neg3A_677 = vector.broadcast %neg3A_676 : f32 to vector<16xf32>
            %neg3A_678 = arith.subf %neg3A_677, %masked_cumsum3A_667 : vector<16xf32>
            tpu.vector_store_idx %arg24[%gather3A_420], %neg3A_678 masked %ne3A_421 {add = true} : memref<4096xf32, #tpu.memory_space<vmem>>[vector<16xi32>], vector<16xf32>, vector<16xi1>
            %broadcast_in_dim3A_679 = vector.shape_cast %add3A_10 : vector<16xi32> to vector<16x1xi32>
            %gather3A_680 = vector.shape_cast %broadcast_in_dim3A_679 : vector<16x1xi32> to vector<16xi32>
            %gather3A_681 = tpu.dynamic_gather %get3A_391[%gather3A_680] in [0] : vector<16xi32>, vector<16xi32> -> vector<16xi32>
            scf.yield %broadcast_in_dim3A_3, %broadcast_in_dim3A_3, %broadcast_in_dim3A_3, %broadcast_in_dim3A_3, %gather3A_681 : vector<16xf32>, vector<16xf32>, vector<16xf32>, vector<16xf32>, vector<16xi32>
          } else {
            %add3A_541 = arith.addf %cond3A_387#0, %get3A_393 : vector<16xf32>
            %add3A_542 = arith.addf %cond3A_387#1, %sub3A_402 : vector<16xf32>
            %add3A_543 = arith.addf %cond3A_387#2, %mul3A_409 : vector<16xf32>
            %add3A_544 = arith.addf %cond3A_387#3, %mul3A_411 : vector<16xf32>
            scf.yield %add3A_541, %add3A_542, %add3A_543, %add3A_544, %cond3A_387#4 : vector<16xf32>, vector<16xf32>, vector<16xf32>, vector<16xf32>, vector<16xi32>
          }
          %add3A_439 = arith.constant 48 : i32
          %add3A_440 = arith.addi %mul3A_271, %add3A_439 : i32
          %get3A_441 = arith.index_cast %add3A_440 : i32 to index
          %get3A_442 = tpu.vector_load %arg10[%get3A_441] {strides = array<i32>} : memref<2000xi32, #tpu.memory_space<vmem>>, vector<16xi32>,
          %get3A_443 = arith.index_cast %add3A_440 : i32 to index
          %get3A_444 = tpu.vector_load %arg12[%get3A_443] {strides = array<i32>} : memref<2000xf32, #tpu.memory_space<vmem>>, vector<16xf32>,
          %get3A_445 = arith.index_cast %add3A_440 : i32 to index
          %get3A_446 = tpu.vector_load %arg14[%get3A_445] {strides = array<i32>} : memref<2000xf32, #tpu.memory_space<vmem>>, vector<16xf32>,
          %get3A_447 = arith.index_cast %add3A_440 : i32 to index
          %get3A_448 = tpu.vector_load %arg16[%get3A_447] {strides = array<i32>} : memref<2000xf32, #tpu.memory_space<vmem>>, vector<16xf32>,
          %get3A_449 = arith.index_cast %add3A_440 : i32 to index
          %get3A_450 = tpu.vector_load %arg18[%get3A_449] {strides = array<i32>} : memref<2000xf32, #tpu.memory_space<vmem>>, vector<16xf32>,
          %get3A_451 = arith.index_cast %add3A_440 : i32 to index
          %get3A_452 = tpu.vector_load %arg20[%get3A_451] {strides = array<i32>} : memref<2000xf32, #tpu.memory_space<vmem>>, vector<16xf32>,
          %sub3A_453 = arith.subf %get3A_444, %get3A_446 : vector<16xf32>
          %sub3A_454 = arith.subf %get3A_450, %get3A_448 : vector<16xf32>
          %sub3A_455 = arith.constant 1.000000e+00 : f32
          %sub3A_456 = vector.broadcast %sub3A_455 : f32 to vector<16xf32>
          %sub3A_457 = arith.subf %sub3A_456, %get3A_448 : vector<16xf32>
          %sub3A_458 = arith.subf %get3A_452, %sub3A_457 : vector<16xf32>
          %mul3A_459 = arith.mulf %get3A_446, %sub3A_454 : vector<16xf32>
          %mul3A_460 = arith.mulf %mul3A_459, %sub3A_454 : vector<16xf32>
          %mul3A_461 = arith.mulf %sub3A_453, %sub3A_458 : vector<16xf32>
          %mul3A_462 = arith.mulf %mul3A_461, %sub3A_458 : vector<16xf32>
          %add3A_463 = arith.constant 1 : i32
          %add3A_464 = vector.broadcast %add3A_463 : i32 to vector<16xi32>
          %add3A_465 = arith.addi %iota3A, %add3A_464 : vector<16xi32>
          %min3A_466 = arith.constant 15 : i32
          %min3A_467 = vector.broadcast %min3A_466 : i32 to vector<16xi32>
          %min3A_468 = arith.minsi %add3A_465, %min3A_467 : vector<16xi32>
          %broadcast_in_dim3A_469 = vector.shape_cast %min3A_468 : vector<16xi32> to vector<16x1xi32>
          %gather3A_470 = vector.shape_cast %broadcast_in_dim3A_469 : vector<16x1xi32> to vector<16xi32>
          %gather3A_471 = tpu.dynamic_gather %get3A_442[%gather3A_470] in [0] : vector<16xi32>, vector<16xi32> -> vector<16xi32>
          %ne3A_472 = arith.cmpi ne, %get3A_442, %gather3A_471 : vector<16xi32>
          %ne3A_473 = arith.cmpi ne, %get3A_442, %cond3A_438#4 : vector<16xi32>
          %or3A_474 = arith.ori %ne3A_472, %ne3A_473 : vector<16xi1>
          %reduce_or3A_475 = arith.constant 1.000000e+00 : f32
          %reduce_or3A_476 = arith.constant 0.000000e+00 : f32
          %reduce_or3A_477 = vector.broadcast %reduce_or3A_475 : f32 to vector<16xf32>
          %reduce_or3A_478 = vector.broadcast %reduce_or3A_476 : f32 to vector<16xf32>
          %reduce_or3A_479 = arith.select %or3A_474, %reduce_or3A_477, %reduce_or3A_478 : vector<16xi1>, vector<16xf32>
          %reduce_or3A_480 = arith.constant true
          %reduce_or3A_481 = vector.broadcast %reduce_or3A_480 : i1 to vector<16xi1>
          %reduce_or3A_482 = tpu.scan <max>, %reduce_or3A_479 masked %reduce_or3A_481 : vector<16xf32>, vector<16xi1> -> vector<16xf32>
          %reduce_or3A_483 = vector.extract %reduce_or3A_482[15] : f32 from vector<16xf32>
          %reduce_or3A_484 = arith.constant 0.000000e+00 : f32
          %reduce_or3A_485 = arith.cmpf ogt, %reduce_or3A_483, %reduce_or3A_484 : f32
          %convert_element_type3A_486 = arith.extui %reduce_or3A_485 : i1 to i32
          %cond3A_487 = arith.constant 0 : i32
          %cond3A_488 = arith.cmpi ne, %convert_element_type3A_486, %cond3A_487 : i32
          %cond3A_489:5 = scf.if %cond3A_488 -> (vector<16xf32>, vector<16xf32>, vector<16xf32>, vector<16xf32>, vector<16xi32>) {
            %xor3A_541 = arith.constant 1 : i32
            %xor3A_542 = vector.broadcast %xor3A_541 : i32 to vector<16xi32>
            %xor3A_543 = arith.xori %iota3A, %xor3A_542 : vector<16xi32>
            %broadcast_in_dim3A_544 = vector.shape_cast %xor3A_543 : vector<16xi32> to vector<16x1xi32>
            %gather3A_545 = vector.shape_cast %broadcast_in_dim3A_544 : vector<16x1xi32> to vector<16xi32>
            %gather3A_546 = tpu.dynamic_gather %cond3A_438#0[%gather3A_545] in [0] : vector<16xf32>, vector<16xi32> -> vector<16xf32>
            %add3A_547 = arith.addf %cond3A_438#0, %gather3A_546 : vector<16xf32>
            %xor3A_548 = arith.constant 2 : i32
            %xor3A_549 = vector.broadcast %xor3A_548 : i32 to vector<16xi32>
            %xor3A_550 = arith.xori %iota3A, %xor3A_549 : vector<16xi32>
            %broadcast_in_dim3A_551 = vector.shape_cast %xor3A_550 : vector<16xi32> to vector<16x1xi32>
            %gather3A_552 = vector.shape_cast %broadcast_in_dim3A_551 : vector<16x1xi32> to vector<16xi32>
            %gather3A_553 = tpu.dynamic_gather %add3A_547[%gather3A_552] in [0] : vector<16xf32>, vector<16xi32> -> vector<16xf32>
            %add3A_554 = arith.addf %add3A_547, %gather3A_553 : vector<16xf32>
            %xor3A_555 = arith.constant 4 : i32
            %xor3A_556 = vector.broadcast %xor3A_555 : i32 to vector<16xi32>
            %xor3A_557 = arith.xori %iota3A, %xor3A_556 : vector<16xi32>
            %broadcast_in_dim3A_558 = vector.shape_cast %xor3A_557 : vector<16xi32> to vector<16x1xi32>
            %gather3A_559 = vector.shape_cast %broadcast_in_dim3A_558 : vector<16x1xi32> to vector<16xi32>
            %gather3A_560 = tpu.dynamic_gather %add3A_554[%gather3A_559] in [0] : vector<16xf32>, vector<16xi32> -> vector<16xf32>
            %add3A_561 = arith.addf %add3A_554, %gather3A_560 : vector<16xf32>
            %xor3A_562 = arith.constant 8 : i32
            %xor3A_563 = vector.broadcast %xor3A_562 : i32 to vector<16xi32>
            %xor3A_564 = arith.xori %iota3A, %xor3A_563 : vector<16xi32>
            %broadcast_in_dim3A_565 = vector.shape_cast %xor3A_564 : vector<16xi32> to vector<16x1xi32>
            %gather3A_566 = vector.shape_cast %broadcast_in_dim3A_565 : vector<16x1xi32> to vector<16xi32>
            %gather3A_567 = tpu.dynamic_gather %add3A_561[%gather3A_566] in [0] : vector<16xf32>, vector<16xi32> -> vector<16xf32>
            %add3A_568 = arith.addf %add3A_561, %gather3A_567 : vector<16xf32>
            tpu.vector_store_idx %arg21[%cond3A_438#4], %add3A_568 masked %eq3A_5 {add = true} : memref<4096xf32, #tpu.memory_space<vmem>>[vector<16xi32>], vector<16xf32>, vector<16xi1>
            %xor3A_569 = arith.constant 1 : i32
            %xor3A_570 = vector.broadcast %xor3A_569 : i32 to vector<16xi32>
            %xor3A_571 = arith.xori %iota3A, %xor3A_570 : vector<16xi32>
            %broadcast_in_dim3A_572 = vector.shape_cast %xor3A_571 : vector<16xi32> to vector<16x1xi32>
            %gather3A_573 = vector.shape_cast %broadcast_in_dim3A_572 : vector<16x1xi32> to vector<16xi32>
            %gather3A_574 = tpu.dynamic_gather %cond3A_438#1[%gather3A_573] in [0] : vector<16xf32>, vector<16xi32> -> vector<16xf32>
            %add3A_575 = arith.addf %cond3A_438#1, %gather3A_574 : vector<16xf32>
            %xor3A_576 = arith.constant 2 : i32
            %xor3A_577 = vector.broadcast %xor3A_576 : i32 to vector<16xi32>
            %xor3A_578 = arith.xori %iota3A, %xor3A_577 : vector<16xi32>
            %broadcast_in_dim3A_579 = vector.shape_cast %xor3A_578 : vector<16xi32> to vector<16x1xi32>
            %gather3A_580 = vector.shape_cast %broadcast_in_dim3A_579 : vector<16x1xi32> to vector<16xi32>
            %gather3A_581 = tpu.dynamic_gather %add3A_575[%gather3A_580] in [0] : vector<16xf32>, vector<16xi32> -> vector<16xf32>
            %add3A_582 = arith.addf %add3A_575, %gather3A_581 : vector<16xf32>
            %xor3A_583 = arith.constant 4 : i32
            %xor3A_584 = vector.broadcast %xor3A_583 : i32 to vector<16xi32>
            %xor3A_585 = arith.xori %iota3A, %xor3A_584 : vector<16xi32>
            %broadcast_in_dim3A_586 = vector.shape_cast %xor3A_585 : vector<16xi32> to vector<16x1xi32>
            %gather3A_587 = vector.shape_cast %broadcast_in_dim3A_586 : vector<16x1xi32> to vector<16xi32>
            %gather3A_588 = tpu.dynamic_gather %add3A_582[%gather3A_587] in [0] : vector<16xf32>, vector<16xi32> -> vector<16xf32>
            %add3A_589 = arith.addf %add3A_582, %gather3A_588 : vector<16xf32>
            %xor3A_590 = arith.constant 8 : i32
            %xor3A_591 = vector.broadcast %xor3A_590 : i32 to vector<16xi32>
            %xor3A_592 = arith.xori %iota3A, %xor3A_591 : vector<16xi32>
            %broadcast_in_dim3A_593 = vector.shape_cast %xor3A_592 : vector<16xi32> to vector<16x1xi32>
            %gather3A_594 = vector.shape_cast %broadcast_in_dim3A_593 : vector<16x1xi32> to vector<16xi32>
            %gather3A_595 = tpu.dynamic_gather %add3A_589[%gather3A_594] in [0] : vector<16xf32>, vector<16xi32> -> vector<16xf32>
            %add3A_596 = arith.addf %add3A_589, %gather3A_595 : vector<16xf32>
            tpu.vector_store_idx %arg22[%cond3A_438#4], %add3A_596 masked %eq3A_5 {add = true} : memref<4096xf32, #tpu.memory_space<vmem>>[vector<16xi32>], vector<16xf32>, vector<16xi1>
            %xor3A_597 = arith.constant 1 : i32
            %xor3A_598 = vector.broadcast %xor3A_597 : i32 to vector<16xi32>
            %xor3A_599 = arith.xori %iota3A, %xor3A_598 : vector<16xi32>
            %broadcast_in_dim3A_600 = vector.shape_cast %xor3A_599 : vector<16xi32> to vector<16x1xi32>
            %gather3A_601 = vector.shape_cast %broadcast_in_dim3A_600 : vector<16x1xi32> to vector<16xi32>
            %gather3A_602 = tpu.dynamic_gather %cond3A_438#2[%gather3A_601] in [0] : vector<16xf32>, vector<16xi32> -> vector<16xf32>
            %add3A_603 = arith.addf %cond3A_438#2, %gather3A_602 : vector<16xf32>
            %xor3A_604 = arith.constant 2 : i32
            %xor3A_605 = vector.broadcast %xor3A_604 : i32 to vector<16xi32>
            %xor3A_606 = arith.xori %iota3A, %xor3A_605 : vector<16xi32>
            %broadcast_in_dim3A_607 = vector.shape_cast %xor3A_606 : vector<16xi32> to vector<16x1xi32>
            %gather3A_608 = vector.shape_cast %broadcast_in_dim3A_607 : vector<16x1xi32> to vector<16xi32>
            %gather3A_609 = tpu.dynamic_gather %add3A_603[%gather3A_608] in [0] : vector<16xf32>, vector<16xi32> -> vector<16xf32>
            %add3A_610 = arith.addf %add3A_603, %gather3A_609 : vector<16xf32>
            %xor3A_611 = arith.constant 4 : i32
            %xor3A_612 = vector.broadcast %xor3A_611 : i32 to vector<16xi32>
            %xor3A_613 = arith.xori %iota3A, %xor3A_612 : vector<16xi32>
            %broadcast_in_dim3A_614 = vector.shape_cast %xor3A_613 : vector<16xi32> to vector<16x1xi32>
            %gather3A_615 = vector.shape_cast %broadcast_in_dim3A_614 : vector<16x1xi32> to vector<16xi32>
            %gather3A_616 = tpu.dynamic_gather %add3A_610[%gather3A_615] in [0] : vector<16xf32>, vector<16xi32> -> vector<16xf32>
            %add3A_617 = arith.addf %add3A_610, %gather3A_616 : vector<16xf32>
            %xor3A_618 = arith.constant 8 : i32
            %xor3A_619 = vector.broadcast %xor3A_618 : i32 to vector<16xi32>
            %xor3A_620 = arith.xori %iota3A, %xor3A_619 : vector<16xi32>
            %broadcast_in_dim3A_621 = vector.shape_cast %xor3A_620 : vector<16xi32> to vector<16x1xi32>
            %gather3A_622 = vector.shape_cast %broadcast_in_dim3A_621 : vector<16x1xi32> to vector<16xi32>
            %gather3A_623 = tpu.dynamic_gather %add3A_617[%gather3A_622] in [0] : vector<16xf32>, vector<16xi32> -> vector<16xf32>
            %add3A_624 = arith.addf %add3A_617, %gather3A_623 : vector<16xf32>
            tpu.vector_store_idx %arg23[%cond3A_438#4], %add3A_624 masked %eq3A_5 {add = true} : memref<4096xf32, #tpu.memory_space<vmem>>[vector<16xi32>], vector<16xf32>, vector<16xi1>
            %xor3A_625 = arith.constant 1 : i32
            %xor3A_626 = vector.broadcast %xor3A_625 : i32 to vector<16xi32>
            %xor3A_627 = arith.xori %iota3A, %xor3A_626 : vector<16xi32>
            %broadcast_in_dim3A_628 = vector.shape_cast %xor3A_627 : vector<16xi32> to vector<16x1xi32>
            %gather3A_629 = vector.shape_cast %broadcast_in_dim3A_628 : vector<16x1xi32> to vector<16xi32>
            %gather3A_630 = tpu.dynamic_gather %cond3A_438#3[%gather3A_629] in [0] : vector<16xf32>, vector<16xi32> -> vector<16xf32>
            %add3A_631 = arith.addf %cond3A_438#3, %gather3A_630 : vector<16xf32>
            %xor3A_632 = arith.constant 2 : i32
            %xor3A_633 = vector.broadcast %xor3A_632 : i32 to vector<16xi32>
            %xor3A_634 = arith.xori %iota3A, %xor3A_633 : vector<16xi32>
            %broadcast_in_dim3A_635 = vector.shape_cast %xor3A_634 : vector<16xi32> to vector<16x1xi32>
            %gather3A_636 = vector.shape_cast %broadcast_in_dim3A_635 : vector<16x1xi32> to vector<16xi32>
            %gather3A_637 = tpu.dynamic_gather %add3A_631[%gather3A_636] in [0] : vector<16xf32>, vector<16xi32> -> vector<16xf32>
            %add3A_638 = arith.addf %add3A_631, %gather3A_637 : vector<16xf32>
            %xor3A_639 = arith.constant 4 : i32
            %xor3A_640 = vector.broadcast %xor3A_639 : i32 to vector<16xi32>
            %xor3A_641 = arith.xori %iota3A, %xor3A_640 : vector<16xi32>
            %broadcast_in_dim3A_642 = vector.shape_cast %xor3A_641 : vector<16xi32> to vector<16x1xi32>
            %gather3A_643 = vector.shape_cast %broadcast_in_dim3A_642 : vector<16x1xi32> to vector<16xi32>
            %gather3A_644 = tpu.dynamic_gather %add3A_638[%gather3A_643] in [0] : vector<16xf32>, vector<16xi32> -> vector<16xf32>
            %add3A_645 = arith.addf %add3A_638, %gather3A_644 : vector<16xf32>
            %xor3A_646 = arith.constant 8 : i32
            %xor3A_647 = vector.broadcast %xor3A_646 : i32 to vector<16xi32>
            %xor3A_648 = arith.xori %iota3A, %xor3A_647 : vector<16xi32>
            %broadcast_in_dim3A_649 = vector.shape_cast %xor3A_648 : vector<16xi32> to vector<16x1xi32>
            %gather3A_650 = vector.shape_cast %broadcast_in_dim3A_649 : vector<16x1xi32> to vector<16xi32>
            %gather3A_651 = tpu.dynamic_gather %add3A_645[%gather3A_650] in [0] : vector<16xf32>, vector<16xi32> -> vector<16xf32>
            %add3A_652 = arith.addf %add3A_645, %gather3A_651 : vector<16xf32>
            tpu.vector_store_idx %arg24[%cond3A_438#4], %add3A_652 masked %eq3A_5 {add = true} : memref<4096xf32, #tpu.memory_space<vmem>>[vector<16xi32>], vector<16xf32>, vector<16xi1>
            %eq3A_653 = arith.constant 15 : i32
            %eq3A_654 = vector.broadcast %eq3A_653 : i32 to vector<16xi32>
            %eq3A_655 = arith.cmpi eq, %iota3A, %eq3A_654 : vector<16xi32>
            %or3A_656 = arith.ori %ne3A_472, %eq3A_655 : vector<16xi1>
            %broadcast_in_dim3A_657 = arith.constant true
            %broadcast_in_dim3A_658 = vector.broadcast %broadcast_in_dim3A_657 : i1 to vector<16xi1>
            %masked_cumsum3A = tpu.scan <sum>, %get3A_444 masked %broadcast_in_dim3A_658 : vector<16xf32>, vector<16xi1> -> vector<16xf32>
            %broadcast_in_dim3A_659 = arith.constant true
            %broadcast_in_dim3A_660 = vector.broadcast %broadcast_in_dim3A_659 : i1 to vector<16xi1>
            %masked_cumsum3A_661 = tpu.scan <sum>, %sub3A_453 masked %broadcast_in_dim3A_660 : vector<16xf32>, vector<16xi1> -> vector<16xf32>
            %broadcast_in_dim3A_662 = arith.constant true
            %broadcast_in_dim3A_663 = vector.broadcast %broadcast_in_dim3A_662 : i1 to vector<16xi1>
            %masked_cumsum3A_664 = tpu.scan <sum>, %mul3A_460 masked %broadcast_in_dim3A_663 : vector<16xf32>, vector<16xi1> -> vector<16xf32>
            %broadcast_in_dim3A_665 = arith.constant true
            %broadcast_in_dim3A_666 = vector.broadcast %broadcast_in_dim3A_665 : i1 to vector<16xi1>
            %masked_cumsum3A_667 = tpu.scan <sum>, %mul3A_462 masked %broadcast_in_dim3A_666 : vector<16xf32>, vector<16xi1> -> vector<16xf32>
            tpu.vector_store_idx %arg21[%get3A_442], %masked_cumsum3A masked %or3A_656 {add = true} : memref<4096xf32, #tpu.memory_space<vmem>>[vector<16xi32>], vector<16xf32>, vector<16xi1>
            tpu.vector_store_idx %arg22[%get3A_442], %masked_cumsum3A_661 masked %or3A_656 {add = true} : memref<4096xf32, #tpu.memory_space<vmem>>[vector<16xi32>], vector<16xf32>, vector<16xi1>
            tpu.vector_store_idx %arg23[%get3A_442], %masked_cumsum3A_664 masked %or3A_656 {add = true} : memref<4096xf32, #tpu.memory_space<vmem>>[vector<16xi32>], vector<16xf32>, vector<16xi1>
            tpu.vector_store_idx %arg24[%get3A_442], %masked_cumsum3A_667 masked %or3A_656 {add = true} : memref<4096xf32, #tpu.memory_space<vmem>>[vector<16xi32>], vector<16xf32>, vector<16xi1>
            %neg3A = arith.constant 0.000000e+00 : f32
            %neg3A_668 = vector.broadcast %neg3A : f32 to vector<16xf32>
            %neg3A_669 = arith.subf %neg3A_668, %masked_cumsum3A : vector<16xf32>
            tpu.vector_store_idx %arg21[%gather3A_471], %neg3A_669 masked %ne3A_472 {add = true} : memref<4096xf32, #tpu.memory_space<vmem>>[vector<16xi32>], vector<16xf32>, vector<16xi1>
            %neg3A_670 = arith.constant 0.000000e+00 : f32
            %neg3A_671 = vector.broadcast %neg3A_670 : f32 to vector<16xf32>
            %neg3A_672 = arith.subf %neg3A_671, %masked_cumsum3A_661 : vector<16xf32>
            tpu.vector_store_idx %arg22[%gather3A_471], %neg3A_672 masked %ne3A_472 {add = true} : memref<4096xf32, #tpu.memory_space<vmem>>[vector<16xi32>], vector<16xf32>, vector<16xi1>
            %neg3A_673 = arith.constant 0.000000e+00 : f32
            %neg3A_674 = vector.broadcast %neg3A_673 : f32 to vector<16xf32>
            %neg3A_675 = arith.subf %neg3A_674, %masked_cumsum3A_664 : vector<16xf32>
            tpu.vector_store_idx %arg23[%gather3A_471], %neg3A_675 masked %ne3A_472 {add = true} : memref<4096xf32, #tpu.memory_space<vmem>>[vector<16xi32>], vector<16xf32>, vector<16xi1>
            %neg3A_676 = arith.constant 0.000000e+00 : f32
            %neg3A_677 = vector.broadcast %neg3A_676 : f32 to vector<16xf32>
            %neg3A_678 = arith.subf %neg3A_677, %masked_cumsum3A_667 : vector<16xf32>
            tpu.vector_store_idx %arg24[%gather3A_471], %neg3A_678 masked %ne3A_472 {add = true} : memref<4096xf32, #tpu.memory_space<vmem>>[vector<16xi32>], vector<16xf32>, vector<16xi1>
            %broadcast_in_dim3A_679 = vector.shape_cast %add3A_10 : vector<16xi32> to vector<16x1xi32>
            %gather3A_680 = vector.shape_cast %broadcast_in_dim3A_679 : vector<16x1xi32> to vector<16xi32>
            %gather3A_681 = tpu.dynamic_gather %get3A_442[%gather3A_680] in [0] : vector<16xi32>, vector<16xi32> -> vector<16xi32>
            scf.yield %broadcast_in_dim3A_3, %broadcast_in_dim3A_3, %broadcast_in_dim3A_3, %broadcast_in_dim3A_3, %gather3A_681 : vector<16xf32>, vector<16xf32>, vector<16xf32>, vector<16xf32>, vector<16xi32>
          } else {
            %add3A_541 = arith.addf %cond3A_438#0, %get3A_444 : vector<16xf32>
            %add3A_542 = arith.addf %cond3A_438#1, %sub3A_453 : vector<16xf32>
            %add3A_543 = arith.addf %cond3A_438#2, %mul3A_460 : vector<16xf32>
            %add3A_544 = arith.addf %cond3A_438#3, %mul3A_462 : vector<16xf32>
            scf.yield %add3A_541, %add3A_542, %add3A_543, %add3A_544, %cond3A_438#4 : vector<16xf32>, vector<16xf32>, vector<16xf32>, vector<16xf32>, vector<16xi32>
          }
          %add3A_490 = arith.constant 64 : i32
          %add3A_491 = arith.addi %mul3A_271, %add3A_490 : i32
          %get3A_492 = arith.index_cast %add3A_491 : i32 to index
          %get3A_493 = tpu.vector_load %arg10[%get3A_492] {strides = array<i32>} : memref<2000xi32, #tpu.memory_space<vmem>>, vector<16xi32>,
          %get3A_494 = arith.index_cast %add3A_491 : i32 to index
          %get3A_495 = tpu.vector_load %arg12[%get3A_494] {strides = array<i32>} : memref<2000xf32, #tpu.memory_space<vmem>>, vector<16xf32>,
          %get3A_496 = arith.index_cast %add3A_491 : i32 to index
          %get3A_497 = tpu.vector_load %arg14[%get3A_496] {strides = array<i32>} : memref<2000xf32, #tpu.memory_space<vmem>>, vector<16xf32>,
          %get3A_498 = arith.index_cast %add3A_491 : i32 to index
          %get3A_499 = tpu.vector_load %arg16[%get3A_498] {strides = array<i32>} : memref<2000xf32, #tpu.memory_space<vmem>>, vector<16xf32>,
          %get3A_500 = arith.index_cast %add3A_491 : i32 to index
          %get3A_501 = tpu.vector_load %arg18[%get3A_500] {strides = array<i32>} : memref<2000xf32, #tpu.memory_space<vmem>>, vector<16xf32>,
          %get3A_502 = arith.index_cast %add3A_491 : i32 to index
          %get3A_503 = tpu.vector_load %arg20[%get3A_502] {strides = array<i32>} : memref<2000xf32, #tpu.memory_space<vmem>>, vector<16xf32>,
          %sub3A_504 = arith.subf %get3A_495, %get3A_497 : vector<16xf32>
          %sub3A_505 = arith.subf %get3A_501, %get3A_499 : vector<16xf32>
          %sub3A_506 = arith.constant 1.000000e+00 : f32
          %sub3A_507 = vector.broadcast %sub3A_506 : f32 to vector<16xf32>
          %sub3A_508 = arith.subf %sub3A_507, %get3A_499 : vector<16xf32>
          %sub3A_509 = arith.subf %get3A_503, %sub3A_508 : vector<16xf32>
          %mul3A_510 = arith.mulf %get3A_497, %sub3A_505 : vector<16xf32>
          %mul3A_511 = arith.mulf %mul3A_510, %sub3A_505 : vector<16xf32>
          %mul3A_512 = arith.mulf %sub3A_504, %sub3A_509 : vector<16xf32>
          %mul3A_513 = arith.mulf %mul3A_512, %sub3A_509 : vector<16xf32>
          %add3A_514 = arith.constant 1 : i32
          %add3A_515 = vector.broadcast %add3A_514 : i32 to vector<16xi32>
          %add3A_516 = arith.addi %iota3A, %add3A_515 : vector<16xi32>
          %min3A_517 = arith.constant 15 : i32
          %min3A_518 = vector.broadcast %min3A_517 : i32 to vector<16xi32>
          %min3A_519 = arith.minsi %add3A_516, %min3A_518 : vector<16xi32>
          %broadcast_in_dim3A_520 = vector.shape_cast %min3A_519 : vector<16xi32> to vector<16x1xi32>
          %gather3A_521 = vector.shape_cast %broadcast_in_dim3A_520 : vector<16x1xi32> to vector<16xi32>
          %gather3A_522 = tpu.dynamic_gather %get3A_493[%gather3A_521] in [0] : vector<16xi32>, vector<16xi32> -> vector<16xi32>
          %ne3A_523 = arith.cmpi ne, %get3A_493, %gather3A_522 : vector<16xi32>
          %ne3A_524 = arith.cmpi ne, %get3A_493, %cond3A_489#4 : vector<16xi32>
          %or3A_525 = arith.ori %ne3A_523, %ne3A_524 : vector<16xi1>
          %reduce_or3A_526 = arith.constant 1.000000e+00 : f32
          %reduce_or3A_527 = arith.constant 0.000000e+00 : f32
          %reduce_or3A_528 = vector.broadcast %reduce_or3A_526 : f32 to vector<16xf32>
          %reduce_or3A_529 = vector.broadcast %reduce_or3A_527 : f32 to vector<16xf32>
          %reduce_or3A_530 = arith.select %or3A_525, %reduce_or3A_528, %reduce_or3A_529 : vector<16xi1>, vector<16xf32>
          %reduce_or3A_531 = arith.constant true
          %reduce_or3A_532 = vector.broadcast %reduce_or3A_531 : i1 to vector<16xi1>
          %reduce_or3A_533 = tpu.scan <max>, %reduce_or3A_530 masked %reduce_or3A_532 : vector<16xf32>, vector<16xi1> -> vector<16xf32>
          %reduce_or3A_534 = vector.extract %reduce_or3A_533[15] : f32 from vector<16xf32>
          %reduce_or3A_535 = arith.constant 0.000000e+00 : f32
          %reduce_or3A_536 = arith.cmpf ogt, %reduce_or3A_534, %reduce_or3A_535 : f32
          %convert_element_type3A_537 = arith.extui %reduce_or3A_536 : i1 to i32
          %cond3A_538 = arith.constant 0 : i32
          %cond3A_539 = arith.cmpi ne, %convert_element_type3A_537, %cond3A_538 : i32
          %cond3A_540:5 = scf.if %cond3A_539 -> (vector<16xf32>, vector<16xf32>, vector<16xf32>, vector<16xf32>, vector<16xi32>) {
            %xor3A_541 = arith.constant 1 : i32
            %xor3A_542 = vector.broadcast %xor3A_541 : i32 to vector<16xi32>
            %xor3A_543 = arith.xori %iota3A, %xor3A_542 : vector<16xi32>
            %broadcast_in_dim3A_544 = vector.shape_cast %xor3A_543 : vector<16xi32> to vector<16x1xi32>
            %gather3A_545 = vector.shape_cast %broadcast_in_dim3A_544 : vector<16x1xi32> to vector<16xi32>
            %gather3A_546 = tpu.dynamic_gather %cond3A_489#0[%gather3A_545] in [0] : vector<16xf32>, vector<16xi32> -> vector<16xf32>
            %add3A_547 = arith.addf %cond3A_489#0, %gather3A_546 : vector<16xf32>
            %xor3A_548 = arith.constant 2 : i32
            %xor3A_549 = vector.broadcast %xor3A_548 : i32 to vector<16xi32>
            %xor3A_550 = arith.xori %iota3A, %xor3A_549 : vector<16xi32>
            %broadcast_in_dim3A_551 = vector.shape_cast %xor3A_550 : vector<16xi32> to vector<16x1xi32>
            %gather3A_552 = vector.shape_cast %broadcast_in_dim3A_551 : vector<16x1xi32> to vector<16xi32>
            %gather3A_553 = tpu.dynamic_gather %add3A_547[%gather3A_552] in [0] : vector<16xf32>, vector<16xi32> -> vector<16xf32>
            %add3A_554 = arith.addf %add3A_547, %gather3A_553 : vector<16xf32>
            %xor3A_555 = arith.constant 4 : i32
            %xor3A_556 = vector.broadcast %xor3A_555 : i32 to vector<16xi32>
            %xor3A_557 = arith.xori %iota3A, %xor3A_556 : vector<16xi32>
            %broadcast_in_dim3A_558 = vector.shape_cast %xor3A_557 : vector<16xi32> to vector<16x1xi32>
            %gather3A_559 = vector.shape_cast %broadcast_in_dim3A_558 : vector<16x1xi32> to vector<16xi32>
            %gather3A_560 = tpu.dynamic_gather %add3A_554[%gather3A_559] in [0] : vector<16xf32>, vector<16xi32> -> vector<16xf32>
            %add3A_561 = arith.addf %add3A_554, %gather3A_560 : vector<16xf32>
            %xor3A_562 = arith.constant 8 : i32
            %xor3A_563 = vector.broadcast %xor3A_562 : i32 to vector<16xi32>
            %xor3A_564 = arith.xori %iota3A, %xor3A_563 : vector<16xi32>
            %broadcast_in_dim3A_565 = vector.shape_cast %xor3A_564 : vector<16xi32> to vector<16x1xi32>
            %gather3A_566 = vector.shape_cast %broadcast_in_dim3A_565 : vector<16x1xi32> to vector<16xi32>
            %gather3A_567 = tpu.dynamic_gather %add3A_561[%gather3A_566] in [0] : vector<16xf32>, vector<16xi32> -> vector<16xf32>
            %add3A_568 = arith.addf %add3A_561, %gather3A_567 : vector<16xf32>
            tpu.vector_store_idx %arg21[%cond3A_489#4], %add3A_568 masked %eq3A_5 {add = true} : memref<4096xf32, #tpu.memory_space<vmem>>[vector<16xi32>], vector<16xf32>, vector<16xi1>
            %xor3A_569 = arith.constant 1 : i32
            %xor3A_570 = vector.broadcast %xor3A_569 : i32 to vector<16xi32>
            %xor3A_571 = arith.xori %iota3A, %xor3A_570 : vector<16xi32>
            %broadcast_in_dim3A_572 = vector.shape_cast %xor3A_571 : vector<16xi32> to vector<16x1xi32>
            %gather3A_573 = vector.shape_cast %broadcast_in_dim3A_572 : vector<16x1xi32> to vector<16xi32>
            %gather3A_574 = tpu.dynamic_gather %cond3A_489#1[%gather3A_573] in [0] : vector<16xf32>, vector<16xi32> -> vector<16xf32>
            %add3A_575 = arith.addf %cond3A_489#1, %gather3A_574 : vector<16xf32>
            %xor3A_576 = arith.constant 2 : i32
            %xor3A_577 = vector.broadcast %xor3A_576 : i32 to vector<16xi32>
            %xor3A_578 = arith.xori %iota3A, %xor3A_577 : vector<16xi32>
            %broadcast_in_dim3A_579 = vector.shape_cast %xor3A_578 : vector<16xi32> to vector<16x1xi32>
            %gather3A_580 = vector.shape_cast %broadcast_in_dim3A_579 : vector<16x1xi32> to vector<16xi32>
            %gather3A_581 = tpu.dynamic_gather %add3A_575[%gather3A_580] in [0] : vector<16xf32>, vector<16xi32> -> vector<16xf32>
            %add3A_582 = arith.addf %add3A_575, %gather3A_581 : vector<16xf32>
            %xor3A_583 = arith.constant 4 : i32
            %xor3A_584 = vector.broadcast %xor3A_583 : i32 to vector<16xi32>
            %xor3A_585 = arith.xori %iota3A, %xor3A_584 : vector<16xi32>
            %broadcast_in_dim3A_586 = vector.shape_cast %xor3A_585 : vector<16xi32> to vector<16x1xi32>
            %gather3A_587 = vector.shape_cast %broadcast_in_dim3A_586 : vector<16x1xi32> to vector<16xi32>
            %gather3A_588 = tpu.dynamic_gather %add3A_582[%gather3A_587] in [0] : vector<16xf32>, vector<16xi32> -> vector<16xf32>
            %add3A_589 = arith.addf %add3A_582, %gather3A_588 : vector<16xf32>
            %xor3A_590 = arith.constant 8 : i32
            %xor3A_591 = vector.broadcast %xor3A_590 : i32 to vector<16xi32>
            %xor3A_592 = arith.xori %iota3A, %xor3A_591 : vector<16xi32>
            %broadcast_in_dim3A_593 = vector.shape_cast %xor3A_592 : vector<16xi32> to vector<16x1xi32>
            %gather3A_594 = vector.shape_cast %broadcast_in_dim3A_593 : vector<16x1xi32> to vector<16xi32>
            %gather3A_595 = tpu.dynamic_gather %add3A_589[%gather3A_594] in [0] : vector<16xf32>, vector<16xi32> -> vector<16xf32>
            %add3A_596 = arith.addf %add3A_589, %gather3A_595 : vector<16xf32>
            tpu.vector_store_idx %arg22[%cond3A_489#4], %add3A_596 masked %eq3A_5 {add = true} : memref<4096xf32, #tpu.memory_space<vmem>>[vector<16xi32>], vector<16xf32>, vector<16xi1>
            %xor3A_597 = arith.constant 1 : i32
            %xor3A_598 = vector.broadcast %xor3A_597 : i32 to vector<16xi32>
            %xor3A_599 = arith.xori %iota3A, %xor3A_598 : vector<16xi32>
            %broadcast_in_dim3A_600 = vector.shape_cast %xor3A_599 : vector<16xi32> to vector<16x1xi32>
            %gather3A_601 = vector.shape_cast %broadcast_in_dim3A_600 : vector<16x1xi32> to vector<16xi32>
            %gather3A_602 = tpu.dynamic_gather %cond3A_489#2[%gather3A_601] in [0] : vector<16xf32>, vector<16xi32> -> vector<16xf32>
            %add3A_603 = arith.addf %cond3A_489#2, %gather3A_602 : vector<16xf32>
            %xor3A_604 = arith.constant 2 : i32
            %xor3A_605 = vector.broadcast %xor3A_604 : i32 to vector<16xi32>
            %xor3A_606 = arith.xori %iota3A, %xor3A_605 : vector<16xi32>
            %broadcast_in_dim3A_607 = vector.shape_cast %xor3A_606 : vector<16xi32> to vector<16x1xi32>
            %gather3A_608 = vector.shape_cast %broadcast_in_dim3A_607 : vector<16x1xi32> to vector<16xi32>
            %gather3A_609 = tpu.dynamic_gather %add3A_603[%gather3A_608] in [0] : vector<16xf32>, vector<16xi32> -> vector<16xf32>
            %add3A_610 = arith.addf %add3A_603, %gather3A_609 : vector<16xf32>
            %xor3A_611 = arith.constant 4 : i32
            %xor3A_612 = vector.broadcast %xor3A_611 : i32 to vector<16xi32>
            %xor3A_613 = arith.xori %iota3A, %xor3A_612 : vector<16xi32>
            %broadcast_in_dim3A_614 = vector.shape_cast %xor3A_613 : vector<16xi32> to vector<16x1xi32>
            %gather3A_615 = vector.shape_cast %broadcast_in_dim3A_614 : vector<16x1xi32> to vector<16xi32>
            %gather3A_616 = tpu.dynamic_gather %add3A_610[%gather3A_615] in [0] : vector<16xf32>, vector<16xi32> -> vector<16xf32>
            %add3A_617 = arith.addf %add3A_610, %gather3A_616 : vector<16xf32>
            %xor3A_618 = arith.constant 8 : i32
            %xor3A_619 = vector.broadcast %xor3A_618 : i32 to vector<16xi32>
            %xor3A_620 = arith.xori %iota3A, %xor3A_619 : vector<16xi32>
            %broadcast_in_dim3A_621 = vector.shape_cast %xor3A_620 : vector<16xi32> to vector<16x1xi32>
            %gather3A_622 = vector.shape_cast %broadcast_in_dim3A_621 : vector<16x1xi32> to vector<16xi32>
            %gather3A_623 = tpu.dynamic_gather %add3A_617[%gather3A_622] in [0] : vector<16xf32>, vector<16xi32> -> vector<16xf32>
            %add3A_624 = arith.addf %add3A_617, %gather3A_623 : vector<16xf32>
            tpu.vector_store_idx %arg23[%cond3A_489#4], %add3A_624 masked %eq3A_5 {add = true} : memref<4096xf32, #tpu.memory_space<vmem>>[vector<16xi32>], vector<16xf32>, vector<16xi1>
            %xor3A_625 = arith.constant 1 : i32
            %xor3A_626 = vector.broadcast %xor3A_625 : i32 to vector<16xi32>
            %xor3A_627 = arith.xori %iota3A, %xor3A_626 : vector<16xi32>
            %broadcast_in_dim3A_628 = vector.shape_cast %xor3A_627 : vector<16xi32> to vector<16x1xi32>
            %gather3A_629 = vector.shape_cast %broadcast_in_dim3A_628 : vector<16x1xi32> to vector<16xi32>
            %gather3A_630 = tpu.dynamic_gather %cond3A_489#3[%gather3A_629] in [0] : vector<16xf32>, vector<16xi32> -> vector<16xf32>
            %add3A_631 = arith.addf %cond3A_489#3, %gather3A_630 : vector<16xf32>
            %xor3A_632 = arith.constant 2 : i32
            %xor3A_633 = vector.broadcast %xor3A_632 : i32 to vector<16xi32>
            %xor3A_634 = arith.xori %iota3A, %xor3A_633 : vector<16xi32>
            %broadcast_in_dim3A_635 = vector.shape_cast %xor3A_634 : vector<16xi32> to vector<16x1xi32>
            %gather3A_636 = vector.shape_cast %broadcast_in_dim3A_635 : vector<16x1xi32> to vector<16xi32>
            %gather3A_637 = tpu.dynamic_gather %add3A_631[%gather3A_636] in [0] : vector<16xf32>, vector<16xi32> -> vector<16xf32>
            %add3A_638 = arith.addf %add3A_631, %gather3A_637 : vector<16xf32>
            %xor3A_639 = arith.constant 4 : i32
            %xor3A_640 = vector.broadcast %xor3A_639 : i32 to vector<16xi32>
            %xor3A_641 = arith.xori %iota3A, %xor3A_640 : vector<16xi32>
            %broadcast_in_dim3A_642 = vector.shape_cast %xor3A_641 : vector<16xi32> to vector<16x1xi32>
            %gather3A_643 = vector.shape_cast %broadcast_in_dim3A_642 : vector<16x1xi32> to vector<16xi32>
            %gather3A_644 = tpu.dynamic_gather %add3A_638[%gather3A_643] in [0] : vector<16xf32>, vector<16xi32> -> vector<16xf32>
            %add3A_645 = arith.addf %add3A_638, %gather3A_644 : vector<16xf32>
            %xor3A_646 = arith.constant 8 : i32
            %xor3A_647 = vector.broadcast %xor3A_646 : i32 to vector<16xi32>
            %xor3A_648 = arith.xori %iota3A, %xor3A_647 : vector<16xi32>
            %broadcast_in_dim3A_649 = vector.shape_cast %xor3A_648 : vector<16xi32> to vector<16x1xi32>
            %gather3A_650 = vector.shape_cast %broadcast_in_dim3A_649 : vector<16x1xi32> to vector<16xi32>
            %gather3A_651 = tpu.dynamic_gather %add3A_645[%gather3A_650] in [0] : vector<16xf32>, vector<16xi32> -> vector<16xf32>
            %add3A_652 = arith.addf %add3A_645, %gather3A_651 : vector<16xf32>
            tpu.vector_store_idx %arg24[%cond3A_489#4], %add3A_652 masked %eq3A_5 {add = true} : memref<4096xf32, #tpu.memory_space<vmem>>[vector<16xi32>], vector<16xf32>, vector<16xi1>
            %eq3A_653 = arith.constant 15 : i32
            %eq3A_654 = vector.broadcast %eq3A_653 : i32 to vector<16xi32>
            %eq3A_655 = arith.cmpi eq, %iota3A, %eq3A_654 : vector<16xi32>
            %or3A_656 = arith.ori %ne3A_523, %eq3A_655 : vector<16xi1>
            %broadcast_in_dim3A_657 = arith.constant true
            %broadcast_in_dim3A_658 = vector.broadcast %broadcast_in_dim3A_657 : i1 to vector<16xi1>
            %masked_cumsum3A = tpu.scan <sum>, %get3A_495 masked %broadcast_in_dim3A_658 : vector<16xf32>, vector<16xi1> -> vector<16xf32>
            %broadcast_in_dim3A_659 = arith.constant true
            %broadcast_in_dim3A_660 = vector.broadcast %broadcast_in_dim3A_659 : i1 to vector<16xi1>
            %masked_cumsum3A_661 = tpu.scan <sum>, %sub3A_504 masked %broadcast_in_dim3A_660 : vector<16xf32>, vector<16xi1> -> vector<16xf32>
            %broadcast_in_dim3A_662 = arith.constant true
            %broadcast_in_dim3A_663 = vector.broadcast %broadcast_in_dim3A_662 : i1 to vector<16xi1>
            %masked_cumsum3A_664 = tpu.scan <sum>, %mul3A_511 masked %broadcast_in_dim3A_663 : vector<16xf32>, vector<16xi1> -> vector<16xf32>
            %broadcast_in_dim3A_665 = arith.constant true
            %broadcast_in_dim3A_666 = vector.broadcast %broadcast_in_dim3A_665 : i1 to vector<16xi1>
            %masked_cumsum3A_667 = tpu.scan <sum>, %mul3A_513 masked %broadcast_in_dim3A_666 : vector<16xf32>, vector<16xi1> -> vector<16xf32>
            tpu.vector_store_idx %arg21[%get3A_493], %masked_cumsum3A masked %or3A_656 {add = true} : memref<4096xf32, #tpu.memory_space<vmem>>[vector<16xi32>], vector<16xf32>, vector<16xi1>
            tpu.vector_store_idx %arg22[%get3A_493], %masked_cumsum3A_661 masked %or3A_656 {add = true} : memref<4096xf32, #tpu.memory_space<vmem>>[vector<16xi32>], vector<16xf32>, vector<16xi1>
            tpu.vector_store_idx %arg23[%get3A_493], %masked_cumsum3A_664 masked %or3A_656 {add = true} : memref<4096xf32, #tpu.memory_space<vmem>>[vector<16xi32>], vector<16xf32>, vector<16xi1>
            tpu.vector_store_idx %arg24[%get3A_493], %masked_cumsum3A_667 masked %or3A_656 {add = true} : memref<4096xf32, #tpu.memory_space<vmem>>[vector<16xi32>], vector<16xf32>, vector<16xi1>
            %neg3A = arith.constant 0.000000e+00 : f32
            %neg3A_668 = vector.broadcast %neg3A : f32 to vector<16xf32>
            %neg3A_669 = arith.subf %neg3A_668, %masked_cumsum3A : vector<16xf32>
            tpu.vector_store_idx %arg21[%gather3A_522], %neg3A_669 masked %ne3A_523 {add = true} : memref<4096xf32, #tpu.memory_space<vmem>>[vector<16xi32>], vector<16xf32>, vector<16xi1>
            %neg3A_670 = arith.constant 0.000000e+00 : f32
            %neg3A_671 = vector.broadcast %neg3A_670 : f32 to vector<16xf32>
            %neg3A_672 = arith.subf %neg3A_671, %masked_cumsum3A_661 : vector<16xf32>
            tpu.vector_store_idx %arg22[%gather3A_522], %neg3A_672 masked %ne3A_523 {add = true} : memref<4096xf32, #tpu.memory_space<vmem>>[vector<16xi32>], vector<16xf32>, vector<16xi1>
            %neg3A_673 = arith.constant 0.000000e+00 : f32
            %neg3A_674 = vector.broadcast %neg3A_673 : f32 to vector<16xf32>
            %neg3A_675 = arith.subf %neg3A_674, %masked_cumsum3A_664 : vector<16xf32>
            tpu.vector_store_idx %arg23[%gather3A_522], %neg3A_675 masked %ne3A_523 {add = true} : memref<4096xf32, #tpu.memory_space<vmem>>[vector<16xi32>], vector<16xf32>, vector<16xi1>
            %neg3A_676 = arith.constant 0.000000e+00 : f32
            %neg3A_677 = vector.broadcast %neg3A_676 : f32 to vector<16xf32>
            %neg3A_678 = arith.subf %neg3A_677, %masked_cumsum3A_667 : vector<16xf32>
            tpu.vector_store_idx %arg24[%gather3A_522], %neg3A_678 masked %ne3A_523 {add = true} : memref<4096xf32, #tpu.memory_space<vmem>>[vector<16xi32>], vector<16xf32>, vector<16xi1>
            %broadcast_in_dim3A_679 = vector.shape_cast %add3A_10 : vector<16xi32> to vector<16x1xi32>
            %gather3A_680 = vector.shape_cast %broadcast_in_dim3A_679 : vector<16x1xi32> to vector<16xi32>
            %gather3A_681 = tpu.dynamic_gather %get3A_493[%gather3A_680] in [0] : vector<16xi32>, vector<16xi32> -> vector<16xi32>
            scf.yield %broadcast_in_dim3A_3, %broadcast_in_dim3A_3, %broadcast_in_dim3A_3, %broadcast_in_dim3A_3, %gather3A_681 : vector<16xf32>, vector<16xf32>, vector<16xf32>, vector<16xf32>, vector<16xi32>
          } else {
            %add3A_541 = arith.addf %cond3A_489#0, %get3A_495 : vector<16xf32>
            %add3A_542 = arith.addf %cond3A_489#1, %sub3A_504 : vector<16xf32>
            %add3A_543 = arith.addf %cond3A_489#2, %mul3A_511 : vector<16xf32>
            %add3A_544 = arith.addf %cond3A_489#3, %mul3A_513 : vector<16xf32>
            scf.yield %add3A_541, %add3A_542, %add3A_543, %add3A_544, %cond3A_489#4 : vector<16xf32>, vector<16xf32>, vector<16xf32>, vector<16xf32>, vector<16xi32>
          }
          scf.yield %cond3A_540#0, %cond3A_540#1, %cond3A_540#2, %cond3A_540#3, %cond3A_540#4 : vector<16xf32>, vector<16xf32>, vector<16xf32>, vector<16xf32>, vector<16xi32>
        } else {
          %add3A_289 = arith.constant 0 : i32
          %add3A_290 = arith.addi %mul3A_271, %add3A_289 : i32
          %get3A_291 = arith.index_cast %add3A_290 : i32 to index
          %get3A_292 = tpu.vector_load %arg12[%get3A_291] {strides = array<i32>} : memref<2000xf32, #tpu.memory_space<vmem>>, vector<16xf32>,
          %get3A_293 = arith.index_cast %add3A_290 : i32 to index
          %get3A_294 = tpu.vector_load %arg14[%get3A_293] {strides = array<i32>} : memref<2000xf32, #tpu.memory_space<vmem>>, vector<16xf32>,
          %get3A_295 = arith.index_cast %add3A_290 : i32 to index
          %get3A_296 = tpu.vector_load %arg16[%get3A_295] {strides = array<i32>} : memref<2000xf32, #tpu.memory_space<vmem>>, vector<16xf32>,
          %get3A_297 = arith.index_cast %add3A_290 : i32 to index
          %get3A_298 = tpu.vector_load %arg18[%get3A_297] {strides = array<i32>} : memref<2000xf32, #tpu.memory_space<vmem>>, vector<16xf32>,
          %get3A_299 = arith.index_cast %add3A_290 : i32 to index
          %get3A_300 = tpu.vector_load %arg20[%get3A_299] {strides = array<i32>} : memref<2000xf32, #tpu.memory_space<vmem>>, vector<16xf32>,
          %sub3A = arith.subf %get3A_292, %get3A_294 : vector<16xf32>
          %sub3A_301 = arith.subf %get3A_298, %get3A_296 : vector<16xf32>
          %sub3A_302 = arith.constant 1.000000e+00 : f32
          %sub3A_303 = vector.broadcast %sub3A_302 : f32 to vector<16xf32>
          %sub3A_304 = arith.subf %sub3A_303, %get3A_296 : vector<16xf32>
          %sub3A_305 = arith.subf %get3A_300, %sub3A_304 : vector<16xf32>
          %mul3A_306 = arith.mulf %get3A_294, %sub3A_301 : vector<16xf32>
          %mul3A_307 = arith.mulf %mul3A_306, %sub3A_301 : vector<16xf32>
          %mul3A_308 = arith.mulf %sub3A, %sub3A_305 : vector<16xf32>
          %mul3A_309 = arith.mulf %mul3A_308, %sub3A_305 : vector<16xf32>
          %add3A_310 = arith.addf %scan3A_265, %get3A_292 : vector<16xf32>
          %add3A_311 = arith.addf %scan3A_266, %sub3A : vector<16xf32>
          %add3A_312 = arith.addf %scan3A_267, %mul3A_307 : vector<16xf32>
          %add3A_313 = arith.addf %scan3A_268, %mul3A_309 : vector<16xf32>
          %add3A_314 = arith.constant 16 : i32
          %add3A_315 = arith.addi %mul3A_271, %add3A_314 : i32
          %get3A_316 = arith.index_cast %add3A_315 : i32 to index
          %get3A_317 = tpu.vector_load %arg12[%get3A_316] {strides = array<i32>} : memref<2000xf32, #tpu.memory_space<vmem>>, vector<16xf32>,
          %get3A_318 = arith.index_cast %add3A_315 : i32 to index
          %get3A_319 = tpu.vector_load %arg14[%get3A_318] {strides = array<i32>} : memref<2000xf32, #tpu.memory_space<vmem>>, vector<16xf32>,
          %get3A_320 = arith.index_cast %add3A_315 : i32 to index
          %get3A_321 = tpu.vector_load %arg16[%get3A_320] {strides = array<i32>} : memref<2000xf32, #tpu.memory_space<vmem>>, vector<16xf32>,
          %get3A_322 = arith.index_cast %add3A_315 : i32 to index
          %get3A_323 = tpu.vector_load %arg18[%get3A_322] {strides = array<i32>} : memref<2000xf32, #tpu.memory_space<vmem>>, vector<16xf32>,
          %get3A_324 = arith.index_cast %add3A_315 : i32 to index
          %get3A_325 = tpu.vector_load %arg20[%get3A_324] {strides = array<i32>} : memref<2000xf32, #tpu.memory_space<vmem>>, vector<16xf32>,
          %sub3A_326 = arith.subf %get3A_317, %get3A_319 : vector<16xf32>
          %sub3A_327 = arith.subf %get3A_323, %get3A_321 : vector<16xf32>
          %sub3A_328 = arith.constant 1.000000e+00 : f32
          %sub3A_329 = vector.broadcast %sub3A_328 : f32 to vector<16xf32>
          %sub3A_330 = arith.subf %sub3A_329, %get3A_321 : vector<16xf32>
          %sub3A_331 = arith.subf %get3A_325, %sub3A_330 : vector<16xf32>
          %mul3A_332 = arith.mulf %get3A_319, %sub3A_327 : vector<16xf32>
          %mul3A_333 = arith.mulf %mul3A_332, %sub3A_327 : vector<16xf32>
          %mul3A_334 = arith.mulf %sub3A_326, %sub3A_331 : vector<16xf32>
          %mul3A_335 = arith.mulf %mul3A_334, %sub3A_331 : vector<16xf32>
          %add3A_336 = arith.addf %add3A_310, %get3A_317 : vector<16xf32>
          %add3A_337 = arith.addf %add3A_311, %sub3A_326 : vector<16xf32>
          %add3A_338 = arith.addf %add3A_312, %mul3A_333 : vector<16xf32>
          %add3A_339 = arith.addf %add3A_313, %mul3A_335 : vector<16xf32>
          %add3A_340 = arith.constant 32 : i32
          %add3A_341 = arith.addi %mul3A_271, %add3A_340 : i32
          %get3A_342 = arith.index_cast %add3A_341 : i32 to index
          %get3A_343 = tpu.vector_load %arg12[%get3A_342] {strides = array<i32>} : memref<2000xf32, #tpu.memory_space<vmem>>, vector<16xf32>,
          %get3A_344 = arith.index_cast %add3A_341 : i32 to index
          %get3A_345 = tpu.vector_load %arg14[%get3A_344] {strides = array<i32>} : memref<2000xf32, #tpu.memory_space<vmem>>, vector<16xf32>,
          %get3A_346 = arith.index_cast %add3A_341 : i32 to index
          %get3A_347 = tpu.vector_load %arg16[%get3A_346] {strides = array<i32>} : memref<2000xf32, #tpu.memory_space<vmem>>, vector<16xf32>,
          %get3A_348 = arith.index_cast %add3A_341 : i32 to index
          %get3A_349 = tpu.vector_load %arg18[%get3A_348] {strides = array<i32>} : memref<2000xf32, #tpu.memory_space<vmem>>, vector<16xf32>,
          %get3A_350 = arith.index_cast %add3A_341 : i32 to index
          %get3A_351 = tpu.vector_load %arg20[%get3A_350] {strides = array<i32>} : memref<2000xf32, #tpu.memory_space<vmem>>, vector<16xf32>,
          %sub3A_352 = arith.subf %get3A_343, %get3A_345 : vector<16xf32>
          %sub3A_353 = arith.subf %get3A_349, %get3A_347 : vector<16xf32>
          %sub3A_354 = arith.constant 1.000000e+00 : f32
          %sub3A_355 = vector.broadcast %sub3A_354 : f32 to vector<16xf32>
          %sub3A_356 = arith.subf %sub3A_355, %get3A_347 : vector<16xf32>
          %sub3A_357 = arith.subf %get3A_351, %sub3A_356 : vector<16xf32>
          %mul3A_358 = arith.mulf %get3A_345, %sub3A_353 : vector<16xf32>
          %mul3A_359 = arith.mulf %mul3A_358, %sub3A_353 : vector<16xf32>
          %mul3A_360 = arith.mulf %sub3A_352, %sub3A_357 : vector<16xf32>
          %mul3A_361 = arith.mulf %mul3A_360, %sub3A_357 : vector<16xf32>
          %add3A_362 = arith.addf %add3A_336, %get3A_343 : vector<16xf32>
          %add3A_363 = arith.addf %add3A_337, %sub3A_352 : vector<16xf32>
          %add3A_364 = arith.addf %add3A_338, %mul3A_359 : vector<16xf32>
          %add3A_365 = arith.addf %add3A_339, %mul3A_361 : vector<16xf32>
          %add3A_366 = arith.constant 48 : i32
          %add3A_367 = arith.addi %mul3A_271, %add3A_366 : i32
          %get3A_368 = arith.index_cast %add3A_367 : i32 to index
          %get3A_369 = tpu.vector_load %arg12[%get3A_368] {strides = array<i32>} : memref<2000xf32, #tpu.memory_space<vmem>>, vector<16xf32>,
          %get3A_370 = arith.index_cast %add3A_367 : i32 to index
          %get3A_371 = tpu.vector_load %arg14[%get3A_370] {strides = array<i32>} : memref<2000xf32, #tpu.memory_space<vmem>>, vector<16xf32>,
          %get3A_372 = arith.index_cast %add3A_367 : i32 to index
          %get3A_373 = tpu.vector_load %arg16[%get3A_372] {strides = array<i32>} : memref<2000xf32, #tpu.memory_space<vmem>>, vector<16xf32>,
          %get3A_374 = arith.index_cast %add3A_367 : i32 to index
          %get3A_375 = tpu.vector_load %arg18[%get3A_374] {strides = array<i32>} : memref<2000xf32, #tpu.memory_space<vmem>>, vector<16xf32>,
          %get3A_376 = arith.index_cast %add3A_367 : i32 to index
          %get3A_377 = tpu.vector_load %arg20[%get3A_376] {strides = array<i32>} : memref<2000xf32, #tpu.memory_space<vmem>>, vector<16xf32>,
          %sub3A_378 = arith.subf %get3A_369, %get3A_371 : vector<16xf32>
          %sub3A_379 = arith.subf %get3A_375, %get3A_373 : vector<16xf32>
          %sub3A_380 = arith.constant 1.000000e+00 : f32
          %sub3A_381 = vector.broadcast %sub3A_380 : f32 to vector<16xf32>
          %sub3A_382 = arith.subf %sub3A_381, %get3A_373 : vector<16xf32>
          %sub3A_383 = arith.subf %get3A_377, %sub3A_382 : vector<16xf32>
          %mul3A_384 = arith.mulf %get3A_371, %sub3A_379 : vector<16xf32>
          %mul3A_385 = arith.mulf %mul3A_384, %sub3A_379 : vector<16xf32>
          %mul3A_386 = arith.mulf %sub3A_378, %sub3A_383 : vector<16xf32>
          %mul3A_387 = arith.mulf %mul3A_386, %sub3A_383 : vector<16xf32>
          %add3A_388 = arith.addf %add3A_362, %get3A_369 : vector<16xf32>
          %add3A_389 = arith.addf %add3A_363, %sub3A_378 : vector<16xf32>
          %add3A_390 = arith.addf %add3A_364, %mul3A_385 : vector<16xf32>
          %add3A_391 = arith.addf %add3A_365, %mul3A_387 : vector<16xf32>
          %add3A_392 = arith.constant 64 : i32
          %add3A_393 = arith.addi %mul3A_271, %add3A_392 : i32
          %get3A_394 = arith.index_cast %add3A_393 : i32 to index
          %get3A_395 = tpu.vector_load %arg12[%get3A_394] {strides = array<i32>} : memref<2000xf32, #tpu.memory_space<vmem>>, vector<16xf32>,
          %get3A_396 = arith.index_cast %add3A_393 : i32 to index
          %get3A_397 = tpu.vector_load %arg14[%get3A_396] {strides = array<i32>} : memref<2000xf32, #tpu.memory_space<vmem>>, vector<16xf32>,
          %get3A_398 = arith.index_cast %add3A_393 : i32 to index
          %get3A_399 = tpu.vector_load %arg16[%get3A_398] {strides = array<i32>} : memref<2000xf32, #tpu.memory_space<vmem>>, vector<16xf32>,
          %get3A_400 = arith.index_cast %add3A_393 : i32 to index
          %get3A_401 = tpu.vector_load %arg18[%get3A_400] {strides = array<i32>} : memref<2000xf32, #tpu.memory_space<vmem>>, vector<16xf32>,
          %get3A_402 = arith.index_cast %add3A_393 : i32 to index
          %get3A_403 = tpu.vector_load %arg20[%get3A_402] {strides = array<i32>} : memref<2000xf32, #tpu.memory_space<vmem>>, vector<16xf32>,
          %sub3A_404 = arith.subf %get3A_395, %get3A_397 : vector<16xf32>
          %sub3A_405 = arith.subf %get3A_401, %get3A_399 : vector<16xf32>
          %sub3A_406 = arith.constant 1.000000e+00 : f32
          %sub3A_407 = vector.broadcast %sub3A_406 : f32 to vector<16xf32>
          %sub3A_408 = arith.subf %sub3A_407, %get3A_399 : vector<16xf32>
          %sub3A_409 = arith.subf %get3A_403, %sub3A_408 : vector<16xf32>
          %mul3A_410 = arith.mulf %get3A_397, %sub3A_405 : vector<16xf32>
          %mul3A_411 = arith.mulf %mul3A_410, %sub3A_405 : vector<16xf32>
          %mul3A_412 = arith.mulf %sub3A_404, %sub3A_409 : vector<16xf32>
          %mul3A_413 = arith.mulf %mul3A_412, %sub3A_409 : vector<16xf32>
          %add3A_414 = arith.addf %add3A_388, %get3A_395 : vector<16xf32>
          %add3A_415 = arith.addf %add3A_389, %sub3A_404 : vector<16xf32>
          %add3A_416 = arith.addf %add3A_390, %mul3A_411 : vector<16xf32>
          %add3A_417 = arith.addf %add3A_391, %mul3A_413 : vector<16xf32>
          scf.yield %add3A_414, %add3A_415, %add3A_416, %add3A_417, %scan3A_269 : vector<16xf32>, vector<16xf32>, vector<16xf32>, vector<16xf32>, vector<16xi32>
        }
        scf.yield %cond3A_288#0, %cond3A_288#1, %cond3A_288#2, %cond3A_288#3, %cond3A_288#4 : vector<16xf32>, vector<16xf32>, vector<16xf32>, vector<16xf32>, vector<16xi32>
      }
      %scan3A_258 = arith.constant 25 : i32
      %add3A_259 = arith.constant 3 : i32
      %add3A_260 = arith.addi %mul3A_197, %add3A_259 : i32
      %lt3A_261 = arith.constant 25 : i32
      %lt3A_262 = arith.cmpi slt, %add3A_260, %lt3A_261 : i32
      %convert_element_type3A = arith.extui %lt3A_262 : i1 to i32
      %cond3A = arith.constant 0 : i32
      %cond3A_263 = arith.cmpi ne, %convert_element_type3A, %cond3A : i32
      scf.if %cond3A_263 {
        %add3A_264 = arith.constant 3 : i32
        %add3A_265 = arith.addi %mul3A_197, %add3A_264 : i32
        %mul3A_266 = arith.constant 2000 : i32
        %mul3A_267 = arith.muli %add3A_265, %mul3A_266 : i32
        %add3A_268 = arith.addi %mul3A_2, %mul3A_267 : i32
        %dma_start3A_269 = tpu.memref_slice %arg2[%add3A_268] : memref<1600000xi32, #tpu.memory_space<hbm>> -> memref<2000xi32, #tpu.memory_space<hbm>>
        %dma_start3A_270 = tpu.memref_slice %arg2[%add3A_268] : memref<1600000xi32, #tpu.memory_space<hbm>> -> memref<2000xi32, #tpu.memory_space<hbm>>
        tpu.enqueue_dma source(%dma_start3A_270 : memref<2000xi32, #tpu.memory_space<hbm>>) target(%arg10 : memref<2000xi32, #tpu.memory_space<vmem>>) target_semaphore(%arg27 : memref<!tpu.dma_semaphore, #tpu.memory_space<semaphore_mem>>)
        %dma_start3A_271 = tpu.memref_slice %arg3[%add3A_268] : memref<1600000xf32, #tpu.memory_space<hbm>> -> memref<2000xf32, #tpu.memory_space<hbm>>
        %dma_start3A_272 = tpu.memref_slice %arg3[%add3A_268] : memref<1600000xf32, #tpu.memory_space<hbm>> -> memref<2000xf32, #tpu.memory_space<hbm>>
        tpu.enqueue_dma source(%dma_start3A_272 : memref<2000xf32, #tpu.memory_space<hbm>>) target(%arg12 : memref<2000xf32, #tpu.memory_space<vmem>>) target_semaphore(%arg27 : memref<!tpu.dma_semaphore, #tpu.memory_space<semaphore_mem>>)
        %dma_start3A_273 = tpu.memref_slice %arg4[%add3A_268] : memref<1600000xf32, #tpu.memory_space<hbm>> -> memref<2000xf32, #tpu.memory_space<hbm>>
        %dma_start3A_274 = tpu.memref_slice %arg4[%add3A_268] : memref<1600000xf32, #tpu.memory_space<hbm>> -> memref<2000xf32, #tpu.memory_space<hbm>>
        tpu.enqueue_dma source(%dma_start3A_274 : memref<2000xf32, #tpu.memory_space<hbm>>) target(%arg14 : memref<2000xf32, #tpu.memory_space<vmem>>) target_semaphore(%arg27 : memref<!tpu.dma_semaphore, #tpu.memory_space<semaphore_mem>>)
        %dma_start3A_275 = tpu.memref_slice %arg5[%add3A_268] : memref<1600000xf32, #tpu.memory_space<hbm>> -> memref<2000xf32, #tpu.memory_space<hbm>>
        %dma_start3A_276 = tpu.memref_slice %arg5[%add3A_268] : memref<1600000xf32, #tpu.memory_space<hbm>> -> memref<2000xf32, #tpu.memory_space<hbm>>
        tpu.enqueue_dma source(%dma_start3A_276 : memref<2000xf32, #tpu.memory_space<hbm>>) target(%arg16 : memref<2000xf32, #tpu.memory_space<vmem>>) target_semaphore(%arg27 : memref<!tpu.dma_semaphore, #tpu.memory_space<semaphore_mem>>)
        %dma_start3A_277 = tpu.memref_slice %arg6[%add3A_268] : memref<1600000xf32, #tpu.memory_space<hbm>> -> memref<2000xf32, #tpu.memory_space<hbm>>
        %dma_start3A_278 = tpu.memref_slice %arg6[%add3A_268] : memref<1600000xf32, #tpu.memory_space<hbm>> -> memref<2000xf32, #tpu.memory_space<hbm>>
        tpu.enqueue_dma source(%dma_start3A_278 : memref<2000xf32, #tpu.memory_space<hbm>>) target(%arg18 : memref<2000xf32, #tpu.memory_space<vmem>>) target_semaphore(%arg27 : memref<!tpu.dma_semaphore, #tpu.memory_space<semaphore_mem>>)
        %dma_start3A_279 = tpu.memref_slice %arg7[%add3A_268] : memref<1600000xf32, #tpu.memory_space<hbm>> -> memref<2000xf32, #tpu.memory_space<hbm>>
        %dma_start3A_280 = tpu.memref_slice %arg7[%add3A_268] : memref<1600000xf32, #tpu.memory_space<hbm>> -> memref<2000xf32, #tpu.memory_space<hbm>>
        tpu.enqueue_dma source(%dma_start3A_280 : memref<2000xf32, #tpu.memory_space<hbm>>) target(%arg20 : memref<2000xf32, #tpu.memory_space<vmem>>) target_semaphore(%arg27 : memref<!tpu.dma_semaphore, #tpu.memory_space<semaphore_mem>>)
      } else {
      }
      scf.yield %scan3A_257#0, %scan3A_257#1, %scan3A_257#2, %scan3A_257#3, %scan3A_257#4 : vector<16xf32>, vector<16xf32>, vector<16xf32>, vector<16xf32>, vector<16xi32>
    }
    %scan3A_56 = arith.constant 12 : i32
    %add3A_57 = arith.constant 48000 : i32
    %add3A_58 = arith.addi %mul3A_2, %add3A_57 : i32
    %dma_wait3A = tpu.memref_slice %arg2[%add3A_58] : memref<1600000xi32, #tpu.memory_space<hbm>> -> memref<2000xi32, #tpu.memory_space<hbm>>
    %dma_wait3A_59 = tpu.memref_slice %arg2[%add3A_58] : memref<1600000xi32, #tpu.memory_space<hbm>> -> memref<2000xi32, #tpu.memory_space<hbm>>
    tpu.wait_dma2 semaphore(%arg26 : memref<!tpu.dma_semaphore, #tpu.memory_space<semaphore_mem>>) src(%dma_wait3A_59 : memref<2000xi32, #tpu.memory_space<hbm>>) dst(%arg9 : memref<2000xi32, #tpu.memory_space<vmem>>)
    %dma_wait3A_60 = tpu.memref_slice %arg3[%add3A_58] : memref<1600000xf32, #tpu.memory_space<hbm>> -> memref<2000xf32, #tpu.memory_space<hbm>>
    %dma_wait3A_61 = tpu.memref_slice %arg3[%add3A_58] : memref<1600000xf32, #tpu.memory_space<hbm>> -> memref<2000xf32, #tpu.memory_space<hbm>>
    tpu.wait_dma2 semaphore(%arg26 : memref<!tpu.dma_semaphore, #tpu.memory_space<semaphore_mem>>) src(%dma_wait3A_61 : memref<2000xf32, #tpu.memory_space<hbm>>) dst(%arg11 : memref<2000xf32, #tpu.memory_space<vmem>>)
    %dma_wait3A_62 = tpu.memref_slice %arg4[%add3A_58] : memref<1600000xf32, #tpu.memory_space<hbm>> -> memref<2000xf32, #tpu.memory_space<hbm>>
    %dma_wait3A_63 = tpu.memref_slice %arg4[%add3A_58] : memref<1600000xf32, #tpu.memory_space<hbm>> -> memref<2000xf32, #tpu.memory_space<hbm>>
    tpu.wait_dma2 semaphore(%arg26 : memref<!tpu.dma_semaphore, #tpu.memory_space<semaphore_mem>>) src(%dma_wait3A_63 : memref<2000xf32, #tpu.memory_space<hbm>>) dst(%arg13 : memref<2000xf32, #tpu.memory_space<vmem>>)
    %dma_wait3A_64 = tpu.memref_slice %arg5[%add3A_58] : memref<1600000xf32, #tpu.memory_space<hbm>> -> memref<2000xf32, #tpu.memory_space<hbm>>
    %dma_wait3A_65 = tpu.memref_slice %arg5[%add3A_58] : memref<1600000xf32, #tpu.memory_space<hbm>> -> memref<2000xf32, #tpu.memory_space<hbm>>
    tpu.wait_dma2 semaphore(%arg26 : memref<!tpu.dma_semaphore, #tpu.memory_space<semaphore_mem>>) src(%dma_wait3A_65 : memref<2000xf32, #tpu.memory_space<hbm>>) dst(%arg15 : memref<2000xf32, #tpu.memory_space<vmem>>)
    %dma_wait3A_66 = tpu.memref_slice %arg6[%add3A_58] : memref<1600000xf32, #tpu.memory_space<hbm>> -> memref<2000xf32, #tpu.memory_space<hbm>>
    %dma_wait3A_67 = tpu.memref_slice %arg6[%add3A_58] : memref<1600000xf32, #tpu.memory_space<hbm>> -> memref<2000xf32, #tpu.memory_space<hbm>>
    tpu.wait_dma2 semaphore(%arg26 : memref<!tpu.dma_semaphore, #tpu.memory_space<semaphore_mem>>) src(%dma_wait3A_67 : memref<2000xf32, #tpu.memory_space<hbm>>) dst(%arg17 : memref<2000xf32, #tpu.memory_space<vmem>>)
    %dma_wait3A_68 = tpu.memref_slice %arg7[%add3A_58] : memref<1600000xf32, #tpu.memory_space<hbm>> -> memref<2000xf32, #tpu.memory_space<hbm>>
    %dma_wait3A_69 = tpu.memref_slice %arg7[%add3A_58] : memref<1600000xf32, #tpu.memory_space<hbm>> -> memref<2000xf32, #tpu.memory_space<hbm>>
    tpu.wait_dma2 semaphore(%arg26 : memref<!tpu.dma_semaphore, #tpu.memory_space<semaphore_mem>>) src(%dma_wait3A_69 : memref<2000xf32, #tpu.memory_space<hbm>>) dst(%arg19 : memref<2000xf32, #tpu.memory_space<vmem>>)
    %scan3A_70 = arith.constant 0 : i32
    %scan3A_71 = arith.constant 25 : i32
    %scan3A_72 = arith.addi %scan3A_70, %scan3A_71 : i32
    %scan3A_73 = arith.constant 1 : i32
    %scan3A_74:5 = scf.for %scan3A_190 = %scan3A_70 to %scan3A_72 step %scan3A_73 iter_args(%scan3A_191 = %scan3A_55#0, %scan3A_192 = %scan3A_55#1, %scan3A_193 = %scan3A_55#2, %scan3A_194 = %scan3A_55#3, %scan3A_195 = %scan3A_55#4) -> (vector<16xf32>, vector<16xf32>, vector<16xf32>, vector<16xf32>, vector<16xi32>)  : i32 {
      %mul3A_196 = arith.constant 80 : i32
      %mul3A_197 = arith.muli %scan3A_190, %mul3A_196 : i32
      %add3A_198 = vector.broadcast %mul3A_197 : i32 to vector<16xi32>
      %add3A_199 = arith.addi %add3A_198, %select_n3A : vector<16xi32>
      %gather3A_200 = tpu.vector_load_idx %arg9[%add3A_199] : memref<2000xi32, #tpu.memory_space<vmem>>[vector<16xi32>], vector<16xi32>,
      %ne3A = arith.cmpi ne, %gather3A_200, %scan3A_195 : vector<16xi32>
      %reduce_or3A = arith.constant 1.000000e+00 : f32
      %reduce_or3A_201 = arith.constant 0.000000e+00 : f32
      %reduce_or3A_202 = vector.broadcast %reduce_or3A : f32 to vector<16xf32>
      %reduce_or3A_203 = vector.broadcast %reduce_or3A_201 : f32 to vector<16xf32>
      %reduce_or3A_204 = arith.select %ne3A, %reduce_or3A_202, %reduce_or3A_203 : vector<16xi1>, vector<16xf32>
      %reduce_or3A_205 = arith.constant true
      %reduce_or3A_206 = vector.broadcast %reduce_or3A_205 : i1 to vector<16xi1>
      %reduce_or3A_207 = tpu.scan <max>, %reduce_or3A_204 masked %reduce_or3A_206 : vector<16xf32>, vector<16xi1> -> vector<16xf32>
      %reduce_or3A_208 = vector.extract %reduce_or3A_207[15] : f32 from vector<16xf32>
      %reduce_or3A_209 = arith.constant 0.000000e+00 : f32
      %reduce_or3A_210 = arith.cmpf ogt, %reduce_or3A_208, %reduce_or3A_209 : f32
      %convert_element_type3A = arith.extui %reduce_or3A_210 : i1 to i32
      %cond3A = arith.constant 0 : i32
      %cond3A_211 = arith.cmpi ne, %convert_element_type3A, %cond3A : i32
      %cond3A_212:5 = scf.if %cond3A_211 -> (vector<16xf32>, vector<16xf32>, vector<16xf32>, vector<16xf32>, vector<16xi32>) {
        %add3A_213 = arith.constant 0 : i32
        %add3A_214 = arith.addi %mul3A_197, %add3A_213 : i32
        %get3A_215 = arith.index_cast %add3A_214 : i32 to index
        %get3A_216 = tpu.vector_load %arg9[%get3A_215] {strides = array<i32>} : memref<2000xi32, #tpu.memory_space<vmem>>, vector<16xi32>,
        %get3A_217 = arith.index_cast %add3A_214 : i32 to index
        %get3A_218 = tpu.vector_load %arg11[%get3A_217] {strides = array<i32>} : memref<2000xf32, #tpu.memory_space<vmem>>, vector<16xf32>,
        %get3A_219 = arith.index_cast %add3A_214 : i32 to index
        %get3A_220 = tpu.vector_load %arg13[%get3A_219] {strides = array<i32>} : memref<2000xf32, #tpu.memory_space<vmem>>, vector<16xf32>,
        %get3A_221 = arith.index_cast %add3A_214 : i32 to index
        %get3A_222 = tpu.vector_load %arg15[%get3A_221] {strides = array<i32>} : memref<2000xf32, #tpu.memory_space<vmem>>, vector<16xf32>,
        %get3A_223 = arith.index_cast %add3A_214 : i32 to index
        %get3A_224 = tpu.vector_load %arg17[%get3A_223] {strides = array<i32>} : memref<2000xf32, #tpu.memory_space<vmem>>, vector<16xf32>,
        %get3A_225 = arith.index_cast %add3A_214 : i32 to index
        %get3A_226 = tpu.vector_load %arg19[%get3A_225] {strides = array<i32>} : memref<2000xf32, #tpu.memory_space<vmem>>, vector<16xf32>,
        %sub3A = arith.subf %get3A_218, %get3A_220 : vector<16xf32>
        %sub3A_227 = arith.subf %get3A_224, %get3A_222 : vector<16xf32>
        %sub3A_228 = arith.constant 1.000000e+00 : f32
        %sub3A_229 = vector.broadcast %sub3A_228 : f32 to vector<16xf32>
        %sub3A_230 = arith.subf %sub3A_229, %get3A_222 : vector<16xf32>
        %sub3A_231 = arith.subf %get3A_226, %sub3A_230 : vector<16xf32>
        %mul3A_232 = arith.mulf %get3A_220, %sub3A_227 : vector<16xf32>
        %mul3A_233 = arith.mulf %mul3A_232, %sub3A_227 : vector<16xf32>
        %mul3A_234 = arith.mulf %sub3A, %sub3A_231 : vector<16xf32>
        %mul3A_235 = arith.mulf %mul3A_234, %sub3A_231 : vector<16xf32>
        %add3A_236 = arith.constant 1 : i32
        %add3A_237 = vector.broadcast %add3A_236 : i32 to vector<16xi32>
        %add3A_238 = arith.addi %iota3A, %add3A_237 : vector<16xi32>
        %min3A = arith.constant 15 : i32
        %min3A_239 = vector.broadcast %min3A : i32 to vector<16xi32>
        %min3A_240 = arith.minsi %add3A_238, %min3A_239 : vector<16xi32>
        %broadcast_in_dim3A_241 = vector.shape_cast %min3A_240 : vector<16xi32> to vector<16x1xi32>
        %gather3A_242 = vector.shape_cast %broadcast_in_dim3A_241 : vector<16x1xi32> to vector<16xi32>
        %gather3A_243 = tpu.dynamic_gather %get3A_216[%gather3A_242] in [0] : vector<16xi32>, vector<16xi32> -> vector<16xi32>
        %ne3A_244 = arith.cmpi ne, %get3A_216, %gather3A_243 : vector<16xi32>
        %ne3A_245 = arith.cmpi ne, %get3A_216, %scan3A_195 : vector<16xi32>
        %or3A = arith.ori %ne3A_244, %ne3A_245 : vector<16xi1>
        %reduce_or3A_246 = arith.constant 1.000000e+00 : f32
        %reduce_or3A_247 = arith.constant 0.000000e+00 : f32
        %reduce_or3A_248 = vector.broadcast %reduce_or3A_246 : f32 to vector<16xf32>
        %reduce_or3A_249 = vector.broadcast %reduce_or3A_247 : f32 to vector<16xf32>
        %reduce_or3A_250 = arith.select %or3A, %reduce_or3A_248, %reduce_or3A_249 : vector<16xi1>, vector<16xf32>
        %reduce_or3A_251 = arith.constant true
        %reduce_or3A_252 = vector.broadcast %reduce_or3A_251 : i1 to vector<16xi1>
        %reduce_or3A_253 = tpu.scan <max>, %reduce_or3A_250 masked %reduce_or3A_252 : vector<16xf32>, vector<16xi1> -> vector<16xf32>
        %reduce_or3A_254 = vector.extract %reduce_or3A_253[15] : f32 from vector<16xf32>
        %reduce_or3A_255 = arith.constant 0.000000e+00 : f32
        %reduce_or3A_256 = arith.cmpf ogt, %reduce_or3A_254, %reduce_or3A_255 : f32
        %convert_element_type3A_257 = arith.extui %reduce_or3A_256 : i1 to i32
        %cond3A_258 = arith.constant 0 : i32
        %cond3A_259 = arith.cmpi ne, %convert_element_type3A_257, %cond3A_258 : i32
        %cond3A_260:5 = scf.if %cond3A_259 -> (vector<16xf32>, vector<16xf32>, vector<16xf32>, vector<16xf32>, vector<16xi32>) {
          %xor3A_465 = arith.constant 1 : i32
          %xor3A_466 = vector.broadcast %xor3A_465 : i32 to vector<16xi32>
          %xor3A_467 = arith.xori %iota3A, %xor3A_466 : vector<16xi32>
          %broadcast_in_dim3A_468 = vector.shape_cast %xor3A_467 : vector<16xi32> to vector<16x1xi32>
          %gather3A_469 = vector.shape_cast %broadcast_in_dim3A_468 : vector<16x1xi32> to vector<16xi32>
          %gather3A_470 = tpu.dynamic_gather %scan3A_191[%gather3A_469] in [0] : vector<16xf32>, vector<16xi32> -> vector<16xf32>
          %add3A_471 = arith.addf %scan3A_191, %gather3A_470 : vector<16xf32>
          %xor3A_472 = arith.constant 2 : i32
          %xor3A_473 = vector.broadcast %xor3A_472 : i32 to vector<16xi32>
          %xor3A_474 = arith.xori %iota3A, %xor3A_473 : vector<16xi32>
          %broadcast_in_dim3A_475 = vector.shape_cast %xor3A_474 : vector<16xi32> to vector<16x1xi32>
          %gather3A_476 = vector.shape_cast %broadcast_in_dim3A_475 : vector<16x1xi32> to vector<16xi32>
          %gather3A_477 = tpu.dynamic_gather %add3A_471[%gather3A_476] in [0] : vector<16xf32>, vector<16xi32> -> vector<16xf32>
          %add3A_478 = arith.addf %add3A_471, %gather3A_477 : vector<16xf32>
          %xor3A_479 = arith.constant 4 : i32
          %xor3A_480 = vector.broadcast %xor3A_479 : i32 to vector<16xi32>
          %xor3A_481 = arith.xori %iota3A, %xor3A_480 : vector<16xi32>
          %broadcast_in_dim3A_482 = vector.shape_cast %xor3A_481 : vector<16xi32> to vector<16x1xi32>
          %gather3A_483 = vector.shape_cast %broadcast_in_dim3A_482 : vector<16x1xi32> to vector<16xi32>
          %gather3A_484 = tpu.dynamic_gather %add3A_478[%gather3A_483] in [0] : vector<16xf32>, vector<16xi32> -> vector<16xf32>
          %add3A_485 = arith.addf %add3A_478, %gather3A_484 : vector<16xf32>
          %xor3A_486 = arith.constant 8 : i32
          %xor3A_487 = vector.broadcast %xor3A_486 : i32 to vector<16xi32>
          %xor3A_488 = arith.xori %iota3A, %xor3A_487 : vector<16xi32>
          %broadcast_in_dim3A_489 = vector.shape_cast %xor3A_488 : vector<16xi32> to vector<16x1xi32>
          %gather3A_490 = vector.shape_cast %broadcast_in_dim3A_489 : vector<16x1xi32> to vector<16xi32>
          %gather3A_491 = tpu.dynamic_gather %add3A_485[%gather3A_490] in [0] : vector<16xf32>, vector<16xi32> -> vector<16xf32>
          %add3A_492 = arith.addf %add3A_485, %gather3A_491 : vector<16xf32>
          tpu.vector_store_idx %arg21[%scan3A_195], %add3A_492 masked %eq3A_5 {add = true} : memref<4096xf32, #tpu.memory_space<vmem>>[vector<16xi32>], vector<16xf32>, vector<16xi1>
          %xor3A_493 = arith.constant 1 : i32
          %xor3A_494 = vector.broadcast %xor3A_493 : i32 to vector<16xi32>
          %xor3A_495 = arith.xori %iota3A, %xor3A_494 : vector<16xi32>
          %broadcast_in_dim3A_496 = vector.shape_cast %xor3A_495 : vector<16xi32> to vector<16x1xi32>
          %gather3A_497 = vector.shape_cast %broadcast_in_dim3A_496 : vector<16x1xi32> to vector<16xi32>
          %gather3A_498 = tpu.dynamic_gather %scan3A_192[%gather3A_497] in [0] : vector<16xf32>, vector<16xi32> -> vector<16xf32>
          %add3A_499 = arith.addf %scan3A_192, %gather3A_498 : vector<16xf32>
          %xor3A_500 = arith.constant 2 : i32
          %xor3A_501 = vector.broadcast %xor3A_500 : i32 to vector<16xi32>
          %xor3A_502 = arith.xori %iota3A, %xor3A_501 : vector<16xi32>
          %broadcast_in_dim3A_503 = vector.shape_cast %xor3A_502 : vector<16xi32> to vector<16x1xi32>
          %gather3A_504 = vector.shape_cast %broadcast_in_dim3A_503 : vector<16x1xi32> to vector<16xi32>
          %gather3A_505 = tpu.dynamic_gather %add3A_499[%gather3A_504] in [0] : vector<16xf32>, vector<16xi32> -> vector<16xf32>
          %add3A_506 = arith.addf %add3A_499, %gather3A_505 : vector<16xf32>
          %xor3A_507 = arith.constant 4 : i32
          %xor3A_508 = vector.broadcast %xor3A_507 : i32 to vector<16xi32>
          %xor3A_509 = arith.xori %iota3A, %xor3A_508 : vector<16xi32>
          %broadcast_in_dim3A_510 = vector.shape_cast %xor3A_509 : vector<16xi32> to vector<16x1xi32>
          %gather3A_511 = vector.shape_cast %broadcast_in_dim3A_510 : vector<16x1xi32> to vector<16xi32>
          %gather3A_512 = tpu.dynamic_gather %add3A_506[%gather3A_511] in [0] : vector<16xf32>, vector<16xi32> -> vector<16xf32>
          %add3A_513 = arith.addf %add3A_506, %gather3A_512 : vector<16xf32>
          %xor3A_514 = arith.constant 8 : i32
          %xor3A_515 = vector.broadcast %xor3A_514 : i32 to vector<16xi32>
          %xor3A_516 = arith.xori %iota3A, %xor3A_515 : vector<16xi32>
          %broadcast_in_dim3A_517 = vector.shape_cast %xor3A_516 : vector<16xi32> to vector<16x1xi32>
          %gather3A_518 = vector.shape_cast %broadcast_in_dim3A_517 : vector<16x1xi32> to vector<16xi32>
          %gather3A_519 = tpu.dynamic_gather %add3A_513[%gather3A_518] in [0] : vector<16xf32>, vector<16xi32> -> vector<16xf32>
          %add3A_520 = arith.addf %add3A_513, %gather3A_519 : vector<16xf32>
          tpu.vector_store_idx %arg22[%scan3A_195], %add3A_520 masked %eq3A_5 {add = true} : memref<4096xf32, #tpu.memory_space<vmem>>[vector<16xi32>], vector<16xf32>, vector<16xi1>
          %xor3A_521 = arith.constant 1 : i32
          %xor3A_522 = vector.broadcast %xor3A_521 : i32 to vector<16xi32>
          %xor3A_523 = arith.xori %iota3A, %xor3A_522 : vector<16xi32>
          %broadcast_in_dim3A_524 = vector.shape_cast %xor3A_523 : vector<16xi32> to vector<16x1xi32>
          %gather3A_525 = vector.shape_cast %broadcast_in_dim3A_524 : vector<16x1xi32> to vector<16xi32>
          %gather3A_526 = tpu.dynamic_gather %scan3A_193[%gather3A_525] in [0] : vector<16xf32>, vector<16xi32> -> vector<16xf32>
          %add3A_527 = arith.addf %scan3A_193, %gather3A_526 : vector<16xf32>
          %xor3A_528 = arith.constant 2 : i32
          %xor3A_529 = vector.broadcast %xor3A_528 : i32 to vector<16xi32>
          %xor3A_530 = arith.xori %iota3A, %xor3A_529 : vector<16xi32>
          %broadcast_in_dim3A_531 = vector.shape_cast %xor3A_530 : vector<16xi32> to vector<16x1xi32>
          %gather3A_532 = vector.shape_cast %broadcast_in_dim3A_531 : vector<16x1xi32> to vector<16xi32>
          %gather3A_533 = tpu.dynamic_gather %add3A_527[%gather3A_532] in [0] : vector<16xf32>, vector<16xi32> -> vector<16xf32>
          %add3A_534 = arith.addf %add3A_527, %gather3A_533 : vector<16xf32>
          %xor3A_535 = arith.constant 4 : i32
          %xor3A_536 = vector.broadcast %xor3A_535 : i32 to vector<16xi32>
          %xor3A_537 = arith.xori %iota3A, %xor3A_536 : vector<16xi32>
          %broadcast_in_dim3A_538 = vector.shape_cast %xor3A_537 : vector<16xi32> to vector<16x1xi32>
          %gather3A_539 = vector.shape_cast %broadcast_in_dim3A_538 : vector<16x1xi32> to vector<16xi32>
          %gather3A_540 = tpu.dynamic_gather %add3A_534[%gather3A_539] in [0] : vector<16xf32>, vector<16xi32> -> vector<16xf32>
          %add3A_541 = arith.addf %add3A_534, %gather3A_540 : vector<16xf32>
          %xor3A_542 = arith.constant 8 : i32
          %xor3A_543 = vector.broadcast %xor3A_542 : i32 to vector<16xi32>
          %xor3A_544 = arith.xori %iota3A, %xor3A_543 : vector<16xi32>
          %broadcast_in_dim3A_545 = vector.shape_cast %xor3A_544 : vector<16xi32> to vector<16x1xi32>
          %gather3A_546 = vector.shape_cast %broadcast_in_dim3A_545 : vector<16x1xi32> to vector<16xi32>
          %gather3A_547 = tpu.dynamic_gather %add3A_541[%gather3A_546] in [0] : vector<16xf32>, vector<16xi32> -> vector<16xf32>
          %add3A_548 = arith.addf %add3A_541, %gather3A_547 : vector<16xf32>
          tpu.vector_store_idx %arg23[%scan3A_195], %add3A_548 masked %eq3A_5 {add = true} : memref<4096xf32, #tpu.memory_space<vmem>>[vector<16xi32>], vector<16xf32>, vector<16xi1>
          %xor3A_549 = arith.constant 1 : i32
          %xor3A_550 = vector.broadcast %xor3A_549 : i32 to vector<16xi32>
          %xor3A_551 = arith.xori %iota3A, %xor3A_550 : vector<16xi32>
          %broadcast_in_dim3A_552 = vector.shape_cast %xor3A_551 : vector<16xi32> to vector<16x1xi32>
          %gather3A_553 = vector.shape_cast %broadcast_in_dim3A_552 : vector<16x1xi32> to vector<16xi32>
          %gather3A_554 = tpu.dynamic_gather %scan3A_194[%gather3A_553] in [0] : vector<16xf32>, vector<16xi32> -> vector<16xf32>
          %add3A_555 = arith.addf %scan3A_194, %gather3A_554 : vector<16xf32>
          %xor3A_556 = arith.constant 2 : i32
          %xor3A_557 = vector.broadcast %xor3A_556 : i32 to vector<16xi32>
          %xor3A_558 = arith.xori %iota3A, %xor3A_557 : vector<16xi32>
          %broadcast_in_dim3A_559 = vector.shape_cast %xor3A_558 : vector<16xi32> to vector<16x1xi32>
          %gather3A_560 = vector.shape_cast %broadcast_in_dim3A_559 : vector<16x1xi32> to vector<16xi32>
          %gather3A_561 = tpu.dynamic_gather %add3A_555[%gather3A_560] in [0] : vector<16xf32>, vector<16xi32> -> vector<16xf32>
          %add3A_562 = arith.addf %add3A_555, %gather3A_561 : vector<16xf32>
          %xor3A_563 = arith.constant 4 : i32
          %xor3A_564 = vector.broadcast %xor3A_563 : i32 to vector<16xi32>
          %xor3A_565 = arith.xori %iota3A, %xor3A_564 : vector<16xi32>
          %broadcast_in_dim3A_566 = vector.shape_cast %xor3A_565 : vector<16xi32> to vector<16x1xi32>
          %gather3A_567 = vector.shape_cast %broadcast_in_dim3A_566 : vector<16x1xi32> to vector<16xi32>
          %gather3A_568 = tpu.dynamic_gather %add3A_562[%gather3A_567] in [0] : vector<16xf32>, vector<16xi32> -> vector<16xf32>
          %add3A_569 = arith.addf %add3A_562, %gather3A_568 : vector<16xf32>
          %xor3A_570 = arith.constant 8 : i32
          %xor3A_571 = vector.broadcast %xor3A_570 : i32 to vector<16xi32>
          %xor3A_572 = arith.xori %iota3A, %xor3A_571 : vector<16xi32>
          %broadcast_in_dim3A_573 = vector.shape_cast %xor3A_572 : vector<16xi32> to vector<16x1xi32>
          %gather3A_574 = vector.shape_cast %broadcast_in_dim3A_573 : vector<16x1xi32> to vector<16xi32>
          %gather3A_575 = tpu.dynamic_gather %add3A_569[%gather3A_574] in [0] : vector<16xf32>, vector<16xi32> -> vector<16xf32>
          %add3A_576 = arith.addf %add3A_569, %gather3A_575 : vector<16xf32>
          tpu.vector_store_idx %arg24[%scan3A_195], %add3A_576 masked %eq3A_5 {add = true} : memref<4096xf32, #tpu.memory_space<vmem>>[vector<16xi32>], vector<16xf32>, vector<16xi1>
          %eq3A_577 = arith.constant 15 : i32
          %eq3A_578 = vector.broadcast %eq3A_577 : i32 to vector<16xi32>
          %eq3A_579 = arith.cmpi eq, %iota3A, %eq3A_578 : vector<16xi32>
          %or3A_580 = arith.ori %ne3A_244, %eq3A_579 : vector<16xi1>
          %broadcast_in_dim3A_581 = arith.constant true
          %broadcast_in_dim3A_582 = vector.broadcast %broadcast_in_dim3A_581 : i1 to vector<16xi1>
          %masked_cumsum3A = tpu.scan <sum>, %get3A_218 masked %broadcast_in_dim3A_582 : vector<16xf32>, vector<16xi1> -> vector<16xf32>
          %broadcast_in_dim3A_583 = arith.constant true
          %broadcast_in_dim3A_584 = vector.broadcast %broadcast_in_dim3A_583 : i1 to vector<16xi1>
          %masked_cumsum3A_585 = tpu.scan <sum>, %sub3A masked %broadcast_in_dim3A_584 : vector<16xf32>, vector<16xi1> -> vector<16xf32>
          %broadcast_in_dim3A_586 = arith.constant true
          %broadcast_in_dim3A_587 = vector.broadcast %broadcast_in_dim3A_586 : i1 to vector<16xi1>
          %masked_cumsum3A_588 = tpu.scan <sum>, %mul3A_233 masked %broadcast_in_dim3A_587 : vector<16xf32>, vector<16xi1> -> vector<16xf32>
          %broadcast_in_dim3A_589 = arith.constant true
          %broadcast_in_dim3A_590 = vector.broadcast %broadcast_in_dim3A_589 : i1 to vector<16xi1>
          %masked_cumsum3A_591 = tpu.scan <sum>, %mul3A_235 masked %broadcast_in_dim3A_590 : vector<16xf32>, vector<16xi1> -> vector<16xf32>
          tpu.vector_store_idx %arg21[%get3A_216], %masked_cumsum3A masked %or3A_580 {add = true} : memref<4096xf32, #tpu.memory_space<vmem>>[vector<16xi32>], vector<16xf32>, vector<16xi1>
          tpu.vector_store_idx %arg22[%get3A_216], %masked_cumsum3A_585 masked %or3A_580 {add = true} : memref<4096xf32, #tpu.memory_space<vmem>>[vector<16xi32>], vector<16xf32>, vector<16xi1>
          tpu.vector_store_idx %arg23[%get3A_216], %masked_cumsum3A_588 masked %or3A_580 {add = true} : memref<4096xf32, #tpu.memory_space<vmem>>[vector<16xi32>], vector<16xf32>, vector<16xi1>
          tpu.vector_store_idx %arg24[%get3A_216], %masked_cumsum3A_591 masked %or3A_580 {add = true} : memref<4096xf32, #tpu.memory_space<vmem>>[vector<16xi32>], vector<16xf32>, vector<16xi1>
          %neg3A = arith.constant 0.000000e+00 : f32
          %neg3A_592 = vector.broadcast %neg3A : f32 to vector<16xf32>
          %neg3A_593 = arith.subf %neg3A_592, %masked_cumsum3A : vector<16xf32>
          tpu.vector_store_idx %arg21[%gather3A_243], %neg3A_593 masked %ne3A_244 {add = true} : memref<4096xf32, #tpu.memory_space<vmem>>[vector<16xi32>], vector<16xf32>, vector<16xi1>
          %neg3A_594 = arith.constant 0.000000e+00 : f32
          %neg3A_595 = vector.broadcast %neg3A_594 : f32 to vector<16xf32>
          %neg3A_596 = arith.subf %neg3A_595, %masked_cumsum3A_585 : vector<16xf32>
          tpu.vector_store_idx %arg22[%gather3A_243], %neg3A_596 masked %ne3A_244 {add = true} : memref<4096xf32, #tpu.memory_space<vmem>>[vector<16xi32>], vector<16xf32>, vector<16xi1>
          %neg3A_597 = arith.constant 0.000000e+00 : f32
          %neg3A_598 = vector.broadcast %neg3A_597 : f32 to vector<16xf32>
          %neg3A_599 = arith.subf %neg3A_598, %masked_cumsum3A_588 : vector<16xf32>
          tpu.vector_store_idx %arg23[%gather3A_243], %neg3A_599 masked %ne3A_244 {add = true} : memref<4096xf32, #tpu.memory_space<vmem>>[vector<16xi32>], vector<16xf32>, vector<16xi1>
          %neg3A_600 = arith.constant 0.000000e+00 : f32
          %neg3A_601 = vector.broadcast %neg3A_600 : f32 to vector<16xf32>
          %neg3A_602 = arith.subf %neg3A_601, %masked_cumsum3A_591 : vector<16xf32>
          tpu.vector_store_idx %arg24[%gather3A_243], %neg3A_602 masked %ne3A_244 {add = true} : memref<4096xf32, #tpu.memory_space<vmem>>[vector<16xi32>], vector<16xf32>, vector<16xi1>
          %broadcast_in_dim3A_603 = vector.shape_cast %add3A_10 : vector<16xi32> to vector<16x1xi32>
          %gather3A_604 = vector.shape_cast %broadcast_in_dim3A_603 : vector<16x1xi32> to vector<16xi32>
          %gather3A_605 = tpu.dynamic_gather %get3A_216[%gather3A_604] in [0] : vector<16xi32>, vector<16xi32> -> vector<16xi32>
          scf.yield %broadcast_in_dim3A_3, %broadcast_in_dim3A_3, %broadcast_in_dim3A_3, %broadcast_in_dim3A_3, %gather3A_605 : vector<16xf32>, vector<16xf32>, vector<16xf32>, vector<16xf32>, vector<16xi32>
        } else {
          %add3A_465 = arith.addf %scan3A_191, %get3A_218 : vector<16xf32>
          %add3A_466 = arith.addf %scan3A_192, %sub3A : vector<16xf32>
          %add3A_467 = arith.addf %scan3A_193, %mul3A_233 : vector<16xf32>
          %add3A_468 = arith.addf %scan3A_194, %mul3A_235 : vector<16xf32>
          scf.yield %add3A_465, %add3A_466, %add3A_467, %add3A_468, %scan3A_195 : vector<16xf32>, vector<16xf32>, vector<16xf32>, vector<16xf32>, vector<16xi32>
        }
        %add3A_261 = arith.constant 16 : i32
        %add3A_262 = arith.addi %mul3A_197, %add3A_261 : i32
        %get3A_263 = arith.index_cast %add3A_262 : i32 to index
        %get3A_264 = tpu.vector_load %arg9[%get3A_263] {strides = array<i32>} : memref<2000xi32, #tpu.memory_space<vmem>>, vector<16xi32>,
        %get3A_265 = arith.index_cast %add3A_262 : i32 to index
        %get3A_266 = tpu.vector_load %arg11[%get3A_265] {strides = array<i32>} : memref<2000xf32, #tpu.memory_space<vmem>>, vector<16xf32>,
        %get3A_267 = arith.index_cast %add3A_262 : i32 to index
        %get3A_268 = tpu.vector_load %arg13[%get3A_267] {strides = array<i32>} : memref<2000xf32, #tpu.memory_space<vmem>>, vector<16xf32>,
        %get3A_269 = arith.index_cast %add3A_262 : i32 to index
        %get3A_270 = tpu.vector_load %arg15[%get3A_269] {strides = array<i32>} : memref<2000xf32, #tpu.memory_space<vmem>>, vector<16xf32>,
        %get3A_271 = arith.index_cast %add3A_262 : i32 to index
        %get3A_272 = tpu.vector_load %arg17[%get3A_271] {strides = array<i32>} : memref<2000xf32, #tpu.memory_space<vmem>>, vector<16xf32>,
        %get3A_273 = arith.index_cast %add3A_262 : i32 to index
        %get3A_274 = tpu.vector_load %arg19[%get3A_273] {strides = array<i32>} : memref<2000xf32, #tpu.memory_space<vmem>>, vector<16xf32>,
        %sub3A_275 = arith.subf %get3A_266, %get3A_268 : vector<16xf32>
        %sub3A_276 = arith.subf %get3A_272, %get3A_270 : vector<16xf32>
        %sub3A_277 = arith.constant 1.000000e+00 : f32
        %sub3A_278 = vector.broadcast %sub3A_277 : f32 to vector<16xf32>
        %sub3A_279 = arith.subf %sub3A_278, %get3A_270 : vector<16xf32>
        %sub3A_280 = arith.subf %get3A_274, %sub3A_279 : vector<16xf32>
        %mul3A_281 = arith.mulf %get3A_268, %sub3A_276 : vector<16xf32>
        %mul3A_282 = arith.mulf %mul3A_281, %sub3A_276 : vector<16xf32>
        %mul3A_283 = arith.mulf %sub3A_275, %sub3A_280 : vector<16xf32>
        %mul3A_284 = arith.mulf %mul3A_283, %sub3A_280 : vector<16xf32>
        %add3A_285 = arith.constant 1 : i32
        %add3A_286 = vector.broadcast %add3A_285 : i32 to vector<16xi32>
        %add3A_287 = arith.addi %iota3A, %add3A_286 : vector<16xi32>
        %min3A_288 = arith.constant 15 : i32
        %min3A_289 = vector.broadcast %min3A_288 : i32 to vector<16xi32>
        %min3A_290 = arith.minsi %add3A_287, %min3A_289 : vector<16xi32>
        %broadcast_in_dim3A_291 = vector.shape_cast %min3A_290 : vector<16xi32> to vector<16x1xi32>
        %gather3A_292 = vector.shape_cast %broadcast_in_dim3A_291 : vector<16x1xi32> to vector<16xi32>
        %gather3A_293 = tpu.dynamic_gather %get3A_264[%gather3A_292] in [0] : vector<16xi32>, vector<16xi32> -> vector<16xi32>
        %ne3A_294 = arith.cmpi ne, %get3A_264, %gather3A_293 : vector<16xi32>
        %ne3A_295 = arith.cmpi ne, %get3A_264, %cond3A_260#4 : vector<16xi32>
        %or3A_296 = arith.ori %ne3A_294, %ne3A_295 : vector<16xi1>
        %reduce_or3A_297 = arith.constant 1.000000e+00 : f32
        %reduce_or3A_298 = arith.constant 0.000000e+00 : f32
        %reduce_or3A_299 = vector.broadcast %reduce_or3A_297 : f32 to vector<16xf32>
        %reduce_or3A_300 = vector.broadcast %reduce_or3A_298 : f32 to vector<16xf32>
        %reduce_or3A_301 = arith.select %or3A_296, %reduce_or3A_299, %reduce_or3A_300 : vector<16xi1>, vector<16xf32>
        %reduce_or3A_302 = arith.constant true
        %reduce_or3A_303 = vector.broadcast %reduce_or3A_302 : i1 to vector<16xi1>
        %reduce_or3A_304 = tpu.scan <max>, %reduce_or3A_301 masked %reduce_or3A_303 : vector<16xf32>, vector<16xi1> -> vector<16xf32>
        %reduce_or3A_305 = vector.extract %reduce_or3A_304[15] : f32 from vector<16xf32>
        %reduce_or3A_306 = arith.constant 0.000000e+00 : f32
        %reduce_or3A_307 = arith.cmpf ogt, %reduce_or3A_305, %reduce_or3A_306 : f32
        %convert_element_type3A_308 = arith.extui %reduce_or3A_307 : i1 to i32
        %cond3A_309 = arith.constant 0 : i32
        %cond3A_310 = arith.cmpi ne, %convert_element_type3A_308, %cond3A_309 : i32
        %cond3A_311:5 = scf.if %cond3A_310 -> (vector<16xf32>, vector<16xf32>, vector<16xf32>, vector<16xf32>, vector<16xi32>) {
          %xor3A_465 = arith.constant 1 : i32
          %xor3A_466 = vector.broadcast %xor3A_465 : i32 to vector<16xi32>
          %xor3A_467 = arith.xori %iota3A, %xor3A_466 : vector<16xi32>
          %broadcast_in_dim3A_468 = vector.shape_cast %xor3A_467 : vector<16xi32> to vector<16x1xi32>
          %gather3A_469 = vector.shape_cast %broadcast_in_dim3A_468 : vector<16x1xi32> to vector<16xi32>
          %gather3A_470 = tpu.dynamic_gather %cond3A_260#0[%gather3A_469] in [0] : vector<16xf32>, vector<16xi32> -> vector<16xf32>
          %add3A_471 = arith.addf %cond3A_260#0, %gather3A_470 : vector<16xf32>
          %xor3A_472 = arith.constant 2 : i32
          %xor3A_473 = vector.broadcast %xor3A_472 : i32 to vector<16xi32>
          %xor3A_474 = arith.xori %iota3A, %xor3A_473 : vector<16xi32>
          %broadcast_in_dim3A_475 = vector.shape_cast %xor3A_474 : vector<16xi32> to vector<16x1xi32>
          %gather3A_476 = vector.shape_cast %broadcast_in_dim3A_475 : vector<16x1xi32> to vector<16xi32>
          %gather3A_477 = tpu.dynamic_gather %add3A_471[%gather3A_476] in [0] : vector<16xf32>, vector<16xi32> -> vector<16xf32>
          %add3A_478 = arith.addf %add3A_471, %gather3A_477 : vector<16xf32>
          %xor3A_479 = arith.constant 4 : i32
          %xor3A_480 = vector.broadcast %xor3A_479 : i32 to vector<16xi32>
          %xor3A_481 = arith.xori %iota3A, %xor3A_480 : vector<16xi32>
          %broadcast_in_dim3A_482 = vector.shape_cast %xor3A_481 : vector<16xi32> to vector<16x1xi32>
          %gather3A_483 = vector.shape_cast %broadcast_in_dim3A_482 : vector<16x1xi32> to vector<16xi32>
          %gather3A_484 = tpu.dynamic_gather %add3A_478[%gather3A_483] in [0] : vector<16xf32>, vector<16xi32> -> vector<16xf32>
          %add3A_485 = arith.addf %add3A_478, %gather3A_484 : vector<16xf32>
          %xor3A_486 = arith.constant 8 : i32
          %xor3A_487 = vector.broadcast %xor3A_486 : i32 to vector<16xi32>
          %xor3A_488 = arith.xori %iota3A, %xor3A_487 : vector<16xi32>
          %broadcast_in_dim3A_489 = vector.shape_cast %xor3A_488 : vector<16xi32> to vector<16x1xi32>
          %gather3A_490 = vector.shape_cast %broadcast_in_dim3A_489 : vector<16x1xi32> to vector<16xi32>
          %gather3A_491 = tpu.dynamic_gather %add3A_485[%gather3A_490] in [0] : vector<16xf32>, vector<16xi32> -> vector<16xf32>
          %add3A_492 = arith.addf %add3A_485, %gather3A_491 : vector<16xf32>
          tpu.vector_store_idx %arg21[%cond3A_260#4], %add3A_492 masked %eq3A_5 {add = true} : memref<4096xf32, #tpu.memory_space<vmem>>[vector<16xi32>], vector<16xf32>, vector<16xi1>
          %xor3A_493 = arith.constant 1 : i32
          %xor3A_494 = vector.broadcast %xor3A_493 : i32 to vector<16xi32>
          %xor3A_495 = arith.xori %iota3A, %xor3A_494 : vector<16xi32>
          %broadcast_in_dim3A_496 = vector.shape_cast %xor3A_495 : vector<16xi32> to vector<16x1xi32>
          %gather3A_497 = vector.shape_cast %broadcast_in_dim3A_496 : vector<16x1xi32> to vector<16xi32>
          %gather3A_498 = tpu.dynamic_gather %cond3A_260#1[%gather3A_497] in [0] : vector<16xf32>, vector<16xi32> -> vector<16xf32>
          %add3A_499 = arith.addf %cond3A_260#1, %gather3A_498 : vector<16xf32>
          %xor3A_500 = arith.constant 2 : i32
          %xor3A_501 = vector.broadcast %xor3A_500 : i32 to vector<16xi32>
          %xor3A_502 = arith.xori %iota3A, %xor3A_501 : vector<16xi32>
          %broadcast_in_dim3A_503 = vector.shape_cast %xor3A_502 : vector<16xi32> to vector<16x1xi32>
          %gather3A_504 = vector.shape_cast %broadcast_in_dim3A_503 : vector<16x1xi32> to vector<16xi32>
          %gather3A_505 = tpu.dynamic_gather %add3A_499[%gather3A_504] in [0] : vector<16xf32>, vector<16xi32> -> vector<16xf32>
          %add3A_506 = arith.addf %add3A_499, %gather3A_505 : vector<16xf32>
          %xor3A_507 = arith.constant 4 : i32
          %xor3A_508 = vector.broadcast %xor3A_507 : i32 to vector<16xi32>
          %xor3A_509 = arith.xori %iota3A, %xor3A_508 : vector<16xi32>
          %broadcast_in_dim3A_510 = vector.shape_cast %xor3A_509 : vector<16xi32> to vector<16x1xi32>
          %gather3A_511 = vector.shape_cast %broadcast_in_dim3A_510 : vector<16x1xi32> to vector<16xi32>
          %gather3A_512 = tpu.dynamic_gather %add3A_506[%gather3A_511] in [0] : vector<16xf32>, vector<16xi32> -> vector<16xf32>
          %add3A_513 = arith.addf %add3A_506, %gather3A_512 : vector<16xf32>
          %xor3A_514 = arith.constant 8 : i32
          %xor3A_515 = vector.broadcast %xor3A_514 : i32 to vector<16xi32>
          %xor3A_516 = arith.xori %iota3A, %xor3A_515 : vector<16xi32>
          %broadcast_in_dim3A_517 = vector.shape_cast %xor3A_516 : vector<16xi32> to vector<16x1xi32>
          %gather3A_518 = vector.shape_cast %broadcast_in_dim3A_517 : vector<16x1xi32> to vector<16xi32>
          %gather3A_519 = tpu.dynamic_gather %add3A_513[%gather3A_518] in [0] : vector<16xf32>, vector<16xi32> -> vector<16xf32>
          %add3A_520 = arith.addf %add3A_513, %gather3A_519 : vector<16xf32>
          tpu.vector_store_idx %arg22[%cond3A_260#4], %add3A_520 masked %eq3A_5 {add = true} : memref<4096xf32, #tpu.memory_space<vmem>>[vector<16xi32>], vector<16xf32>, vector<16xi1>
          %xor3A_521 = arith.constant 1 : i32
          %xor3A_522 = vector.broadcast %xor3A_521 : i32 to vector<16xi32>
          %xor3A_523 = arith.xori %iota3A, %xor3A_522 : vector<16xi32>
          %broadcast_in_dim3A_524 = vector.shape_cast %xor3A_523 : vector<16xi32> to vector<16x1xi32>
          %gather3A_525 = vector.shape_cast %broadcast_in_dim3A_524 : vector<16x1xi32> to vector<16xi32>
          %gather3A_526 = tpu.dynamic_gather %cond3A_260#2[%gather3A_525] in [0] : vector<16xf32>, vector<16xi32> -> vector<16xf32>
          %add3A_527 = arith.addf %cond3A_260#2, %gather3A_526 : vector<16xf32>
          %xor3A_528 = arith.constant 2 : i32
          %xor3A_529 = vector.broadcast %xor3A_528 : i32 to vector<16xi32>
          %xor3A_530 = arith.xori %iota3A, %xor3A_529 : vector<16xi32>
          %broadcast_in_dim3A_531 = vector.shape_cast %xor3A_530 : vector<16xi32> to vector<16x1xi32>
          %gather3A_532 = vector.shape_cast %broadcast_in_dim3A_531 : vector<16x1xi32> to vector<16xi32>
          %gather3A_533 = tpu.dynamic_gather %add3A_527[%gather3A_532] in [0] : vector<16xf32>, vector<16xi32> -> vector<16xf32>
          %add3A_534 = arith.addf %add3A_527, %gather3A_533 : vector<16xf32>
          %xor3A_535 = arith.constant 4 : i32
          %xor3A_536 = vector.broadcast %xor3A_535 : i32 to vector<16xi32>
          %xor3A_537 = arith.xori %iota3A, %xor3A_536 : vector<16xi32>
          %broadcast_in_dim3A_538 = vector.shape_cast %xor3A_537 : vector<16xi32> to vector<16x1xi32>
          %gather3A_539 = vector.shape_cast %broadcast_in_dim3A_538 : vector<16x1xi32> to vector<16xi32>
          %gather3A_540 = tpu.dynamic_gather %add3A_534[%gather3A_539] in [0] : vector<16xf32>, vector<16xi32> -> vector<16xf32>
          %add3A_541 = arith.addf %add3A_534, %gather3A_540 : vector<16xf32>
          %xor3A_542 = arith.constant 8 : i32
          %xor3A_543 = vector.broadcast %xor3A_542 : i32 to vector<16xi32>
          %xor3A_544 = arith.xori %iota3A, %xor3A_543 : vector<16xi32>
          %broadcast_in_dim3A_545 = vector.shape_cast %xor3A_544 : vector<16xi32> to vector<16x1xi32>
          %gather3A_546 = vector.shape_cast %broadcast_in_dim3A_545 : vector<16x1xi32> to vector<16xi32>
          %gather3A_547 = tpu.dynamic_gather %add3A_541[%gather3A_546] in [0] : vector<16xf32>, vector<16xi32> -> vector<16xf32>
          %add3A_548 = arith.addf %add3A_541, %gather3A_547 : vector<16xf32>
          tpu.vector_store_idx %arg23[%cond3A_260#4], %add3A_548 masked %eq3A_5 {add = true} : memref<4096xf32, #tpu.memory_space<vmem>>[vector<16xi32>], vector<16xf32>, vector<16xi1>
          %xor3A_549 = arith.constant 1 : i32
          %xor3A_550 = vector.broadcast %xor3A_549 : i32 to vector<16xi32>
          %xor3A_551 = arith.xori %iota3A, %xor3A_550 : vector<16xi32>
          %broadcast_in_dim3A_552 = vector.shape_cast %xor3A_551 : vector<16xi32> to vector<16x1xi32>
          %gather3A_553 = vector.shape_cast %broadcast_in_dim3A_552 : vector<16x1xi32> to vector<16xi32>
          %gather3A_554 = tpu.dynamic_gather %cond3A_260#3[%gather3A_553] in [0] : vector<16xf32>, vector<16xi32> -> vector<16xf32>
          %add3A_555 = arith.addf %cond3A_260#3, %gather3A_554 : vector<16xf32>
          %xor3A_556 = arith.constant 2 : i32
          %xor3A_557 = vector.broadcast %xor3A_556 : i32 to vector<16xi32>
          %xor3A_558 = arith.xori %iota3A, %xor3A_557 : vector<16xi32>
          %broadcast_in_dim3A_559 = vector.shape_cast %xor3A_558 : vector<16xi32> to vector<16x1xi32>
          %gather3A_560 = vector.shape_cast %broadcast_in_dim3A_559 : vector<16x1xi32> to vector<16xi32>
          %gather3A_561 = tpu.dynamic_gather %add3A_555[%gather3A_560] in [0] : vector<16xf32>, vector<16xi32> -> vector<16xf32>
          %add3A_562 = arith.addf %add3A_555, %gather3A_561 : vector<16xf32>
          %xor3A_563 = arith.constant 4 : i32
          %xor3A_564 = vector.broadcast %xor3A_563 : i32 to vector<16xi32>
          %xor3A_565 = arith.xori %iota3A, %xor3A_564 : vector<16xi32>
          %broadcast_in_dim3A_566 = vector.shape_cast %xor3A_565 : vector<16xi32> to vector<16x1xi32>
          %gather3A_567 = vector.shape_cast %broadcast_in_dim3A_566 : vector<16x1xi32> to vector<16xi32>
          %gather3A_568 = tpu.dynamic_gather %add3A_562[%gather3A_567] in [0] : vector<16xf32>, vector<16xi32> -> vector<16xf32>
          %add3A_569 = arith.addf %add3A_562, %gather3A_568 : vector<16xf32>
          %xor3A_570 = arith.constant 8 : i32
          %xor3A_571 = vector.broadcast %xor3A_570 : i32 to vector<16xi32>
          %xor3A_572 = arith.xori %iota3A, %xor3A_571 : vector<16xi32>
          %broadcast_in_dim3A_573 = vector.shape_cast %xor3A_572 : vector<16xi32> to vector<16x1xi32>
          %gather3A_574 = vector.shape_cast %broadcast_in_dim3A_573 : vector<16x1xi32> to vector<16xi32>
          %gather3A_575 = tpu.dynamic_gather %add3A_569[%gather3A_574] in [0] : vector<16xf32>, vector<16xi32> -> vector<16xf32>
          %add3A_576 = arith.addf %add3A_569, %gather3A_575 : vector<16xf32>
          tpu.vector_store_idx %arg24[%cond3A_260#4], %add3A_576 masked %eq3A_5 {add = true} : memref<4096xf32, #tpu.memory_space<vmem>>[vector<16xi32>], vector<16xf32>, vector<16xi1>
          %eq3A_577 = arith.constant 15 : i32
          %eq3A_578 = vector.broadcast %eq3A_577 : i32 to vector<16xi32>
          %eq3A_579 = arith.cmpi eq, %iota3A, %eq3A_578 : vector<16xi32>
          %or3A_580 = arith.ori %ne3A_294, %eq3A_579 : vector<16xi1>
          %broadcast_in_dim3A_581 = arith.constant true
          %broadcast_in_dim3A_582 = vector.broadcast %broadcast_in_dim3A_581 : i1 to vector<16xi1>
          %masked_cumsum3A = tpu.scan <sum>, %get3A_266 masked %broadcast_in_dim3A_582 : vector<16xf32>, vector<16xi1> -> vector<16xf32>
          %broadcast_in_dim3A_583 = arith.constant true
          %broadcast_in_dim3A_584 = vector.broadcast %broadcast_in_dim3A_583 : i1 to vector<16xi1>
          %masked_cumsum3A_585 = tpu.scan <sum>, %sub3A_275 masked %broadcast_in_dim3A_584 : vector<16xf32>, vector<16xi1> -> vector<16xf32>
          %broadcast_in_dim3A_586 = arith.constant true
          %broadcast_in_dim3A_587 = vector.broadcast %broadcast_in_dim3A_586 : i1 to vector<16xi1>
          %masked_cumsum3A_588 = tpu.scan <sum>, %mul3A_282 masked %broadcast_in_dim3A_587 : vector<16xf32>, vector<16xi1> -> vector<16xf32>
          %broadcast_in_dim3A_589 = arith.constant true
          %broadcast_in_dim3A_590 = vector.broadcast %broadcast_in_dim3A_589 : i1 to vector<16xi1>
          %masked_cumsum3A_591 = tpu.scan <sum>, %mul3A_284 masked %broadcast_in_dim3A_590 : vector<16xf32>, vector<16xi1> -> vector<16xf32>
          tpu.vector_store_idx %arg21[%get3A_264], %masked_cumsum3A masked %or3A_580 {add = true} : memref<4096xf32, #tpu.memory_space<vmem>>[vector<16xi32>], vector<16xf32>, vector<16xi1>
          tpu.vector_store_idx %arg22[%get3A_264], %masked_cumsum3A_585 masked %or3A_580 {add = true} : memref<4096xf32, #tpu.memory_space<vmem>>[vector<16xi32>], vector<16xf32>, vector<16xi1>
          tpu.vector_store_idx %arg23[%get3A_264], %masked_cumsum3A_588 masked %or3A_580 {add = true} : memref<4096xf32, #tpu.memory_space<vmem>>[vector<16xi32>], vector<16xf32>, vector<16xi1>
          tpu.vector_store_idx %arg24[%get3A_264], %masked_cumsum3A_591 masked %or3A_580 {add = true} : memref<4096xf32, #tpu.memory_space<vmem>>[vector<16xi32>], vector<16xf32>, vector<16xi1>
          %neg3A = arith.constant 0.000000e+00 : f32
          %neg3A_592 = vector.broadcast %neg3A : f32 to vector<16xf32>
          %neg3A_593 = arith.subf %neg3A_592, %masked_cumsum3A : vector<16xf32>
          tpu.vector_store_idx %arg21[%gather3A_293], %neg3A_593 masked %ne3A_294 {add = true} : memref<4096xf32, #tpu.memory_space<vmem>>[vector<16xi32>], vector<16xf32>, vector<16xi1>
          %neg3A_594 = arith.constant 0.000000e+00 : f32
          %neg3A_595 = vector.broadcast %neg3A_594 : f32 to vector<16xf32>
          %neg3A_596 = arith.subf %neg3A_595, %masked_cumsum3A_585 : vector<16xf32>
          tpu.vector_store_idx %arg22[%gather3A_293], %neg3A_596 masked %ne3A_294 {add = true} : memref<4096xf32, #tpu.memory_space<vmem>>[vector<16xi32>], vector<16xf32>, vector<16xi1>
          %neg3A_597 = arith.constant 0.000000e+00 : f32
          %neg3A_598 = vector.broadcast %neg3A_597 : f32 to vector<16xf32>
          %neg3A_599 = arith.subf %neg3A_598, %masked_cumsum3A_588 : vector<16xf32>
          tpu.vector_store_idx %arg23[%gather3A_293], %neg3A_599 masked %ne3A_294 {add = true} : memref<4096xf32, #tpu.memory_space<vmem>>[vector<16xi32>], vector<16xf32>, vector<16xi1>
          %neg3A_600 = arith.constant 0.000000e+00 : f32
          %neg3A_601 = vector.broadcast %neg3A_600 : f32 to vector<16xf32>
          %neg3A_602 = arith.subf %neg3A_601, %masked_cumsum3A_591 : vector<16xf32>
          tpu.vector_store_idx %arg24[%gather3A_293], %neg3A_602 masked %ne3A_294 {add = true} : memref<4096xf32, #tpu.memory_space<vmem>>[vector<16xi32>], vector<16xf32>, vector<16xi1>
          %broadcast_in_dim3A_603 = vector.shape_cast %add3A_10 : vector<16xi32> to vector<16x1xi32>
          %gather3A_604 = vector.shape_cast %broadcast_in_dim3A_603 : vector<16x1xi32> to vector<16xi32>
          %gather3A_605 = tpu.dynamic_gather %get3A_264[%gather3A_604] in [0] : vector<16xi32>, vector<16xi32> -> vector<16xi32>
          scf.yield %broadcast_in_dim3A_3, %broadcast_in_dim3A_3, %broadcast_in_dim3A_3, %broadcast_in_dim3A_3, %gather3A_605 : vector<16xf32>, vector<16xf32>, vector<16xf32>, vector<16xf32>, vector<16xi32>
        } else {
          %add3A_465 = arith.addf %cond3A_260#0, %get3A_266 : vector<16xf32>
          %add3A_466 = arith.addf %cond3A_260#1, %sub3A_275 : vector<16xf32>
          %add3A_467 = arith.addf %cond3A_260#2, %mul3A_282 : vector<16xf32>
          %add3A_468 = arith.addf %cond3A_260#3, %mul3A_284 : vector<16xf32>
          scf.yield %add3A_465, %add3A_466, %add3A_467, %add3A_468, %cond3A_260#4 : vector<16xf32>, vector<16xf32>, vector<16xf32>, vector<16xf32>, vector<16xi32>
        }
        %add3A_312 = arith.constant 32 : i32
        %add3A_313 = arith.addi %mul3A_197, %add3A_312 : i32
        %get3A_314 = arith.index_cast %add3A_313 : i32 to index
        %get3A_315 = tpu.vector_load %arg9[%get3A_314] {strides = array<i32>} : memref<2000xi32, #tpu.memory_space<vmem>>, vector<16xi32>,
        %get3A_316 = arith.index_cast %add3A_313 : i32 to index
        %get3A_317 = tpu.vector_load %arg11[%get3A_316] {strides = array<i32>} : memref<2000xf32, #tpu.memory_space<vmem>>, vector<16xf32>,
        %get3A_318 = arith.index_cast %add3A_313 : i32 to index
        %get3A_319 = tpu.vector_load %arg13[%get3A_318] {strides = array<i32>} : memref<2000xf32, #tpu.memory_space<vmem>>, vector<16xf32>,
        %get3A_320 = arith.index_cast %add3A_313 : i32 to index
        %get3A_321 = tpu.vector_load %arg15[%get3A_320] {strides = array<i32>} : memref<2000xf32, #tpu.memory_space<vmem>>, vector<16xf32>,
        %get3A_322 = arith.index_cast %add3A_313 : i32 to index
        %get3A_323 = tpu.vector_load %arg17[%get3A_322] {strides = array<i32>} : memref<2000xf32, #tpu.memory_space<vmem>>, vector<16xf32>,
        %get3A_324 = arith.index_cast %add3A_313 : i32 to index
        %get3A_325 = tpu.vector_load %arg19[%get3A_324] {strides = array<i32>} : memref<2000xf32, #tpu.memory_space<vmem>>, vector<16xf32>,
        %sub3A_326 = arith.subf %get3A_317, %get3A_319 : vector<16xf32>
        %sub3A_327 = arith.subf %get3A_323, %get3A_321 : vector<16xf32>
        %sub3A_328 = arith.constant 1.000000e+00 : f32
        %sub3A_329 = vector.broadcast %sub3A_328 : f32 to vector<16xf32>
        %sub3A_330 = arith.subf %sub3A_329, %get3A_321 : vector<16xf32>
        %sub3A_331 = arith.subf %get3A_325, %sub3A_330 : vector<16xf32>
        %mul3A_332 = arith.mulf %get3A_319, %sub3A_327 : vector<16xf32>
        %mul3A_333 = arith.mulf %mul3A_332, %sub3A_327 : vector<16xf32>
        %mul3A_334 = arith.mulf %sub3A_326, %sub3A_331 : vector<16xf32>
        %mul3A_335 = arith.mulf %mul3A_334, %sub3A_331 : vector<16xf32>
        %add3A_336 = arith.constant 1 : i32
        %add3A_337 = vector.broadcast %add3A_336 : i32 to vector<16xi32>
        %add3A_338 = arith.addi %iota3A, %add3A_337 : vector<16xi32>
        %min3A_339 = arith.constant 15 : i32
        %min3A_340 = vector.broadcast %min3A_339 : i32 to vector<16xi32>
        %min3A_341 = arith.minsi %add3A_338, %min3A_340 : vector<16xi32>
        %broadcast_in_dim3A_342 = vector.shape_cast %min3A_341 : vector<16xi32> to vector<16x1xi32>
        %gather3A_343 = vector.shape_cast %broadcast_in_dim3A_342 : vector<16x1xi32> to vector<16xi32>
        %gather3A_344 = tpu.dynamic_gather %get3A_315[%gather3A_343] in [0] : vector<16xi32>, vector<16xi32> -> vector<16xi32>
        %ne3A_345 = arith.cmpi ne, %get3A_315, %gather3A_344 : vector<16xi32>
        %ne3A_346 = arith.cmpi ne, %get3A_315, %cond3A_311#4 : vector<16xi32>
        %or3A_347 = arith.ori %ne3A_345, %ne3A_346 : vector<16xi1>
        %reduce_or3A_348 = arith.constant 1.000000e+00 : f32
        %reduce_or3A_349 = arith.constant 0.000000e+00 : f32
        %reduce_or3A_350 = vector.broadcast %reduce_or3A_348 : f32 to vector<16xf32>
        %reduce_or3A_351 = vector.broadcast %reduce_or3A_349 : f32 to vector<16xf32>
        %reduce_or3A_352 = arith.select %or3A_347, %reduce_or3A_350, %reduce_or3A_351 : vector<16xi1>, vector<16xf32>
        %reduce_or3A_353 = arith.constant true
        %reduce_or3A_354 = vector.broadcast %reduce_or3A_353 : i1 to vector<16xi1>
        %reduce_or3A_355 = tpu.scan <max>, %reduce_or3A_352 masked %reduce_or3A_354 : vector<16xf32>, vector<16xi1> -> vector<16xf32>
        %reduce_or3A_356 = vector.extract %reduce_or3A_355[15] : f32 from vector<16xf32>
        %reduce_or3A_357 = arith.constant 0.000000e+00 : f32
        %reduce_or3A_358 = arith.cmpf ogt, %reduce_or3A_356, %reduce_or3A_357 : f32
        %convert_element_type3A_359 = arith.extui %reduce_or3A_358 : i1 to i32
        %cond3A_360 = arith.constant 0 : i32
        %cond3A_361 = arith.cmpi ne, %convert_element_type3A_359, %cond3A_360 : i32
        %cond3A_362:5 = scf.if %cond3A_361 -> (vector<16xf32>, vector<16xf32>, vector<16xf32>, vector<16xf32>, vector<16xi32>) {
          %xor3A_465 = arith.constant 1 : i32
          %xor3A_466 = vector.broadcast %xor3A_465 : i32 to vector<16xi32>
          %xor3A_467 = arith.xori %iota3A, %xor3A_466 : vector<16xi32>
          %broadcast_in_dim3A_468 = vector.shape_cast %xor3A_467 : vector<16xi32> to vector<16x1xi32>
          %gather3A_469 = vector.shape_cast %broadcast_in_dim3A_468 : vector<16x1xi32> to vector<16xi32>
          %gather3A_470 = tpu.dynamic_gather %cond3A_311#0[%gather3A_469] in [0] : vector<16xf32>, vector<16xi32> -> vector<16xf32>
          %add3A_471 = arith.addf %cond3A_311#0, %gather3A_470 : vector<16xf32>
          %xor3A_472 = arith.constant 2 : i32
          %xor3A_473 = vector.broadcast %xor3A_472 : i32 to vector<16xi32>
          %xor3A_474 = arith.xori %iota3A, %xor3A_473 : vector<16xi32>
          %broadcast_in_dim3A_475 = vector.shape_cast %xor3A_474 : vector<16xi32> to vector<16x1xi32>
          %gather3A_476 = vector.shape_cast %broadcast_in_dim3A_475 : vector<16x1xi32> to vector<16xi32>
          %gather3A_477 = tpu.dynamic_gather %add3A_471[%gather3A_476] in [0] : vector<16xf32>, vector<16xi32> -> vector<16xf32>
          %add3A_478 = arith.addf %add3A_471, %gather3A_477 : vector<16xf32>
          %xor3A_479 = arith.constant 4 : i32
          %xor3A_480 = vector.broadcast %xor3A_479 : i32 to vector<16xi32>
          %xor3A_481 = arith.xori %iota3A, %xor3A_480 : vector<16xi32>
          %broadcast_in_dim3A_482 = vector.shape_cast %xor3A_481 : vector<16xi32> to vector<16x1xi32>
          %gather3A_483 = vector.shape_cast %broadcast_in_dim3A_482 : vector<16x1xi32> to vector<16xi32>
          %gather3A_484 = tpu.dynamic_gather %add3A_478[%gather3A_483] in [0] : vector<16xf32>, vector<16xi32> -> vector<16xf32>
          %add3A_485 = arith.addf %add3A_478, %gather3A_484 : vector<16xf32>
          %xor3A_486 = arith.constant 8 : i32
          %xor3A_487 = vector.broadcast %xor3A_486 : i32 to vector<16xi32>
          %xor3A_488 = arith.xori %iota3A, %xor3A_487 : vector<16xi32>
          %broadcast_in_dim3A_489 = vector.shape_cast %xor3A_488 : vector<16xi32> to vector<16x1xi32>
          %gather3A_490 = vector.shape_cast %broadcast_in_dim3A_489 : vector<16x1xi32> to vector<16xi32>
          %gather3A_491 = tpu.dynamic_gather %add3A_485[%gather3A_490] in [0] : vector<16xf32>, vector<16xi32> -> vector<16xf32>
          %add3A_492 = arith.addf %add3A_485, %gather3A_491 : vector<16xf32>
          tpu.vector_store_idx %arg21[%cond3A_311#4], %add3A_492 masked %eq3A_5 {add = true} : memref<4096xf32, #tpu.memory_space<vmem>>[vector<16xi32>], vector<16xf32>, vector<16xi1>
          %xor3A_493 = arith.constant 1 : i32
          %xor3A_494 = vector.broadcast %xor3A_493 : i32 to vector<16xi32>
          %xor3A_495 = arith.xori %iota3A, %xor3A_494 : vector<16xi32>
          %broadcast_in_dim3A_496 = vector.shape_cast %xor3A_495 : vector<16xi32> to vector<16x1xi32>
          %gather3A_497 = vector.shape_cast %broadcast_in_dim3A_496 : vector<16x1xi32> to vector<16xi32>
          %gather3A_498 = tpu.dynamic_gather %cond3A_311#1[%gather3A_497] in [0] : vector<16xf32>, vector<16xi32> -> vector<16xf32>
          %add3A_499 = arith.addf %cond3A_311#1, %gather3A_498 : vector<16xf32>
          %xor3A_500 = arith.constant 2 : i32
          %xor3A_501 = vector.broadcast %xor3A_500 : i32 to vector<16xi32>
          %xor3A_502 = arith.xori %iota3A, %xor3A_501 : vector<16xi32>
          %broadcast_in_dim3A_503 = vector.shape_cast %xor3A_502 : vector<16xi32> to vector<16x1xi32>
          %gather3A_504 = vector.shape_cast %broadcast_in_dim3A_503 : vector<16x1xi32> to vector<16xi32>
          %gather3A_505 = tpu.dynamic_gather %add3A_499[%gather3A_504] in [0] : vector<16xf32>, vector<16xi32> -> vector<16xf32>
          %add3A_506 = arith.addf %add3A_499, %gather3A_505 : vector<16xf32>
          %xor3A_507 = arith.constant 4 : i32
          %xor3A_508 = vector.broadcast %xor3A_507 : i32 to vector<16xi32>
          %xor3A_509 = arith.xori %iota3A, %xor3A_508 : vector<16xi32>
          %broadcast_in_dim3A_510 = vector.shape_cast %xor3A_509 : vector<16xi32> to vector<16x1xi32>
          %gather3A_511 = vector.shape_cast %broadcast_in_dim3A_510 : vector<16x1xi32> to vector<16xi32>
          %gather3A_512 = tpu.dynamic_gather %add3A_506[%gather3A_511] in [0] : vector<16xf32>, vector<16xi32> -> vector<16xf32>
          %add3A_513 = arith.addf %add3A_506, %gather3A_512 : vector<16xf32>
          %xor3A_514 = arith.constant 8 : i32
          %xor3A_515 = vector.broadcast %xor3A_514 : i32 to vector<16xi32>
          %xor3A_516 = arith.xori %iota3A, %xor3A_515 : vector<16xi32>
          %broadcast_in_dim3A_517 = vector.shape_cast %xor3A_516 : vector<16xi32> to vector<16x1xi32>
          %gather3A_518 = vector.shape_cast %broadcast_in_dim3A_517 : vector<16x1xi32> to vector<16xi32>
          %gather3A_519 = tpu.dynamic_gather %add3A_513[%gather3A_518] in [0] : vector<16xf32>, vector<16xi32> -> vector<16xf32>
          %add3A_520 = arith.addf %add3A_513, %gather3A_519 : vector<16xf32>
          tpu.vector_store_idx %arg22[%cond3A_311#4], %add3A_520 masked %eq3A_5 {add = true} : memref<4096xf32, #tpu.memory_space<vmem>>[vector<16xi32>], vector<16xf32>, vector<16xi1>
          %xor3A_521 = arith.constant 1 : i32
          %xor3A_522 = vector.broadcast %xor3A_521 : i32 to vector<16xi32>
          %xor3A_523 = arith.xori %iota3A, %xor3A_522 : vector<16xi32>
          %broadcast_in_dim3A_524 = vector.shape_cast %xor3A_523 : vector<16xi32> to vector<16x1xi32>
          %gather3A_525 = vector.shape_cast %broadcast_in_dim3A_524 : vector<16x1xi32> to vector<16xi32>
          %gather3A_526 = tpu.dynamic_gather %cond3A_311#2[%gather3A_525] in [0] : vector<16xf32>, vector<16xi32> -> vector<16xf32>
          %add3A_527 = arith.addf %cond3A_311#2, %gather3A_526 : vector<16xf32>
          %xor3A_528 = arith.constant 2 : i32
          %xor3A_529 = vector.broadcast %xor3A_528 : i32 to vector<16xi32>
          %xor3A_530 = arith.xori %iota3A, %xor3A_529 : vector<16xi32>
          %broadcast_in_dim3A_531 = vector.shape_cast %xor3A_530 : vector<16xi32> to vector<16x1xi32>
          %gather3A_532 = vector.shape_cast %broadcast_in_dim3A_531 : vector<16x1xi32> to vector<16xi32>
          %gather3A_533 = tpu.dynamic_gather %add3A_527[%gather3A_532] in [0] : vector<16xf32>, vector<16xi32> -> vector<16xf32>
          %add3A_534 = arith.addf %add3A_527, %gather3A_533 : vector<16xf32>
          %xor3A_535 = arith.constant 4 : i32
          %xor3A_536 = vector.broadcast %xor3A_535 : i32 to vector<16xi32>
          %xor3A_537 = arith.xori %iota3A, %xor3A_536 : vector<16xi32>
          %broadcast_in_dim3A_538 = vector.shape_cast %xor3A_537 : vector<16xi32> to vector<16x1xi32>
          %gather3A_539 = vector.shape_cast %broadcast_in_dim3A_538 : vector<16x1xi32> to vector<16xi32>
          %gather3A_540 = tpu.dynamic_gather %add3A_534[%gather3A_539] in [0] : vector<16xf32>, vector<16xi32> -> vector<16xf32>
          %add3A_541 = arith.addf %add3A_534, %gather3A_540 : vector<16xf32>
          %xor3A_542 = arith.constant 8 : i32
          %xor3A_543 = vector.broadcast %xor3A_542 : i32 to vector<16xi32>
          %xor3A_544 = arith.xori %iota3A, %xor3A_543 : vector<16xi32>
          %broadcast_in_dim3A_545 = vector.shape_cast %xor3A_544 : vector<16xi32> to vector<16x1xi32>
          %gather3A_546 = vector.shape_cast %broadcast_in_dim3A_545 : vector<16x1xi32> to vector<16xi32>
          %gather3A_547 = tpu.dynamic_gather %add3A_541[%gather3A_546] in [0] : vector<16xf32>, vector<16xi32> -> vector<16xf32>
          %add3A_548 = arith.addf %add3A_541, %gather3A_547 : vector<16xf32>
          tpu.vector_store_idx %arg23[%cond3A_311#4], %add3A_548 masked %eq3A_5 {add = true} : memref<4096xf32, #tpu.memory_space<vmem>>[vector<16xi32>], vector<16xf32>, vector<16xi1>
          %xor3A_549 = arith.constant 1 : i32
          %xor3A_550 = vector.broadcast %xor3A_549 : i32 to vector<16xi32>
          %xor3A_551 = arith.xori %iota3A, %xor3A_550 : vector<16xi32>
          %broadcast_in_dim3A_552 = vector.shape_cast %xor3A_551 : vector<16xi32> to vector<16x1xi32>
          %gather3A_553 = vector.shape_cast %broadcast_in_dim3A_552 : vector<16x1xi32> to vector<16xi32>
          %gather3A_554 = tpu.dynamic_gather %cond3A_311#3[%gather3A_553] in [0] : vector<16xf32>, vector<16xi32> -> vector<16xf32>
          %add3A_555 = arith.addf %cond3A_311#3, %gather3A_554 : vector<16xf32>
          %xor3A_556 = arith.constant 2 : i32
          %xor3A_557 = vector.broadcast %xor3A_556 : i32 to vector<16xi32>
          %xor3A_558 = arith.xori %iota3A, %xor3A_557 : vector<16xi32>
          %broadcast_in_dim3A_559 = vector.shape_cast %xor3A_558 : vector<16xi32> to vector<16x1xi32>
          %gather3A_560 = vector.shape_cast %broadcast_in_dim3A_559 : vector<16x1xi32> to vector<16xi32>
          %gather3A_561 = tpu.dynamic_gather %add3A_555[%gather3A_560] in [0] : vector<16xf32>, vector<16xi32> -> vector<16xf32>
          %add3A_562 = arith.addf %add3A_555, %gather3A_561 : vector<16xf32>
          %xor3A_563 = arith.constant 4 : i32
          %xor3A_564 = vector.broadcast %xor3A_563 : i32 to vector<16xi32>
          %xor3A_565 = arith.xori %iota3A, %xor3A_564 : vector<16xi32>
          %broadcast_in_dim3A_566 = vector.shape_cast %xor3A_565 : vector<16xi32> to vector<16x1xi32>
          %gather3A_567 = vector.shape_cast %broadcast_in_dim3A_566 : vector<16x1xi32> to vector<16xi32>
          %gather3A_568 = tpu.dynamic_gather %add3A_562[%gather3A_567] in [0] : vector<16xf32>, vector<16xi32> -> vector<16xf32>
          %add3A_569 = arith.addf %add3A_562, %gather3A_568 : vector<16xf32>
          %xor3A_570 = arith.constant 8 : i32
          %xor3A_571 = vector.broadcast %xor3A_570 : i32 to vector<16xi32>
          %xor3A_572 = arith.xori %iota3A, %xor3A_571 : vector<16xi32>
          %broadcast_in_dim3A_573 = vector.shape_cast %xor3A_572 : vector<16xi32> to vector<16x1xi32>
          %gather3A_574 = vector.shape_cast %broadcast_in_dim3A_573 : vector<16x1xi32> to vector<16xi32>
          %gather3A_575 = tpu.dynamic_gather %add3A_569[%gather3A_574] in [0] : vector<16xf32>, vector<16xi32> -> vector<16xf32>
          %add3A_576 = arith.addf %add3A_569, %gather3A_575 : vector<16xf32>
          tpu.vector_store_idx %arg24[%cond3A_311#4], %add3A_576 masked %eq3A_5 {add = true} : memref<4096xf32, #tpu.memory_space<vmem>>[vector<16xi32>], vector<16xf32>, vector<16xi1>
          %eq3A_577 = arith.constant 15 : i32
          %eq3A_578 = vector.broadcast %eq3A_577 : i32 to vector<16xi32>
          %eq3A_579 = arith.cmpi eq, %iota3A, %eq3A_578 : vector<16xi32>
          %or3A_580 = arith.ori %ne3A_345, %eq3A_579 : vector<16xi1>
          %broadcast_in_dim3A_581 = arith.constant true
          %broadcast_in_dim3A_582 = vector.broadcast %broadcast_in_dim3A_581 : i1 to vector<16xi1>
          %masked_cumsum3A = tpu.scan <sum>, %get3A_317 masked %broadcast_in_dim3A_582 : vector<16xf32>, vector<16xi1> -> vector<16xf32>
          %broadcast_in_dim3A_583 = arith.constant true
          %broadcast_in_dim3A_584 = vector.broadcast %broadcast_in_dim3A_583 : i1 to vector<16xi1>
          %masked_cumsum3A_585 = tpu.scan <sum>, %sub3A_326 masked %broadcast_in_dim3A_584 : vector<16xf32>, vector<16xi1> -> vector<16xf32>
          %broadcast_in_dim3A_586 = arith.constant true
          %broadcast_in_dim3A_587 = vector.broadcast %broadcast_in_dim3A_586 : i1 to vector<16xi1>
          %masked_cumsum3A_588 = tpu.scan <sum>, %mul3A_333 masked %broadcast_in_dim3A_587 : vector<16xf32>, vector<16xi1> -> vector<16xf32>
          %broadcast_in_dim3A_589 = arith.constant true
          %broadcast_in_dim3A_590 = vector.broadcast %broadcast_in_dim3A_589 : i1 to vector<16xi1>
          %masked_cumsum3A_591 = tpu.scan <sum>, %mul3A_335 masked %broadcast_in_dim3A_590 : vector<16xf32>, vector<16xi1> -> vector<16xf32>
          tpu.vector_store_idx %arg21[%get3A_315], %masked_cumsum3A masked %or3A_580 {add = true} : memref<4096xf32, #tpu.memory_space<vmem>>[vector<16xi32>], vector<16xf32>, vector<16xi1>
          tpu.vector_store_idx %arg22[%get3A_315], %masked_cumsum3A_585 masked %or3A_580 {add = true} : memref<4096xf32, #tpu.memory_space<vmem>>[vector<16xi32>], vector<16xf32>, vector<16xi1>
          tpu.vector_store_idx %arg23[%get3A_315], %masked_cumsum3A_588 masked %or3A_580 {add = true} : memref<4096xf32, #tpu.memory_space<vmem>>[vector<16xi32>], vector<16xf32>, vector<16xi1>
          tpu.vector_store_idx %arg24[%get3A_315], %masked_cumsum3A_591 masked %or3A_580 {add = true} : memref<4096xf32, #tpu.memory_space<vmem>>[vector<16xi32>], vector<16xf32>, vector<16xi1>
          %neg3A = arith.constant 0.000000e+00 : f32
          %neg3A_592 = vector.broadcast %neg3A : f32 to vector<16xf32>
          %neg3A_593 = arith.subf %neg3A_592, %masked_cumsum3A : vector<16xf32>
          tpu.vector_store_idx %arg21[%gather3A_344], %neg3A_593 masked %ne3A_345 {add = true} : memref<4096xf32, #tpu.memory_space<vmem>>[vector<16xi32>], vector<16xf32>, vector<16xi1>
          %neg3A_594 = arith.constant 0.000000e+00 : f32
          %neg3A_595 = vector.broadcast %neg3A_594 : f32 to vector<16xf32>
          %neg3A_596 = arith.subf %neg3A_595, %masked_cumsum3A_585 : vector<16xf32>
          tpu.vector_store_idx %arg22[%gather3A_344], %neg3A_596 masked %ne3A_345 {add = true} : memref<4096xf32, #tpu.memory_space<vmem>>[vector<16xi32>], vector<16xf32>, vector<16xi1>
          %neg3A_597 = arith.constant 0.000000e+00 : f32
          %neg3A_598 = vector.broadcast %neg3A_597 : f32 to vector<16xf32>
          %neg3A_599 = arith.subf %neg3A_598, %masked_cumsum3A_588 : vector<16xf32>
          tpu.vector_store_idx %arg23[%gather3A_344], %neg3A_599 masked %ne3A_345 {add = true} : memref<4096xf32, #tpu.memory_space<vmem>>[vector<16xi32>], vector<16xf32>, vector<16xi1>
          %neg3A_600 = arith.constant 0.000000e+00 : f32
          %neg3A_601 = vector.broadcast %neg3A_600 : f32 to vector<16xf32>
          %neg3A_602 = arith.subf %neg3A_601, %masked_cumsum3A_591 : vector<16xf32>
          tpu.vector_store_idx %arg24[%gather3A_344], %neg3A_602 masked %ne3A_345 {add = true} : memref<4096xf32, #tpu.memory_space<vmem>>[vector<16xi32>], vector<16xf32>, vector<16xi1>
          %broadcast_in_dim3A_603 = vector.shape_cast %add3A_10 : vector<16xi32> to vector<16x1xi32>
          %gather3A_604 = vector.shape_cast %broadcast_in_dim3A_603 : vector<16x1xi32> to vector<16xi32>
          %gather3A_605 = tpu.dynamic_gather %get3A_315[%gather3A_604] in [0] : vector<16xi32>, vector<16xi32> -> vector<16xi32>
          scf.yield %broadcast_in_dim3A_3, %broadcast_in_dim3A_3, %broadcast_in_dim3A_3, %broadcast_in_dim3A_3, %gather3A_605 : vector<16xf32>, vector<16xf32>, vector<16xf32>, vector<16xf32>, vector<16xi32>
        } else {
          %add3A_465 = arith.addf %cond3A_311#0, %get3A_317 : vector<16xf32>
          %add3A_466 = arith.addf %cond3A_311#1, %sub3A_326 : vector<16xf32>
          %add3A_467 = arith.addf %cond3A_311#2, %mul3A_333 : vector<16xf32>
          %add3A_468 = arith.addf %cond3A_311#3, %mul3A_335 : vector<16xf32>
          scf.yield %add3A_465, %add3A_466, %add3A_467, %add3A_468, %cond3A_311#4 : vector<16xf32>, vector<16xf32>, vector<16xf32>, vector<16xf32>, vector<16xi32>
        }
        %add3A_363 = arith.constant 48 : i32
        %add3A_364 = arith.addi %mul3A_197, %add3A_363 : i32
        %get3A_365 = arith.index_cast %add3A_364 : i32 to index
        %get3A_366 = tpu.vector_load %arg9[%get3A_365] {strides = array<i32>} : memref<2000xi32, #tpu.memory_space<vmem>>, vector<16xi32>,
        %get3A_367 = arith.index_cast %add3A_364 : i32 to index
        %get3A_368 = tpu.vector_load %arg11[%get3A_367] {strides = array<i32>} : memref<2000xf32, #tpu.memory_space<vmem>>, vector<16xf32>,
        %get3A_369 = arith.index_cast %add3A_364 : i32 to index
        %get3A_370 = tpu.vector_load %arg13[%get3A_369] {strides = array<i32>} : memref<2000xf32, #tpu.memory_space<vmem>>, vector<16xf32>,
        %get3A_371 = arith.index_cast %add3A_364 : i32 to index
        %get3A_372 = tpu.vector_load %arg15[%get3A_371] {strides = array<i32>} : memref<2000xf32, #tpu.memory_space<vmem>>, vector<16xf32>,
        %get3A_373 = arith.index_cast %add3A_364 : i32 to index
        %get3A_374 = tpu.vector_load %arg17[%get3A_373] {strides = array<i32>} : memref<2000xf32, #tpu.memory_space<vmem>>, vector<16xf32>,
        %get3A_375 = arith.index_cast %add3A_364 : i32 to index
        %get3A_376 = tpu.vector_load %arg19[%get3A_375] {strides = array<i32>} : memref<2000xf32, #tpu.memory_space<vmem>>, vector<16xf32>,
        %sub3A_377 = arith.subf %get3A_368, %get3A_370 : vector<16xf32>
        %sub3A_378 = arith.subf %get3A_374, %get3A_372 : vector<16xf32>
        %sub3A_379 = arith.constant 1.000000e+00 : f32
        %sub3A_380 = vector.broadcast %sub3A_379 : f32 to vector<16xf32>
        %sub3A_381 = arith.subf %sub3A_380, %get3A_372 : vector<16xf32>
        %sub3A_382 = arith.subf %get3A_376, %sub3A_381 : vector<16xf32>
        %mul3A_383 = arith.mulf %get3A_370, %sub3A_378 : vector<16xf32>
        %mul3A_384 = arith.mulf %mul3A_383, %sub3A_378 : vector<16xf32>
        %mul3A_385 = arith.mulf %sub3A_377, %sub3A_382 : vector<16xf32>
        %mul3A_386 = arith.mulf %mul3A_385, %sub3A_382 : vector<16xf32>
        %add3A_387 = arith.constant 1 : i32
        %add3A_388 = vector.broadcast %add3A_387 : i32 to vector<16xi32>
        %add3A_389 = arith.addi %iota3A, %add3A_388 : vector<16xi32>
        %min3A_390 = arith.constant 15 : i32
        %min3A_391 = vector.broadcast %min3A_390 : i32 to vector<16xi32>
        %min3A_392 = arith.minsi %add3A_389, %min3A_391 : vector<16xi32>
        %broadcast_in_dim3A_393 = vector.shape_cast %min3A_392 : vector<16xi32> to vector<16x1xi32>
        %gather3A_394 = vector.shape_cast %broadcast_in_dim3A_393 : vector<16x1xi32> to vector<16xi32>
        %gather3A_395 = tpu.dynamic_gather %get3A_366[%gather3A_394] in [0] : vector<16xi32>, vector<16xi32> -> vector<16xi32>
        %ne3A_396 = arith.cmpi ne, %get3A_366, %gather3A_395 : vector<16xi32>
        %ne3A_397 = arith.cmpi ne, %get3A_366, %cond3A_362#4 : vector<16xi32>
        %or3A_398 = arith.ori %ne3A_396, %ne3A_397 : vector<16xi1>
        %reduce_or3A_399 = arith.constant 1.000000e+00 : f32
        %reduce_or3A_400 = arith.constant 0.000000e+00 : f32
        %reduce_or3A_401 = vector.broadcast %reduce_or3A_399 : f32 to vector<16xf32>
        %reduce_or3A_402 = vector.broadcast %reduce_or3A_400 : f32 to vector<16xf32>
        %reduce_or3A_403 = arith.select %or3A_398, %reduce_or3A_401, %reduce_or3A_402 : vector<16xi1>, vector<16xf32>
        %reduce_or3A_404 = arith.constant true
        %reduce_or3A_405 = vector.broadcast %reduce_or3A_404 : i1 to vector<16xi1>
        %reduce_or3A_406 = tpu.scan <max>, %reduce_or3A_403 masked %reduce_or3A_405 : vector<16xf32>, vector<16xi1> -> vector<16xf32>
        %reduce_or3A_407 = vector.extract %reduce_or3A_406[15] : f32 from vector<16xf32>
        %reduce_or3A_408 = arith.constant 0.000000e+00 : f32
        %reduce_or3A_409 = arith.cmpf ogt, %reduce_or3A_407, %reduce_or3A_408 : f32
        %convert_element_type3A_410 = arith.extui %reduce_or3A_409 : i1 to i32
        %cond3A_411 = arith.constant 0 : i32
        %cond3A_412 = arith.cmpi ne, %convert_element_type3A_410, %cond3A_411 : i32
        %cond3A_413:5 = scf.if %cond3A_412 -> (vector<16xf32>, vector<16xf32>, vector<16xf32>, vector<16xf32>, vector<16xi32>) {
          %xor3A_465 = arith.constant 1 : i32
          %xor3A_466 = vector.broadcast %xor3A_465 : i32 to vector<16xi32>
          %xor3A_467 = arith.xori %iota3A, %xor3A_466 : vector<16xi32>
          %broadcast_in_dim3A_468 = vector.shape_cast %xor3A_467 : vector<16xi32> to vector<16x1xi32>
          %gather3A_469 = vector.shape_cast %broadcast_in_dim3A_468 : vector<16x1xi32> to vector<16xi32>
          %gather3A_470 = tpu.dynamic_gather %cond3A_362#0[%gather3A_469] in [0] : vector<16xf32>, vector<16xi32> -> vector<16xf32>
          %add3A_471 = arith.addf %cond3A_362#0, %gather3A_470 : vector<16xf32>
          %xor3A_472 = arith.constant 2 : i32
          %xor3A_473 = vector.broadcast %xor3A_472 : i32 to vector<16xi32>
          %xor3A_474 = arith.xori %iota3A, %xor3A_473 : vector<16xi32>
          %broadcast_in_dim3A_475 = vector.shape_cast %xor3A_474 : vector<16xi32> to vector<16x1xi32>
          %gather3A_476 = vector.shape_cast %broadcast_in_dim3A_475 : vector<16x1xi32> to vector<16xi32>
          %gather3A_477 = tpu.dynamic_gather %add3A_471[%gather3A_476] in [0] : vector<16xf32>, vector<16xi32> -> vector<16xf32>
          %add3A_478 = arith.addf %add3A_471, %gather3A_477 : vector<16xf32>
          %xor3A_479 = arith.constant 4 : i32
          %xor3A_480 = vector.broadcast %xor3A_479 : i32 to vector<16xi32>
          %xor3A_481 = arith.xori %iota3A, %xor3A_480 : vector<16xi32>
          %broadcast_in_dim3A_482 = vector.shape_cast %xor3A_481 : vector<16xi32> to vector<16x1xi32>
          %gather3A_483 = vector.shape_cast %broadcast_in_dim3A_482 : vector<16x1xi32> to vector<16xi32>
          %gather3A_484 = tpu.dynamic_gather %add3A_478[%gather3A_483] in [0] : vector<16xf32>, vector<16xi32> -> vector<16xf32>
          %add3A_485 = arith.addf %add3A_478, %gather3A_484 : vector<16xf32>
          %xor3A_486 = arith.constant 8 : i32
          %xor3A_487 = vector.broadcast %xor3A_486 : i32 to vector<16xi32>
          %xor3A_488 = arith.xori %iota3A, %xor3A_487 : vector<16xi32>
          %broadcast_in_dim3A_489 = vector.shape_cast %xor3A_488 : vector<16xi32> to vector<16x1xi32>
          %gather3A_490 = vector.shape_cast %broadcast_in_dim3A_489 : vector<16x1xi32> to vector<16xi32>
          %gather3A_491 = tpu.dynamic_gather %add3A_485[%gather3A_490] in [0] : vector<16xf32>, vector<16xi32> -> vector<16xf32>
          %add3A_492 = arith.addf %add3A_485, %gather3A_491 : vector<16xf32>
          tpu.vector_store_idx %arg21[%cond3A_362#4], %add3A_492 masked %eq3A_5 {add = true} : memref<4096xf32, #tpu.memory_space<vmem>>[vector<16xi32>], vector<16xf32>, vector<16xi1>
          %xor3A_493 = arith.constant 1 : i32
          %xor3A_494 = vector.broadcast %xor3A_493 : i32 to vector<16xi32>
          %xor3A_495 = arith.xori %iota3A, %xor3A_494 : vector<16xi32>
          %broadcast_in_dim3A_496 = vector.shape_cast %xor3A_495 : vector<16xi32> to vector<16x1xi32>
          %gather3A_497 = vector.shape_cast %broadcast_in_dim3A_496 : vector<16x1xi32> to vector<16xi32>
          %gather3A_498 = tpu.dynamic_gather %cond3A_362#1[%gather3A_497] in [0] : vector<16xf32>, vector<16xi32> -> vector<16xf32>
          %add3A_499 = arith.addf %cond3A_362#1, %gather3A_498 : vector<16xf32>
          %xor3A_500 = arith.constant 2 : i32
          %xor3A_501 = vector.broadcast %xor3A_500 : i32 to vector<16xi32>
          %xor3A_502 = arith.xori %iota3A, %xor3A_501 : vector<16xi32>
          %broadcast_in_dim3A_503 = vector.shape_cast %xor3A_502 : vector<16xi32> to vector<16x1xi32>
          %gather3A_504 = vector.shape_cast %broadcast_in_dim3A_503 : vector<16x1xi32> to vector<16xi32>
          %gather3A_505 = tpu.dynamic_gather %add3A_499[%gather3A_504] in [0] : vector<16xf32>, vector<16xi32> -> vector<16xf32>
          %add3A_506 = arith.addf %add3A_499, %gather3A_505 : vector<16xf32>
          %xor3A_507 = arith.constant 4 : i32
          %xor3A_508 = vector.broadcast %xor3A_507 : i32 to vector<16xi32>
          %xor3A_509 = arith.xori %iota3A, %xor3A_508 : vector<16xi32>
          %broadcast_in_dim3A_510 = vector.shape_cast %xor3A_509 : vector<16xi32> to vector<16x1xi32>
          %gather3A_511 = vector.shape_cast %broadcast_in_dim3A_510 : vector<16x1xi32> to vector<16xi32>
          %gather3A_512 = tpu.dynamic_gather %add3A_506[%gather3A_511] in [0] : vector<16xf32>, vector<16xi32> -> vector<16xf32>
          %add3A_513 = arith.addf %add3A_506, %gather3A_512 : vector<16xf32>
          %xor3A_514 = arith.constant 8 : i32
          %xor3A_515 = vector.broadcast %xor3A_514 : i32 to vector<16xi32>
          %xor3A_516 = arith.xori %iota3A, %xor3A_515 : vector<16xi32>
          %broadcast_in_dim3A_517 = vector.shape_cast %xor3A_516 : vector<16xi32> to vector<16x1xi32>
          %gather3A_518 = vector.shape_cast %broadcast_in_dim3A_517 : vector<16x1xi32> to vector<16xi32>
          %gather3A_519 = tpu.dynamic_gather %add3A_513[%gather3A_518] in [0] : vector<16xf32>, vector<16xi32> -> vector<16xf32>
          %add3A_520 = arith.addf %add3A_513, %gather3A_519 : vector<16xf32>
          tpu.vector_store_idx %arg22[%cond3A_362#4], %add3A_520 masked %eq3A_5 {add = true} : memref<4096xf32, #tpu.memory_space<vmem>>[vector<16xi32>], vector<16xf32>, vector<16xi1>
          %xor3A_521 = arith.constant 1 : i32
          %xor3A_522 = vector.broadcast %xor3A_521 : i32 to vector<16xi32>
          %xor3A_523 = arith.xori %iota3A, %xor3A_522 : vector<16xi32>
          %broadcast_in_dim3A_524 = vector.shape_cast %xor3A_523 : vector<16xi32> to vector<16x1xi32>
          %gather3A_525 = vector.shape_cast %broadcast_in_dim3A_524 : vector<16x1xi32> to vector<16xi32>
          %gather3A_526 = tpu.dynamic_gather %cond3A_362#2[%gather3A_525] in [0] : vector<16xf32>, vector<16xi32> -> vector<16xf32>
          %add3A_527 = arith.addf %cond3A_362#2, %gather3A_526 : vector<16xf32>
          %xor3A_528 = arith.constant 2 : i32
          %xor3A_529 = vector.broadcast %xor3A_528 : i32 to vector<16xi32>
          %xor3A_530 = arith.xori %iota3A, %xor3A_529 : vector<16xi32>
          %broadcast_in_dim3A_531 = vector.shape_cast %xor3A_530 : vector<16xi32> to vector<16x1xi32>
          %gather3A_532 = vector.shape_cast %broadcast_in_dim3A_531 : vector<16x1xi32> to vector<16xi32>
          %gather3A_533 = tpu.dynamic_gather %add3A_527[%gather3A_532] in [0] : vector<16xf32>, vector<16xi32> -> vector<16xf32>
          %add3A_534 = arith.addf %add3A_527, %gather3A_533 : vector<16xf32>
          %xor3A_535 = arith.constant 4 : i32
          %xor3A_536 = vector.broadcast %xor3A_535 : i32 to vector<16xi32>
          %xor3A_537 = arith.xori %iota3A, %xor3A_536 : vector<16xi32>
          %broadcast_in_dim3A_538 = vector.shape_cast %xor3A_537 : vector<16xi32> to vector<16x1xi32>
          %gather3A_539 = vector.shape_cast %broadcast_in_dim3A_538 : vector<16x1xi32> to vector<16xi32>
          %gather3A_540 = tpu.dynamic_gather %add3A_534[%gather3A_539] in [0] : vector<16xf32>, vector<16xi32> -> vector<16xf32>
          %add3A_541 = arith.addf %add3A_534, %gather3A_540 : vector<16xf32>
          %xor3A_542 = arith.constant 8 : i32
          %xor3A_543 = vector.broadcast %xor3A_542 : i32 to vector<16xi32>
          %xor3A_544 = arith.xori %iota3A, %xor3A_543 : vector<16xi32>
          %broadcast_in_dim3A_545 = vector.shape_cast %xor3A_544 : vector<16xi32> to vector<16x1xi32>
          %gather3A_546 = vector.shape_cast %broadcast_in_dim3A_545 : vector<16x1xi32> to vector<16xi32>
          %gather3A_547 = tpu.dynamic_gather %add3A_541[%gather3A_546] in [0] : vector<16xf32>, vector<16xi32> -> vector<16xf32>
          %add3A_548 = arith.addf %add3A_541, %gather3A_547 : vector<16xf32>
          tpu.vector_store_idx %arg23[%cond3A_362#4], %add3A_548 masked %eq3A_5 {add = true} : memref<4096xf32, #tpu.memory_space<vmem>>[vector<16xi32>], vector<16xf32>, vector<16xi1>
          %xor3A_549 = arith.constant 1 : i32
          %xor3A_550 = vector.broadcast %xor3A_549 : i32 to vector<16xi32>
          %xor3A_551 = arith.xori %iota3A, %xor3A_550 : vector<16xi32>
          %broadcast_in_dim3A_552 = vector.shape_cast %xor3A_551 : vector<16xi32> to vector<16x1xi32>
          %gather3A_553 = vector.shape_cast %broadcast_in_dim3A_552 : vector<16x1xi32> to vector<16xi32>
          %gather3A_554 = tpu.dynamic_gather %cond3A_362#3[%gather3A_553] in [0] : vector<16xf32>, vector<16xi32> -> vector<16xf32>
          %add3A_555 = arith.addf %cond3A_362#3, %gather3A_554 : vector<16xf32>
          %xor3A_556 = arith.constant 2 : i32
          %xor3A_557 = vector.broadcast %xor3A_556 : i32 to vector<16xi32>
          %xor3A_558 = arith.xori %iota3A, %xor3A_557 : vector<16xi32>
          %broadcast_in_dim3A_559 = vector.shape_cast %xor3A_558 : vector<16xi32> to vector<16x1xi32>
          %gather3A_560 = vector.shape_cast %broadcast_in_dim3A_559 : vector<16x1xi32> to vector<16xi32>
          %gather3A_561 = tpu.dynamic_gather %add3A_555[%gather3A_560] in [0] : vector<16xf32>, vector<16xi32> -> vector<16xf32>
          %add3A_562 = arith.addf %add3A_555, %gather3A_561 : vector<16xf32>
          %xor3A_563 = arith.constant 4 : i32
          %xor3A_564 = vector.broadcast %xor3A_563 : i32 to vector<16xi32>
          %xor3A_565 = arith.xori %iota3A, %xor3A_564 : vector<16xi32>
          %broadcast_in_dim3A_566 = vector.shape_cast %xor3A_565 : vector<16xi32> to vector<16x1xi32>
          %gather3A_567 = vector.shape_cast %broadcast_in_dim3A_566 : vector<16x1xi32> to vector<16xi32>
          %gather3A_568 = tpu.dynamic_gather %add3A_562[%gather3A_567] in [0] : vector<16xf32>, vector<16xi32> -> vector<16xf32>
          %add3A_569 = arith.addf %add3A_562, %gather3A_568 : vector<16xf32>
          %xor3A_570 = arith.constant 8 : i32
          %xor3A_571 = vector.broadcast %xor3A_570 : i32 to vector<16xi32>
          %xor3A_572 = arith.xori %iota3A, %xor3A_571 : vector<16xi32>
          %broadcast_in_dim3A_573 = vector.shape_cast %xor3A_572 : vector<16xi32> to vector<16x1xi32>
          %gather3A_574 = vector.shape_cast %broadcast_in_dim3A_573 : vector<16x1xi32> to vector<16xi32>
          %gather3A_575 = tpu.dynamic_gather %add3A_569[%gather3A_574] in [0] : vector<16xf32>, vector<16xi32> -> vector<16xf32>
          %add3A_576 = arith.addf %add3A_569, %gather3A_575 : vector<16xf32>
          tpu.vector_store_idx %arg24[%cond3A_362#4], %add3A_576 masked %eq3A_5 {add = true} : memref<4096xf32, #tpu.memory_space<vmem>>[vector<16xi32>], vector<16xf32>, vector<16xi1>
          %eq3A_577 = arith.constant 15 : i32
          %eq3A_578 = vector.broadcast %eq3A_577 : i32 to vector<16xi32>
          %eq3A_579 = arith.cmpi eq, %iota3A, %eq3A_578 : vector<16xi32>
          %or3A_580 = arith.ori %ne3A_396, %eq3A_579 : vector<16xi1>
          %broadcast_in_dim3A_581 = arith.constant true
          %broadcast_in_dim3A_582 = vector.broadcast %broadcast_in_dim3A_581 : i1 to vector<16xi1>
          %masked_cumsum3A = tpu.scan <sum>, %get3A_368 masked %broadcast_in_dim3A_582 : vector<16xf32>, vector<16xi1> -> vector<16xf32>
          %broadcast_in_dim3A_583 = arith.constant true
          %broadcast_in_dim3A_584 = vector.broadcast %broadcast_in_dim3A_583 : i1 to vector<16xi1>
          %masked_cumsum3A_585 = tpu.scan <sum>, %sub3A_377 masked %broadcast_in_dim3A_584 : vector<16xf32>, vector<16xi1> -> vector<16xf32>
          %broadcast_in_dim3A_586 = arith.constant true
          %broadcast_in_dim3A_587 = vector.broadcast %broadcast_in_dim3A_586 : i1 to vector<16xi1>
          %masked_cumsum3A_588 = tpu.scan <sum>, %mul3A_384 masked %broadcast_in_dim3A_587 : vector<16xf32>, vector<16xi1> -> vector<16xf32>
          %broadcast_in_dim3A_589 = arith.constant true
          %broadcast_in_dim3A_590 = vector.broadcast %broadcast_in_dim3A_589 : i1 to vector<16xi1>
          %masked_cumsum3A_591 = tpu.scan <sum>, %mul3A_386 masked %broadcast_in_dim3A_590 : vector<16xf32>, vector<16xi1> -> vector<16xf32>
          tpu.vector_store_idx %arg21[%get3A_366], %masked_cumsum3A masked %or3A_580 {add = true} : memref<4096xf32, #tpu.memory_space<vmem>>[vector<16xi32>], vector<16xf32>, vector<16xi1>
          tpu.vector_store_idx %arg22[%get3A_366], %masked_cumsum3A_585 masked %or3A_580 {add = true} : memref<4096xf32, #tpu.memory_space<vmem>>[vector<16xi32>], vector<16xf32>, vector<16xi1>
          tpu.vector_store_idx %arg23[%get3A_366], %masked_cumsum3A_588 masked %or3A_580 {add = true} : memref<4096xf32, #tpu.memory_space<vmem>>[vector<16xi32>], vector<16xf32>, vector<16xi1>
          tpu.vector_store_idx %arg24[%get3A_366], %masked_cumsum3A_591 masked %or3A_580 {add = true} : memref<4096xf32, #tpu.memory_space<vmem>>[vector<16xi32>], vector<16xf32>, vector<16xi1>
          %neg3A = arith.constant 0.000000e+00 : f32
          %neg3A_592 = vector.broadcast %neg3A : f32 to vector<16xf32>
          %neg3A_593 = arith.subf %neg3A_592, %masked_cumsum3A : vector<16xf32>
          tpu.vector_store_idx %arg21[%gather3A_395], %neg3A_593 masked %ne3A_396 {add = true} : memref<4096xf32, #tpu.memory_space<vmem>>[vector<16xi32>], vector<16xf32>, vector<16xi1>
          %neg3A_594 = arith.constant 0.000000e+00 : f32
          %neg3A_595 = vector.broadcast %neg3A_594 : f32 to vector<16xf32>
          %neg3A_596 = arith.subf %neg3A_595, %masked_cumsum3A_585 : vector<16xf32>
          tpu.vector_store_idx %arg22[%gather3A_395], %neg3A_596 masked %ne3A_396 {add = true} : memref<4096xf32, #tpu.memory_space<vmem>>[vector<16xi32>], vector<16xf32>, vector<16xi1>
          %neg3A_597 = arith.constant 0.000000e+00 : f32
          %neg3A_598 = vector.broadcast %neg3A_597 : f32 to vector<16xf32>
          %neg3A_599 = arith.subf %neg3A_598, %masked_cumsum3A_588 : vector<16xf32>
          tpu.vector_store_idx %arg23[%gather3A_395], %neg3A_599 masked %ne3A_396 {add = true} : memref<4096xf32, #tpu.memory_space<vmem>>[vector<16xi32>], vector<16xf32>, vector<16xi1>
          %neg3A_600 = arith.constant 0.000000e+00 : f32
          %neg3A_601 = vector.broadcast %neg3A_600 : f32 to vector<16xf32>
          %neg3A_602 = arith.subf %neg3A_601, %masked_cumsum3A_591 : vector<16xf32>
          tpu.vector_store_idx %arg24[%gather3A_395], %neg3A_602 masked %ne3A_396 {add = true} : memref<4096xf32, #tpu.memory_space<vmem>>[vector<16xi32>], vector<16xf32>, vector<16xi1>
          %broadcast_in_dim3A_603 = vector.shape_cast %add3A_10 : vector<16xi32> to vector<16x1xi32>
          %gather3A_604 = vector.shape_cast %broadcast_in_dim3A_603 : vector<16x1xi32> to vector<16xi32>
          %gather3A_605 = tpu.dynamic_gather %get3A_366[%gather3A_604] in [0] : vector<16xi32>, vector<16xi32> -> vector<16xi32>
          scf.yield %broadcast_in_dim3A_3, %broadcast_in_dim3A_3, %broadcast_in_dim3A_3, %broadcast_in_dim3A_3, %gather3A_605 : vector<16xf32>, vector<16xf32>, vector<16xf32>, vector<16xf32>, vector<16xi32>
        } else {
          %add3A_465 = arith.addf %cond3A_362#0, %get3A_368 : vector<16xf32>
          %add3A_466 = arith.addf %cond3A_362#1, %sub3A_377 : vector<16xf32>
          %add3A_467 = arith.addf %cond3A_362#2, %mul3A_384 : vector<16xf32>
          %add3A_468 = arith.addf %cond3A_362#3, %mul3A_386 : vector<16xf32>
          scf.yield %add3A_465, %add3A_466, %add3A_467, %add3A_468, %cond3A_362#4 : vector<16xf32>, vector<16xf32>, vector<16xf32>, vector<16xf32>, vector<16xi32>
        }
        %add3A_414 = arith.constant 64 : i32
        %add3A_415 = arith.addi %mul3A_197, %add3A_414 : i32
        %get3A_416 = arith.index_cast %add3A_415 : i32 to index
        %get3A_417 = tpu.vector_load %arg9[%get3A_416] {strides = array<i32>} : memref<2000xi32, #tpu.memory_space<vmem>>, vector<16xi32>,
        %get3A_418 = arith.index_cast %add3A_415 : i32 to index
        %get3A_419 = tpu.vector_load %arg11[%get3A_418] {strides = array<i32>} : memref<2000xf32, #tpu.memory_space<vmem>>, vector<16xf32>,
        %get3A_420 = arith.index_cast %add3A_415 : i32 to index
        %get3A_421 = tpu.vector_load %arg13[%get3A_420] {strides = array<i32>} : memref<2000xf32, #tpu.memory_space<vmem>>, vector<16xf32>,
        %get3A_422 = arith.index_cast %add3A_415 : i32 to index
        %get3A_423 = tpu.vector_load %arg15[%get3A_422] {strides = array<i32>} : memref<2000xf32, #tpu.memory_space<vmem>>, vector<16xf32>,
        %get3A_424 = arith.index_cast %add3A_415 : i32 to index
        %get3A_425 = tpu.vector_load %arg17[%get3A_424] {strides = array<i32>} : memref<2000xf32, #tpu.memory_space<vmem>>, vector<16xf32>,
        %get3A_426 = arith.index_cast %add3A_415 : i32 to index
        %get3A_427 = tpu.vector_load %arg19[%get3A_426] {strides = array<i32>} : memref<2000xf32, #tpu.memory_space<vmem>>, vector<16xf32>,
        %sub3A_428 = arith.subf %get3A_419, %get3A_421 : vector<16xf32>
        %sub3A_429 = arith.subf %get3A_425, %get3A_423 : vector<16xf32>
        %sub3A_430 = arith.constant 1.000000e+00 : f32
        %sub3A_431 = vector.broadcast %sub3A_430 : f32 to vector<16xf32>
        %sub3A_432 = arith.subf %sub3A_431, %get3A_423 : vector<16xf32>
        %sub3A_433 = arith.subf %get3A_427, %sub3A_432 : vector<16xf32>
        %mul3A_434 = arith.mulf %get3A_421, %sub3A_429 : vector<16xf32>
        %mul3A_435 = arith.mulf %mul3A_434, %sub3A_429 : vector<16xf32>
        %mul3A_436 = arith.mulf %sub3A_428, %sub3A_433 : vector<16xf32>
        %mul3A_437 = arith.mulf %mul3A_436, %sub3A_433 : vector<16xf32>
        %add3A_438 = arith.constant 1 : i32
        %add3A_439 = vector.broadcast %add3A_438 : i32 to vector<16xi32>
        %add3A_440 = arith.addi %iota3A, %add3A_439 : vector<16xi32>
        %min3A_441 = arith.constant 15 : i32
        %min3A_442 = vector.broadcast %min3A_441 : i32 to vector<16xi32>
        %min3A_443 = arith.minsi %add3A_440, %min3A_442 : vector<16xi32>
        %broadcast_in_dim3A_444 = vector.shape_cast %min3A_443 : vector<16xi32> to vector<16x1xi32>
        %gather3A_445 = vector.shape_cast %broadcast_in_dim3A_444 : vector<16x1xi32> to vector<16xi32>
        %gather3A_446 = tpu.dynamic_gather %get3A_417[%gather3A_445] in [0] : vector<16xi32>, vector<16xi32> -> vector<16xi32>
        %ne3A_447 = arith.cmpi ne, %get3A_417, %gather3A_446 : vector<16xi32>
        %ne3A_448 = arith.cmpi ne, %get3A_417, %cond3A_413#4 : vector<16xi32>
        %or3A_449 = arith.ori %ne3A_447, %ne3A_448 : vector<16xi1>
        %reduce_or3A_450 = arith.constant 1.000000e+00 : f32
        %reduce_or3A_451 = arith.constant 0.000000e+00 : f32
        %reduce_or3A_452 = vector.broadcast %reduce_or3A_450 : f32 to vector<16xf32>
        %reduce_or3A_453 = vector.broadcast %reduce_or3A_451 : f32 to vector<16xf32>
        %reduce_or3A_454 = arith.select %or3A_449, %reduce_or3A_452, %reduce_or3A_453 : vector<16xi1>, vector<16xf32>
        %reduce_or3A_455 = arith.constant true
        %reduce_or3A_456 = vector.broadcast %reduce_or3A_455 : i1 to vector<16xi1>
        %reduce_or3A_457 = tpu.scan <max>, %reduce_or3A_454 masked %reduce_or3A_456 : vector<16xf32>, vector<16xi1> -> vector<16xf32>
        %reduce_or3A_458 = vector.extract %reduce_or3A_457[15] : f32 from vector<16xf32>
        %reduce_or3A_459 = arith.constant 0.000000e+00 : f32
        %reduce_or3A_460 = arith.cmpf ogt, %reduce_or3A_458, %reduce_or3A_459 : f32
        %convert_element_type3A_461 = arith.extui %reduce_or3A_460 : i1 to i32
        %cond3A_462 = arith.constant 0 : i32
        %cond3A_463 = arith.cmpi ne, %convert_element_type3A_461, %cond3A_462 : i32
        %cond3A_464:5 = scf.if %cond3A_463 -> (vector<16xf32>, vector<16xf32>, vector<16xf32>, vector<16xf32>, vector<16xi32>) {
          %xor3A_465 = arith.constant 1 : i32
          %xor3A_466 = vector.broadcast %xor3A_465 : i32 to vector<16xi32>
          %xor3A_467 = arith.xori %iota3A, %xor3A_466 : vector<16xi32>
          %broadcast_in_dim3A_468 = vector.shape_cast %xor3A_467 : vector<16xi32> to vector<16x1xi32>
          %gather3A_469 = vector.shape_cast %broadcast_in_dim3A_468 : vector<16x1xi32> to vector<16xi32>
          %gather3A_470 = tpu.dynamic_gather %cond3A_413#0[%gather3A_469] in [0] : vector<16xf32>, vector<16xi32> -> vector<16xf32>
          %add3A_471 = arith.addf %cond3A_413#0, %gather3A_470 : vector<16xf32>
          %xor3A_472 = arith.constant 2 : i32
          %xor3A_473 = vector.broadcast %xor3A_472 : i32 to vector<16xi32>
          %xor3A_474 = arith.xori %iota3A, %xor3A_473 : vector<16xi32>
          %broadcast_in_dim3A_475 = vector.shape_cast %xor3A_474 : vector<16xi32> to vector<16x1xi32>
          %gather3A_476 = vector.shape_cast %broadcast_in_dim3A_475 : vector<16x1xi32> to vector<16xi32>
          %gather3A_477 = tpu.dynamic_gather %add3A_471[%gather3A_476] in [0] : vector<16xf32>, vector<16xi32> -> vector<16xf32>
          %add3A_478 = arith.addf %add3A_471, %gather3A_477 : vector<16xf32>
          %xor3A_479 = arith.constant 4 : i32
          %xor3A_480 = vector.broadcast %xor3A_479 : i32 to vector<16xi32>
          %xor3A_481 = arith.xori %iota3A, %xor3A_480 : vector<16xi32>
          %broadcast_in_dim3A_482 = vector.shape_cast %xor3A_481 : vector<16xi32> to vector<16x1xi32>
          %gather3A_483 = vector.shape_cast %broadcast_in_dim3A_482 : vector<16x1xi32> to vector<16xi32>
          %gather3A_484 = tpu.dynamic_gather %add3A_478[%gather3A_483] in [0] : vector<16xf32>, vector<16xi32> -> vector<16xf32>
          %add3A_485 = arith.addf %add3A_478, %gather3A_484 : vector<16xf32>
          %xor3A_486 = arith.constant 8 : i32
          %xor3A_487 = vector.broadcast %xor3A_486 : i32 to vector<16xi32>
          %xor3A_488 = arith.xori %iota3A, %xor3A_487 : vector<16xi32>
          %broadcast_in_dim3A_489 = vector.shape_cast %xor3A_488 : vector<16xi32> to vector<16x1xi32>
          %gather3A_490 = vector.shape_cast %broadcast_in_dim3A_489 : vector<16x1xi32> to vector<16xi32>
          %gather3A_491 = tpu.dynamic_gather %add3A_485[%gather3A_490] in [0] : vector<16xf32>, vector<16xi32> -> vector<16xf32>
          %add3A_492 = arith.addf %add3A_485, %gather3A_491 : vector<16xf32>
          tpu.vector_store_idx %arg21[%cond3A_413#4], %add3A_492 masked %eq3A_5 {add = true} : memref<4096xf32, #tpu.memory_space<vmem>>[vector<16xi32>], vector<16xf32>, vector<16xi1>
          %xor3A_493 = arith.constant 1 : i32
          %xor3A_494 = vector.broadcast %xor3A_493 : i32 to vector<16xi32>
          %xor3A_495 = arith.xori %iota3A, %xor3A_494 : vector<16xi32>
          %broadcast_in_dim3A_496 = vector.shape_cast %xor3A_495 : vector<16xi32> to vector<16x1xi32>
          %gather3A_497 = vector.shape_cast %broadcast_in_dim3A_496 : vector<16x1xi32> to vector<16xi32>
          %gather3A_498 = tpu.dynamic_gather %cond3A_413#1[%gather3A_497] in [0] : vector<16xf32>, vector<16xi32> -> vector<16xf32>
          %add3A_499 = arith.addf %cond3A_413#1, %gather3A_498 : vector<16xf32>
          %xor3A_500 = arith.constant 2 : i32
          %xor3A_501 = vector.broadcast %xor3A_500 : i32 to vector<16xi32>
          %xor3A_502 = arith.xori %iota3A, %xor3A_501 : vector<16xi32>
          %broadcast_in_dim3A_503 = vector.shape_cast %xor3A_502 : vector<16xi32> to vector<16x1xi32>
          %gather3A_504 = vector.shape_cast %broadcast_in_dim3A_503 : vector<16x1xi32> to vector<16xi32>
          %gather3A_505 = tpu.dynamic_gather %add3A_499[%gather3A_504] in [0] : vector<16xf32>, vector<16xi32> -> vector<16xf32>
          %add3A_506 = arith.addf %add3A_499, %gather3A_505 : vector<16xf32>
          %xor3A_507 = arith.constant 4 : i32
          %xor3A_508 = vector.broadcast %xor3A_507 : i32 to vector<16xi32>
          %xor3A_509 = arith.xori %iota3A, %xor3A_508 : vector<16xi32>
          %broadcast_in_dim3A_510 = vector.shape_cast %xor3A_509 : vector<16xi32> to vector<16x1xi32>
          %gather3A_511 = vector.shape_cast %broadcast_in_dim3A_510 : vector<16x1xi32> to vector<16xi32>
          %gather3A_512 = tpu.dynamic_gather %add3A_506[%gather3A_511] in [0] : vector<16xf32>, vector<16xi32> -> vector<16xf32>
          %add3A_513 = arith.addf %add3A_506, %gather3A_512 : vector<16xf32>
          %xor3A_514 = arith.constant 8 : i32
          %xor3A_515 = vector.broadcast %xor3A_514 : i32 to vector<16xi32>
          %xor3A_516 = arith.xori %iota3A, %xor3A_515 : vector<16xi32>
          %broadcast_in_dim3A_517 = vector.shape_cast %xor3A_516 : vector<16xi32> to vector<16x1xi32>
          %gather3A_518 = vector.shape_cast %broadcast_in_dim3A_517 : vector<16x1xi32> to vector<16xi32>
          %gather3A_519 = tpu.dynamic_gather %add3A_513[%gather3A_518] in [0] : vector<16xf32>, vector<16xi32> -> vector<16xf32>
          %add3A_520 = arith.addf %add3A_513, %gather3A_519 : vector<16xf32>
          tpu.vector_store_idx %arg22[%cond3A_413#4], %add3A_520 masked %eq3A_5 {add = true} : memref<4096xf32, #tpu.memory_space<vmem>>[vector<16xi32>], vector<16xf32>, vector<16xi1>
          %xor3A_521 = arith.constant 1 : i32
          %xor3A_522 = vector.broadcast %xor3A_521 : i32 to vector<16xi32>
          %xor3A_523 = arith.xori %iota3A, %xor3A_522 : vector<16xi32>
          %broadcast_in_dim3A_524 = vector.shape_cast %xor3A_523 : vector<16xi32> to vector<16x1xi32>
          %gather3A_525 = vector.shape_cast %broadcast_in_dim3A_524 : vector<16x1xi32> to vector<16xi32>
          %gather3A_526 = tpu.dynamic_gather %cond3A_413#2[%gather3A_525] in [0] : vector<16xf32>, vector<16xi32> -> vector<16xf32>
          %add3A_527 = arith.addf %cond3A_413#2, %gather3A_526 : vector<16xf32>
          %xor3A_528 = arith.constant 2 : i32
          %xor3A_529 = vector.broadcast %xor3A_528 : i32 to vector<16xi32>
          %xor3A_530 = arith.xori %iota3A, %xor3A_529 : vector<16xi32>
          %broadcast_in_dim3A_531 = vector.shape_cast %xor3A_530 : vector<16xi32> to vector<16x1xi32>
          %gather3A_532 = vector.shape_cast %broadcast_in_dim3A_531 : vector<16x1xi32> to vector<16xi32>
          %gather3A_533 = tpu.dynamic_gather %add3A_527[%gather3A_532] in [0] : vector<16xf32>, vector<16xi32> -> vector<16xf32>
          %add3A_534 = arith.addf %add3A_527, %gather3A_533 : vector<16xf32>
          %xor3A_535 = arith.constant 4 : i32
          %xor3A_536 = vector.broadcast %xor3A_535 : i32 to vector<16xi32>
          %xor3A_537 = arith.xori %iota3A, %xor3A_536 : vector<16xi32>
          %broadcast_in_dim3A_538 = vector.shape_cast %xor3A_537 : vector<16xi32> to vector<16x1xi32>
          %gather3A_539 = vector.shape_cast %broadcast_in_dim3A_538 : vector<16x1xi32> to vector<16xi32>
          %gather3A_540 = tpu.dynamic_gather %add3A_534[%gather3A_539] in [0] : vector<16xf32>, vector<16xi32> -> vector<16xf32>
          %add3A_541 = arith.addf %add3A_534, %gather3A_540 : vector<16xf32>
          %xor3A_542 = arith.constant 8 : i32
          %xor3A_543 = vector.broadcast %xor3A_542 : i32 to vector<16xi32>
          %xor3A_544 = arith.xori %iota3A, %xor3A_543 : vector<16xi32>
          %broadcast_in_dim3A_545 = vector.shape_cast %xor3A_544 : vector<16xi32> to vector<16x1xi32>
          %gather3A_546 = vector.shape_cast %broadcast_in_dim3A_545 : vector<16x1xi32> to vector<16xi32>
          %gather3A_547 = tpu.dynamic_gather %add3A_541[%gather3A_546] in [0] : vector<16xf32>, vector<16xi32> -> vector<16xf32>
          %add3A_548 = arith.addf %add3A_541, %gather3A_547 : vector<16xf32>
          tpu.vector_store_idx %arg23[%cond3A_413#4], %add3A_548 masked %eq3A_5 {add = true} : memref<4096xf32, #tpu.memory_space<vmem>>[vector<16xi32>], vector<16xf32>, vector<16xi1>
          %xor3A_549 = arith.constant 1 : i32
          %xor3A_550 = vector.broadcast %xor3A_549 : i32 to vector<16xi32>
          %xor3A_551 = arith.xori %iota3A, %xor3A_550 : vector<16xi32>
          %broadcast_in_dim3A_552 = vector.shape_cast %xor3A_551 : vector<16xi32> to vector<16x1xi32>
          %gather3A_553 = vector.shape_cast %broadcast_in_dim3A_552 : vector<16x1xi32> to vector<16xi32>
          %gather3A_554 = tpu.dynamic_gather %cond3A_413#3[%gather3A_553] in [0] : vector<16xf32>, vector<16xi32> -> vector<16xf32>
          %add3A_555 = arith.addf %cond3A_413#3, %gather3A_554 : vector<16xf32>
          %xor3A_556 = arith.constant 2 : i32
          %xor3A_557 = vector.broadcast %xor3A_556 : i32 to vector<16xi32>
          %xor3A_558 = arith.xori %iota3A, %xor3A_557 : vector<16xi32>
          %broadcast_in_dim3A_559 = vector.shape_cast %xor3A_558 : vector<16xi32> to vector<16x1xi32>
          %gather3A_560 = vector.shape_cast %broadcast_in_dim3A_559 : vector<16x1xi32> to vector<16xi32>
          %gather3A_561 = tpu.dynamic_gather %add3A_555[%gather3A_560] in [0] : vector<16xf32>, vector<16xi32> -> vector<16xf32>
          %add3A_562 = arith.addf %add3A_555, %gather3A_561 : vector<16xf32>
          %xor3A_563 = arith.constant 4 : i32
          %xor3A_564 = vector.broadcast %xor3A_563 : i32 to vector<16xi32>
          %xor3A_565 = arith.xori %iota3A, %xor3A_564 : vector<16xi32>
          %broadcast_in_dim3A_566 = vector.shape_cast %xor3A_565 : vector<16xi32> to vector<16x1xi32>
          %gather3A_567 = vector.shape_cast %broadcast_in_dim3A_566 : vector<16x1xi32> to vector<16xi32>
          %gather3A_568 = tpu.dynamic_gather %add3A_562[%gather3A_567] in [0] : vector<16xf32>, vector<16xi32> -> vector<16xf32>
          %add3A_569 = arith.addf %add3A_562, %gather3A_568 : vector<16xf32>
          %xor3A_570 = arith.constant 8 : i32
          %xor3A_571 = vector.broadcast %xor3A_570 : i32 to vector<16xi32>
          %xor3A_572 = arith.xori %iota3A, %xor3A_571 : vector<16xi32>
          %broadcast_in_dim3A_573 = vector.shape_cast %xor3A_572 : vector<16xi32> to vector<16x1xi32>
          %gather3A_574 = vector.shape_cast %broadcast_in_dim3A_573 : vector<16x1xi32> to vector<16xi32>
          %gather3A_575 = tpu.dynamic_gather %add3A_569[%gather3A_574] in [0] : vector<16xf32>, vector<16xi32> -> vector<16xf32>
          %add3A_576 = arith.addf %add3A_569, %gather3A_575 : vector<16xf32>
          tpu.vector_store_idx %arg24[%cond3A_413#4], %add3A_576 masked %eq3A_5 {add = true} : memref<4096xf32, #tpu.memory_space<vmem>>[vector<16xi32>], vector<16xf32>, vector<16xi1>
          %eq3A_577 = arith.constant 15 : i32
          %eq3A_578 = vector.broadcast %eq3A_577 : i32 to vector<16xi32>
          %eq3A_579 = arith.cmpi eq, %iota3A, %eq3A_578 : vector<16xi32>
          %or3A_580 = arith.ori %ne3A_447, %eq3A_579 : vector<16xi1>
          %broadcast_in_dim3A_581 = arith.constant true
          %broadcast_in_dim3A_582 = vector.broadcast %broadcast_in_dim3A_581 : i1 to vector<16xi1>
          %masked_cumsum3A = tpu.scan <sum>, %get3A_419 masked %broadcast_in_dim3A_582 : vector<16xf32>, vector<16xi1> -> vector<16xf32>
          %broadcast_in_dim3A_583 = arith.constant true
          %broadcast_in_dim3A_584 = vector.broadcast %broadcast_in_dim3A_583 : i1 to vector<16xi1>
          %masked_cumsum3A_585 = tpu.scan <sum>, %sub3A_428 masked %broadcast_in_dim3A_584 : vector<16xf32>, vector<16xi1> -> vector<16xf32>
          %broadcast_in_dim3A_586 = arith.constant true
          %broadcast_in_dim3A_587 = vector.broadcast %broadcast_in_dim3A_586 : i1 to vector<16xi1>
          %masked_cumsum3A_588 = tpu.scan <sum>, %mul3A_435 masked %broadcast_in_dim3A_587 : vector<16xf32>, vector<16xi1> -> vector<16xf32>
          %broadcast_in_dim3A_589 = arith.constant true
          %broadcast_in_dim3A_590 = vector.broadcast %broadcast_in_dim3A_589 : i1 to vector<16xi1>
          %masked_cumsum3A_591 = tpu.scan <sum>, %mul3A_437 masked %broadcast_in_dim3A_590 : vector<16xf32>, vector<16xi1> -> vector<16xf32>
          tpu.vector_store_idx %arg21[%get3A_417], %masked_cumsum3A masked %or3A_580 {add = true} : memref<4096xf32, #tpu.memory_space<vmem>>[vector<16xi32>], vector<16xf32>, vector<16xi1>
          tpu.vector_store_idx %arg22[%get3A_417], %masked_cumsum3A_585 masked %or3A_580 {add = true} : memref<4096xf32, #tpu.memory_space<vmem>>[vector<16xi32>], vector<16xf32>, vector<16xi1>
          tpu.vector_store_idx %arg23[%get3A_417], %masked_cumsum3A_588 masked %or3A_580 {add = true} : memref<4096xf32, #tpu.memory_space<vmem>>[vector<16xi32>], vector<16xf32>, vector<16xi1>
          tpu.vector_store_idx %arg24[%get3A_417], %masked_cumsum3A_591 masked %or3A_580 {add = true} : memref<4096xf32, #tpu.memory_space<vmem>>[vector<16xi32>], vector<16xf32>, vector<16xi1>
          %neg3A = arith.constant 0.000000e+00 : f32
          %neg3A_592 = vector.broadcast %neg3A : f32 to vector<16xf32>
          %neg3A_593 = arith.subf %neg3A_592, %masked_cumsum3A : vector<16xf32>
          tpu.vector_store_idx %arg21[%gather3A_446], %neg3A_593 masked %ne3A_447 {add = true} : memref<4096xf32, #tpu.memory_space<vmem>>[vector<16xi32>], vector<16xf32>, vector<16xi1>
          %neg3A_594 = arith.constant 0.000000e+00 : f32
          %neg3A_595 = vector.broadcast %neg3A_594 : f32 to vector<16xf32>
          %neg3A_596 = arith.subf %neg3A_595, %masked_cumsum3A_585 : vector<16xf32>
          tpu.vector_store_idx %arg22[%gather3A_446], %neg3A_596 masked %ne3A_447 {add = true} : memref<4096xf32, #tpu.memory_space<vmem>>[vector<16xi32>], vector<16xf32>, vector<16xi1>
          %neg3A_597 = arith.constant 0.000000e+00 : f32
          %neg3A_598 = vector.broadcast %neg3A_597 : f32 to vector<16xf32>
          %neg3A_599 = arith.subf %neg3A_598, %masked_cumsum3A_588 : vector<16xf32>
          tpu.vector_store_idx %arg23[%gather3A_446], %neg3A_599 masked %ne3A_447 {add = true} : memref<4096xf32, #tpu.memory_space<vmem>>[vector<16xi32>], vector<16xf32>, vector<16xi1>
          %neg3A_600 = arith.constant 0.000000e+00 : f32
          %neg3A_601 = vector.broadcast %neg3A_600 : f32 to vector<16xf32>
          %neg3A_602 = arith.subf %neg3A_601, %masked_cumsum3A_591 : vector<16xf32>
          tpu.vector_store_idx %arg24[%gather3A_446], %neg3A_602 masked %ne3A_447 {add = true} : memref<4096xf32, #tpu.memory_space<vmem>>[vector<16xi32>], vector<16xf32>, vector<16xi1>
          %broadcast_in_dim3A_603 = vector.shape_cast %add3A_10 : vector<16xi32> to vector<16x1xi32>
          %gather3A_604 = vector.shape_cast %broadcast_in_dim3A_603 : vector<16x1xi32> to vector<16xi32>
          %gather3A_605 = tpu.dynamic_gather %get3A_417[%gather3A_604] in [0] : vector<16xi32>, vector<16xi32> -> vector<16xi32>
          scf.yield %broadcast_in_dim3A_3, %broadcast_in_dim3A_3, %broadcast_in_dim3A_3, %broadcast_in_dim3A_3, %gather3A_605 : vector<16xf32>, vector<16xf32>, vector<16xf32>, vector<16xf32>, vector<16xi32>
        } else {
          %add3A_465 = arith.addf %cond3A_413#0, %get3A_419 : vector<16xf32>
          %add3A_466 = arith.addf %cond3A_413#1, %sub3A_428 : vector<16xf32>
          %add3A_467 = arith.addf %cond3A_413#2, %mul3A_435 : vector<16xf32>
          %add3A_468 = arith.addf %cond3A_413#3, %mul3A_437 : vector<16xf32>
          scf.yield %add3A_465, %add3A_466, %add3A_467, %add3A_468, %cond3A_413#4 : vector<16xf32>, vector<16xf32>, vector<16xf32>, vector<16xf32>, vector<16xi32>
        }
        scf.yield %cond3A_464#0, %cond3A_464#1, %cond3A_464#2, %cond3A_464#3, %cond3A_464#4 : vector<16xf32>, vector<16xf32>, vector<16xf32>, vector<16xf32>, vector<16xi32>
      } else {
        %add3A_213 = arith.constant 0 : i32
        %add3A_214 = arith.addi %mul3A_197, %add3A_213 : i32
        %get3A_215 = arith.index_cast %add3A_214 : i32 to index
        %get3A_216 = tpu.vector_load %arg11[%get3A_215] {strides = array<i32>} : memref<2000xf32, #tpu.memory_space<vmem>>, vector<16xf32>,
        %get3A_217 = arith.index_cast %add3A_214 : i32 to index
        %get3A_218 = tpu.vector_load %arg13[%get3A_217] {strides = array<i32>} : memref<2000xf32, #tpu.memory_space<vmem>>, vector<16xf32>,
        %get3A_219 = arith.index_cast %add3A_214 : i32 to index
        %get3A_220 = tpu.vector_load %arg15[%get3A_219] {strides = array<i32>} : memref<2000xf32, #tpu.memory_space<vmem>>, vector<16xf32>,
        %get3A_221 = arith.index_cast %add3A_214 : i32 to index
        %get3A_222 = tpu.vector_load %arg17[%get3A_221] {strides = array<i32>} : memref<2000xf32, #tpu.memory_space<vmem>>, vector<16xf32>,
        %get3A_223 = arith.index_cast %add3A_214 : i32 to index
        %get3A_224 = tpu.vector_load %arg19[%get3A_223] {strides = array<i32>} : memref<2000xf32, #tpu.memory_space<vmem>>, vector<16xf32>,
        %sub3A = arith.subf %get3A_216, %get3A_218 : vector<16xf32>
        %sub3A_225 = arith.subf %get3A_222, %get3A_220 : vector<16xf32>
        %sub3A_226 = arith.constant 1.000000e+00 : f32
        %sub3A_227 = vector.broadcast %sub3A_226 : f32 to vector<16xf32>
        %sub3A_228 = arith.subf %sub3A_227, %get3A_220 : vector<16xf32>
        %sub3A_229 = arith.subf %get3A_224, %sub3A_228 : vector<16xf32>
        %mul3A_230 = arith.mulf %get3A_218, %sub3A_225 : vector<16xf32>
        %mul3A_231 = arith.mulf %mul3A_230, %sub3A_225 : vector<16xf32>
        %mul3A_232 = arith.mulf %sub3A, %sub3A_229 : vector<16xf32>
        %mul3A_233 = arith.mulf %mul3A_232, %sub3A_229 : vector<16xf32>
        %add3A_234 = arith.addf %scan3A_191, %get3A_216 : vector<16xf32>
        %add3A_235 = arith.addf %scan3A_192, %sub3A : vector<16xf32>
        %add3A_236 = arith.addf %scan3A_193, %mul3A_231 : vector<16xf32>
        %add3A_237 = arith.addf %scan3A_194, %mul3A_233 : vector<16xf32>
        %add3A_238 = arith.constant 16 : i32
        %add3A_239 = arith.addi %mul3A_197, %add3A_238 : i32
        %get3A_240 = arith.index_cast %add3A_239 : i32 to index
        %get3A_241 = tpu.vector_load %arg11[%get3A_240] {strides = array<i32>} : memref<2000xf32, #tpu.memory_space<vmem>>, vector<16xf32>,
        %get3A_242 = arith.index_cast %add3A_239 : i32 to index
        %get3A_243 = tpu.vector_load %arg13[%get3A_242] {strides = array<i32>} : memref<2000xf32, #tpu.memory_space<vmem>>, vector<16xf32>,
        %get3A_244 = arith.index_cast %add3A_239 : i32 to index
        %get3A_245 = tpu.vector_load %arg15[%get3A_244] {strides = array<i32>} : memref<2000xf32, #tpu.memory_space<vmem>>, vector<16xf32>,
        %get3A_246 = arith.index_cast %add3A_239 : i32 to index
        %get3A_247 = tpu.vector_load %arg17[%get3A_246] {strides = array<i32>} : memref<2000xf32, #tpu.memory_space<vmem>>, vector<16xf32>,
        %get3A_248 = arith.index_cast %add3A_239 : i32 to index
        %get3A_249 = tpu.vector_load %arg19[%get3A_248] {strides = array<i32>} : memref<2000xf32, #tpu.memory_space<vmem>>, vector<16xf32>,
        %sub3A_250 = arith.subf %get3A_241, %get3A_243 : vector<16xf32>
        %sub3A_251 = arith.subf %get3A_247, %get3A_245 : vector<16xf32>
        %sub3A_252 = arith.constant 1.000000e+00 : f32
        %sub3A_253 = vector.broadcast %sub3A_252 : f32 to vector<16xf32>
        %sub3A_254 = arith.subf %sub3A_253, %get3A_245 : vector<16xf32>
        %sub3A_255 = arith.subf %get3A_249, %sub3A_254 : vector<16xf32>
        %mul3A_256 = arith.mulf %get3A_243, %sub3A_251 : vector<16xf32>
        %mul3A_257 = arith.mulf %mul3A_256, %sub3A_251 : vector<16xf32>
        %mul3A_258 = arith.mulf %sub3A_250, %sub3A_255 : vector<16xf32>
        %mul3A_259 = arith.mulf %mul3A_258, %sub3A_255 : vector<16xf32>
        %add3A_260 = arith.addf %add3A_234, %get3A_241 : vector<16xf32>
        %add3A_261 = arith.addf %add3A_235, %sub3A_250 : vector<16xf32>
        %add3A_262 = arith.addf %add3A_236, %mul3A_257 : vector<16xf32>
        %add3A_263 = arith.addf %add3A_237, %mul3A_259 : vector<16xf32>
        %add3A_264 = arith.constant 32 : i32
        %add3A_265 = arith.addi %mul3A_197, %add3A_264 : i32
        %get3A_266 = arith.index_cast %add3A_265 : i32 to index
        %get3A_267 = tpu.vector_load %arg11[%get3A_266] {strides = array<i32>} : memref<2000xf32, #tpu.memory_space<vmem>>, vector<16xf32>,
        %get3A_268 = arith.index_cast %add3A_265 : i32 to index
        %get3A_269 = tpu.vector_load %arg13[%get3A_268] {strides = array<i32>} : memref<2000xf32, #tpu.memory_space<vmem>>, vector<16xf32>,
        %get3A_270 = arith.index_cast %add3A_265 : i32 to index
        %get3A_271 = tpu.vector_load %arg15[%get3A_270] {strides = array<i32>} : memref<2000xf32, #tpu.memory_space<vmem>>, vector<16xf32>,
        %get3A_272 = arith.index_cast %add3A_265 : i32 to index
        %get3A_273 = tpu.vector_load %arg17[%get3A_272] {strides = array<i32>} : memref<2000xf32, #tpu.memory_space<vmem>>, vector<16xf32>,
        %get3A_274 = arith.index_cast %add3A_265 : i32 to index
        %get3A_275 = tpu.vector_load %arg19[%get3A_274] {strides = array<i32>} : memref<2000xf32, #tpu.memory_space<vmem>>, vector<16xf32>,
        %sub3A_276 = arith.subf %get3A_267, %get3A_269 : vector<16xf32>
        %sub3A_277 = arith.subf %get3A_273, %get3A_271 : vector<16xf32>
        %sub3A_278 = arith.constant 1.000000e+00 : f32
        %sub3A_279 = vector.broadcast %sub3A_278 : f32 to vector<16xf32>
        %sub3A_280 = arith.subf %sub3A_279, %get3A_271 : vector<16xf32>
        %sub3A_281 = arith.subf %get3A_275, %sub3A_280 : vector<16xf32>
        %mul3A_282 = arith.mulf %get3A_269, %sub3A_277 : vector<16xf32>
        %mul3A_283 = arith.mulf %mul3A_282, %sub3A_277 : vector<16xf32>
        %mul3A_284 = arith.mulf %sub3A_276, %sub3A_281 : vector<16xf32>
        %mul3A_285 = arith.mulf %mul3A_284, %sub3A_281 : vector<16xf32>
        %add3A_286 = arith.addf %add3A_260, %get3A_267 : vector<16xf32>
        %add3A_287 = arith.addf %add3A_261, %sub3A_276 : vector<16xf32>
        %add3A_288 = arith.addf %add3A_262, %mul3A_283 : vector<16xf32>
        %add3A_289 = arith.addf %add3A_263, %mul3A_285 : vector<16xf32>
        %add3A_290 = arith.constant 48 : i32
        %add3A_291 = arith.addi %mul3A_197, %add3A_290 : i32
        %get3A_292 = arith.index_cast %add3A_291 : i32 to index
        %get3A_293 = tpu.vector_load %arg11[%get3A_292] {strides = array<i32>} : memref<2000xf32, #tpu.memory_space<vmem>>, vector<16xf32>,
        %get3A_294 = arith.index_cast %add3A_291 : i32 to index
        %get3A_295 = tpu.vector_load %arg13[%get3A_294] {strides = array<i32>} : memref<2000xf32, #tpu.memory_space<vmem>>, vector<16xf32>,
        %get3A_296 = arith.index_cast %add3A_291 : i32 to index
        %get3A_297 = tpu.vector_load %arg15[%get3A_296] {strides = array<i32>} : memref<2000xf32, #tpu.memory_space<vmem>>, vector<16xf32>,
        %get3A_298 = arith.index_cast %add3A_291 : i32 to index
        %get3A_299 = tpu.vector_load %arg17[%get3A_298] {strides = array<i32>} : memref<2000xf32, #tpu.memory_space<vmem>>, vector<16xf32>,
        %get3A_300 = arith.index_cast %add3A_291 : i32 to index
        %get3A_301 = tpu.vector_load %arg19[%get3A_300] {strides = array<i32>} : memref<2000xf32, #tpu.memory_space<vmem>>, vector<16xf32>,
        %sub3A_302 = arith.subf %get3A_293, %get3A_295 : vector<16xf32>
        %sub3A_303 = arith.subf %get3A_299, %get3A_297 : vector<16xf32>
        %sub3A_304 = arith.constant 1.000000e+00 : f32
        %sub3A_305 = vector.broadcast %sub3A_304 : f32 to vector<16xf32>
        %sub3A_306 = arith.subf %sub3A_305, %get3A_297 : vector<16xf32>
        %sub3A_307 = arith.subf %get3A_301, %sub3A_306 : vector<16xf32>
        %mul3A_308 = arith.mulf %get3A_295, %sub3A_303 : vector<16xf32>
        %mul3A_309 = arith.mulf %mul3A_308, %sub3A_303 : vector<16xf32>
        %mul3A_310 = arith.mulf %sub3A_302, %sub3A_307 : vector<16xf32>
        %mul3A_311 = arith.mulf %mul3A_310, %sub3A_307 : vector<16xf32>
        %add3A_312 = arith.addf %add3A_286, %get3A_293 : vector<16xf32>
        %add3A_313 = arith.addf %add3A_287, %sub3A_302 : vector<16xf32>
        %add3A_314 = arith.addf %add3A_288, %mul3A_309 : vector<16xf32>
        %add3A_315 = arith.addf %add3A_289, %mul3A_311 : vector<16xf32>
        %add3A_316 = arith.constant 64 : i32
        %add3A_317 = arith.addi %mul3A_197, %add3A_316 : i32
        %get3A_318 = arith.index_cast %add3A_317 : i32 to index
        %get3A_319 = tpu.vector_load %arg11[%get3A_318] {strides = array<i32>} : memref<2000xf32, #tpu.memory_space<vmem>>, vector<16xf32>,
        %get3A_320 = arith.index_cast %add3A_317 : i32 to index
        %get3A_321 = tpu.vector_load %arg13[%get3A_320] {strides = array<i32>} : memref<2000xf32, #tpu.memory_space<vmem>>, vector<16xf32>,
        %get3A_322 = arith.index_cast %add3A_317 : i32 to index
        %get3A_323 = tpu.vector_load %arg15[%get3A_322] {strides = array<i32>} : memref<2000xf32, #tpu.memory_space<vmem>>, vector<16xf32>,
        %get3A_324 = arith.index_cast %add3A_317 : i32 to index
        %get3A_325 = tpu.vector_load %arg17[%get3A_324] {strides = array<i32>} : memref<2000xf32, #tpu.memory_space<vmem>>, vector<16xf32>,
        %get3A_326 = arith.index_cast %add3A_317 : i32 to index
        %get3A_327 = tpu.vector_load %arg19[%get3A_326] {strides = array<i32>} : memref<2000xf32, #tpu.memory_space<vmem>>, vector<16xf32>,
        %sub3A_328 = arith.subf %get3A_319, %get3A_321 : vector<16xf32>
        %sub3A_329 = arith.subf %get3A_325, %get3A_323 : vector<16xf32>
        %sub3A_330 = arith.constant 1.000000e+00 : f32
        %sub3A_331 = vector.broadcast %sub3A_330 : f32 to vector<16xf32>
        %sub3A_332 = arith.subf %sub3A_331, %get3A_323 : vector<16xf32>
        %sub3A_333 = arith.subf %get3A_327, %sub3A_332 : vector<16xf32>
        %mul3A_334 = arith.mulf %get3A_321, %sub3A_329 : vector<16xf32>
        %mul3A_335 = arith.mulf %mul3A_334, %sub3A_329 : vector<16xf32>
        %mul3A_336 = arith.mulf %sub3A_328, %sub3A_333 : vector<16xf32>
        %mul3A_337 = arith.mulf %mul3A_336, %sub3A_333 : vector<16xf32>
        %add3A_338 = arith.addf %add3A_312, %get3A_319 : vector<16xf32>
        %add3A_339 = arith.addf %add3A_313, %sub3A_328 : vector<16xf32>
        %add3A_340 = arith.addf %add3A_314, %mul3A_335 : vector<16xf32>
        %add3A_341 = arith.addf %add3A_315, %mul3A_337 : vector<16xf32>
        scf.yield %add3A_338, %add3A_339, %add3A_340, %add3A_341, %scan3A_195 : vector<16xf32>, vector<16xf32>, vector<16xf32>, vector<16xf32>, vector<16xi32>
      }
      scf.yield %cond3A_212#0, %cond3A_212#1, %cond3A_212#2, %cond3A_212#3, %cond3A_212#4 : vector<16xf32>, vector<16xf32>, vector<16xf32>, vector<16xf32>, vector<16xi32>
    }
    %scan3A_75 = arith.constant 25 : i32
    %xor3A = arith.constant 1 : i32
    %xor3A_76 = vector.broadcast %xor3A : i32 to vector<16xi32>
    %xor3A_77 = arith.xori %iota3A, %xor3A_76 : vector<16xi32>
    %broadcast_in_dim3A_78 = vector.shape_cast %xor3A_77 : vector<16xi32> to vector<16x1xi32>
    %gather3A_79 = vector.shape_cast %broadcast_in_dim3A_78 : vector<16x1xi32> to vector<16xi32>
    %gather3A_80 = tpu.dynamic_gather %scan3A_74#0[%gather3A_79] in [0] : vector<16xf32>, vector<16xi32> -> vector<16xf32>
    %add3A_81 = arith.addf %scan3A_74#0, %gather3A_80 : vector<16xf32>
    %xor3A_82 = arith.constant 2 : i32
    %xor3A_83 = vector.broadcast %xor3A_82 : i32 to vector<16xi32>
    %xor3A_84 = arith.xori %iota3A, %xor3A_83 : vector<16xi32>
    %broadcast_in_dim3A_85 = vector.shape_cast %xor3A_84 : vector<16xi32> to vector<16x1xi32>
    %gather3A_86 = vector.shape_cast %broadcast_in_dim3A_85 : vector<16x1xi32> to vector<16xi32>
    %gather3A_87 = tpu.dynamic_gather %add3A_81[%gather3A_86] in [0] : vector<16xf32>, vector<16xi32> -> vector<16xf32>
    %add3A_88 = arith.addf %add3A_81, %gather3A_87 : vector<16xf32>
    %xor3A_89 = arith.constant 4 : i32
    %xor3A_90 = vector.broadcast %xor3A_89 : i32 to vector<16xi32>
    %xor3A_91 = arith.xori %iota3A, %xor3A_90 : vector<16xi32>
    %broadcast_in_dim3A_92 = vector.shape_cast %xor3A_91 : vector<16xi32> to vector<16x1xi32>
    %gather3A_93 = vector.shape_cast %broadcast_in_dim3A_92 : vector<16x1xi32> to vector<16xi32>
    %gather3A_94 = tpu.dynamic_gather %add3A_88[%gather3A_93] in [0] : vector<16xf32>, vector<16xi32> -> vector<16xf32>
    %add3A_95 = arith.addf %add3A_88, %gather3A_94 : vector<16xf32>
    %xor3A_96 = arith.constant 8 : i32
    %xor3A_97 = vector.broadcast %xor3A_96 : i32 to vector<16xi32>
    %xor3A_98 = arith.xori %iota3A, %xor3A_97 : vector<16xi32>
    %broadcast_in_dim3A_99 = vector.shape_cast %xor3A_98 : vector<16xi32> to vector<16x1xi32>
    %gather3A_100 = vector.shape_cast %broadcast_in_dim3A_99 : vector<16x1xi32> to vector<16xi32>
    %gather3A_101 = tpu.dynamic_gather %add3A_95[%gather3A_100] in [0] : vector<16xf32>, vector<16xi32> -> vector<16xf32>
    %add3A_102 = arith.addf %add3A_95, %gather3A_101 : vector<16xf32>
    tpu.vector_store_idx %arg21[%scan3A_74#4], %add3A_102 masked %eq3A_5 {add = true} : memref<4096xf32, #tpu.memory_space<vmem>>[vector<16xi32>], vector<16xf32>, vector<16xi1>
    %xor3A_103 = arith.constant 1 : i32
    %xor3A_104 = vector.broadcast %xor3A_103 : i32 to vector<16xi32>
    %xor3A_105 = arith.xori %iota3A, %xor3A_104 : vector<16xi32>
    %broadcast_in_dim3A_106 = vector.shape_cast %xor3A_105 : vector<16xi32> to vector<16x1xi32>
    %gather3A_107 = vector.shape_cast %broadcast_in_dim3A_106 : vector<16x1xi32> to vector<16xi32>
    %gather3A_108 = tpu.dynamic_gather %scan3A_74#1[%gather3A_107] in [0] : vector<16xf32>, vector<16xi32> -> vector<16xf32>
    %add3A_109 = arith.addf %scan3A_74#1, %gather3A_108 : vector<16xf32>
    %xor3A_110 = arith.constant 2 : i32
    %xor3A_111 = vector.broadcast %xor3A_110 : i32 to vector<16xi32>
    %xor3A_112 = arith.xori %iota3A, %xor3A_111 : vector<16xi32>
    %broadcast_in_dim3A_113 = vector.shape_cast %xor3A_112 : vector<16xi32> to vector<16x1xi32>
    %gather3A_114 = vector.shape_cast %broadcast_in_dim3A_113 : vector<16x1xi32> to vector<16xi32>
    %gather3A_115 = tpu.dynamic_gather %add3A_109[%gather3A_114] in [0] : vector<16xf32>, vector<16xi32> -> vector<16xf32>
    %add3A_116 = arith.addf %add3A_109, %gather3A_115 : vector<16xf32>
    %xor3A_117 = arith.constant 4 : i32
    %xor3A_118 = vector.broadcast %xor3A_117 : i32 to vector<16xi32>
    %xor3A_119 = arith.xori %iota3A, %xor3A_118 : vector<16xi32>
    %broadcast_in_dim3A_120 = vector.shape_cast %xor3A_119 : vector<16xi32> to vector<16x1xi32>
    %gather3A_121 = vector.shape_cast %broadcast_in_dim3A_120 : vector<16x1xi32> to vector<16xi32>
    %gather3A_122 = tpu.dynamic_gather %add3A_116[%gather3A_121] in [0] : vector<16xf32>, vector<16xi32> -> vector<16xf32>
    %add3A_123 = arith.addf %add3A_116, %gather3A_122 : vector<16xf32>
    %xor3A_124 = arith.constant 8 : i32
    %xor3A_125 = vector.broadcast %xor3A_124 : i32 to vector<16xi32>
    %xor3A_126 = arith.xori %iota3A, %xor3A_125 : vector<16xi32>
    %broadcast_in_dim3A_127 = vector.shape_cast %xor3A_126 : vector<16xi32> to vector<16x1xi32>
    %gather3A_128 = vector.shape_cast %broadcast_in_dim3A_127 : vector<16x1xi32> to vector<16xi32>
    %gather3A_129 = tpu.dynamic_gather %add3A_123[%gather3A_128] in [0] : vector<16xf32>, vector<16xi32> -> vector<16xf32>
    %add3A_130 = arith.addf %add3A_123, %gather3A_129 : vector<16xf32>
    tpu.vector_store_idx %arg22[%scan3A_74#4], %add3A_130 masked %eq3A_5 {add = true} : memref<4096xf32, #tpu.memory_space<vmem>>[vector<16xi32>], vector<16xf32>, vector<16xi1>
    %xor3A_131 = arith.constant 1 : i32
    %xor3A_132 = vector.broadcast %xor3A_131 : i32 to vector<16xi32>
    %xor3A_133 = arith.xori %iota3A, %xor3A_132 : vector<16xi32>
    %broadcast_in_dim3A_134 = vector.shape_cast %xor3A_133 : vector<16xi32> to vector<16x1xi32>
    %gather3A_135 = vector.shape_cast %broadcast_in_dim3A_134 : vector<16x1xi32> to vector<16xi32>
    %gather3A_136 = tpu.dynamic_gather %scan3A_74#2[%gather3A_135] in [0] : vector<16xf32>, vector<16xi32> -> vector<16xf32>
    %add3A_137 = arith.addf %scan3A_74#2, %gather3A_136 : vector<16xf32>
    %xor3A_138 = arith.constant 2 : i32
    %xor3A_139 = vector.broadcast %xor3A_138 : i32 to vector<16xi32>
    %xor3A_140 = arith.xori %iota3A, %xor3A_139 : vector<16xi32>
    %broadcast_in_dim3A_141 = vector.shape_cast %xor3A_140 : vector<16xi32> to vector<16x1xi32>
    %gather3A_142 = vector.shape_cast %broadcast_in_dim3A_141 : vector<16x1xi32> to vector<16xi32>
    %gather3A_143 = tpu.dynamic_gather %add3A_137[%gather3A_142] in [0] : vector<16xf32>, vector<16xi32> -> vector<16xf32>
    %add3A_144 = arith.addf %add3A_137, %gather3A_143 : vector<16xf32>
    %xor3A_145 = arith.constant 4 : i32
    %xor3A_146 = vector.broadcast %xor3A_145 : i32 to vector<16xi32>
    %xor3A_147 = arith.xori %iota3A, %xor3A_146 : vector<16xi32>
    %broadcast_in_dim3A_148 = vector.shape_cast %xor3A_147 : vector<16xi32> to vector<16x1xi32>
    %gather3A_149 = vector.shape_cast %broadcast_in_dim3A_148 : vector<16x1xi32> to vector<16xi32>
    %gather3A_150 = tpu.dynamic_gather %add3A_144[%gather3A_149] in [0] : vector<16xf32>, vector<16xi32> -> vector<16xf32>
    %add3A_151 = arith.addf %add3A_144, %gather3A_150 : vector<16xf32>
    %xor3A_152 = arith.constant 8 : i32
    %xor3A_153 = vector.broadcast %xor3A_152 : i32 to vector<16xi32>
    %xor3A_154 = arith.xori %iota3A, %xor3A_153 : vector<16xi32>
    %broadcast_in_dim3A_155 = vector.shape_cast %xor3A_154 : vector<16xi32> to vector<16x1xi32>
    %gather3A_156 = vector.shape_cast %broadcast_in_dim3A_155 : vector<16x1xi32> to vector<16xi32>
    %gather3A_157 = tpu.dynamic_gather %add3A_151[%gather3A_156] in [0] : vector<16xf32>, vector<16xi32> -> vector<16xf32>
    %add3A_158 = arith.addf %add3A_151, %gather3A_157 : vector<16xf32>
    tpu.vector_store_idx %arg23[%scan3A_74#4], %add3A_158 masked %eq3A_5 {add = true} : memref<4096xf32, #tpu.memory_space<vmem>>[vector<16xi32>], vector<16xf32>, vector<16xi1>
    %xor3A_159 = arith.constant 1 : i32
    %xor3A_160 = vector.broadcast %xor3A_159 : i32 to vector<16xi32>
    %xor3A_161 = arith.xori %iota3A, %xor3A_160 : vector<16xi32>
    %broadcast_in_dim3A_162 = vector.shape_cast %xor3A_161 : vector<16xi32> to vector<16x1xi32>
    %gather3A_163 = vector.shape_cast %broadcast_in_dim3A_162 : vector<16x1xi32> to vector<16xi32>
    %gather3A_164 = tpu.dynamic_gather %scan3A_74#3[%gather3A_163] in [0] : vector<16xf32>, vector<16xi32> -> vector<16xf32>
    %add3A_165 = arith.addf %scan3A_74#3, %gather3A_164 : vector<16xf32>
    %xor3A_166 = arith.constant 2 : i32
    %xor3A_167 = vector.broadcast %xor3A_166 : i32 to vector<16xi32>
    %xor3A_168 = arith.xori %iota3A, %xor3A_167 : vector<16xi32>
    %broadcast_in_dim3A_169 = vector.shape_cast %xor3A_168 : vector<16xi32> to vector<16x1xi32>
    %gather3A_170 = vector.shape_cast %broadcast_in_dim3A_169 : vector<16x1xi32> to vector<16xi32>
    %gather3A_171 = tpu.dynamic_gather %add3A_165[%gather3A_170] in [0] : vector<16xf32>, vector<16xi32> -> vector<16xf32>
    %add3A_172 = arith.addf %add3A_165, %gather3A_171 : vector<16xf32>
    %xor3A_173 = arith.constant 4 : i32
    %xor3A_174 = vector.broadcast %xor3A_173 : i32 to vector<16xi32>
    %xor3A_175 = arith.xori %iota3A, %xor3A_174 : vector<16xi32>
    %broadcast_in_dim3A_176 = vector.shape_cast %xor3A_175 : vector<16xi32> to vector<16x1xi32>
    %gather3A_177 = vector.shape_cast %broadcast_in_dim3A_176 : vector<16x1xi32> to vector<16xi32>
    %gather3A_178 = tpu.dynamic_gather %add3A_172[%gather3A_177] in [0] : vector<16xf32>, vector<16xi32> -> vector<16xf32>
    %add3A_179 = arith.addf %add3A_172, %gather3A_178 : vector<16xf32>
    %xor3A_180 = arith.constant 8 : i32
    %xor3A_181 = vector.broadcast %xor3A_180 : i32 to vector<16xi32>
    %xor3A_182 = arith.xori %iota3A, %xor3A_181 : vector<16xi32>
    %broadcast_in_dim3A_183 = vector.shape_cast %xor3A_182 : vector<16xi32> to vector<16x1xi32>
    %gather3A_184 = vector.shape_cast %broadcast_in_dim3A_183 : vector<16x1xi32> to vector<16xi32>
    %gather3A_185 = tpu.dynamic_gather %add3A_179[%gather3A_184] in [0] : vector<16xf32>, vector<16xi32> -> vector<16xf32>
    %add3A_186 = arith.addf %add3A_179, %gather3A_185 : vector<16xf32>
    tpu.vector_store_idx %arg24[%scan3A_74#4], %add3A_186 masked %eq3A_5 {add = true} : memref<4096xf32, #tpu.memory_space<vmem>>[vector<16xi32>], vector<16xf32>, vector<16xi1>
    %run_scoped3A = arith.constant 0 : i32
    "tpu.region"() ({
      %run_scoped3A_190 = tpu.sem_alloc : memref<!tpu.dma_semaphore, #tpu.memory_space<semaphore_mem>>
      %dma_start3A_191 = arith.constant 0 : i32
      %dma_start3A_192 = tpu.memref_slice %arg8[%add3A, %run_scoped3A, %dma_start3A_191] : memref<32x4x4096xf32, #tpu.memory_space<hbm>> -> memref<1x1x4096xf32, #tpu.memory_space<hbm>>
      %dma_start3A_193 = tpu.memref_squeeze %dma_start3A_192 : memref<1x1x4096xf32, #tpu.memory_space<hbm>> -> memref<4096xf32, #tpu.memory_space<hbm>>
      %dma_start3A_194 = arith.constant 0 : i32
      %dma_start3A_195 = tpu.memref_slice %arg8[%add3A, %run_scoped3A, %dma_start3A_194] : memref<32x4x4096xf32, #tpu.memory_space<hbm>> -> memref<1x1x4096xf32, #tpu.memory_space<hbm>>
      %dma_start3A_196 = tpu.memref_squeeze %dma_start3A_195 : memref<1x1x4096xf32, #tpu.memory_space<hbm>> -> memref<4096xf32, #tpu.memory_space<hbm>>
      tpu.enqueue_dma source(%arg21 : memref<4096xf32, #tpu.memory_space<vmem>>) target(%dma_start3A_196 : memref<4096xf32, #tpu.memory_space<hbm>>) target_semaphore(%run_scoped3A_190 : memref<!tpu.dma_semaphore, #tpu.memory_space<semaphore_mem>>)
      %dma_wait3A_197 = arith.constant 0 : i32
      %dma_wait3A_198 = tpu.memref_slice %arg8[%add3A, %run_scoped3A, %dma_wait3A_197] : memref<32x4x4096xf32, #tpu.memory_space<hbm>> -> memref<1x1x4096xf32, #tpu.memory_space<hbm>>
      %dma_wait3A_199 = tpu.memref_squeeze %dma_wait3A_198 : memref<1x1x4096xf32, #tpu.memory_space<hbm>> -> memref<4096xf32, #tpu.memory_space<hbm>>
      %dma_wait3A_200 = arith.constant 0 : i32
      %dma_wait3A_201 = tpu.memref_slice %arg8[%add3A, %run_scoped3A, %dma_wait3A_200] : memref<32x4x4096xf32, #tpu.memory_space<hbm>> -> memref<1x1x4096xf32, #tpu.memory_space<hbm>>
      %dma_wait3A_202 = tpu.memref_squeeze %dma_wait3A_201 : memref<1x1x4096xf32, #tpu.memory_space<hbm>> -> memref<4096xf32, #tpu.memory_space<hbm>>
      tpu.wait_dma2 semaphore(%run_scoped3A_190 : memref<!tpu.dma_semaphore, #tpu.memory_space<semaphore_mem>>) src(%arg21 : memref<4096xf32, #tpu.memory_space<vmem>>) dst(%dma_wait3A_202 : memref<4096xf32, #tpu.memory_space<hbm>>)
      tpu.yield
    }) : () -> ()
    %run_scoped3A_187 = arith.constant 1 : i32
    "tpu.region"() ({
      %run_scoped3A_190 = tpu.sem_alloc : memref<!tpu.dma_semaphore, #tpu.memory_space<semaphore_mem>>
      %dma_start3A_191 = arith.constant 0 : i32
      %dma_start3A_192 = tpu.memref_slice %arg8[%add3A, %run_scoped3A_187, %dma_start3A_191] : memref<32x4x4096xf32, #tpu.memory_space<hbm>> -> memref<1x1x4096xf32, #tpu.memory_space<hbm>>
      %dma_start3A_193 = tpu.memref_squeeze %dma_start3A_192 : memref<1x1x4096xf32, #tpu.memory_space<hbm>> -> memref<4096xf32, #tpu.memory_space<hbm>>
      %dma_start3A_194 = arith.constant 0 : i32
      %dma_start3A_195 = tpu.memref_slice %arg8[%add3A, %run_scoped3A_187, %dma_start3A_194] : memref<32x4x4096xf32, #tpu.memory_space<hbm>> -> memref<1x1x4096xf32, #tpu.memory_space<hbm>>
      %dma_start3A_196 = tpu.memref_squeeze %dma_start3A_195 : memref<1x1x4096xf32, #tpu.memory_space<hbm>> -> memref<4096xf32, #tpu.memory_space<hbm>>
      tpu.enqueue_dma source(%arg22 : memref<4096xf32, #tpu.memory_space<vmem>>) target(%dma_start3A_196 : memref<4096xf32, #tpu.memory_space<hbm>>) target_semaphore(%run_scoped3A_190 : memref<!tpu.dma_semaphore, #tpu.memory_space<semaphore_mem>>)
      %dma_wait3A_197 = arith.constant 0 : i32
      %dma_wait3A_198 = tpu.memref_slice %arg8[%add3A, %run_scoped3A_187, %dma_wait3A_197] : memref<32x4x4096xf32, #tpu.memory_space<hbm>> -> memref<1x1x4096xf32, #tpu.memory_space<hbm>>
      %dma_wait3A_199 = tpu.memref_squeeze %dma_wait3A_198 : memref<1x1x4096xf32, #tpu.memory_space<hbm>> -> memref<4096xf32, #tpu.memory_space<hbm>>
      %dma_wait3A_200 = arith.constant 0 : i32
      %dma_wait3A_201 = tpu.memref_slice %arg8[%add3A, %run_scoped3A_187, %dma_wait3A_200] : memref<32x4x4096xf32, #tpu.memory_space<hbm>> -> memref<1x1x4096xf32, #tpu.memory_space<hbm>>
      %dma_wait3A_202 = tpu.memref_squeeze %dma_wait3A_201 : memref<1x1x4096xf32, #tpu.memory_space<hbm>> -> memref<4096xf32, #tpu.memory_space<hbm>>
      tpu.wait_dma2 semaphore(%run_scoped3A_190 : memref<!tpu.dma_semaphore, #tpu.memory_space<semaphore_mem>>) src(%arg22 : memref<4096xf32, #tpu.memory_space<vmem>>) dst(%dma_wait3A_202 : memref<4096xf32, #tpu.memory_space<hbm>>)
      tpu.yield
    }) : () -> ()
    %run_scoped3A_188 = arith.constant 2 : i32
    "tpu.region"() ({
      %run_scoped3A_190 = tpu.sem_alloc : memref<!tpu.dma_semaphore, #tpu.memory_space<semaphore_mem>>
      %dma_start3A_191 = arith.constant 0 : i32
      %dma_start3A_192 = tpu.memref_slice %arg8[%add3A, %run_scoped3A_188, %dma_start3A_191] : memref<32x4x4096xf32, #tpu.memory_space<hbm>> -> memref<1x1x4096xf32, #tpu.memory_space<hbm>>
      %dma_start3A_193 = tpu.memref_squeeze %dma_start3A_192 : memref<1x1x4096xf32, #tpu.memory_space<hbm>> -> memref<4096xf32, #tpu.memory_space<hbm>>
      %dma_start3A_194 = arith.constant 0 : i32
      %dma_start3A_195 = tpu.memref_slice %arg8[%add3A, %run_scoped3A_188, %dma_start3A_194] : memref<32x4x4096xf32, #tpu.memory_space<hbm>> -> memref<1x1x4096xf32, #tpu.memory_space<hbm>>
      %dma_start3A_196 = tpu.memref_squeeze %dma_start3A_195 : memref<1x1x4096xf32, #tpu.memory_space<hbm>> -> memref<4096xf32, #tpu.memory_space<hbm>>
      tpu.enqueue_dma source(%arg23 : memref<4096xf32, #tpu.memory_space<vmem>>) target(%dma_start3A_196 : memref<4096xf32, #tpu.memory_space<hbm>>) target_semaphore(%run_scoped3A_190 : memref<!tpu.dma_semaphore, #tpu.memory_space<semaphore_mem>>)
      %dma_wait3A_197 = arith.constant 0 : i32
      %dma_wait3A_198 = tpu.memref_slice %arg8[%add3A, %run_scoped3A_188, %dma_wait3A_197] : memref<32x4x4096xf32, #tpu.memory_space<hbm>> -> memref<1x1x4096xf32, #tpu.memory_space<hbm>>
      %dma_wait3A_199 = tpu.memref_squeeze %dma_wait3A_198 : memref<1x1x4096xf32, #tpu.memory_space<hbm>> -> memref<4096xf32, #tpu.memory_space<hbm>>
      %dma_wait3A_200 = arith.constant 0 : i32
      %dma_wait3A_201 = tpu.memref_slice %arg8[%add3A, %run_scoped3A_188, %dma_wait3A_200] : memref<32x4x4096xf32, #tpu.memory_space<hbm>> -> memref<1x1x4096xf32, #tpu.memory_space<hbm>>
      %dma_wait3A_202 = tpu.memref_squeeze %dma_wait3A_201 : memref<1x1x4096xf32, #tpu.memory_space<hbm>> -> memref<4096xf32, #tpu.memory_space<hbm>>
      tpu.wait_dma2 semaphore(%run_scoped3A_190 : memref<!tpu.dma_semaphore, #tpu.memory_space<semaphore_mem>>) src(%arg23 : memref<4096xf32, #tpu.memory_space<vmem>>) dst(%dma_wait3A_202 : memref<4096xf32, #tpu.memory_space<hbm>>)
      tpu.yield
    }) : () -> ()
    %run_scoped3A_189 = arith.constant 3 : i32
    "tpu.region"() ({
      %run_scoped3A_190 = tpu.sem_alloc : memref<!tpu.dma_semaphore, #tpu.memory_space<semaphore_mem>>
      %dma_start3A_191 = arith.constant 0 : i32
      %dma_start3A_192 = tpu.memref_slice %arg8[%add3A, %run_scoped3A_189, %dma_start3A_191] : memref<32x4x4096xf32, #tpu.memory_space<hbm>> -> memref<1x1x4096xf32, #tpu.memory_space<hbm>>
      %dma_start3A_193 = tpu.memref_squeeze %dma_start3A_192 : memref<1x1x4096xf32, #tpu.memory_space<hbm>> -> memref<4096xf32, #tpu.memory_space<hbm>>
      %dma_start3A_194 = arith.constant 0 : i32
      %dma_start3A_195 = tpu.memref_slice %arg8[%add3A, %run_scoped3A_189, %dma_start3A_194] : memref<32x4x4096xf32, #tpu.memory_space<hbm>> -> memref<1x1x4096xf32, #tpu.memory_space<hbm>>
      %dma_start3A_196 = tpu.memref_squeeze %dma_start3A_195 : memref<1x1x4096xf32, #tpu.memory_space<hbm>> -> memref<4096xf32, #tpu.memory_space<hbm>>
      tpu.enqueue_dma source(%arg24 : memref<4096xf32, #tpu.memory_space<vmem>>) target(%dma_start3A_196 : memref<4096xf32, #tpu.memory_space<hbm>>) target_semaphore(%run_scoped3A_190 : memref<!tpu.dma_semaphore, #tpu.memory_space<semaphore_mem>>)
      %dma_wait3A_197 = arith.constant 0 : i32
      %dma_wait3A_198 = tpu.memref_slice %arg8[%add3A, %run_scoped3A_189, %dma_wait3A_197] : memref<32x4x4096xf32, #tpu.memory_space<hbm>> -> memref<1x1x4096xf32, #tpu.memory_space<hbm>>
      %dma_wait3A_199 = tpu.memref_squeeze %dma_wait3A_198 : memref<1x1x4096xf32, #tpu.memory_space<hbm>> -> memref<4096xf32, #tpu.memory_space<hbm>>
      %dma_wait3A_200 = arith.constant 0 : i32
      %dma_wait3A_201 = tpu.memref_slice %arg8[%add3A, %run_scoped3A_189, %dma_wait3A_200] : memref<32x4x4096xf32, #tpu.memory_space<hbm>> -> memref<1x1x4096xf32, #tpu.memory_space<hbm>>
      %dma_wait3A_202 = tpu.memref_squeeze %dma_wait3A_201 : memref<1x1x4096xf32, #tpu.memory_space<hbm>> -> memref<4096xf32, #tpu.memory_space<hbm>>
      tpu.wait_dma2 semaphore(%run_scoped3A_190 : memref<!tpu.dma_semaphore, #tpu.memory_space<semaphore_mem>>) src(%arg24 : memref<4096xf32, #tpu.memory_space<vmem>>) dst(%dma_wait3A_202 : memref<4096xf32, #tpu.memory_space<hbm>>)
      tpu.yield
    }) : () -> ()
    return
  }
}

module attributes {stable_mosaic.version = 14 : i64} {
  func.func @_combine_body(%arg0: memref<32x4x4096xf32, #tpu.memory_space<vmem>>, %arg1: memref<1x1xf32, #tpu.memory_space<vmem>>) attributes {dimension_semantics = [], scalar_prefetch = 0 : i64, scratch_operands = 0 : i64, tpu.core_type = #tpu.core_type<tc>} {
    %get3A = arith.constant 0 : index
    %get3A_0 = arith.constant 0 : index
    %get3A_1 = arith.constant 0 : index
    %get3A_2 = vector.load %arg0[%get3A, %get3A_0, %get3A_1] : memref<32x4x4096xf32, #tpu.memory_space<vmem>>, vector<32x4x4096xf32>
    %reduce_sum3A = arith.constant dense<0.000000e+00> : vector<4x4096xf32>
    %reduce_sum3A_3 = vector.multi_reduction <add>, %get3A_2, %reduce_sum3A [0] : vector<32x4x4096xf32> to vector<4x4096xf32>
    %slice3A = vector.extract_strided_slice %reduce_sum3A_3 {offsets = [0, 0], sizes = [1, 4096], strides = [1, 1]} : vector<4x4096xf32> to vector<1x4096xf32>
    %slice3A_4 = vector.extract_strided_slice %reduce_sum3A_3 {offsets = [1, 0], sizes = [1, 4096], strides = [1, 1]} : vector<4x4096xf32> to vector<1x4096xf32>
    %slice3A_5 = vector.extract_strided_slice %reduce_sum3A_3 {offsets = [2, 0], sizes = [1, 4096], strides = [1, 1]} : vector<4x4096xf32> to vector<1x4096xf32>
    %slice3A_6 = vector.extract_strided_slice %reduce_sum3A_3 {offsets = [3, 0], sizes = [1, 4096], strides = [1, 1]} : vector<4x4096xf32> to vector<1x4096xf32>
    %add3A = arith.constant 1.000000e+00 : f32
    %add3A_7 = vector.broadcast %add3A : f32 to vector<1x4096xf32>
    %add3A_8 = arith.addf %add3A_7, %slice3A : vector<1x4096xf32>
    %div3A = arith.divf %slice3A_5, %add3A_8 : vector<1x4096xf32>
    %add3A_9 = arith.constant 1.000000e+00 : f32
    %add3A_10 = vector.broadcast %add3A_9 : f32 to vector<1x4096xf32>
    %add3A_11 = arith.addf %add3A_10, %slice3A_4 : vector<1x4096xf32>
    %div3A_12 = arith.divf %slice3A_6, %add3A_11 : vector<1x4096xf32>
    %add3A_13 = arith.addf %div3A, %div3A_12 : vector<1x4096xf32>
    %reduce_sum3A_14 = vector.shape_cast %add3A_13 : vector<1x4096xf32> to vector<1x1x4096xf32>
    %reduce_sum3A_15 = arith.constant dense<0.000000e+00> : vector<1xf32>
    %reduce_sum3A_16 = vector.multi_reduction <add>, %reduce_sum3A_14, %reduce_sum3A_15 [1, 2] : vector<1x1x4096xf32> to vector<1xf32>
    %reduce_sum3A_17 = vector.shape_cast %reduce_sum3A_16 : vector<1xf32> to vector<1x1x1xf32>
    %reduce_sum3A_18 = vector.extract %reduce_sum3A_17[0, 0, 0] : f32 from vector<1x1x1xf32>
    %broadcast_in_dim3A = vector.broadcast %reduce_sum3A_18 : f32 to vector<1x1xf32>
    %swap3A = arith.constant 0 : index
    %swap3A_19 = arith.constant 0 : index
    %swap3A_20 = vector.load %arg1[%swap3A, %swap3A_19] : memref<1x1xf32, #tpu.memory_space<vmem>>, vector<1x1xf32>
    tpu.vector_store %arg1[%swap3A, %swap3A_19], %broadcast_in_dim3A {strides = array<i32>} : memref<1x1xf32, #tpu.memory_space<vmem>>, vector<1x1xf32>,
    return
  }
}

</mosaic_0001>

<sc_bundles>
// kernel: kernel.4.cloned.1.call-start
scs
__scs_entry_jumppad:
0x0: {  	(pc) =	sbr.rel $0x88, $3  }
0x1: {  	(tag) =	ssettag $0x0;
	lr =	simm.s32 $0x1  }
0x2: {  	[smem:$0x3F9C] =	sst lr;
	_ =	strace $0xD0000000  }
0x3: {  	_ = 	snop  }
0x4: {  	_ = 	snop  }
0x5: {  	_ = 	snop  }
0x6: {  	_ = 	snop  }
0x7: {  	_ = 	snop  }
__scs_overlays_trampoline_lowered:
0x8: {  	[smem:$0x3FAB] =	sst s0  }
0x9: {  	[smem:$0x3FAC] =	sst s1  }
0xa: {  	[smem:$0x3FAD] =	sst s2  }
0xb: {  	[smem:$0x3FAE] =	sst s3  }
0xc: {  	[smem:$0x3FAF] =	sst s4  }
0xd: {  	[smem:$0x3FB0] =	sst s5  }
0xe: {  	[smem:$0x3FB1] =	sst s6  }
0xf: {  	[smem:$0x3FB2] =	sst s7  }
0x10: {  	[smem:$0x3FB3] =	sst s8  }
0x11: {  	[smem:$0x3FB4] =	sst s9;
	s0 =	simm.s32 @!p0 $0x0  }
0x12: {  	s1 =	sld [smem:$0x3F9A];
	s0 =	simm.s32 @p0 $0x1  }
0x13: {  	[smem:$0x3FB5] =	sst s0;
	s0 =	simm.s32 @!p1 $0x0  }
0x14: {  	s2 =	sld [smem:$0x3F99];
	s0 =	simm.s32 @p1 $0x1  }
0x15: {  	[smem:$0x3FB6] =	sst s0;
	s0 =	simm.s32 @!p2 $0x0  }
0x16: {  	s3 =	sld [smem:$0x3FDB];
	s0 =	simm.s32 @p2 $0x1  }
0x17: {  	s4 =	simm.s32 $0x1BF5;
	[smem:$0x3FB8] =	sst s0  }
0x18: {  	s0 =	sld [smem:$0x3F9B];
	_ =	swait.ge [sflag:s4], $0x0  }
0x19: {  	s7 =	sld [smem:$0x3F9C]  }
0x1a: {  	s8 =	sadd.s32 $0xFFFFE003, lr  }
0x1b: {  	s9 =	sadd.s32 $0xFFFFFEF7, lr;
	s5 =	simm.s32 $0xFFFFFFFF;
	p2 =	slt.u32 s8, $0xFFFFF086  }
0x1c: {  	p1 =	slt.u32 s9, $0xF7A;
	s5 =	simm.s32 @!p2 $0x0  }
0x1d: {  	s5 =	simm.s32 @p1 $0x1;
	p0 =	seq.s32 s7, s2  }
0x1e: {  	s7 =	smul.u32 @!p0 $0xF7A, s2;
	p2 =	seq.s32 @!p0 s5, $0x0  }
0x1f: {  	s9 =	smul.u32 $0xF7A, s1;
	s8 =	simm.s32 @!p0 $0x1BF5;
	p2 =	por !p2, p0  }
0x20: {  	[sflag:s8] =	ssyncset.s32 @!p0 $0xFFFFF086;
	s6 =	sadd.s32 @!p0 s3, s7;
	s7 =	simm.s32 @!p0 $0x108  }
0x21: {  	s3 =	sadd.s32 s3, s9;
	s6 =	sadd.s32 @!p0 $0x88, s6;
	s7 =	simm.s32 @p2 $0x1082  }
0x22: {  	[simem:s7], [sflag:s8] =	dma.local @!p0 [hbm:s6], $0xF7A  }
0x23: {  	s9 =	sor.u32 $0xD0000000, s2;
	s6 =	simm.s32 $0x108;
	_ =	swait.ge @!p0 [sflag:s8], $0x0  }
0x24: {  	s3 =	sadd.s32 $0x88, s3;
	s6 =	simm.s32 @!p1 $0x1082;
	[sflag:s4] =	ssyncset.s32 $0xFFFFF086  }
0x25: {  	[simem:s6], [sflag:s4] =	dma.local [hbm:s3], $0xF7A  }
0x26: {  	[smem:$0x3F9C] =	sst s1;
	(tag) =	ssettag s2;
	_ =	strace s9  }
0x27: {  	s1 =	sld [smem:$0x3FAC]  }
0x28: {  	s2 =	sld [smem:$0x3FAD]  }
0x29: {  	s4 =	sld [smem:$0x3FAF]  }
0x2a: {  	p0 =	seq.s32 s5, $0x0;
	s5 =	sld [smem:$0x3FB0]  }
0x2b: {  	s6 =	sld [smem:$0x3FB1]  }
0x2c: {  	s7 =	sld [smem:$0x3FB2]  }
0x2d: {  	s3 =	simm.s32 $0x108;
	s8 =	sld [smem:$0x3FB3]  }
0x2e: {  	s3 =	simm.s32 @!p0 $0x1082;
	s9 =	sld [smem:$0x3FB4]  }
0x2f: {  	lr =	sadd.s32 s0, s3;
	s0 =	sld [smem:$0x3FAB]  }
0x30: {  	s3 =	sld [smem:$0x3FAE]  }
0x31: {  	[smem:$0x3FB7] =	sst s10  }
0x32: {  	s10 =	sld [smem:$0x3FB5];
	_ =	sdelay $0x3  }
0x33: {  	p0 =	seq.s32 s10, $0x1;
	s10 =	sld [smem:$0x3FB7];
	_ =	sdelay $0x3  }
0x34: {  	[smem:$0x3FB7] =	sst s10  }
0x35: {  	s10 =	sld [smem:$0x3FB6];
	_ =	sdelay $0x3  }
0x36: {  	p1 =	seq.s32 s10, $0x1;
	s10 =	sld [smem:$0x3FB7];
	_ =	sdelay $0x3  }
0x37: {  	[smem:$0x3FB7] =	sst s10  }
0x38: {  	s10 =	sld [smem:$0x3FB8]  }
0x39: {  	_ = 	snop;
	(pc) =	sbr.ind lr, $3  }
0x3a: {  	_ = 	snop  }
0x3b: {  	_ = 	snop  }
0x3c: {  	p2 =	seq.s32 s10, $0x1;
	s10 =	sld [smem:$0x3FB7]  }
0x3d: {  	_ =	shalt  }
0x3e: {  	_ =	shalt  }
0x3f: {  	_ =	shalt  }
0x40: {  	_ =	shalt  }
0x41: {  	_ =	shalt  }
0x42: {  	_ =	shalt  }
0x43: {  	_ =	shalt  }
0x44: {  	_ =	shalt  }
0x45: {  	_ =	shalt  }
0x46: {  	_ =	shalt  }
0x47: {  	_ =	shalt  }
0x48: {  	_ =	shalt  }
0x49: {  	_ =	shalt  }
0x4a: {  	_ =	shalt  }
0x4b: {  	_ =	shalt  }
0x4c: {  	_ =	shalt  }
0x4d: {  	_ =	shalt  }
0x4e: {  	_ =	shalt  }
0x4f: {  	_ =	shalt  }
0x50: {  	_ =	shalt  }
0x51: {  	_ =	shalt  }
0x52: {  	_ =	shalt  }
0x53: {  	_ =	shalt  }
0x54: {  	_ =	shalt  }
0x55: {  	_ =	shalt  }
0x56: {  	_ =	shalt  }
0x57: {  	_ =	shalt  }
0x58: {  	_ =	shalt  }
0x59: {  	_ =	shalt  }
0x5a: {  	_ =	shalt  }
0x5b: {  	_ =	shalt  }
0x5c: {  	_ =	shalt  }
0x5d: {  	_ =	shalt  }
0x5e: {  	_ =	shalt  }
0x5f: {  	_ =	shalt  }
0x60: {  	_ =	shalt  }
0x61: {  	_ =	shalt  }
0x62: {  	_ =	shalt  }
0x63: {  	_ =	shalt  }
0x64: {  	_ =	shalt  }
0x65: {  	_ =	shalt  }
0x66: {  	_ =	shalt  }
0x67: {  	_ =	shalt  }
0x68: {  	_ =	shalt  }
0x69: {  	_ =	shalt  }
0x6a: {  	_ =	shalt  }
0x6b: {  	_ =	shalt  }
0x6c: {  	_ =	shalt  }
0x6d: {  	_ =	shalt  }
0x6e: {  	_ =	shalt  }
0x6f: {  	_ =	shalt  }
0x70: {  	_ =	shalt  }
0x71: {  	_ =	shalt  }
0x72: {  	_ =	shalt  }
0x73: {  	_ =	shalt  }
0x74: {  	_ =	shalt  }
0x75: {  	_ =	shalt  }
0x76: {  	_ =	shalt  }
0x77: {  	_ =	shalt  }
0x78: {  	_ =	shalt  }
0x79: {  	_ =	shalt  }
0x7a: {  	_ =	shalt  }
0x7b: {  	_ =	shalt  }
0x7c: {  	_ =	shalt  }
0x7d: {  	_ =	shalt  }
0x7e: {  	_ =	shalt  }
0x7f: {  	_ =	shalt  }
0x80: {  	_ =	shalt  }
0x81: {  	_ =	shalt  }
0x82: {  	_ =	shalt  }
0x83: {  	_ =	shalt  }
0x84: {  	_ =	shalt  }
0x85: {  	_ =	shalt  }
0x86: {  	_ =	shalt  }
0x87: {  	_ =	shalt  }
.Lfunc_end0:
.L_simem_size_0:
called_computation_lowered:
.L_overlay_start_0:
0x88: {  	s2 =	sld [smem:$0x3FD9]  }
0x89: {  	s3 =	sld [smem:$0x3FFE];
	_ =	sdelay $0x1  }
0x8a: {  	s1 =	srdreg.scid  }
0x8b: {  	s0 =	sand.u32 $0x1, s1  }
0x8c: {  	s17 =	sshll.u32 s0, $0xA;
	s2 =	sadd.s32 s3, s2  }
0x8d: {  	s2 =	sadd.s32 s2, s17  }
0x8e: {  	[smem:$0x3FC3] =	sst s2  }
0x8f: {  	_ = 	snop  }
0x90: {  	s2 =	sld [smem:$0x3FC8]  }
0x91: {  	s18 =	sld [smem:$0x3FC7]  }
0x92: {  	s4 =	sld [smem:$0x3FC6]  }
0x93: {  	s5 =	sld [smem:$0x3FC5];
	(tm) =	ssettm $0x1  }
0x94: {  	s6 =	sld [smem:$0x3FFB];
	_ =	sdelay $0x3  }
0x95: {  	_ =	strace s6  }
0x96: {  	s6 =	sld [smem:$0x3FFC];
	_ =	sdelay $0x3  }
0x97: {  	_ =	strace s6  }
0x98: {  	s6 =	sld [smem:$0x3FFD];
	_ =	sdelay $0x3  }
0x99: {  	_ =	strace s6  }
0x9a: {  	_ =	strace $0x8FFFFFFF  }
0x9b: {  	s19 =	sld [smem:$0x3FDB];
	_ =	sdelay $0x1  }
0x9c: {  	s7 =	simm.s32 $_scs_section_size  }
0x9d: {  	s8 =	simm.s32 $_size__tile_overlayer_lowered;
	s9 =	simm.s32 $_tile_overlayer_lowered  }
0x9e: {  	s22 =	simm.s32 $0x1BFF;
	s21 =	sshll.u32 s9, $0x1;
	s6 =	sadd.s32 s7, s19  }
0x9f: {  	s10 =	simm.s32 $0x0;
	s20 =	sshll.u32 s8, $0x1;
	s8 =	sadd.s32 s21, s6  }
0xa0: {  	[timem:s10], [sflag:s22] =	dma.local [hbm:s8], s20  }
0xa1: {  	_ =	swait.ge [sflag:s22], s20  }
0xa2: {  	s7 =	ssub.s32 $0x0, s20;
	[sflag:s22] =	ssyncset.done $0x0  }
0xa3: {  	[sflag:s22] =	ssyncadd.s32 s7;
	_ =	sdelay $0x1  }
0xa4: {  	s23 =	simm.s32 $0x1B8B  }
0xa5: {  	_ =	swait.ge [sflag:s23], $0x1  }
0xa6: {  	[sflag:s23] =	ssyncset.done $0x0  }
0xa7: {  	s25 =	simm.s32 $0x1B8E;
	s24 =	sld [smem:$0x3FFE];
	[sflag:s23] =	ssyncadd.s32 $0xFFFFFFFF  }
0xa8: {  	s26 =	simm.s32 $execute0_lowered;
	[smem:$0x3FD2] =	sst s25  }
0xa9: {  	s8 =	sshll.u32 s26, $0x1;
	_ =	strace $0x80000046;
	[dreg:$0x1] =	wrdreg $0xFFFFFFFF  }
0xaa: {  	s28 =	simm.s32 $_size_execute0_lowered;
	s6 =	sadd.s32 s6, s8;
	[dreg:$0x0] =	wrdreg $0x0  }
0xab: {  	s8 =	sshll.u32 s28, $0x1;
	[dreg:$0x2] =	wrdreg s6  }
0xac: {  	[dreg:$0x3] =	wrdreg s8  }
0xad: {  	[dreg:$0x4] =	wrdreg $0xC0  }
0xae: {  	_ =	task [dreg:s10], $0x5FFFF  }
0xaf: {  	[dreg:$0x1] =	wrdreg $0xFFFFFFFF  }
0xb0: {  	[dreg:$0x0] =	wrdreg $0x60  }
0xb1: {  	[dreg:$0x2] =	wrdreg s5  }
0xb2: {  	[dreg:$0x3] =	wrdreg s2  }
0xb3: {  	[dreg:$0x4] =	wrdreg s18  }
0xb4: {  	[dreg:$0x5] =	wrdreg s4  }
0xb5: {  	[dreg:$0x6] =	wrdreg s24  }
0xb6: {  	[dreg:$0x7] =	wrdreg $0x9  }
0xb7: {  	_ =	task.clear_ibuf [dreg:s10], $0x8FFFF;
	_ =	strace $0x90000046  }
0xb8: {  	s29 =	simm.s32 $0x9;
	_ =	strace $0x80000048  }
0xb9: {  	_ =	swait.ge [sflag:s29], $0x1  }
0xba: {  	[sflag:s29] =	ssyncadd.s32 $0xFFFFFFFF  }
0xbb: {  	_ =	strace $0x90000048  }
0xbc: {  	_ =	sfence  }
0xbd: {  	s30 =	sld [smem:$0x0];
	_ =	sdelay $0x2  }
0xbe: {  	s31 =	sshll.u32 s1, $0xD;
	s1 =	sshrl.u32 s1, $0x2  }
0xbf: {  	s3 =	sand.u32 $0x4000, s31;
	s1 =	sadd.s32 s1, s30  }
0xc0: {  	s0 =	sor.u32 s3, s0;
	s1 =	sshll.u32 s1, $0x11  }
0xc1: {  	s0 =	sor.u32 s1, s0  }
0xc2: {  	s0 =	sadd.s32 $0x8F2B, s0  }
0xc3: {  	[sflag:s0] =	ssyncadd.remote.s32 $0x1  }
0xc4: {  	_ =	sfence.sel $0xFFFF  }
0xc5: {  	[dreg:$0x0] =	wrdreg $0xFFFFFFFF;
	(pc) =	sbr.abs _section_cstart, $3  }
0xc6: {  	[dreg:$0x1] =	wrdreg $0xFFFFFFFF  }
0xc7: {  	_ =	task.clear_ibuf [dreg:s10], $0x2FFFF;
	_ =	strace $0x9FFFFFFF  }
0xc8: {  	(tm) =	ssettm $0x7FFFFFFF  }
0xc9: {  	_ =	shalt  }
tec
execute0_lowered:
.L_overlay_start_1:
0x0: {  	(tag) =	ssettag $0x1  }
0x1: {  	s1 =	rddreg [dreg:$0x0]  }
0x2: {  	s2 =	rddreg [dreg:$0x1]  }
0x3: {  	s3 =	rddreg [dreg:$0x2]  }
0x4: {  	s0 =	srdreg.scid;
	s4 =	stileid.u32  }
0x5: {  	s5 =	rddreg [dreg:$0x3];
	s0 =	sand.u32 $0x1, s0;
	s4 =	sshll.u32 s4, $0x1  }
0x6: {  	s6 =	rddreg [dreg:$0x4];
	s4 =	sor.u32 s0, s4  }
0x7: {  	s7 =	simm.s32 $0x0;
	s9 =	smul.u32 $0xC350, s4;
	s4 =	sshll.u32 s4, $0xB  }
0x8: {  	s31 =	simm.s32 $0x1000;
	[smem:$0x7FF] =	sst s7;
	s4 =	sadd.s32 s4, s6  }
0x9: {  	s29 =	simm.s32 $0x4000;
	_ =	strace $0x80000047;
	s26 =	sadd.s32 $0x61C00, s4  }
0xa: {  	s0 =	ssub.s32 $0x2, s0;
	s28 =	sadd.s32 $0x61C10, s4;
	[dreg:$0x12] =	wrdreg s26  }
0xb: {  	s10 =	sshrl.u32 s0, $0x1;
	s30 =	sadd.s32 $0x61C20, s4;
	[dreg:$0x13] =	wrdreg s28  }
0xc: {  	v0 =	vimm.s32 $0xFFEDCBA9;
	v3 =	vlaneseq.u32;
	s0 =	ssub.s32 s0, s10;
	s4 =	sadd.s32 $0x61C30, s4;
	[dreg:$0x14] =	wrdreg s30  }
0xd: {  	v2 =	vimm.s32 $0x87654321;
	v4 =	vimm.s32 $0xEFCDAB89;
	v5 =	vimm.s32 $0x67452301;
	s14 =	sshrl.u32 s9, $0x3;
	s0 =	smax.u32 s0, $0x1;
	[dreg:$0x15] =	wrdreg s4  }
0xe: {  	v6 =	vimm.s32 $0xDCFE98BA;
	v7 =	vimm.s32 $0x54761032;
	v8 =	vimm.s32 $0xBA98FEDC;
	s12 =	simm.s32 $0x0;
	s11 =	sadd.s32 s1, s14;
	[dreg:$0x16] =	wrdreg s0  }
0xf: {  	v9 =	vimm.s32 $0x32107654;
	vm0 =	vcmask $0x3F3C;
	s8 =	sadd.s32 $0x30E00, s6;
	v1 =	vunpack.c.l.s4.s8 v0;
	s15 =	sadd.s32 s2, s14;
	[dreg:$0x6] =	wrdreg s11  }
0x10: {  	v2 =	vunpack.c.l.s4.s8 v2;
	v4 =	vunpack.c.l.s4.s8 v4;
	v5 =	vunpack.c.l.s4.s8 v5;
	s16 =	sadd.s32 s3, s14;
	s17 =	sadd.s32 s5, s14;
	[dreg:$0x7] =	wrdreg s15  }
0x11: {  	v6 =	vunpack.c.l.s4.s8 v6;
	v7 =	vunpack.c.l.s4.s8 v7;
	v1 =	vunpack.c.0.s8.s32 v1;
	s18 =	sadd.s32 s8, s14;
	s19 =	sadd.s32 $0xFA, s14;
	[dreg:$0x8] =	wrdreg s16  }
0x12: {  	v2 =	vunpack.c.0.s8.s32 v2;
	v4 =	vunpack.c.0.s8.s32 v4;
	v5 =	vunpack.c.0.s8.s32 v5;
	s10 =	sadd.s32 s6, s14;
	s14 =	simm.s32 $0x3;
	[dreg:$0x9] =	wrdreg s17  }
0x13: {  	v8 =	vunpack.c.l.s4.s8 v8;
	v6 =	vunpack.c.0.s8.s32 v6;
	v7 =	vunpack.c.0.s8.s32 v7;
	s0 =	simm.s32 $0x2000;
	s4 =	simm.s32 $0x3000;
	[dreg:$0xa] =	wrdreg s18  }
0x14: {  	v1 =	vcombine.low v2, v1;
	v5 =	vcombine.low v5, v4;
	v2 =	vunpack.c.l.s4.s8 v9;
	[dreg:$0xb] =	wrdreg s10;
	s20 =	sadd.s32 s1, s19;
	s21 =	sadd.s32 s2, s19  }
0x15: {  	v6 =	vcombine.low v7, v6;
	v4 =	vunpack.c.0.s8.s32 v8;
	v7 =	vimm.s32 $0xFEDCBA98;
	s22 =	sadd.s32 s3, s19;
	s23 =	sadd.s32 s5, s19;
	[dreg:$0xc] =	wrdreg s20  }
0x16: {  	v9 =	vimm.s32 $0x76543210;
	v7 =	vunpack.c.l.s4.s8 v7;
	s24 =	sadd.s32 s8, s19;
	s25 =	sadd.s32 s6, s19;
	v8 =	vunpack.c.0.s8.s32 v2;
	[dreg:$0xd] =	wrdreg s21  }
.Ltmp0:
0x17: {  	v0 =	vimm.f32 $0.0e+00;
	v3 =	vshrl.u32 v3, $0x3;
	v9 =	vunpack.c.l.s4.s8 v9;
	s10 =	simm.s32 $0x5000;
	[dreg:$0xe] =	wrdreg s22;
	(pc) =	sbr.rel .LBB2_1-.Ltmp0, $4  }
0x18: {  	v3 =	vmul.u32 $0x4F, v3;
	s11 =	simm.s32 $0x800;
	s17 =	simm.s32 $0x1;
	[dreg:$0xf] =	wrdreg s23;
	v10 =	vunpack.c.0.s8.s32 v7;
	v8 =	vcombine.low v8, v4  }
0x19: {  	v2 =	vimm.s32 $0x0;
	v5 =	vand.u32 $0xF, v5;
	s18 =	simm.s32 $0x6000;
	s19 =	simm.s32 $0x7000;
	[dreg:$0x10] =	wrdreg s24;
	v9 =	vunpack.c.0.s8.s32 v9  }
0x1a: {  	v6 =	vand.u32 $0xF, v6;
	[dreg:$0x11] =	wrdreg s25;
	s21 =	sadd.s32 $0xFA0, s9;
	s22 =	sadd.s32 $0x1770, s9;
	v7 =	vand.u32 $0xF, v8;
	v8 =	vand.u32 $0xF, v10  }
0x1b: {  	s20 =	simm.s32 $0x8000;
	s23 =	simm.s32 $0x9000;
	s24 =	simm.s32 $0x2;
	v4 =	vimm.f32 $1.000000000e+00;
	v8 =	vcombine.low v8, v9;
	v9 =	vimm.s32 $0xF  }
.LBB2_63:
0x1c: {  	v15 =	vperm.xlane v13, v5  }
0x1d: {  	v16 =	vperm.xlane v14, v5  }
0x1e: {  	v50 =	vperm.xlane v12, v5;
	v13 =	vadd.f32 v15, v13  }
0x1f: {  	v51 =	vperm.xlane v11, v5;
	v14 =	vadd.f32 v16, v14  }
0x20: {  	v12 =	vadd.f32 v50, v12;
	v52 =	vperm.xlane v13, v6  }
0x21: {  	v11 =	vadd.f32 v51, v11;
	v53 =	vperm.xlane v14, v6  }
0x22: {  	v54 =	vperm.xlane v12, v6;
	v13 =	vadd.f32 v52, v13  }
0x23: {  	v55 =	vperm.xlane v11, v6;
	v14 =	vadd.f32 v53, v14  }
0x24: {  	v12 =	vadd.f32 v54, v12;
	v56 =	vperm.xlane v13, v7  }
0x25: {  	v11 =	vadd.f32 v55, v11;
	v57 =	vperm.xlane v14, v7  }
0x26: {  	v58 =	vperm.xlane v12, v7;
	v13 =	vadd.f32 v56, v13  }
0x27: {  	v59 =	vperm.xlane v11, v7;
	v14 =	vadd.f32 v57, v14  }
0x28: {  	v12 =	vadd.f32 v58, v12;
	v60 =	vperm.xlane v13, v8  }
0x29: {  	v11 =	vadd.f32 v59, v11;
	v61 =	vperm.xlane v14, v8  }
0x2a: {  	v62 =	vperm.xlane v12, v8;
	v13 =	vadd.f32 v60, v13  }
0x2b: {  	v63 =	vperm.xlane v11, v8;
	v14 =	vadd.f32 v61, v14  }
0x2c: {  	v12 =	vadd.f32 v62, v12;
	[tilespmem:v10+s18+$0x0] =	vst.idx.add.f32.msk $0x1, v13  }
0x2d: {  	v11 =	vadd.f32 v63, v11;
	[tilespmem:v10+s19+$0x0] =	vst.idx.add.f32.msk $0x1, v14  }
0x2e: {  	s9 =	rddreg [dreg:$0x12];
	[tilespmem:v10+s20+$0x0] =	vst.idx.add.f32.msk $0x1, v12  }
0x2f: {  	s12 =	simm.s32 $0x80;
	s13 =	simm.s32 $0x200;
	s14 =	simm.s32 $0x3;
	[tilespmem:v10+s23+$0x0] =	vst.idx.add.f32.msk $0x1, v11  }
0x30: {  	[hbm4b:s9+s12] =	stream.strided.scatter [tilespmem:s18], [sflag:$0x3], $0x1000, s13, s12, $0x38;
	[tilespmem:$0xA080] =	vst v63  }
0x31: {  	_ =	swait.ge [sflag:s14], $0x1000  }
0x32: {  	[sflag:s14] =	ssyncset.done $0x0  }
0x33: {  	s16 =	rddreg [dreg:$0x13];
	[sflag:s14] =	ssyncadd.s32 $0xFFFFF000  }
0x34: {  	[hbm4b:s16+s12] =	stream.strided.scatter [tilespmem:s19], [sflag:$0x3], $0x1000, s13, s12, $0x38;
	[tilespmem:$0xA080] =	vst v63  }
0x35: {  	_ =	swait.ge [sflag:s14], $0x1000  }
0x36: {  	[sflag:s14] =	ssyncset.done $0x0  }
0x37: {  	s25 =	rddreg [dreg:$0x14];
	[sflag:s14] =	ssyncadd.s32 $0xFFFFF000  }
0x38: {  	[hbm4b:s25+s12] =	stream.strided.scatter [tilespmem:s20], [sflag:$0x3], $0x1000, s13, s12, $0x38;
	[tilespmem:$0xA080] =	vst v63  }
0x39: {  	_ =	swait.ge [sflag:s14], $0x1000  }
0x3a: {  	[sflag:s14] =	ssyncset.done $0x0  }
0x3b: {  	s26 =	rddreg [dreg:$0x15];
	[sflag:s14] =	ssyncadd.s32 $0xFFFFF000  }
0x3c: {  	[hbm4b:s26+s12] =	stream.strided.scatter [tilespmem:s23], [sflag:$0x3], $0x1000, s13, s12, $0x38;
	[tilespmem:$0xA080] =	vst v63  }
0x3d: {  	_ =	swait.ge [sflag:s14], $0x1000  }
0x3e: {  	s28 =	rddreg [dreg:$0x17]  }
0x3f: {  	s30 =	rddreg [dreg:$0x16];
	s12 =	sadd.s32 $0x1, s28  }
0x40: {  	p0 =	sne.s32 s12, s30  }
.Ltmp1:
0x41: {  	_ = 	snop;
	(pc) =	sbr.rel @!p0 .LBB2_64-.Ltmp1, $3  }
0x42: {  	_ =	sdelay $0x1  }
0x43: {  	[sflag:s14] =	ssyncset.done $0x0  }
0x44: {  	[sflag:s14] =	ssyncadd.s32 $0xFFFFF000  }
.LBB2_1:
0x45: {  	[dreg:$0x17] =	wrdreg s12;
	s12 =	simm.s32 $0x40;
	s9 =	simm.s32 $0x0  }
.LBB2_2:
0x46: {  	p0 =	sne.s32 s12, $0x3FC0;
	[tilespmem:s9+$0x9000] =	vst v0;
	s13 =	smov.u32 s12;
	s12 =	sadd.s32 $0x40, s12  }
.Ltmp2:
0x47: {  	[tilespmem:s9+$0x8000] =	vst v0;
	(pc) =	sbr.rel @p0 .LBB2_2-.Ltmp2, $3  }
0x48: {  	[tilespmem:s9+$0x6000] =	vst v0  }
0x49: {  	[tilespmem:s9+$0x7000] =	vst v0;
	_ =	sdelay $0x1  }
0x4a: {  	s9 =	sshra.s32 s13, $0x2  }
0x4b: {  	[tilespmem:s9+$0x9000] =	vst v0  }
0x4c: {  	[tilespmem:s9+$0x8000] =	vst v0  }
0x4d: {  	[tilespmem:s9+$0x6000] =	vst v0  }
0x4e: {  	[tilespmem:s9+$0x7000] =	vst v0;
	s9 =	simm.s32 $0x0;
	s12 =	rddreg [dreg:$0x6];
	s13 =	simm.s32 $0xA000  }
0x4f: {  	[tilespmem:s13], [sflag:$0x3] =	stream.linear.gather [hbm4b:s12+s9], $0x10, $0x38;
	[tilespmem:$0xA080] =	vst v63  }
0x50: {  	_ =	swait.ge [sflag:s14], $0x10  }
0x51: {  	[sflag:s14] =	ssyncset.done $0x0  }
0x52: {  	[sflag:s14] =	ssyncadd.s32 $0xFFFFFFF0  }
0x53: {  	v10 =	vld [tilespmem:$0xA000];
	[tilespmem:s9], [sflag:$0x1] =	stream.linear.gather [hbm4b:s12+s9], $0x7D0, $0x38  }
0x54: {  	s13 =	rddreg [dreg:$0x7]  }
0x55: {  	[tilespmem:s31], [sflag:$0x1] =	stream.linear.gather [hbm4b:s13+s9], $0x7D0, $0x38;
	[tilespmem:$0xA080] =	vst v63  }
0x56: {  	s14 =	rddreg [dreg:$0x8]  }
0x57: {  	[tilespmem:s0], [sflag:$0x1] =	stream.linear.gather [hbm4b:s14+s9], $0x7D0, $0x38;
	[tilespmem:$0xA080] =	vst v63  }
0x58: {  	s15 =	rddreg [dreg:$0x9]  }
0x59: {  	[tilespmem:s4], [sflag:$0x1] =	stream.linear.gather [hbm4b:s15+s9], $0x7D0, $0x38;
	[tilespmem:$0xA080] =	vst v63  }
0x5a: {  	s16 =	rddreg [dreg:$0xa]  }
0x5b: {  	[tilespmem:s29], [sflag:$0x1] =	stream.linear.gather [hbm4b:s16+s9], $0x7D0, $0x38;
	[tilespmem:$0xA080] =	vst v63  }
0x5c: {  	s25 =	rddreg [dreg:$0xb]  }
0x5d: {  	[tilespmem:s10], [sflag:$0x1] =	stream.linear.gather [hbm4b:s25+s9], $0x7D0, $0x38;
	[tilespmem:$0xA080] =	vst v63  }
0x5e: {  	s26 =	rddreg [dreg:$0xc]  }
0x5f: {  	[tilespmem:s11], [sflag:$0x2] =	stream.linear.gather [hbm4b:s26+s9], $0x7D0, $0x38;
	[tilespmem:$0xA080] =	vst v63  }
0x60: {  	s30 =	simm.s32 $0x1800;
	s28 =	rddreg [dreg:$0xd]  }
0x61: {  	[tilespmem:s30], [sflag:$0x2] =	stream.linear.gather [hbm4b:s28+s9], $0x7D0, $0x38;
	[tilespmem:$0xA080] =	vst v63  }
0x62: {  	s13 =	rddreg [dreg:$0xe];
	s14 =	simm.s32 $0x2800  }
0x63: {  	[tilespmem:s14], [sflag:$0x2] =	stream.linear.gather [hbm4b:s13+s9], $0x7D0, $0x38;
	[tilespmem:$0xA080] =	vst v63  }
0x64: {  	s15 =	rddreg [dreg:$0xf];
	s16 =	simm.s32 $0x3800  }
0x65: {  	[tilespmem:s16], [sflag:$0x2] =	stream.linear.gather [hbm4b:s15+s9], $0x7D0, $0x38;
	[tilespmem:$0xA080] =	vst v63  }
0x66: {  	s25 =	rddreg [dreg:$0x10];
	s26 =	simm.s32 $0x4800  }
0x67: {  	[tilespmem:s26], [sflag:$0x2] =	stream.linear.gather [hbm4b:s25+s9], $0x7D0, $0x38;
	[tilespmem:$0xA080] =	vst v63  }
0x68: {  	v11 =	vimm.f32 $0.0e+00;
	v12 =	vimm.f32 $0.0e+00;
	s28 =	rddreg [dreg:$0x11];
	s30 =	simm.s32 $0x5800  }
0x69: {  	v14 =	vimm.f32 $0.0e+00;
	v13 =	vimm.f32 $0.0e+00;
	v10 =	vperm.xlane v10, v2;
	[tilespmem:s30], [sflag:$0x2] =	stream.linear.gather [hbm4b:s28+s9], $0x7D0, $0x38;
	[tilespmem:$0xA080] =	vst v63  }
.LBB2_4:
0x6a: {  	_ =	swait.ge [sflag:s17], $0x7D0  }
0x6b: {  	[sflag:s17] =	ssyncset.done $0x0  }
0x6c: {  	[sflag:s17] =	ssyncadd.s32 $0xFFFFF830  }
0x6d: {  	_ =	swait.ge [sflag:s17], $0x7D0  }
0x6e: {  	[sflag:s17] =	ssyncset.done $0x0  }
0x6f: {  	[sflag:s17] =	ssyncadd.s32 $0xFFFFF830  }
0x70: {  	_ =	swait.ge [sflag:s17], $0x7D0  }
0x71: {  	[sflag:s17] =	ssyncset.done $0x0  }
0x72: {  	[sflag:s17] =	ssyncadd.s32 $0xFFFFF830  }
0x73: {  	_ =	swait.ge [sflag:s17], $0x7D0  }
0x74: {  	[sflag:s17] =	ssyncset.done $0x0  }
0x75: {  	[sflag:s17] =	ssyncadd.s32 $0xFFFFF830  }
0x76: {  	_ =	swait.ge [sflag:s17], $0x7D0  }
.Ltmp3:
0x77: {  	[sflag:s17] =	ssyncset.done $0x0;
	(pc) =	sbr.rel .LBB2_5-.Ltmp3, $4  }
0x78: {  	s25 =	simm.s32 $0x1020;
	[sflag:s17] =	ssyncadd.s32 $0xFFFFF830  }
0x79: {  	s26 =	simm.s32 $0x2020;
	s28 =	simm.s32 $0x3020;
	_ =	swait.ge [sflag:s17], $0x7D0  }
0x7a: {  	s30 =	simm.s32 $0x4020;
	s12 =	simm.s32 $0x5020;
	[sflag:s17] =	ssyncset.done $0x0  }
0x7b: {  	s13 =	simm.s32 $0x20;
	s14 =	simm.s32 $0x0;
	[sflag:s17] =	ssyncadd.s32 $0xFFFFF830  }
.LBB2_21:
0x7c: {  	v15 =	vld [tilespmem:s25+$0xFFFFFFE0]  }
0x7d: {  	v16 =	vld [tilespmem:s26+$0xFFFFFFE0]  }
0x7e: {  	v17 =	vld [tilespmem:s28+$0xFFFFFFE0]  }
0x7f: {  	v18 =	vld [tilespmem:s30+$0xFFFFFFE0]  }
0x80: {  	v19 =	vld [tilespmem:s12+$0xFFFFFFE0]  }
0x81: {  	v20 =	vld [tilespmem:s25+$0xFFFFFFF0]  }
0x82: {  	v21 =	vld [tilespmem:s26+$0xFFFFFFF0]  }
0x83: {  	v22 =	vld [tilespmem:s28+$0xFFFFFFF0]  }
0x84: {  	v23 =	vld [tilespmem:s30+$0xFFFFFFF0]  }
0x85: {  	v24 =	vld [tilespmem:s12+$0xFFFFFFF0]  }
0x86: {  	v25 =	vld [tilespmem:s25+$0x0]  }
0x87: {  	v27 =	vld [tilespmem:s26+$0x0]  }
0x88: {  	v39 =	vld [tilespmem:s28+$0x0]  }
0x89: {  	v40 =	vld [tilespmem:s30+$0x0]  }
0x8a: {  	v41 =	vld [tilespmem:s25+$0x10]  }
0x8b: {  	v43 =	vld [tilespmem:s26+$0x10];
	v26 =	vsub.f32 $1.000000000e+00, v17  }
0x8c: {  	v44 =	vld [tilespmem:s28+$0x10];
	v17 =	vsub.f32 v18, v17;
	v28 =	vsub.f32 v15, v16  }
0x8d: {  	v45 =	vld [tilespmem:s30+$0x10];
	v29 =	vsub.f32 $1.000000000e+00, v22;
	v19 =	vsub.f32 v19, v26  }
0x8e: {  	v49 =	vld [tilespmem:s25+$0x20];
	v22 =	vsub.f32 v23, v22;
	v42 =	vsub.f32 v20, v21  }
0x8f: {  	v51 =	vld [tilespmem:s26+$0x20];
	v13 =	vadd.f32 v15, v13;
	v24 =	vsub.f32 v24, v29;
	v31 =	vmul.f32 v19, v28  }
0x90: {  	v48 =	vsub.f32 v40, v39;
	v50 =	vsub.f32 $1.000000000e+00, v39;
	v16 =	vmul.f32 v17, v16  }
0x91: {  	v53 =	vsub.f32 v25, v27;
	v15 =	vmul.f32 v24, v42;
	v19 =	vmul.f32 v31, v19  }
0x92: {  	v30 =	vld [tilespmem:s12+$0x0];
	v55 =	vsub.f32 $1.000000000e+00, v44;
	v57 =	vsub.f32 v45, v44;
	v21 =	vmul.f32 v22, v21  }
0x93: {  	v47 =	vld [tilespmem:s12+$0x10];
	v16 =	vmul.f32 v16, v17;
	v15 =	vmul.f32 v15, v24;
	v11 =	vadd.f32 v19, v11  }
0x94: {  	v52 =	vld [tilespmem:s28+$0x20];
	v58 =	vsub.f32 v41, v43;
	v61 =	vsub.f32 v49, v51;
	v46 =	vmul.f32 v21, v22  }
0x95: {  	v54 =	vld [tilespmem:s30+$0x20];
	v12 =	vadd.f32 v16, v12;
	v11 =	vadd.f32 v15, v11;
	v15 =	vmul.f32 v48, v27  }
0x96: {  	v56 =	vld [tilespmem:s12+$0x20];
	v14 =	vadd.f32 v28, v14;
	v13 =	vadd.f32 v20, v13  }
0x97: {  	v17 =	vsub.f32 v30, v50;
	v12 =	vadd.f32 v46, v12;
	v15 =	vmul.f32 v15, v48  }
0x98: {  	v14 =	vadd.f32 v42, v14;
	v19 =	vsub.f32 v47, v55  }
0x99: {  	v22 =	vmul.f32 v17, v53;
	v12 =	vadd.f32 v15, v12;
	v15 =	vsub.f32 $1.000000000e+00, v52  }
0x9a: {  	v59 =	vmul.f32 v57, v43;
	v13 =	vadd.f32 v25, v13;
	v16 =	vsub.f32 v54, v52  }
0x9b: {  	v17 =	vmul.f32 v22, v17;
	v60 =	vmul.f32 v19, v58;
	v15 =	vsub.f32 v56, v15  }
0x9c: {  	v62 =	vmul.f32 v59, v57;
	v14 =	vadd.f32 v53, v14;
	v18 =	vmul.f32 v16, v51  }
0x9d: {  	v11 =	vadd.f32 v17, v11;
	v19 =	vmul.f32 v60, v19;
	v63 =	vmul.f32 v15, v61  }
0x9e: {  	v13 =	vadd.f32 v41, v13;
	v14 =	vadd.f32 v58, v14;
	v16 =	vmul.f32 v18, v16  }
0x9f: {  	v11 =	vadd.f32 v19, v11;
	v12 =	vadd.f32 v62, v12;
	v15 =	vmul.f32 v63, v15  }
0xa0: {  	v13 =	vadd.f32 v49, v13;
	v14 =	vadd.f32 v61, v14  }
0xa1: {  	v12 =	vadd.f32 v16, v12;
	v11 =	vadd.f32 v15, v11  }
.LBB2_22:
0xa2: {  	s14 =	sadd.s32 $0x50, s14  }
0xa3: {  	p0 =	sne.s32 s14, $0x7D0  }
.Ltmp4:
0xa4: {  	_ = 	snop;
	(pc) =	sbr.rel @!p0 .LBB2_23-.Ltmp4, $3  }
0xa5: {  	_ =	sdelay $0x1  }
0xa6: {  	s25 =	sadd.s32 $0x50, s25;
	s26 =	sadd.s32 $0x50, s26;
	s28 =	sadd.s32 $0x50, s28  }
0xa7: {  	s30 =	sadd.s32 $0x50, s30;
	s12 =	sadd.s32 $0x50, s12;
	s13 =	sadd.s32 $0x50, s13  }
.LBB2_5:
0xa8: {  	v15 =	vadd.s32 s14, v3;
	_ =	sdelay $0x4  }
0xa9: {  	v15 =	vld.idx.msk [tilespmem:v15+s7+$0x0], $0xffff;
	_ =	sdelay $0x4  }
0xaa: {  	vm1 =	veq.s32 v15, v10  }
0xab: {  	v15 =	vsel vm1, $0x0, v4  }
0xac: {  	(xrf0) =	vmax.scan.msk.f32 $0xffff, v15;
	_ =	sdelay $0x5  }
0xad: {  	v15, _, _ =	vpop (xrf0)  }
0xae: {  	(v2sf) =	vpush v15, $0xF;
	_ =	sdelay $0xe  }
0xaf: {  	s15 =	spop (v2sf)  }
0xb0: {  	p0 =	sgt.f32 s15, $0.0e+00  }
.Ltmp5:
0xb1: {  	_ = 	snop;
	(pc) =	sbr.rel @!p0 .LBB2_21-.Ltmp5, $1  }
0xb2: {  	_ =	sdelay $0x3  }
0xb3: {  	v15 =	vld [tilespmem:s13+$0xFFFFFFE0];
	_ =	sdelay $0x4  }
0xb4: {  	v16 =	vperm.xlane v15, v1;
	_ =	sdelay $0x1  }
0xb5: {  	vm2 =	vne.s32 v15, v10;
	vm1 =	vne.s32 v15, v16  }
0xb6: {  	vm2 =	vmor vm2, vm1  }
0xb7: {  	v17 =	vsel vm2, $0x3F800000, v0  }
0xb8: {  	(xrf0) =	vmax.scan.msk.f32 $0xffff, v17;
	_ =	sdelay $0x5  }
0xb9: {  	v17, _, _ =	vpop (xrf0)  }
0xba: {  	(v2sf) =	vpush v17, $0xF;
	_ =	sdelay $0x7  }
0xbb: {  	v18 =	vld [tilespmem:s26+$0xFFFFFFE0]  }
0xbc: {  	v19 =	vld [tilespmem:s28+$0xFFFFFFE0]  }
0xbd: {  	v20 =	vld [tilespmem:s30+$0xFFFFFFE0]  }
0xbe: {  	v21 =	vld [tilespmem:s12+$0xFFFFFFE0]  }
0xbf: {  	v17 =	vld [tilespmem:s25+$0xFFFFFFE0];
	_ =	sdelay $0x2  }
0xc0: {  	v22 =	vsub.f32 $1.000000000e+00, v19;
	s15 =	spop (v2sf)  }
0xc1: {  	v20 =	vsub.f32 v20, v19;
	p0 =	sgt.f32 s15, $0.0e+00  }
.Ltmp6:
0xc2: {  	v21 =	vsub.f32 v21, v22;
	v19 =	vsub.f32 v17, v18;
	(pc) =	sbr.rel @!p0 .LBB2_8-.Ltmp6, $3  }
0xc3: {  	_ = 	snop  }
0xc4: {  	v18 =	vmul.f32 v20, v18;
	v22 =	vmul.f32 v21, v19;
	_ =	sdelay $0x1  }
0xc5: {  	v20 =	vmul.f32 v18, v20;
	v18 =	vmul.f32 v22, v21  }
0xc6: {  	v21 =	vperm.xlane v13, v5  }
0xc7: {  	v22 =	vperm.xlane v14, v5;
	v56 =	vperm.xlane v12, v5  }
0xc8: {  	v13 =	vadd.f32 v21, v13  }
0xc9: {  	v57 =	vperm.xlane v11, v5;
	v14 =	vadd.f32 v22, v14;
	v12 =	vadd.f32 v56, v12  }
0xca: {  	v58 =	vperm.xlane v13, v6  }
0xcb: {  	v11 =	vadd.f32 v57, v11;
	v59 =	vperm.xlane v14, v6;
	v60 =	vperm.xlane v12, v6  }
0xcc: {  	v13 =	vadd.f32 v58, v13  }
0xcd: {  	v61 =	vperm.xlane v11, v6;
	v14 =	vadd.f32 v59, v14;
	v12 =	vadd.f32 v60, v12  }
0xce: {  	v62 =	vperm.xlane v13, v7  }
0xcf: {  	(xrf2) =	vadd.scan.msk.f32 $0xffff, v17;
	v11 =	vadd.f32 v61, v11;
	v17 =	vperm.xlane v14, v7;
	v63 =	vperm.xlane v12, v7  }
0xd0: {  	(xrf2) =	vadd.scan.msk.f32 $0xffff, v19;
	v13 =	vadd.f32 v62, v13  }
0xd1: {  	(xrf2) =	vadd.scan.msk.f32 $0xffff, v20;
	v14 =	vadd.f32 v17, v14;
	v17 =	vperm.xlane v11, v7;
	v12 =	vadd.f32 v63, v12  }
0xd2: {  	(xrf2) =	vadd.scan.msk.f32 $0xffff, v18;
	v19 =	vperm.xlane v13, v8  }
0xd3: {  	v18 =	vperm.xlane v14, v8;
	v11 =	vadd.f32 v17, v11;
	v17 =	vperm.xlane v12, v8  }
0xd4: {  	vm2 =	vmor vm1, vm0;
	v13 =	vadd.f32 v19, v13  }
0xd5: {  	v14 =	vadd.f32 v18, v14;
	v18 =	vperm.xlane v11, v8;
	v12 =	vadd.f32 v17, v12  }
0xd6: {  	[tilespmem:v10+s18+$0x0] =	vst.idx.add.f32.msk $0x1, v13  }
0xd7: {  	v11 =	vadd.f32 v18, v11;
	[tilespmem:v10+s19+$0x0] =	vst.idx.add.f32.msk $0x1, v14  }
0xd8: {  	[tilespmem:v10+s20+$0x0] =	vst.idx.add.f32.msk $0x1, v12  }
0xd9: {  	v12, _, _ =	vpop (xrf2);
	[tilespmem:v10+s23+$0x0] =	vst.idx.add.f32.msk $0x1, v11  }
0xda: {  	v10, _, _ =	vpop (xrf2);
	[tilespmem:v15+s18+$0x0] =	vst.idx.add.f32.msk vm2, v12  }
0xdb: {  	v11, _, _ =	vpop (xrf2);
	[tilespmem:v15+s19+$0x0] =	vst.idx.add.f32.msk vm2, v10  }
0xdc: {  	v12 =	vsub.f32 $0.0e+00, v12;
	v13, _, _ =	vpop (xrf2);
	[tilespmem:v15+s20+$0x0] =	vst.idx.add.f32.msk vm2, v11  }
.Ltmp7:
0xdd: {  	v10 =	vsub.f32 $0.0e+00, v10;
	[tilespmem:v15+s23+$0x0] =	vst.idx.add.f32.msk vm2, v13;
	(pc) =	sbr.rel .LBB2_9-.Ltmp7, $4  }
0xde: {  	v11 =	vsub.f32 $0.0e+00, v11;
	[tilespmem:v16+s18+$0x0] =	vst.idx.add.f32.msk vm1, v12  }
0xdf: {  	v12 =	vsub.f32 $0.0e+00, v13;
	[tilespmem:v16+s19+$0x0] =	vst.idx.add.f32.msk vm1, v10  }
0xe0: {  	v14 =	vimm.f32 $0.0e+00;
	v13 =	vimm.f32 $0.0e+00;
	[tilespmem:v16+s20+$0x0] =	vst.idx.add.f32.msk vm1, v11  }
0xe1: {  	v10 =	vperm.xlane v15, v9;
	v15 =	vimm.f32 $0.0e+00;
	[tilespmem:v16+s23+$0x0] =	vst.idx.add.f32.msk vm1, v12;
	v16 =	vimm.f32 $0.0e+00  }
.LBB2_8:
0xe2: {  	v13 =	vadd.f32 v17, v13;
	v16 =	vadd.f32 v19, v14  }
0xe3: {  	v15 =	vadd.f32 v20, v12;
	v14 =	vadd.f32 v18, v11  }
.LBB2_9:
0xe4: {  	v11 =	vld [tilespmem:s13+$0xFFFFFFF0];
	_ =	sdelay $0x4  }
0xe5: {  	v12 =	vperm.xlane v11, v1;
	_ =	sdelay $0x1  }
0xe6: {  	vm2 =	vne.s32 v11, v10;
	vm1 =	vne.s32 v11, v12  }
0xe7: {  	vm2 =	vmor vm2, vm1  }
0xe8: {  	v17 =	vsel vm2, $0x3F800000, v0  }
0xe9: {  	(xrf0) =	vmax.scan.msk.f32 $0xffff, v17;
	_ =	sdelay $0x5  }
0xea: {  	v17, _, _ =	vpop (xrf0)  }
0xeb: {  	(v2sf) =	vpush v17, $0xF;
	_ =	sdelay $0x7  }
0xec: {  	v18 =	vld [tilespmem:s26+$0xFFFFFFF0]  }
0xed: {  	v19 =	vld [tilespmem:s28+$0xFFFFFFF0]  }
0xee: {  	v20 =	vld [tilespmem:s30+$0xFFFFFFF0]  }
0xef: {  	v21 =	vld [tilespmem:s12+$0xFFFFFFF0]  }
0xf0: {  	v17 =	vld [tilespmem:s25+$0xFFFFFFF0];
	_ =	sdelay $0x2  }
0xf1: {  	v22 =	vsub.f32 $1.000000000e+00, v19;
	s15 =	spop (v2sf)  }
0xf2: {  	v20 =	vsub.f32 v20, v19;
	p0 =	sgt.f32 s15, $0.0e+00  }
.Ltmp8:
0xf3: {  	v21 =	vsub.f32 v21, v22;
	v19 =	vsub.f32 v17, v18;
	(pc) =	sbr.rel @!p0 .LBB2_11-.Ltmp8, $3  }
0xf4: {  	_ = 	snop  }
0xf5: {  	v18 =	vmul.f32 v20, v18;
	v22 =	vmul.f32 v21, v19;
	_ =	sdelay $0x1  }
0xf6: {  	v20 =	vmul.f32 v18, v20;
	v18 =	vmul.f32 v22, v21  }
0xf7: {  	v21 =	vperm.xlane v13, v5  }
0xf8: {  	v22 =	vperm.xlane v16, v5  }
0xf9: {  	v56 =	vperm.xlane v15, v5;
	v13 =	vadd.f32 v21, v13  }
0xfa: {  	v16 =	vadd.f32 v22, v16  }
0xfb: {  	v57 =	vperm.xlane v14, v5;
	v15 =	vadd.f32 v56, v15;
	v58 =	vperm.xlane v13, v6  }
0xfc: {  	v59 =	vperm.xlane v16, v6  }
0xfd: {  	v14 =	vadd.f32 v57, v14;
	v60 =	vperm.xlane v15, v6;
	v13 =	vadd.f32 v58, v13  }
0xfe: {  	v16 =	vadd.f32 v59, v16  }
0xff: {  	v61 =	vperm.xlane v14, v6;
	v15 =	vadd.f32 v60, v15;
	v62 =	vperm.xlane v13, v7  }
0x100: {  	(xrf2) =	vadd.scan.msk.f32 $0xffff, v17;
	v17 =	vperm.xlane v16, v7  }
0x101: {  	v14 =	vadd.f32 v61, v14;
	v63 =	vperm.xlane v15, v7;
	v13 =	vadd.f32 v62, v13  }
0x102: {  	(xrf2) =	vadd.scan.msk.f32 $0xffff, v19;
	v16 =	vadd.f32 v17, v16  }
0x103: {  	(xrf2) =	vadd.scan.msk.f32 $0xffff, v20;
	v17 =	vperm.xlane v14, v7;
	v15 =	vadd.f32 v63, v15;
	v19 =	vperm.xlane v13, v8  }
0x104: {  	(xrf2) =	vadd.scan.msk.f32 $0xffff, v18;
	v18 =	vperm.xlane v16, v8  }
0x105: {  	v14 =	vadd.f32 v17, v14;
	v17 =	vperm.xlane v15, v8;
	v13 =	vadd.f32 v19, v13  }
0x106: {  	vm2 =	vmor vm1, vm0;
	v16 =	vadd.f32 v18, v16  }
0x107: {  	v18 =	vperm.xlane v14, v8;
	[tilespmem:v10+s18+$0x0] =	vst.idx.add.f32.msk $0x1, v13;
	v13 =	vadd.f32 v17, v15;
	_ =	sdelay $0x1  }
0x108: {  	v14 =	vadd.f32 v18, v14;
	[tilespmem:v10+s19+$0x0] =	vst.idx.add.f32.msk $0x1, v16  }
0x109: {  	[tilespmem:v10+s20+$0x0] =	vst.idx.add.f32.msk $0x1, v13  }
0x10a: {  	[tilespmem:v10+s23+$0x0] =	vst.idx.add.f32.msk $0x1, v14;
	v13, _, _ =	vpop (xrf2)  }
0x10b: {  	v10, _, _ =	vpop (xrf2);
	[tilespmem:v11+s18+$0x0] =	vst.idx.add.f32.msk vm2, v13  }
0x10c: {  	v14, _, _ =	vpop (xrf2);
	[tilespmem:v11+s19+$0x0] =	vst.idx.add.f32.msk vm2, v10  }
0x10d: {  	v13 =	vsub.f32 $0.0e+00, v13;
	v15, _, _ =	vpop (xrf2);
	[tilespmem:v11+s20+$0x0] =	vst.idx.add.f32.msk vm2, v14  }
.Ltmp9:
0x10e: {  	v10 =	vsub.f32 $0.0e+00, v10;
	[tilespmem:v11+s23+$0x0] =	vst.idx.add.f32.msk vm2, v15;
	(pc) =	sbr.rel .LBB2_12-.Ltmp9, $4  }
0x10f: {  	v14 =	vsub.f32 $0.0e+00, v14;
	[tilespmem:v12+s18+$0x0] =	vst.idx.add.f32.msk vm1, v13  }
0x110: {  	v15 =	vsub.f32 $0.0e+00, v15;
	[tilespmem:v12+s19+$0x0] =	vst.idx.add.f32.msk vm1, v10  }
0x111: {  	v16 =	vimm.f32 $0.0e+00;
	v13 =	vimm.f32 $0.0e+00;
	[tilespmem:v12+s20+$0x0] =	vst.idx.add.f32.msk vm1, v14  }
0x112: {  	v10 =	vperm.xlane v11, v9;
	v14 =	vimm.f32 $0.0e+00;
	[tilespmem:v12+s23+$0x0] =	vst.idx.add.f32.msk vm1, v15;
	v15 =	vimm.f32 $0.0e+00  }
.LBB2_11:
0x113: {  	v13 =	vadd.f32 v17, v13;
	v16 =	vadd.f32 v19, v16  }
0x114: {  	v15 =	vadd.f32 v20, v15;
	v14 =	vadd.f32 v18, v14  }
.LBB2_12:
0x115: {  	v11 =	vld [tilespmem:s13+$0x0];
	_ =	sdelay $0x4  }
0x116: {  	v12 =	vperm.xlane v11, v1;
	_ =	sdelay $0x1  }
0x117: {  	vm2 =	vne.s32 v11, v10;
	vm1 =	vne.s32 v11, v12  }
0x118: {  	vm2 =	vmor vm2, vm1  }
0x119: {  	v17 =	vsel vm2, $0x3F800000, v0  }
0x11a: {  	(xrf0) =	vmax.scan.msk.f32 $0xffff, v17;
	_ =	sdelay $0x5  }
0x11b: {  	v17, _, _ =	vpop (xrf0)  }
0x11c: {  	(v2sf) =	vpush v17, $0xF;
	_ =	sdelay $0x7  }
0x11d: {  	v18 =	vld [tilespmem:s26+$0x0]  }
0x11e: {  	v19 =	vld [tilespmem:s28+$0x0]  }
0x11f: {  	v20 =	vld [tilespmem:s30+$0x0]  }
0x120: {  	v21 =	vld [tilespmem:s12+$0x0]  }
0x121: {  	v17 =	vld [tilespmem:s25+$0x0];
	_ =	sdelay $0x2  }
0x122: {  	v22 =	vsub.f32 $1.000000000e+00, v19;
	s15 =	spop (v2sf)  }
0x123: {  	v20 =	vsub.f32 v20, v19;
	p0 =	sgt.f32 s15, $0.0e+00  }
.Ltmp10:
0x124: {  	v21 =	vsub.f32 v21, v22;
	v19 =	vsub.f32 v17, v18;
	(pc) =	sbr.rel @!p0 .LBB2_14-.Ltmp10, $3  }
0x125: {  	_ = 	snop  }
0x126: {  	v18 =	vmul.f32 v20, v18;
	v22 =	vmul.f32 v21, v19;
	_ =	sdelay $0x1  }
0x127: {  	v20 =	vmul.f32 v18, v20;
	v18 =	vmul.f32 v22, v21  }
0x128: {  	v21 =	vperm.xlane v13, v5  }
0x129: {  	v22 =	vperm.xlane v16, v5  }
0x12a: {  	v56 =	vperm.xlane v15, v5;
	v13 =	vadd.f32 v21, v13  }
0x12b: {  	v16 =	vadd.f32 v22, v16  }
0x12c: {  	v57 =	vperm.xlane v14, v5;
	v15 =	vadd.f32 v56, v15;
	v58 =	vperm.xlane v13, v6  }
0x12d: {  	v59 =	vperm.xlane v16, v6  }
0x12e: {  	v14 =	vadd.f32 v57, v14;
	v60 =	vperm.xlane v15, v6;
	v13 =	vadd.f32 v58, v13  }
0x12f: {  	v16 =	vadd.f32 v59, v16  }
0x130: {  	v61 =	vperm.xlane v14, v6;
	v15 =	vadd.f32 v60, v15;
	v62 =	vperm.xlane v13, v7  }
0x131: {  	(xrf2) =	vadd.scan.msk.f32 $0xffff, v17;
	v17 =	vperm.xlane v16, v7  }
0x132: {  	v14 =	vadd.f32 v61, v14;
	v63 =	vperm.xlane v15, v7;
	v13 =	vadd.f32 v62, v13  }
0x133: {  	(xrf2) =	vadd.scan.msk.f32 $0xffff, v19;
	v16 =	vadd.f32 v17, v16  }
0x134: {  	(xrf2) =	vadd.scan.msk.f32 $0xffff, v20;
	v17 =	vperm.xlane v14, v7;
	v15 =	vadd.f32 v63, v15;
	v19 =	vperm.xlane v13, v8  }
0x135: {  	(xrf2) =	vadd.scan.msk.f32 $0xffff, v18;
	v18 =	vperm.xlane v16, v8  }
0x136: {  	v14 =	vadd.f32 v17, v14;
	v17 =	vperm.xlane v15, v8;
	v13 =	vadd.f32 v19, v13  }
0x137: {  	vm2 =	vmor vm1, vm0;
	v16 =	vadd.f32 v18, v16  }
0x138: {  	v18 =	vperm.xlane v14, v8;
	[tilespmem:v10+s18+$0x0] =	vst.idx.add.f32.msk $0x1, v13;
	v13 =	vadd.f32 v17, v15;
	_ =	sdelay $0x1  }
0x139: {  	v14 =	vadd.f32 v18, v14;
	[tilespmem:v10+s19+$0x0] =	vst.idx.add.f32.msk $0x1, v16  }
0x13a: {  	[tilespmem:v10+s20+$0x0] =	vst.idx.add.f32.msk $0x1, v13  }
0x13b: {  	[tilespmem:v10+s23+$0x0] =	vst.idx.add.f32.msk $0x1, v14;
	v13, _, _ =	vpop (xrf2)  }
0x13c: {  	v10, _, _ =	vpop (xrf2);
	[tilespmem:v11+s18+$0x0] =	vst.idx.add.f32.msk vm2, v13  }
0x13d: {  	v14, _, _ =	vpop (xrf2);
	[tilespmem:v11+s19+$0x0] =	vst.idx.add.f32.msk vm2, v10  }
0x13e: {  	v13 =	vsub.f32 $0.0e+00, v13;
	v15, _, _ =	vpop (xrf2);
	[tilespmem:v11+s20+$0x0] =	vst.idx.add.f32.msk vm2, v14  }
.Ltmp11:
0x13f: {  	v10 =	vsub.f32 $0.0e+00, v10;
	[tilespmem:v11+s23+$0x0] =	vst.idx.add.f32.msk vm2, v15;
	(pc) =	sbr.rel .LBB2_15-.Ltmp11, $4  }
0x140: {  	v14 =	vsub.f32 $0.0e+00, v14;
	[tilespmem:v12+s18+$0x0] =	vst.idx.add.f32.msk vm1, v13  }
0x141: {  	v15 =	vsub.f32 $0.0e+00, v15;
	[tilespmem:v12+s19+$0x0] =	vst.idx.add.f32.msk vm1, v10  }
0x142: {  	v16 =	vimm.f32 $0.0e+00;
	v13 =	vimm.f32 $0.0e+00;
	[tilespmem:v12+s20+$0x0] =	vst.idx.add.f32.msk vm1, v14  }
0x143: {  	v10 =	vperm.xlane v11, v9;
	v14 =	vimm.f32 $0.0e+00;
	[tilespmem:v12+s23+$0x0] =	vst.idx.add.f32.msk vm1, v15;
	v15 =	vimm.f32 $0.0e+00  }
.LBB2_14:
0x144: {  	v13 =	vadd.f32 v17, v13;
	v16 =	vadd.f32 v19, v16  }
0x145: {  	v15 =	vadd.f32 v20, v15;
	v14 =	vadd.f32 v18, v14  }
.LBB2_15:
0x146: {  	v11 =	vld [tilespmem:s13+$0x10];
	_ =	sdelay $0x4  }
0x147: {  	v12 =	vperm.xlane v11, v1;
	_ =	sdelay $0x1  }
0x148: {  	vm2 =	vne.s32 v11, v10;
	vm1 =	vne.s32 v11, v12  }
0x149: {  	vm2 =	vmor vm2, vm1  }
0x14a: {  	v17 =	vsel vm2, $0x3F800000, v0  }
0x14b: {  	(xrf0) =	vmax.scan.msk.f32 $0xffff, v17;
	_ =	sdelay $0x5  }
0x14c: {  	v17, _, _ =	vpop (xrf0)  }
0x14d: {  	(v2sf) =	vpush v17, $0xF;
	_ =	sdelay $0x7  }
0x14e: {  	v18 =	vld [tilespmem:s26+$0x10]  }
0x14f: {  	v19 =	vld [tilespmem:s28+$0x10]  }
0x150: {  	v20 =	vld [tilespmem:s30+$0x10]  }
0x151: {  	v21 =	vld [tilespmem:s12+$0x10]  }
0x152: {  	v17 =	vld [tilespmem:s25+$0x10];
	_ =	sdelay $0x2  }
0x153: {  	v22 =	vsub.f32 $1.000000000e+00, v19;
	s15 =	spop (v2sf)  }
0x154: {  	v20 =	vsub.f32 v20, v19;
	p0 =	sgt.f32 s15, $0.0e+00  }
.Ltmp12:
0x155: {  	v21 =	vsub.f32 v21, v22;
	v19 =	vsub.f32 v17, v18;
	(pc) =	sbr.rel @!p0 .LBB2_17-.Ltmp12, $3  }
0x156: {  	_ = 	snop  }
0x157: {  	v18 =	vmul.f32 v20, v18;
	v22 =	vmul.f32 v21, v19;
	_ =	sdelay $0x1  }
0x158: {  	v20 =	vmul.f32 v18, v20;
	v18 =	vmul.f32 v22, v21  }
0x159: {  	v21 =	vperm.xlane v13, v5  }
0x15a: {  	v22 =	vperm.xlane v16, v5  }
0x15b: {  	v56 =	vperm.xlane v15, v5;
	v13 =	vadd.f32 v21, v13  }
0x15c: {  	v16 =	vadd.f32 v22, v16  }
0x15d: {  	v57 =	vperm.xlane v14, v5;
	v15 =	vadd.f32 v56, v15;
	v58 =	vperm.xlane v13, v6  }
0x15e: {  	v59 =	vperm.xlane v16, v6  }
0x15f: {  	v14 =	vadd.f32 v57, v14;
	v60 =	vperm.xlane v15, v6;
	v13 =	vadd.f32 v58, v13  }
0x160: {  	v16 =	vadd.f32 v59, v16  }
0x161: {  	v61 =	vperm.xlane v14, v6;
	v15 =	vadd.f32 v60, v15;
	v62 =	vperm.xlane v13, v7  }
0x162: {  	(xrf2) =	vadd.scan.msk.f32 $0xffff, v17;
	v17 =	vperm.xlane v16, v7  }
0x163: {  	v14 =	vadd.f32 v61, v14;
	v63 =	vperm.xlane v15, v7;
	v13 =	vadd.f32 v62, v13  }
0x164: {  	(xrf2) =	vadd.scan.msk.f32 $0xffff, v19;
	v16 =	vadd.f32 v17, v16  }
0x165: {  	(xrf2) =	vadd.scan.msk.f32 $0xffff, v20;
	v17 =	vperm.xlane v14, v7;
	v15 =	vadd.f32 v63, v15;
	v19 =	vperm.xlane v13, v8  }
0x166: {  	(xrf2) =	vadd.scan.msk.f32 $0xffff, v18;
	v18 =	vperm.xlane v16, v8  }
0x167: {  	v14 =	vadd.f32 v17, v14;
	v17 =	vperm.xlane v15, v8;
	v13 =	vadd.f32 v19, v13  }
0x168: {  	vm2 =	vmor vm1, vm0;
	v16 =	vadd.f32 v18, v16  }
0x169: {  	v18 =	vperm.xlane v14, v8;
	[tilespmem:v10+s18+$0x0] =	vst.idx.add.f32.msk $0x1, v13;
	v13 =	vadd.f32 v17, v15;
	_ =	sdelay $0x1  }
0x16a: {  	v14 =	vadd.f32 v18, v14;
	[tilespmem:v10+s19+$0x0] =	vst.idx.add.f32.msk $0x1, v16  }
0x16b: {  	[tilespmem:v10+s20+$0x0] =	vst.idx.add.f32.msk $0x1, v13  }
0x16c: {  	[tilespmem:v10+s23+$0x0] =	vst.idx.add.f32.msk $0x1, v14;
	v13, _, _ =	vpop (xrf2)  }
0x16d: {  	v10, _, _ =	vpop (xrf2);
	[tilespmem:v11+s18+$0x0] =	vst.idx.add.f32.msk vm2, v13  }
0x16e: {  	v14, _, _ =	vpop (xrf2);
	[tilespmem:v11+s19+$0x0] =	vst.idx.add.f32.msk vm2, v10  }
0x16f: {  	v13 =	vsub.f32 $0.0e+00, v13;
	v15, _, _ =	vpop (xrf2);
	[tilespmem:v11+s20+$0x0] =	vst.idx.add.f32.msk vm2, v14  }
.Ltmp13:
0x170: {  	v10 =	vsub.f32 $0.0e+00, v10;
	[tilespmem:v11+s23+$0x0] =	vst.idx.add.f32.msk vm2, v15;
	(pc) =	sbr.rel .LBB2_18-.Ltmp13, $4  }
0x171: {  	v14 =	vsub.f32 $0.0e+00, v14;
	[tilespmem:v12+s18+$0x0] =	vst.idx.add.f32.msk vm1, v13  }
0x172: {  	v15 =	vsub.f32 $0.0e+00, v15;
	[tilespmem:v12+s19+$0x0] =	vst.idx.add.f32.msk vm1, v10  }
0x173: {  	v17 =	vimm.f32 $0.0e+00;
	v16 =	vimm.f32 $0.0e+00;
	[tilespmem:v12+s20+$0x0] =	vst.idx.add.f32.msk vm1, v14  }
0x174: {  	v13 =	vimm.f32 $0.0e+00;
	v10 =	vperm.xlane v11, v9;
	[tilespmem:v12+s23+$0x0] =	vst.idx.add.f32.msk vm1, v15;
	v15 =	vimm.f32 $0.0e+00  }
.LBB2_17:
0x175: {  	v13 =	vadd.f32 v17, v13;
	v17 =	vadd.f32 v19, v16  }
0x176: {  	v16 =	vadd.f32 v20, v15;
	v15 =	vadd.f32 v18, v14  }
.LBB2_18:
0x177: {  	v11 =	vld [tilespmem:s13+$0x20];
	_ =	sdelay $0x4  }
0x178: {  	v12 =	vperm.xlane v11, v1;
	_ =	sdelay $0x1  }
0x179: {  	vm2 =	vne.s32 v11, v10;
	vm1 =	vne.s32 v11, v12  }
0x17a: {  	vm2 =	vmor vm2, vm1  }
0x17b: {  	v14 =	vsel vm2, $0x3F800000, v0  }
0x17c: {  	(xrf0) =	vmax.scan.msk.f32 $0xffff, v14;
	_ =	sdelay $0x5  }
0x17d: {  	v14, _, _ =	vpop (xrf0)  }
0x17e: {  	(v2sf) =	vpush v14, $0xF;
	_ =	sdelay $0x7  }
0x17f: {  	v18 =	vld [tilespmem:s26+$0x20]  }
0x180: {  	v19 =	vld [tilespmem:s28+$0x20]  }
0x181: {  	v20 =	vld [tilespmem:s30+$0x20]  }
0x182: {  	v21 =	vld [tilespmem:s12+$0x20]  }
0x183: {  	v14 =	vld [tilespmem:s25+$0x20];
	_ =	sdelay $0x2  }
0x184: {  	v22 =	vsub.f32 $1.000000000e+00, v19;
	s15 =	spop (v2sf)  }
0x185: {  	v20 =	vsub.f32 v20, v19;
	p0 =	sgt.f32 s15, $0.0e+00  }
.Ltmp14:
0x186: {  	v21 =	vsub.f32 v21, v22;
	v19 =	vsub.f32 v14, v18;
	(pc) =	sbr.rel @!p0 .LBB2_20-.Ltmp14, $3  }
0x187: {  	_ = 	snop  }
0x188: {  	v18 =	vmul.f32 v20, v18;
	v22 =	vmul.f32 v21, v19;
	_ =	sdelay $0x1  }
0x189: {  	v20 =	vmul.f32 v18, v20;
	v18 =	vmul.f32 v22, v21  }
0x18a: {  	v21 =	vperm.xlane v13, v5;
	_ =	sdelay $0x1  }
0x18b: {  	v22 =	vperm.xlane v17, v5;
	v51 =	vperm.xlane v16, v5;
	v13 =	vadd.f32 v21, v13  }
0x18c: {  	v52 =	vperm.xlane v15, v5  }
0x18d: {  	v17 =	vadd.f32 v22, v17;
	v16 =	vadd.f32 v51, v16;
	v53 =	vperm.xlane v13, v6  }
0x18e: {  	v15 =	vadd.f32 v52, v15  }
0x18f: {  	v54 =	vperm.xlane v17, v6;
	v55 =	vperm.xlane v16, v6;
	v13 =	vadd.f32 v53, v13  }
0x190: {  	v56 =	vperm.xlane v15, v6  }
0x191: {  	v17 =	vadd.f32 v54, v17;
	v16 =	vadd.f32 v55, v16;
	v57 =	vperm.xlane v13, v7  }
0x192: {  	v15 =	vadd.f32 v56, v15  }
0x193: {  	(xrf2) =	vadd.scan.msk.f32 $0xffff, v14;
	v14 =	vperm.xlane v17, v7;
	v58 =	vperm.xlane v16, v7;
	v13 =	vadd.f32 v57, v13  }
0x194: {  	(xrf2) =	vadd.scan.msk.f32 $0xffff, v19;
	v59 =	vperm.xlane v15, v7  }
0x195: {  	(xrf2) =	vadd.scan.msk.f32 $0xffff, v20;
	v14 =	vadd.f32 v14, v17;
	v16 =	vadd.f32 v58, v16;
	v60 =	vperm.xlane v13, v8  }
0x196: {  	(xrf2) =	vadd.scan.msk.f32 $0xffff, v18;
	v15 =	vadd.f32 v59, v15  }
0x197: {  	v61 =	vperm.xlane v14, v8;
	v62 =	vperm.xlane v16, v8;
	v13 =	vadd.f32 v60, v13  }
0x198: {  	vm2 =	vmor vm1, vm0;
	v63 =	vperm.xlane v15, v8  }
0x199: {  	v14 =	vadd.f32 v61, v14;
	[tilespmem:v10+s18+$0x0] =	vst.idx.add.f32.msk $0x1, v13;
	v13 =	vadd.f32 v62, v16;
	_ =	sdelay $0x1  }
0x19a: {  	[tilespmem:v10+s19+$0x0] =	vst.idx.add.f32.msk $0x1, v14;
	v14 =	vadd.f32 v63, v15  }
0x19b: {  	[tilespmem:v10+s20+$0x0] =	vst.idx.add.f32.msk $0x1, v13  }
0x19c: {  	[tilespmem:v10+s23+$0x0] =	vst.idx.add.f32.msk $0x1, v14;
	v13, _, _ =	vpop (xrf2)  }
0x19d: {  	v10, _, _ =	vpop (xrf2);
	[tilespmem:v11+s18+$0x0] =	vst.idx.add.f32.msk vm2, v13  }
0x19e: {  	v14, _, _ =	vpop (xrf2);
	[tilespmem:v11+s19+$0x0] =	vst.idx.add.f32.msk vm2, v10  }
0x19f: {  	v13 =	vsub.f32 $0.0e+00, v13;
	v15, _, _ =	vpop (xrf2);
	[tilespmem:v11+s20+$0x0] =	vst.idx.add.f32.msk vm2, v14  }
.Ltmp15:
0x1a0: {  	v10 =	vsub.f32 $0.0e+00, v10;
	[tilespmem:v11+s23+$0x0] =	vst.idx.add.f32.msk vm2, v15;
	(pc) =	sbr.rel .LBB2_22-.Ltmp15, $4  }
0x1a1: {  	v14 =	vsub.f32 $0.0e+00, v14;
	[tilespmem:v12+s18+$0x0] =	vst.idx.add.f32.msk vm1, v13  }
0x1a2: {  	v15 =	vsub.f32 $0.0e+00, v15;
	[tilespmem:v12+s19+$0x0] =	vst.idx.add.f32.msk vm1, v10  }
0x1a3: {  	v13 =	vimm.f32 $0.0e+00;
	v10 =	vperm.xlane v11, v9;
	[tilespmem:v12+s20+$0x0] =	vst.idx.add.f32.msk vm1, v14  }
0x1a4: {  	v11 =	vimm.f32 $0.0e+00;
	v14 =	vimm.f32 $0.0e+00;
	[tilespmem:v12+s23+$0x0] =	vst.idx.add.f32.msk vm1, v15;
	v12 =	vimm.f32 $0.0e+00  }
.LBB2_20:
.Ltmp16:
0x1a5: {  	(pc) =	sbr.rel .LBB2_22-.Ltmp16, $3  }
0x1a6: {  	_ =	sdelay $0x1  }
0x1a7: {  	v13 =	vadd.f32 v14, v13;
	v14 =	vadd.f32 v19, v17  }
0x1a8: {  	v12 =	vadd.f32 v20, v16;
	v11 =	vadd.f32 v18, v15  }
.LBB2_23:
0x1a9: {  	s25 =	smul.u32 $0xFA0, s9;
	_ =	sdelay $0x1  }
0x1aa: {  	s12 =	sadd.s32 s25, s21  }
0x1ab: {  	s12 =	sshrl.u32 s12, $0x3  }
0x1ac: {  	s26 =	simm.s32 $0x0;
	s13 =	sadd.s32 s1, s12  }
0x1ad: {  	[tilespmem:s26], [sflag:$0x1] =	stream.linear.gather [hbm4b:s13+s26], $0x7D0, $0x38;
	[tilespmem:$0xA080] =	vst v63  }
0x1ae: {  	s16 =	sadd.s32 s2, s12  }
0x1af: {  	[tilespmem:s31], [sflag:$0x1] =	stream.linear.gather [hbm4b:s16+s26], $0x7D0, $0x38;
	[tilespmem:$0xA080] =	vst v63  }
0x1b0: {  	s14 =	sadd.s32 s3, s12  }
0x1b1: {  	[tilespmem:s0], [sflag:$0x1] =	stream.linear.gather [hbm4b:s14+s26], $0x7D0, $0x38;
	[tilespmem:$0xA080] =	vst v63  }
0x1b2: {  	s15 =	sadd.s32 s5, s12  }
0x1b3: {  	[tilespmem:s4], [sflag:$0x1] =	stream.linear.gather [hbm4b:s15+s26], $0x7D0, $0x38;
	[tilespmem:$0xA080] =	vst v63  }
0x1b4: {  	s16 =	sadd.s32 s8, s12  }
0x1b5: {  	[tilespmem:s29], [sflag:$0x1] =	stream.linear.gather [hbm4b:s16+s26], $0x7D0, $0x38;
	[tilespmem:$0xA080] =	vst v63  }
0x1b6: {  	s12 =	sadd.s32 s6, s12  }
0x1b7: {  	[tilespmem:s10], [sflag:$0x1] =	stream.linear.gather [hbm4b:s12+s26], $0x7D0, $0x38;
	[tilespmem:$0xA080] =	vst v63  }
0x1b8: {  	_ =	swait.ge [sflag:s24], $0x7D0  }
0x1b9: {  	[sflag:s24] =	ssyncset.done $0x0  }
0x1ba: {  	[sflag:s24] =	ssyncadd.s32 $0xFFFFF830  }
0x1bb: {  	_ =	swait.ge [sflag:s24], $0x7D0  }
0x1bc: {  	[sflag:s24] =	ssyncset.done $0x0  }
0x1bd: {  	[sflag:s24] =	ssyncadd.s32 $0xFFFFF830  }
0x1be: {  	_ =	swait.ge [sflag:s24], $0x7D0  }
0x1bf: {  	[sflag:s24] =	ssyncset.done $0x0  }
0x1c0: {  	[sflag:s24] =	ssyncadd.s32 $0xFFFFF830  }
0x1c1: {  	_ =	swait.ge [sflag:s24], $0x7D0  }
0x1c2: {  	[sflag:s24] =	ssyncset.done $0x0  }
0x1c3: {  	[sflag:s24] =	ssyncadd.s32 $0xFFFFF830  }
0x1c4: {  	_ =	swait.ge [sflag:s24], $0x7D0  }
.Ltmp17:
0x1c5: {  	[sflag:s24] =	ssyncset.done $0x0;
	(pc) =	sbr.rel .LBB2_24-.Ltmp17, $4  }
0x1c6: {  	[sflag:s24] =	ssyncadd.s32 $0xFFFFF830  }
0x1c7: {  	s28 =	simm.s32 $0x1820;
	s30 =	simm.s32 $0x2820;
	_ =	swait.ge [sflag:s24], $0x7D0  }
0x1c8: {  	s13 =	simm.s32 $0x4820;
	s14 =	simm.s32 $0x5820;
	[sflag:s24] =	ssyncset.done $0x0  }
0x1c9: {  	s15 =	simm.s32 $0x820;
	s12 =	simm.s32 $0x3820;
	[sflag:s24] =	ssyncadd.s32 $0xFFFFF830  }
.LBB2_40:
0x1ca: {  	v15 =	vld [tilespmem:s28+$0xFFFFFFE0]  }
0x1cb: {  	v16 =	vld [tilespmem:s30+$0xFFFFFFE0]  }
0x1cc: {  	v17 =	vld [tilespmem:s12+$0xFFFFFFE0]  }
0x1cd: {  	v18 =	vld [tilespmem:s13+$0xFFFFFFE0]  }
0x1ce: {  	v19 =	vld [tilespmem:s14+$0xFFFFFFE0]  }
0x1cf: {  	v20 =	vld [tilespmem:s28+$0xFFFFFFF0]  }
0x1d0: {  	v21 =	vld [tilespmem:s30+$0xFFFFFFF0]  }
0x1d1: {  	v22 =	vld [tilespmem:s12+$0xFFFFFFF0]  }
0x1d2: {  	v23 =	vld [tilespmem:s13+$0xFFFFFFF0]  }
0x1d3: {  	v24 =	vld [tilespmem:s14+$0xFFFFFFF0]  }
0x1d4: {  	v25 =	vld [tilespmem:s28+$0x0]  }
0x1d5: {  	v27 =	vld [tilespmem:s30+$0x0]  }
0x1d6: {  	v39 =	vld [tilespmem:s12+$0x0]  }
0x1d7: {  	v40 =	vld [tilespmem:s13+$0x0]  }
0x1d8: {  	v41 =	vld [tilespmem:s28+$0x10]  }
0x1d9: {  	v43 =	vld [tilespmem:s30+$0x10];
	v26 =	vsub.f32 $1.000000000e+00, v17  }
0x1da: {  	v44 =	vld [tilespmem:s12+$0x10];
	v17 =	vsub.f32 v18, v17;
	v28 =	vsub.f32 v15, v16  }
0x1db: {  	v45 =	vld [tilespmem:s13+$0x10];
	v29 =	vsub.f32 $1.000000000e+00, v22;
	v19 =	vsub.f32 v19, v26  }
0x1dc: {  	v49 =	vld [tilespmem:s28+$0x20];
	v22 =	vsub.f32 v23, v22;
	v42 =	vsub.f32 v20, v21  }
0x1dd: {  	v51 =	vld [tilespmem:s30+$0x20];
	v13 =	vadd.f32 v15, v13;
	v24 =	vsub.f32 v24, v29;
	v31 =	vmul.f32 v19, v28  }
0x1de: {  	v48 =	vsub.f32 v40, v39;
	v50 =	vsub.f32 $1.000000000e+00, v39;
	v16 =	vmul.f32 v17, v16  }
0x1df: {  	v53 =	vsub.f32 v25, v27;
	v15 =	vmul.f32 v24, v42;
	v19 =	vmul.f32 v31, v19  }
0x1e0: {  	v30 =	vld [tilespmem:s14+$0x0];
	v55 =	vsub.f32 $1.000000000e+00, v44;
	v57 =	vsub.f32 v45, v44;
	v21 =	vmul.f32 v22, v21  }
0x1e1: {  	v47 =	vld [tilespmem:s14+$0x10];
	v16 =	vmul.f32 v16, v17;
	v15 =	vmul.f32 v15, v24;
	v11 =	vadd.f32 v19, v11  }
0x1e2: {  	v52 =	vld [tilespmem:s12+$0x20];
	v58 =	vsub.f32 v41, v43;
	v61 =	vsub.f32 v49, v51;
	v46 =	vmul.f32 v21, v22  }
0x1e3: {  	v54 =	vld [tilespmem:s13+$0x20];
	v12 =	vadd.f32 v16, v12;
	v11 =	vadd.f32 v15, v11;
	v15 =	vmul.f32 v48, v27  }
0x1e4: {  	v56 =	vld [tilespmem:s14+$0x20];
	v14 =	vadd.f32 v28, v14;
	v13 =	vadd.f32 v20, v13  }
0x1e5: {  	v17 =	vsub.f32 v30, v50;
	v12 =	vadd.f32 v46, v12;
	v15 =	vmul.f32 v15, v48  }
0x1e6: {  	v14 =	vadd.f32 v42, v14;
	v19 =	vsub.f32 v47, v55  }
0x1e7: {  	v22 =	vmul.f32 v17, v53;
	v12 =	vadd.f32 v15, v12;
	v15 =	vsub.f32 $1.000000000e+00, v52  }
0x1e8: {  	v59 =	vmul.f32 v57, v43;
	v13 =	vadd.f32 v25, v13;
	v16 =	vsub.f32 v54, v52  }
0x1e9: {  	v17 =	vmul.f32 v22, v17;
	v60 =	vmul.f32 v19, v58;
	v15 =	vsub.f32 v56, v15  }
0x1ea: {  	v62 =	vmul.f32 v59, v57;
	v14 =	vadd.f32 v53, v14;
	v18 =	vmul.f32 v16, v51  }
0x1eb: {  	v11 =	vadd.f32 v17, v11;
	v19 =	vmul.f32 v60, v19;
	v63 =	vmul.f32 v15, v61  }
0x1ec: {  	v13 =	vadd.f32 v41, v13;
	v14 =	vadd.f32 v58, v14;
	v16 =	vmul.f32 v18, v16  }
0x1ed: {  	v11 =	vadd.f32 v19, v11;
	v12 =	vadd.f32 v62, v12;
	v15 =	vmul.f32 v63, v15  }
0x1ee: {  	v13 =	vadd.f32 v49, v13;
	v14 =	vadd.f32 v61, v14  }
0x1ef: {  	v12 =	vadd.f32 v16, v12;
	v11 =	vadd.f32 v15, v11  }
.LBB2_41:
0x1f0: {  	s26 =	sadd.s32 $0x50, s26  }
0x1f1: {  	p0 =	sne.s32 s26, $0x7D0  }
.Ltmp18:
0x1f2: {  	_ = 	snop;
	(pc) =	sbr.rel @!p0 .LBB2_42-.Ltmp18, $3  }
0x1f3: {  	_ =	sdelay $0x1  }
0x1f4: {  	s28 =	sadd.s32 $0x50, s28;
	s30 =	sadd.s32 $0x50, s30;
	s12 =	sadd.s32 $0x50, s12  }
0x1f5: {  	s13 =	sadd.s32 $0x50, s13;
	s14 =	sadd.s32 $0x50, s14;
	s15 =	sadd.s32 $0x50, s15  }
.LBB2_24:
0x1f6: {  	v15 =	vadd.s32 s26, v3;
	_ =	sdelay $0x4  }
0x1f7: {  	v15 =	vld.idx.msk [tilespmem:v15+s11+$0x0], $0xffff;
	_ =	sdelay $0x4  }
0x1f8: {  	vm1 =	veq.s32 v15, v10  }
0x1f9: {  	v15 =	vsel vm1, $0x0, v4  }
0x1fa: {  	(xrf0) =	vmax.scan.msk.f32 $0xffff, v15;
	_ =	sdelay $0x5  }
0x1fb: {  	v15, _, _ =	vpop (xrf0)  }
0x1fc: {  	(v2sf) =	vpush v15, $0xF;
	_ =	sdelay $0xe  }
0x1fd: {  	s16 =	spop (v2sf)  }
0x1fe: {  	p0 =	sgt.f32 s16, $0.0e+00  }
.Ltmp19:
0x1ff: {  	_ = 	snop;
	(pc) =	sbr.rel @!p0 .LBB2_40-.Ltmp19, $1  }
0x200: {  	_ =	sdelay $0x3  }
0x201: {  	v15 =	vld [tilespmem:s15+$0xFFFFFFE0];
	_ =	sdelay $0x4  }
0x202: {  	v16 =	vperm.xlane v15, v1;
	_ =	sdelay $0x1  }
0x203: {  	vm2 =	vne.s32 v15, v10;
	vm1 =	vne.s32 v15, v16  }
0x204: {  	vm2 =	vmor vm2, vm1  }
0x205: {  	v17 =	vsel vm2, $0x3F800000, v0  }
0x206: {  	(xrf0) =	vmax.scan.msk.f32 $0xffff, v17;
	_ =	sdelay $0x5  }
0x207: {  	v17, _, _ =	vpop (xrf0)  }
0x208: {  	(v2sf) =	vpush v17, $0xF;
	_ =	sdelay $0x7  }
0x209: {  	v18 =	vld [tilespmem:s30+$0xFFFFFFE0]  }
0x20a: {  	v19 =	vld [tilespmem:s12+$0xFFFFFFE0]  }
0x20b: {  	v20 =	vld [tilespmem:s13+$0xFFFFFFE0]  }
0x20c: {  	v21 =	vld [tilespmem:s14+$0xFFFFFFE0]  }
0x20d: {  	v17 =	vld [tilespmem:s28+$0xFFFFFFE0];
	_ =	sdelay $0x2  }
0x20e: {  	v22 =	vsub.f32 $1.000000000e+00, v19;
	s16 =	spop (v2sf)  }
0x20f: {  	v20 =	vsub.f32 v20, v19;
	p0 =	sgt.f32 s16, $0.0e+00  }
.Ltmp20:
0x210: {  	v21 =	vsub.f32 v21, v22;
	v19 =	vsub.f32 v17, v18;
	(pc) =	sbr.rel @!p0 .LBB2_27-.Ltmp20, $3  }
0x211: {  	_ = 	snop  }
0x212: {  	v18 =	vmul.f32 v20, v18;
	v22 =	vmul.f32 v21, v19;
	_ =	sdelay $0x1  }
0x213: {  	v20 =	vmul.f32 v18, v20;
	v18 =	vmul.f32 v22, v21  }
0x214: {  	v21 =	vperm.xlane v13, v5  }
0x215: {  	v22 =	vperm.xlane v14, v5;
	v56 =	vperm.xlane v12, v5  }
0x216: {  	v13 =	vadd.f32 v21, v13  }
0x217: {  	v57 =	vperm.xlane v11, v5;
	v14 =	vadd.f32 v22, v14;
	v12 =	vadd.f32 v56, v12  }
0x218: {  	v58 =	vperm.xlane v13, v6  }
0x219: {  	v11 =	vadd.f32 v57, v11;
	v59 =	vperm.xlane v14, v6;
	v60 =	vperm.xlane v12, v6  }
0x21a: {  	v13 =	vadd.f32 v58, v13  }
0x21b: {  	v61 =	vperm.xlane v11, v6;
	v14 =	vadd.f32 v59, v14;
	v12 =	vadd.f32 v60, v12  }
0x21c: {  	v62 =	vperm.xlane v13, v7  }
0x21d: {  	(xrf2) =	vadd.scan.msk.f32 $0xffff, v17;
	v11 =	vadd.f32 v61, v11;
	v17 =	vperm.xlane v14, v7;
	v63 =	vperm.xlane v12, v7  }
0x21e: {  	(xrf2) =	vadd.scan.msk.f32 $0xffff, v19;
	v13 =	vadd.f32 v62, v13  }
0x21f: {  	(xrf2) =	vadd.scan.msk.f32 $0xffff, v20;
	v14 =	vadd.f32 v17, v14;
	v17 =	vperm.xlane v11, v7;
	v12 =	vadd.f32 v63, v12  }
0x220: {  	(xrf2) =	vadd.scan.msk.f32 $0xffff, v18;
	v19 =	vperm.xlane v13, v8  }
0x221: {  	v18 =	vperm.xlane v14, v8;
	v11 =	vadd.f32 v17, v11;
	v17 =	vperm.xlane v12, v8  }
0x222: {  	vm2 =	vmor vm1, vm0;
	v13 =	vadd.f32 v19, v13  }
0x223: {  	v14 =	vadd.f32 v18, v14;
	v18 =	vperm.xlane v11, v8;
	v12 =	vadd.f32 v17, v12  }
0x224: {  	[tilespmem:v10+s18+$0x0] =	vst.idx.add.f32.msk $0x1, v13  }
0x225: {  	v11 =	vadd.f32 v18, v11;
	[tilespmem:v10+s19+$0x0] =	vst.idx.add.f32.msk $0x1, v14  }
0x226: {  	[tilespmem:v10+s20+$0x0] =	vst.idx.add.f32.msk $0x1, v12  }
0x227: {  	v12, _, _ =	vpop (xrf2);
	[tilespmem:v10+s23+$0x0] =	vst.idx.add.f32.msk $0x1, v11  }
0x228: {  	v10, _, _ =	vpop (xrf2);
	[tilespmem:v15+s18+$0x0] =	vst.idx.add.f32.msk vm2, v12  }
0x229: {  	v11, _, _ =	vpop (xrf2);
	[tilespmem:v15+s19+$0x0] =	vst.idx.add.f32.msk vm2, v10  }
0x22a: {  	v12 =	vsub.f32 $0.0e+00, v12;
	v13, _, _ =	vpop (xrf2);
	[tilespmem:v15+s20+$0x0] =	vst.idx.add.f32.msk vm2, v11  }
.Ltmp21:
0x22b: {  	v10 =	vsub.f32 $0.0e+00, v10;
	[tilespmem:v15+s23+$0x0] =	vst.idx.add.f32.msk vm2, v13;
	(pc) =	sbr.rel .LBB2_28-.Ltmp21, $4  }
0x22c: {  	v11 =	vsub.f32 $0.0e+00, v11;
	[tilespmem:v16+s18+$0x0] =	vst.idx.add.f32.msk vm1, v12  }
0x22d: {  	v12 =	vsub.f32 $0.0e+00, v13;
	[tilespmem:v16+s19+$0x0] =	vst.idx.add.f32.msk vm1, v10  }
0x22e: {  	v14 =	vimm.f32 $0.0e+00;
	v13 =	vimm.f32 $0.0e+00;
	[tilespmem:v16+s20+$0x0] =	vst.idx.add.f32.msk vm1, v11  }
0x22f: {  	v10 =	vperm.xlane v15, v9;
	v15 =	vimm.f32 $0.0e+00;
	[tilespmem:v16+s23+$0x0] =	vst.idx.add.f32.msk vm1, v12;
	v16 =	vimm.f32 $0.0e+00  }
.LBB2_27:
0x230: {  	v13 =	vadd.f32 v17, v13;
	v16 =	vadd.f32 v19, v14  }
0x231: {  	v15 =	vadd.f32 v20, v12;
	v14 =	vadd.f32 v18, v11  }
.LBB2_28:
0x232: {  	v11 =	vld [tilespmem:s15+$0xFFFFFFF0];
	_ =	sdelay $0x4  }
0x233: {  	v12 =	vperm.xlane v11, v1;
	_ =	sdelay $0x1  }
0x234: {  	vm2 =	vne.s32 v11, v10;
	vm1 =	vne.s32 v11, v12  }
0x235: {  	vm2 =	vmor vm2, vm1  }
0x236: {  	v17 =	vsel vm2, $0x3F800000, v0  }
0x237: {  	(xrf0) =	vmax.scan.msk.f32 $0xffff, v17;
	_ =	sdelay $0x5  }
0x238: {  	v17, _, _ =	vpop (xrf0)  }
0x239: {  	(v2sf) =	vpush v17, $0xF;
	_ =	sdelay $0x7  }
0x23a: {  	v18 =	vld [tilespmem:s30+$0xFFFFFFF0]  }
0x23b: {  	v19 =	vld [tilespmem:s12+$0xFFFFFFF0]  }
0x23c: {  	v20 =	vld [tilespmem:s13+$0xFFFFFFF0]  }
0x23d: {  	v21 =	vld [tilespmem:s14+$0xFFFFFFF0]  }
0x23e: {  	v17 =	vld [tilespmem:s28+$0xFFFFFFF0];
	_ =	sdelay $0x2  }
0x23f: {  	v22 =	vsub.f32 $1.000000000e+00, v19;
	s16 =	spop (v2sf)  }
0x240: {  	v20 =	vsub.f32 v20, v19;
	p0 =	sgt.f32 s16, $0.0e+00  }
.Ltmp22:
0x241: {  	v21 =	vsub.f32 v21, v22;
	v19 =	vsub.f32 v17, v18;
	(pc) =	sbr.rel @!p0 .LBB2_30-.Ltmp22, $3  }
0x242: {  	_ = 	snop  }
0x243: {  	v18 =	vmul.f32 v20, v18;
	v22 =	vmul.f32 v21, v19;
	_ =	sdelay $0x1  }
0x244: {  	v20 =	vmul.f32 v18, v20;
	v18 =	vmul.f32 v22, v21  }
0x245: {  	v21 =	vperm.xlane v13, v5  }
0x246: {  	v22 =	vperm.xlane v16, v5  }
0x247: {  	v56 =	vperm.xlane v15, v5;
	v13 =	vadd.f32 v21, v13  }
0x248: {  	v16 =	vadd.f32 v22, v16  }
0x249: {  	v57 =	vperm.xlane v14, v5;
	v15 =	vadd.f32 v56, v15;
	v58 =	vperm.xlane v13, v6  }
0x24a: {  	v59 =	vperm.xlane v16, v6  }
0x24b: {  	v14 =	vadd.f32 v57, v14;
	v60 =	vperm.xlane v15, v6;
	v13 =	vadd.f32 v58, v13  }
0x24c: {  	v16 =	vadd.f32 v59, v16  }
0x24d: {  	v61 =	vperm.xlane v14, v6;
	v15 =	vadd.f32 v60, v15;
	v62 =	vperm.xlane v13, v7  }
0x24e: {  	(xrf2) =	vadd.scan.msk.f32 $0xffff, v17;
	v17 =	vperm.xlane v16, v7  }
0x24f: {  	v14 =	vadd.f32 v61, v14;
	v63 =	vperm.xlane v15, v7;
	v13 =	vadd.f32 v62, v13  }
0x250: {  	(xrf2) =	vadd.scan.msk.f32 $0xffff, v19;
	v16 =	vadd.f32 v17, v16  }
0x251: {  	(xrf2) =	vadd.scan.msk.f32 $0xffff, v20;
	v17 =	vperm.xlane v14, v7;
	v15 =	vadd.f32 v63, v15;
	v19 =	vperm.xlane v13, v8  }
0x252: {  	(xrf2) =	vadd.scan.msk.f32 $0xffff, v18;
	v18 =	vperm.xlane v16, v8  }
0x253: {  	v14 =	vadd.f32 v17, v14;
	v17 =	vperm.xlane v15, v8;
	v13 =	vadd.f32 v19, v13  }
0x254: {  	vm2 =	vmor vm1, vm0;
	v16 =	vadd.f32 v18, v16  }
0x255: {  	v18 =	vperm.xlane v14, v8;
	[tilespmem:v10+s18+$0x0] =	vst.idx.add.f32.msk $0x1, v13;
	v13 =	vadd.f32 v17, v15;
	_ =	sdelay $0x1  }
0x256: {  	v14 =	vadd.f32 v18, v14;
	[tilespmem:v10+s19+$0x0] =	vst.idx.add.f32.msk $0x1, v16  }
0x257: {  	[tilespmem:v10+s20+$0x0] =	vst.idx.add.f32.msk $0x1, v13  }
0x258: {  	[tilespmem:v10+s23+$0x0] =	vst.idx.add.f32.msk $0x1, v14;
	v13, _, _ =	vpop (xrf2)  }
0x259: {  	v10, _, _ =	vpop (xrf2);
	[tilespmem:v11+s18+$0x0] =	vst.idx.add.f32.msk vm2, v13  }
0x25a: {  	v14, _, _ =	vpop (xrf2);
	[tilespmem:v11+s19+$0x0] =	vst.idx.add.f32.msk vm2, v10  }
0x25b: {  	v13 =	vsub.f32 $0.0e+00, v13;
	v15, _, _ =	vpop (xrf2);
	[tilespmem:v11+s20+$0x0] =	vst.idx.add.f32.msk vm2, v14  }
.Ltmp23:
0x25c: {  	v10 =	vsub.f32 $0.0e+00, v10;
	[tilespmem:v11+s23+$0x0] =	vst.idx.add.f32.msk vm2, v15;
	(pc) =	sbr.rel .LBB2_31-.Ltmp23, $4  }
0x25d: {  	v14 =	vsub.f32 $0.0e+00, v14;
	[tilespmem:v12+s18+$0x0] =	vst.idx.add.f32.msk vm1, v13  }
0x25e: {  	v15 =	vsub.f32 $0.0e+00, v15;
	[tilespmem:v12+s19+$0x0] =	vst.idx.add.f32.msk vm1, v10  }
0x25f: {  	v16 =	vimm.f32 $0.0e+00;
	v13 =	vimm.f32 $0.0e+00;
	[tilespmem:v12+s20+$0x0] =	vst.idx.add.f32.msk vm1, v14  }
0x260: {  	v10 =	vperm.xlane v11, v9;
	v14 =	vimm.f32 $0.0e+00;
	[tilespmem:v12+s23+$0x0] =	vst.idx.add.f32.msk vm1, v15;
	v15 =	vimm.f32 $0.0e+00  }
.LBB2_30:
0x261: {  	v13 =	vadd.f32 v17, v13;
	v16 =	vadd.f32 v19, v16  }
0x262: {  	v15 =	vadd.f32 v20, v15;
	v14 =	vadd.f32 v18, v14  }
.LBB2_31:
0x263: {  	v11 =	vld [tilespmem:s15+$0x0];
	_ =	sdelay $0x4  }
0x264: {  	v12 =	vperm.xlane v11, v1;
	_ =	sdelay $0x1  }
0x265: {  	vm2 =	vne.s32 v11, v10;
	vm1 =	vne.s32 v11, v12  }
0x266: {  	vm2 =	vmor vm2, vm1  }
0x267: {  	v17 =	vsel vm2, $0x3F800000, v0  }
0x268: {  	(xrf0) =	vmax.scan.msk.f32 $0xffff, v17;
	_ =	sdelay $0x5  }
0x269: {  	v17, _, _ =	vpop (xrf0)  }
0x26a: {  	(v2sf) =	vpush v17, $0xF;
	_ =	sdelay $0x7  }
0x26b: {  	v18 =	vld [tilespmem:s30+$0x0]  }
0x26c: {  	v19 =	vld [tilespmem:s12+$0x0]  }
0x26d: {  	v20 =	vld [tilespmem:s13+$0x0]  }
0x26e: {  	v21 =	vld [tilespmem:s14+$0x0]  }
0x26f: {  	v17 =	vld [tilespmem:s28+$0x0];
	_ =	sdelay $0x2  }
0x270: {  	v22 =	vsub.f32 $1.000000000e+00, v19;
	s16 =	spop (v2sf)  }
0x271: {  	v20 =	vsub.f32 v20, v19;
	p0 =	sgt.f32 s16, $0.0e+00  }
.Ltmp24:
0x272: {  	v21 =	vsub.f32 v21, v22;
	v19 =	vsub.f32 v17, v18;
	(pc) =	sbr.rel @!p0 .LBB2_33-.Ltmp24, $3  }
0x273: {  	_ = 	snop  }
0x274: {  	v18 =	vmul.f32 v20, v18;
	v22 =	vmul.f32 v21, v19;
	_ =	sdelay $0x1  }
0x275: {  	v20 =	vmul.f32 v18, v20;
	v18 =	vmul.f32 v22, v21  }
0x276: {  	v21 =	vperm.xlane v13, v5  }
0x277: {  	v22 =	vperm.xlane v16, v5  }
0x278: {  	v56 =	vperm.xlane v15, v5;
	v13 =	vadd.f32 v21, v13  }
0x279: {  	v16 =	vadd.f32 v22, v16  }
0x27a: {  	v57 =	vperm.xlane v14, v5;
	v15 =	vadd.f32 v56, v15;
	v58 =	vperm.xlane v13, v6  }
0x27b: {  	v59 =	vperm.xlane v16, v6  }
0x27c: {  	v14 =	vadd.f32 v57, v14;
	v60 =	vperm.xlane v15, v6;
	v13 =	vadd.f32 v58, v13  }
0x27d: {  	v16 =	vadd.f32 v59, v16  }
0x27e: {  	v61 =	vperm.xlane v14, v6;
	v15 =	vadd.f32 v60, v15;
	v62 =	vperm.xlane v13, v7  }
0x27f: {  	(xrf2) =	vadd.scan.msk.f32 $0xffff, v17;
	v17 =	vperm.xlane v16, v7  }
0x280: {  	v14 =	vadd.f32 v61, v14;
	v63 =	vperm.xlane v15, v7;
	v13 =	vadd.f32 v62, v13  }
0x281: {  	(xrf2) =	vadd.scan.msk.f32 $0xffff, v19;
	v16 =	vadd.f32 v17, v16  }
0x282: {  	(xrf2) =	vadd.scan.msk.f32 $0xffff, v20;
	v17 =	vperm.xlane v14, v7;
	v15 =	vadd.f32 v63, v15;
	v19 =	vperm.xlane v13, v8  }
0x283: {  	(xrf2) =	vadd.scan.msk.f32 $0xffff, v18;
	v18 =	vperm.xlane v16, v8  }
0x284: {  	v14 =	vadd.f32 v17, v14;
	v17 =	vperm.xlane v15, v8;
	v13 =	vadd.f32 v19, v13  }
0x285: {  	vm2 =	vmor vm1, vm0;
	v16 =	vadd.f32 v18, v16  }
0x286: {  	v18 =	vperm.xlane v14, v8;
	[tilespmem:v10+s18+$0x0] =	vst.idx.add.f32.msk $0x1, v13;
	v13 =	vadd.f32 v17, v15;
	_ =	sdelay $0x1  }
0x287: {  	v14 =	vadd.f32 v18, v14;
	[tilespmem:v10+s19+$0x0] =	vst.idx.add.f32.msk $0x1, v16  }
0x288: {  	[tilespmem:v10+s20+$0x0] =	vst.idx.add.f32.msk $0x1, v13  }
0x289: {  	[tilespmem:v10+s23+$0x0] =	vst.idx.add.f32.msk $0x1, v14;
	v13, _, _ =	vpop (xrf2)  }
0x28a: {  	v10, _, _ =	vpop (xrf2);
	[tilespmem:v11+s18+$0x0] =	vst.idx.add.f32.msk vm2, v13  }
0x28b: {  	v14, _, _ =	vpop (xrf2);
	[tilespmem:v11+s19+$0x0] =	vst.idx.add.f32.msk vm2, v10  }
0x28c: {  	v13 =	vsub.f32 $0.0e+00, v13;
	v15, _, _ =	vpop (xrf2);
	[tilespmem:v11+s20+$0x0] =	vst.idx.add.f32.msk vm2, v14  }
.Ltmp25:
0x28d: {  	v10 =	vsub.f32 $0.0e+00, v10;
	[tilespmem:v11+s23+$0x0] =	vst.idx.add.f32.msk vm2, v15;
	(pc) =	sbr.rel .LBB2_34-.Ltmp25, $4  }
0x28e: {  	v14 =	vsub.f32 $0.0e+00, v14;
	[tilespmem:v12+s18+$0x0] =	vst.idx.add.f32.msk vm1, v13  }
0x28f: {  	v15 =	vsub.f32 $0.0e+00, v15;
	[tilespmem:v12+s19+$0x0] =	vst.idx.add.f32.msk vm1, v10  }
0x290: {  	v16 =	vimm.f32 $0.0e+00;
	v13 =	vimm.f32 $0.0e+00;
	[tilespmem:v12+s20+$0x0] =	vst.idx.add.f32.msk vm1, v14  }
0x291: {  	v10 =	vperm.xlane v11, v9;
	v14 =	vimm.f32 $0.0e+00;
	[tilespmem:v12+s23+$0x0] =	vst.idx.add.f32.msk vm1, v15;
	v15 =	vimm.f32 $0.0e+00  }
.LBB2_33:
0x292: {  	v13 =	vadd.f32 v17, v13;
	v16 =	vadd.f32 v19, v16  }
0x293: {  	v15 =	vadd.f32 v20, v15;
	v14 =	vadd.f32 v18, v14  }
.LBB2_34:
0x294: {  	v11 =	vld [tilespmem:s15+$0x10];
	_ =	sdelay $0x4  }
0x295: {  	v12 =	vperm.xlane v11, v1;
	_ =	sdelay $0x1  }
0x296: {  	vm2 =	vne.s32 v11, v10;
	vm1 =	vne.s32 v11, v12  }
0x297: {  	vm2 =	vmor vm2, vm1  }
0x298: {  	v17 =	vsel vm2, $0x3F800000, v0  }
0x299: {  	(xrf0) =	vmax.scan.msk.f32 $0xffff, v17;
	_ =	sdelay $0x5  }
0x29a: {  	v17, _, _ =	vpop (xrf0)  }
0x29b: {  	(v2sf) =	vpush v17, $0xF;
	_ =	sdelay $0x7  }
0x29c: {  	v18 =	vld [tilespmem:s30+$0x10]  }
0x29d: {  	v19 =	vld [tilespmem:s12+$0x10]  }
0x29e: {  	v20 =	vld [tilespmem:s13+$0x10]  }
0x29f: {  	v21 =	vld [tilespmem:s14+$0x10]  }
0x2a0: {  	v17 =	vld [tilespmem:s28+$0x10];
	_ =	sdelay $0x2  }
0x2a1: {  	v22 =	vsub.f32 $1.000000000e+00, v19;
	s16 =	spop (v2sf)  }
0x2a2: {  	v20 =	vsub.f32 v20, v19;
	p0 =	sgt.f32 s16, $0.0e+00  }
.Ltmp26:
0x2a3: {  	v21 =	vsub.f32 v21, v22;
	v19 =	vsub.f32 v17, v18;
	(pc) =	sbr.rel @!p0 .LBB2_36-.Ltmp26, $3  }
0x2a4: {  	_ = 	snop  }
0x2a5: {  	v18 =	vmul.f32 v20, v18;
	v22 =	vmul.f32 v21, v19;
	_ =	sdelay $0x1  }
0x2a6: {  	v20 =	vmul.f32 v18, v20;
	v18 =	vmul.f32 v22, v21  }
0x2a7: {  	v21 =	vperm.xlane v13, v5  }
0x2a8: {  	v22 =	vperm.xlane v16, v5  }
0x2a9: {  	v56 =	vperm.xlane v15, v5;
	v13 =	vadd.f32 v21, v13  }
0x2aa: {  	v16 =	vadd.f32 v22, v16  }
0x2ab: {  	v57 =	vperm.xlane v14, v5;
	v15 =	vadd.f32 v56, v15;
	v58 =	vperm.xlane v13, v6  }
0x2ac: {  	v59 =	vperm.xlane v16, v6  }
0x2ad: {  	v14 =	vadd.f32 v57, v14;
	v60 =	vperm.xlane v15, v6;
	v13 =	vadd.f32 v58, v13  }
0x2ae: {  	v16 =	vadd.f32 v59, v16  }
0x2af: {  	v61 =	vperm.xlane v14, v6;
	v15 =	vadd.f32 v60, v15;
	v62 =	vperm.xlane v13, v7  }
0x2b0: {  	(xrf2) =	vadd.scan.msk.f32 $0xffff, v17;
	v17 =	vperm.xlane v16, v7  }
0x2b1: {  	v14 =	vadd.f32 v61, v14;
	v63 =	vperm.xlane v15, v7;
	v13 =	vadd.f32 v62, v13  }
0x2b2: {  	(xrf2) =	vadd.scan.msk.f32 $0xffff, v19;
	v16 =	vadd.f32 v17, v16  }
0x2b3: {  	(xrf2) =	vadd.scan.msk.f32 $0xffff, v20;
	v17 =	vperm.xlane v14, v7;
	v15 =	vadd.f32 v63, v15;
	v19 =	vperm.xlane v13, v8  }
0x2b4: {  	(xrf2) =	vadd.scan.msk.f32 $0xffff, v18;
	v18 =	vperm.xlane v16, v8  }
0x2b5: {  	v14 =	vadd.f32 v17, v14;
	v17 =	vperm.xlane v15, v8;
	v13 =	vadd.f32 v19, v13  }
0x2b6: {  	vm2 =	vmor vm1, vm0;
	v16 =	vadd.f32 v18, v16  }
0x2b7: {  	v18 =	vperm.xlane v14, v8;
	[tilespmem:v10+s18+$0x0] =	vst.idx.add.f32.msk $0x1, v13;
	v13 =	vadd.f32 v17, v15;
	_ =	sdelay $0x1  }
0x2b8: {  	v14 =	vadd.f32 v18, v14;
	[tilespmem:v10+s19+$0x0] =	vst.idx.add.f32.msk $0x1, v16  }
0x2b9: {  	[tilespmem:v10+s20+$0x0] =	vst.idx.add.f32.msk $0x1, v13  }
0x2ba: {  	[tilespmem:v10+s23+$0x0] =	vst.idx.add.f32.msk $0x1, v14;
	v13, _, _ =	vpop (xrf2)  }
0x2bb: {  	v10, _, _ =	vpop (xrf2);
	[tilespmem:v11+s18+$0x0] =	vst.idx.add.f32.msk vm2, v13  }
0x2bc: {  	v14, _, _ =	vpop (xrf2);
	[tilespmem:v11+s19+$0x0] =	vst.idx.add.f32.msk vm2, v10  }
0x2bd: {  	v13 =	vsub.f32 $0.0e+00, v13;
	v15, _, _ =	vpop (xrf2);
	[tilespmem:v11+s20+$0x0] =	vst.idx.add.f32.msk vm2, v14  }
.Ltmp27:
0x2be: {  	v10 =	vsub.f32 $0.0e+00, v10;
	[tilespmem:v11+s23+$0x0] =	vst.idx.add.f32.msk vm2, v15;
	(pc) =	sbr.rel .LBB2_37-.Ltmp27, $4  }
0x2bf: {  	v14 =	vsub.f32 $0.0e+00, v14;
	[tilespmem:v12+s18+$0x0] =	vst.idx.add.f32.msk vm1, v13  }
0x2c0: {  	v15 =	vsub.f32 $0.0e+00, v15;
	[tilespmem:v12+s19+$0x0] =	vst.idx.add.f32.msk vm1, v10  }
0x2c1: {  	v17 =	vimm.f32 $0.0e+00;
	v16 =	vimm.f32 $0.0e+00;
	[tilespmem:v12+s20+$0x0] =	vst.idx.add.f32.msk vm1, v14  }
0x2c2: {  	v13 =	vimm.f32 $0.0e+00;
	v10 =	vperm.xlane v11, v9;
	[tilespmem:v12+s23+$0x0] =	vst.idx.add.f32.msk vm1, v15;
	v15 =	vimm.f32 $0.0e+00  }
.LBB2_36:
0x2c3: {  	v13 =	vadd.f32 v17, v13;
	v17 =	vadd.f32 v19, v16  }
0x2c4: {  	v16 =	vadd.f32 v20, v15;
	v15 =	vadd.f32 v18, v14  }
.LBB2_37:
0x2c5: {  	v11 =	vld [tilespmem:s15+$0x20];
	_ =	sdelay $0x4  }
0x2c6: {  	v12 =	vperm.xlane v11, v1;
	_ =	sdelay $0x1  }
0x2c7: {  	vm2 =	vne.s32 v11, v10;
	vm1 =	vne.s32 v11, v12  }
0x2c8: {  	vm2 =	vmor vm2, vm1  }
0x2c9: {  	v14 =	vsel vm2, $0x3F800000, v0  }
0x2ca: {  	(xrf0) =	vmax.scan.msk.f32 $0xffff, v14;
	_ =	sdelay $0x5  }
0x2cb: {  	v14, _, _ =	vpop (xrf0)  }
0x2cc: {  	(v2sf) =	vpush v14, $0xF;
	_ =	sdelay $0x7  }
0x2cd: {  	v18 =	vld [tilespmem:s30+$0x20]  }
0x2ce: {  	v19 =	vld [tilespmem:s12+$0x20]  }
0x2cf: {  	v20 =	vld [tilespmem:s13+$0x20]  }
0x2d0: {  	v21 =	vld [tilespmem:s14+$0x20]  }
0x2d1: {  	v14 =	vld [tilespmem:s28+$0x20];
	_ =	sdelay $0x2  }
0x2d2: {  	v22 =	vsub.f32 $1.000000000e+00, v19;
	s16 =	spop (v2sf)  }
0x2d3: {  	v20 =	vsub.f32 v20, v19;
	p0 =	sgt.f32 s16, $0.0e+00  }
.Ltmp28:
0x2d4: {  	v21 =	vsub.f32 v21, v22;
	v19 =	vsub.f32 v14, v18;
	(pc) =	sbr.rel @!p0 .LBB2_39-.Ltmp28, $3  }
0x2d5: {  	_ = 	snop  }
0x2d6: {  	v18 =	vmul.f32 v20, v18;
	v22 =	vmul.f32 v21, v19;
	_ =	sdelay $0x1  }
0x2d7: {  	v20 =	vmul.f32 v18, v20;
	v18 =	vmul.f32 v22, v21  }
0x2d8: {  	v21 =	vperm.xlane v13, v5;
	_ =	sdelay $0x1  }
0x2d9: {  	v22 =	vperm.xlane v17, v5;
	v51 =	vperm.xlane v16, v5;
	v13 =	vadd.f32 v21, v13  }
0x2da: {  	v52 =	vperm.xlane v15, v5  }
0x2db: {  	v17 =	vadd.f32 v22, v17;
	v16 =	vadd.f32 v51, v16;
	v53 =	vperm.xlane v13, v6  }
0x2dc: {  	v15 =	vadd.f32 v52, v15  }
0x2dd: {  	v54 =	vperm.xlane v17, v6;
	v55 =	vperm.xlane v16, v6;
	v13 =	vadd.f32 v53, v13  }
0x2de: {  	v56 =	vperm.xlane v15, v6  }
0x2df: {  	v17 =	vadd.f32 v54, v17;
	v16 =	vadd.f32 v55, v16;
	v57 =	vperm.xlane v13, v7  }
0x2e0: {  	v15 =	vadd.f32 v56, v15  }
0x2e1: {  	(xrf2) =	vadd.scan.msk.f32 $0xffff, v14;
	v14 =	vperm.xlane v17, v7;
	v58 =	vperm.xlane v16, v7;
	v13 =	vadd.f32 v57, v13  }
0x2e2: {  	(xrf2) =	vadd.scan.msk.f32 $0xffff, v19;
	v59 =	vperm.xlane v15, v7  }
0x2e3: {  	(xrf2) =	vadd.scan.msk.f32 $0xffff, v20;
	v14 =	vadd.f32 v14, v17;
	v16 =	vadd.f32 v58, v16;
	v60 =	vperm.xlane v13, v8  }
0x2e4: {  	(xrf2) =	vadd.scan.msk.f32 $0xffff, v18;
	v15 =	vadd.f32 v59, v15  }
0x2e5: {  	v61 =	vperm.xlane v14, v8;
	v62 =	vperm.xlane v16, v8;
	v13 =	vadd.f32 v60, v13  }
0x2e6: {  	vm2 =	vmor vm1, vm0;
	v63 =	vperm.xlane v15, v8  }
0x2e7: {  	v14 =	vadd.f32 v61, v14;
	[tilespmem:v10+s18+$0x0] =	vst.idx.add.f32.msk $0x1, v13;
	v13 =	vadd.f32 v62, v16;
	_ =	sdelay $0x1  }
0x2e8: {  	[tilespmem:v10+s19+$0x0] =	vst.idx.add.f32.msk $0x1, v14;
	v14 =	vadd.f32 v63, v15  }
0x2e9: {  	[tilespmem:v10+s20+$0x0] =	vst.idx.add.f32.msk $0x1, v13  }
0x2ea: {  	[tilespmem:v10+s23+$0x0] =	vst.idx.add.f32.msk $0x1, v14;
	v13, _, _ =	vpop (xrf2)  }
0x2eb: {  	v10, _, _ =	vpop (xrf2);
	[tilespmem:v11+s18+$0x0] =	vst.idx.add.f32.msk vm2, v13  }
0x2ec: {  	v14, _, _ =	vpop (xrf2);
	[tilespmem:v11+s19+$0x0] =	vst.idx.add.f32.msk vm2, v10  }
0x2ed: {  	v13 =	vsub.f32 $0.0e+00, v13;
	v15, _, _ =	vpop (xrf2);
	[tilespmem:v11+s20+$0x0] =	vst.idx.add.f32.msk vm2, v14  }
.Ltmp29:
0x2ee: {  	v10 =	vsub.f32 $0.0e+00, v10;
	[tilespmem:v11+s23+$0x0] =	vst.idx.add.f32.msk vm2, v15;
	(pc) =	sbr.rel .LBB2_41-.Ltmp29, $4  }
0x2ef: {  	v14 =	vsub.f32 $0.0e+00, v14;
	[tilespmem:v12+s18+$0x0] =	vst.idx.add.f32.msk vm1, v13  }
0x2f0: {  	v15 =	vsub.f32 $0.0e+00, v15;
	[tilespmem:v12+s19+$0x0] =	vst.idx.add.f32.msk vm1, v10  }
0x2f1: {  	v13 =	vimm.f32 $0.0e+00;
	v10 =	vperm.xlane v11, v9;
	[tilespmem:v12+s20+$0x0] =	vst.idx.add.f32.msk vm1, v14  }
0x2f2: {  	v11 =	vimm.f32 $0.0e+00;
	v14 =	vimm.f32 $0.0e+00;
	[tilespmem:v12+s23+$0x0] =	vst.idx.add.f32.msk vm1, v15;
	v12 =	vimm.f32 $0.0e+00  }
.LBB2_39:
.Ltmp30:
0x2f3: {  	(pc) =	sbr.rel .LBB2_41-.Ltmp30, $3  }
0x2f4: {  	_ =	sdelay $0x1  }
0x2f5: {  	v13 =	vadd.f32 v14, v13;
	v14 =	vadd.f32 v19, v17  }
0x2f6: {  	v12 =	vadd.f32 v20, v16;
	v11 =	vadd.f32 v18, v15  }
.LBB2_42:
0x2f7: {  	p0 =	seq.s32 s9, $0xB  }
.Ltmp31:
0x2f8: {  	_ = 	snop;
	(pc) =	sbr.rel @p0 .LBB2_44-.Ltmp31, $1  }
0x2f9: {  	_ =	sdelay $0x3  }
0x2fa: {  	s12 =	sadd.s32 s25, s22  }
0x2fb: {  	s12 =	sshrl.u32 s12, $0x3  }
0x2fc: {  	s13 =	sadd.s32 s1, s12  }
0x2fd: {  	[tilespmem:s11], [sflag:$0x2] =	stream.linear.gather [hbm4b:s13+s7], $0x7D0, $0x38;
	[tilespmem:$0xA080] =	vst v63  }
0x2fe: {  	s14 =	simm.s32 $0x1800;
	s30 =	sadd.s32 s2, s12  }
0x2ff: {  	[tilespmem:s14], [sflag:$0x2] =	stream.linear.gather [hbm4b:s30+s7], $0x7D0, $0x38;
	[tilespmem:$0xA080] =	vst v63  }
0x300: {  	s15 =	simm.s32 $0x2800;
	s14 =	sadd.s32 s3, s12  }
0x301: {  	[tilespmem:s15], [sflag:$0x2] =	stream.linear.gather [hbm4b:s14+s7], $0x7D0, $0x38;
	[tilespmem:$0xA080] =	vst v63  }
0x302: {  	s25 =	simm.s32 $0x3800;
	s16 =	sadd.s32 s5, s12  }
0x303: {  	[tilespmem:s25], [sflag:$0x2] =	stream.linear.gather [hbm4b:s16+s7], $0x7D0, $0x38;
	[tilespmem:$0xA080] =	vst v63  }
.Ltmp32:
0x304: {  	_ = 	snop;
	(pc) =	sbr.rel .LBB2_4-.Ltmp32, $4  }
0x305: {  	s28 =	simm.s32 $0x4800;
	s26 =	sadd.s32 s8, s12  }
0x306: {  	[tilespmem:s28], [sflag:$0x2] =	stream.linear.gather [hbm4b:s26+s7], $0x7D0, $0x38;
	[tilespmem:$0xA080] =	vst v63  }
0x307: {  	s9 =	sadd.s32 $0x1, s9;
	s12 =	sadd.s32 s6, s12;
	s30 =	simm.s32 $0x5800  }
0x308: {  	[tilespmem:s30], [sflag:$0x2] =	stream.linear.gather [hbm4b:s12+s7], $0x7D0, $0x38;
	[tilespmem:$0xA080] =	vst v63  }
.LBB2_44:
0x309: {  	_ =	swait.ge [sflag:s17], $0x7D0  }
0x30a: {  	[sflag:s17] =	ssyncset.done $0x0  }
0x30b: {  	[sflag:s17] =	ssyncadd.s32 $0xFFFFF830  }
0x30c: {  	_ =	swait.ge [sflag:s17], $0x7D0  }
0x30d: {  	[sflag:s17] =	ssyncset.done $0x0  }
0x30e: {  	[sflag:s17] =	ssyncadd.s32 $0xFFFFF830  }
0x30f: {  	_ =	swait.ge [sflag:s17], $0x7D0  }
0x310: {  	[sflag:s17] =	ssyncset.done $0x0  }
0x311: {  	[sflag:s17] =	ssyncadd.s32 $0xFFFFF830  }
0x312: {  	_ =	swait.ge [sflag:s17], $0x7D0  }
0x313: {  	[sflag:s17] =	ssyncset.done $0x0  }
0x314: {  	[sflag:s17] =	ssyncadd.s32 $0xFFFFF830  }
0x315: {  	_ =	swait.ge [sflag:s17], $0x7D0  }
.Ltmp33:
0x316: {  	[sflag:s17] =	ssyncset.done $0x0;
	(pc) =	sbr.rel .LBB2_45-.Ltmp33, $4  }
0x317: {  	s9 =	simm.s32 $0x0;
	[sflag:s17] =	ssyncadd.s32 $0xFFFFF830  }
0x318: {  	s25 =	simm.s32 $0x1020;
	s26 =	simm.s32 $0x2020;
	_ =	swait.ge [sflag:s17], $0x7D0  }
0x319: {  	s12 =	simm.s32 $0x3020;
	s13 =	simm.s32 $0x4020;
	[sflag:s17] =	ssyncset.done $0x0  }
0x31a: {  	s14 =	simm.s32 $0x5020;
	s15 =	simm.s32 $0x20;
	[sflag:s17] =	ssyncadd.s32 $0xFFFFF830  }
.LBB2_61:
0x31b: {  	v15 =	vld [tilespmem:s25+$0xFFFFFFE0]  }
0x31c: {  	v16 =	vld [tilespmem:s26+$0xFFFFFFE0]  }
0x31d: {  	v17 =	vld [tilespmem:s12+$0xFFFFFFE0]  }
0x31e: {  	v18 =	vld [tilespmem:s13+$0xFFFFFFE0]  }
0x31f: {  	v19 =	vld [tilespmem:s14+$0xFFFFFFE0]  }
0x320: {  	v20 =	vld [tilespmem:s25+$0xFFFFFFF0]  }
0x321: {  	v21 =	vld [tilespmem:s26+$0xFFFFFFF0]  }
0x322: {  	v22 =	vld [tilespmem:s12+$0xFFFFFFF0]  }
0x323: {  	v23 =	vld [tilespmem:s13+$0xFFFFFFF0]  }
0x324: {  	v24 =	vld [tilespmem:s14+$0xFFFFFFF0]  }
0x325: {  	v25 =	vld [tilespmem:s25+$0x0]  }
0x326: {  	v27 =	vld [tilespmem:s26+$0x0]  }
0x327: {  	v39 =	vld [tilespmem:s12+$0x0]  }
0x328: {  	v40 =	vld [tilespmem:s13+$0x0]  }
0x329: {  	v41 =	vld [tilespmem:s25+$0x10]  }
0x32a: {  	v43 =	vld [tilespmem:s26+$0x10];
	v26 =	vsub.f32 $1.000000000e+00, v17  }
0x32b: {  	v44 =	vld [tilespmem:s12+$0x10];
	v17 =	vsub.f32 v18, v17;
	v28 =	vsub.f32 v15, v16  }
0x32c: {  	v45 =	vld [tilespmem:s13+$0x10];
	v29 =	vsub.f32 $1.000000000e+00, v22;
	v19 =	vsub.f32 v19, v26  }
0x32d: {  	v49 =	vld [tilespmem:s25+$0x20];
	v22 =	vsub.f32 v23, v22;
	v42 =	vsub.f32 v20, v21  }
0x32e: {  	v51 =	vld [tilespmem:s26+$0x20];
	v13 =	vadd.f32 v15, v13;
	v24 =	vsub.f32 v24, v29;
	v31 =	vmul.f32 v19, v28  }
0x32f: {  	v48 =	vsub.f32 v40, v39;
	v50 =	vsub.f32 $1.000000000e+00, v39;
	v16 =	vmul.f32 v17, v16  }
0x330: {  	v53 =	vsub.f32 v25, v27;
	v15 =	vmul.f32 v24, v42;
	v19 =	vmul.f32 v31, v19  }
0x331: {  	v30 =	vld [tilespmem:s14+$0x0];
	v55 =	vsub.f32 $1.000000000e+00, v44;
	v57 =	vsub.f32 v45, v44;
	v21 =	vmul.f32 v22, v21  }
0x332: {  	v47 =	vld [tilespmem:s14+$0x10];
	v16 =	vmul.f32 v16, v17;
	v15 =	vmul.f32 v15, v24;
	v11 =	vadd.f32 v19, v11  }
0x333: {  	v52 =	vld [tilespmem:s12+$0x20];
	v58 =	vsub.f32 v41, v43;
	v61 =	vsub.f32 v49, v51;
	v46 =	vmul.f32 v21, v22  }
0x334: {  	v54 =	vld [tilespmem:s13+$0x20];
	v12 =	vadd.f32 v16, v12;
	v11 =	vadd.f32 v15, v11;
	v15 =	vmul.f32 v48, v27  }
0x335: {  	v56 =	vld [tilespmem:s14+$0x20];
	v14 =	vadd.f32 v28, v14;
	v13 =	vadd.f32 v20, v13  }
0x336: {  	v17 =	vsub.f32 v30, v50;
	v12 =	vadd.f32 v46, v12;
	v15 =	vmul.f32 v15, v48  }
0x337: {  	v14 =	vadd.f32 v42, v14;
	v19 =	vsub.f32 v47, v55  }
0x338: {  	v22 =	vmul.f32 v17, v53;
	v12 =	vadd.f32 v15, v12;
	v15 =	vsub.f32 $1.000000000e+00, v52  }
0x339: {  	v59 =	vmul.f32 v57, v43;
	v13 =	vadd.f32 v25, v13;
	v16 =	vsub.f32 v54, v52  }
0x33a: {  	v17 =	vmul.f32 v22, v17;
	v60 =	vmul.f32 v19, v58;
	v15 =	vsub.f32 v56, v15  }
0x33b: {  	v62 =	vmul.f32 v59, v57;
	v14 =	vadd.f32 v53, v14;
	v18 =	vmul.f32 v16, v51  }
0x33c: {  	v11 =	vadd.f32 v17, v11;
	v19 =	vmul.f32 v60, v19;
	v63 =	vmul.f32 v15, v61  }
0x33d: {  	v13 =	vadd.f32 v41, v13;
	v14 =	vadd.f32 v58, v14;
	v16 =	vmul.f32 v18, v16  }
0x33e: {  	v11 =	vadd.f32 v19, v11;
	v12 =	vadd.f32 v62, v12;
	v15 =	vmul.f32 v63, v15  }
0x33f: {  	v13 =	vadd.f32 v49, v13;
	v14 =	vadd.f32 v61, v14  }
0x340: {  	v12 =	vadd.f32 v16, v12;
	v11 =	vadd.f32 v15, v11  }
.LBB2_62:
0x341: {  	s9 =	sadd.s32 $0x50, s9  }
0x342: {  	p0 =	sne.s32 s9, $0x7D0  }
.Ltmp34:
0x343: {  	_ = 	snop;
	(pc) =	sbr.rel @!p0 .LBB2_63-.Ltmp34, $3  }
0x344: {  	_ =	sdelay $0x1  }
0x345: {  	s25 =	sadd.s32 $0x50, s25;
	s26 =	sadd.s32 $0x50, s26;
	s12 =	sadd.s32 $0x50, s12  }
0x346: {  	s13 =	sadd.s32 $0x50, s13;
	s14 =	sadd.s32 $0x50, s14;
	s15 =	sadd.s32 $0x50, s15  }
.LBB2_45:
0x347: {  	v15 =	vadd.s32 s9, v3;
	_ =	sdelay $0x4  }
0x348: {  	v15 =	vld.idx.msk [tilespmem:v15+s7+$0x0], $0xffff;
	_ =	sdelay $0x4  }
0x349: {  	vm1 =	veq.s32 v15, v10  }
0x34a: {  	v15 =	vsel vm1, $0x0, v4  }
0x34b: {  	(xrf0) =	vmax.scan.msk.f32 $0xffff, v15;
	_ =	sdelay $0x5  }
0x34c: {  	v15, _, _ =	vpop (xrf0)  }
0x34d: {  	(v2sf) =	vpush v15, $0xF;
	_ =	sdelay $0xe  }
0x34e: {  	s16 =	spop (v2sf)  }
0x34f: {  	p0 =	sgt.f32 s16, $0.0e+00  }
.Ltmp35:
0x350: {  	_ = 	snop;
	(pc) =	sbr.rel @!p0 .LBB2_61-.Ltmp35, $1  }
0x351: {  	_ =	sdelay $0x3  }
0x352: {  	v15 =	vld [tilespmem:s15+$0xFFFFFFE0];
	_ =	sdelay $0x4  }
0x353: {  	v16 =	vperm.xlane v15, v1;
	_ =	sdelay $0x1  }
0x354: {  	vm2 =	vne.s32 v15, v10;
	vm1 =	vne.s32 v15, v16  }
0x355: {  	vm2 =	vmor vm2, vm1  }
0x356: {  	v17 =	vsel vm2, $0x3F800000, v0  }
0x357: {  	(xrf0) =	vmax.scan.msk.f32 $0xffff, v17;
	_ =	sdelay $0x5  }
0x358: {  	v17, _, _ =	vpop (xrf0)  }
0x359: {  	(v2sf) =	vpush v17, $0xF;
	_ =	sdelay $0x7  }
0x35a: {  	v18 =	vld [tilespmem:s26+$0xFFFFFFE0]  }
0x35b: {  	v19 =	vld [tilespmem:s12+$0xFFFFFFE0]  }
0x35c: {  	v20 =	vld [tilespmem:s13+$0xFFFFFFE0]  }
0x35d: {  	v21 =	vld [tilespmem:s14+$0xFFFFFFE0]  }
0x35e: {  	v17 =	vld [tilespmem:s25+$0xFFFFFFE0];
	_ =	sdelay $0x2  }
0x35f: {  	v22 =	vsub.f32 $1.000000000e+00, v19;
	s16 =	spop (v2sf)  }
0x360: {  	v20 =	vsub.f32 v20, v19;
	p0 =	sgt.f32 s16, $0.0e+00  }
.Ltmp36:
0x361: {  	v21 =	vsub.f32 v21, v22;
	v19 =	vsub.f32 v17, v18;
	(pc) =	sbr.rel @!p0 .LBB2_48-.Ltmp36, $3  }
0x362: {  	_ = 	snop  }
0x363: {  	v18 =	vmul.f32 v20, v18;
	v22 =	vmul.f32 v21, v19;
	_ =	sdelay $0x1  }
0x364: {  	v20 =	vmul.f32 v18, v20;
	v18 =	vmul.f32 v22, v21  }
0x365: {  	v21 =	vperm.xlane v13, v5  }
0x366: {  	v22 =	vperm.xlane v14, v5;
	v56 =	vperm.xlane v12, v5  }
0x367: {  	v13 =	vadd.f32 v21, v13  }
0x368: {  	v57 =	vperm.xlane v11, v5;
	v14 =	vadd.f32 v22, v14;
	v12 =	vadd.f32 v56, v12  }
0x369: {  	v58 =	vperm.xlane v13, v6  }
0x36a: {  	v11 =	vadd.f32 v57, v11;
	v59 =	vperm.xlane v14, v6;
	v60 =	vperm.xlane v12, v6  }
0x36b: {  	v13 =	vadd.f32 v58, v13  }
0x36c: {  	v61 =	vperm.xlane v11, v6;
	v14 =	vadd.f32 v59, v14;
	v12 =	vadd.f32 v60, v12  }
0x36d: {  	v62 =	vperm.xlane v13, v7  }
0x36e: {  	(xrf2) =	vadd.scan.msk.f32 $0xffff, v17;
	v11 =	vadd.f32 v61, v11;
	v17 =	vperm.xlane v14, v7;
	v63 =	vperm.xlane v12, v7  }
0x36f: {  	(xrf2) =	vadd.scan.msk.f32 $0xffff, v19;
	v13 =	vadd.f32 v62, v13  }
0x370: {  	(xrf2) =	vadd.scan.msk.f32 $0xffff, v20;
	v14 =	vadd.f32 v17, v14;
	v17 =	vperm.xlane v11, v7;
	v12 =	vadd.f32 v63, v12  }
0x371: {  	(xrf2) =	vadd.scan.msk.f32 $0xffff, v18;
	v19 =	vperm.xlane v13, v8  }
0x372: {  	v18 =	vperm.xlane v14, v8;
	v11 =	vadd.f32 v17, v11;
	v17 =	vperm.xlane v12, v8  }
0x373: {  	vm2 =	vmor vm1, vm0;
	v13 =	vadd.f32 v19, v13  }
0x374: {  	v14 =	vadd.f32 v18, v14;
	v18 =	vperm.xlane v11, v8;
	v12 =	vadd.f32 v17, v12  }
0x375: {  	[tilespmem:v10+s18+$0x0] =	vst.idx.add.f32.msk $0x1, v13  }
0x376: {  	v11 =	vadd.f32 v18, v11;
	[tilespmem:v10+s19+$0x0] =	vst.idx.add.f32.msk $0x1, v14  }
0x377: {  	[tilespmem:v10+s20+$0x0] =	vst.idx.add.f32.msk $0x1, v12  }
0x378: {  	v12, _, _ =	vpop (xrf2);
	[tilespmem:v10+s23+$0x0] =	vst.idx.add.f32.msk $0x1, v11  }
0x379: {  	v10, _, _ =	vpop (xrf2);
	[tilespmem:v15+s18+$0x0] =	vst.idx.add.f32.msk vm2, v12  }
0x37a: {  	v11, _, _ =	vpop (xrf2);
	[tilespmem:v15+s19+$0x0] =	vst.idx.add.f32.msk vm2, v10  }
0x37b: {  	v12 =	vsub.f32 $0.0e+00, v12;
	v13, _, _ =	vpop (xrf2);
	[tilespmem:v15+s20+$0x0] =	vst.idx.add.f32.msk vm2, v11  }
.Ltmp37:
0x37c: {  	v10 =	vsub.f32 $0.0e+00, v10;
	[tilespmem:v15+s23+$0x0] =	vst.idx.add.f32.msk vm2, v13;
	(pc) =	sbr.rel .LBB2_49-.Ltmp37, $4  }
0x37d: {  	v11 =	vsub.f32 $0.0e+00, v11;
	[tilespmem:v16+s18+$0x0] =	vst.idx.add.f32.msk vm1, v12  }
0x37e: {  	v12 =	vsub.f32 $0.0e+00, v13;
	[tilespmem:v16+s19+$0x0] =	vst.idx.add.f32.msk vm1, v10  }
0x37f: {  	v14 =	vimm.f32 $0.0e+00;
	v13 =	vimm.f32 $0.0e+00;
	[tilespmem:v16+s20+$0x0] =	vst.idx.add.f32.msk vm1, v11  }
0x380: {  	v10 =	vperm.xlane v15, v9;
	v15 =	vimm.f32 $0.0e+00;
	[tilespmem:v16+s23+$0x0] =	vst.idx.add.f32.msk vm1, v12;
	v16 =	vimm.f32 $0.0e+00  }
.LBB2_48:
0x381: {  	v13 =	vadd.f32 v17, v13;
	v16 =	vadd.f32 v19, v14  }
0x382: {  	v15 =	vadd.f32 v20, v12;
	v14 =	vadd.f32 v18, v11  }
.LBB2_49:
0x383: {  	v11 =	vld [tilespmem:s15+$0xFFFFFFF0];
	_ =	sdelay $0x4  }
0x384: {  	v12 =	vperm.xlane v11, v1;
	_ =	sdelay $0x1  }
0x385: {  	vm2 =	vne.s32 v11, v10;
	vm1 =	vne.s32 v11, v12  }
0x386: {  	vm2 =	vmor vm2, vm1  }
0x387: {  	v17 =	vsel vm2, $0x3F800000, v0  }
0x388: {  	(xrf0) =	vmax.scan.msk.f32 $0xffff, v17;
	_ =	sdelay $0x5  }
0x389: {  	v17, _, _ =	vpop (xrf0)  }
0x38a: {  	(v2sf) =	vpush v17, $0xF;
	_ =	sdelay $0x7  }
0x38b: {  	v18 =	vld [tilespmem:s26+$0xFFFFFFF0]  }
0x38c: {  	v19 =	vld [tilespmem:s12+$0xFFFFFFF0]  }
0x38d: {  	v20 =	vld [tilespmem:s13+$0xFFFFFFF0]  }
0x38e: {  	v21 =	vld [tilespmem:s14+$0xFFFFFFF0]  }
0x38f: {  	v17 =	vld [tilespmem:s25+$0xFFFFFFF0];
	_ =	sdelay $0x2  }
0x390: {  	v22 =	vsub.f32 $1.000000000e+00, v19;
	s16 =	spop (v2sf)  }
0x391: {  	v20 =	vsub.f32 v20, v19;
	p0 =	sgt.f32 s16, $0.0e+00  }
.Ltmp38:
0x392: {  	v21 =	vsub.f32 v21, v22;
	v19 =	vsub.f32 v17, v18;
	(pc) =	sbr.rel @!p0 .LBB2_51-.Ltmp38, $3  }
0x393: {  	_ = 	snop  }
0x394: {  	v18 =	vmul.f32 v20, v18;
	v22 =	vmul.f32 v21, v19;
	_ =	sdelay $0x1  }
0x395: {  	v20 =	vmul.f32 v18, v20;
	v18 =	vmul.f32 v22, v21  }
0x396: {  	v21 =	vperm.xlane v13, v5  }
0x397: {  	v22 =	vperm.xlane v16, v5  }
0x398: {  	v56 =	vperm.xlane v15, v5;
	v13 =	vadd.f32 v21, v13  }
0x399: {  	v16 =	vadd.f32 v22, v16  }
0x39a: {  	v57 =	vperm.xlane v14, v5;
	v15 =	vadd.f32 v56, v15;
	v58 =	vperm.xlane v13, v6  }
0x39b: {  	v59 =	vperm.xlane v16, v6  }
0x39c: {  	v14 =	vadd.f32 v57, v14;
	v60 =	vperm.xlane v15, v6;
	v13 =	vadd.f32 v58, v13  }
0x39d: {  	v16 =	vadd.f32 v59, v16  }
0x39e: {  	v61 =	vperm.xlane v14, v6;
	v15 =	vadd.f32 v60, v15;
	v62 =	vperm.xlane v13, v7  }
0x39f: {  	(xrf2) =	vadd.scan.msk.f32 $0xffff, v17;
	v17 =	vperm.xlane v16, v7  }
0x3a0: {  	v14 =	vadd.f32 v61, v14;
	v63 =	vperm.xlane v15, v7;
	v13 =	vadd.f32 v62, v13  }
0x3a1: {  	(xrf2) =	vadd.scan.msk.f32 $0xffff, v19;
	v16 =	vadd.f32 v17, v16  }
0x3a2: {  	(xrf2) =	vadd.scan.msk.f32 $0xffff, v20;
	v17 =	vperm.xlane v14, v7;
	v15 =	vadd.f32 v63, v15;
	v19 =	vperm.xlane v13, v8  }
0x3a3: {  	(xrf2) =	vadd.scan.msk.f32 $0xffff, v18;
	v18 =	vperm.xlane v16, v8  }
0x3a4: {  	v14 =	vadd.f32 v17, v14;
	v17 =	vperm.xlane v15, v8;
	v13 =	vadd.f32 v19, v13  }
0x3a5: {  	vm2 =	vmor vm1, vm0;
	v16 =	vadd.f32 v18, v16  }
0x3a6: {  	v18 =	vperm.xlane v14, v8;
	[tilespmem:v10+s18+$0x0] =	vst.idx.add.f32.msk $0x1, v13;
	v13 =	vadd.f32 v17, v15;
	_ =	sdelay $0x1  }
0x3a7: {  	v14 =	vadd.f32 v18, v14;
	[tilespmem:v10+s19+$0x0] =	vst.idx.add.f32.msk $0x1, v16  }
0x3a8: {  	[tilespmem:v10+s20+$0x0] =	vst.idx.add.f32.msk $0x1, v13  }
0x3a9: {  	[tilespmem:v10+s23+$0x0] =	vst.idx.add.f32.msk $0x1, v14;
	v13, _, _ =	vpop (xrf2)  }
0x3aa: {  	v10, _, _ =	vpop (xrf2);
	[tilespmem:v11+s18+$0x0] =	vst.idx.add.f32.msk vm2, v13  }
0x3ab: {  	v14, _, _ =	vpop (xrf2);
	[tilespmem:v11+s19+$0x0] =	vst.idx.add.f32.msk vm2, v10  }
0x3ac: {  	v13 =	vsub.f32 $0.0e+00, v13;
	v15, _, _ =	vpop (xrf2);
	[tilespmem:v11+s20+$0x0] =	vst.idx.add.f32.msk vm2, v14  }
.Ltmp39:
0x3ad: {  	v10 =	vsub.f32 $0.0e+00, v10;
	[tilespmem:v11+s23+$0x0] =	vst.idx.add.f32.msk vm2, v15;
	(pc) =	sbr.rel .LBB2_52-.Ltmp39, $4  }
0x3ae: {  	v14 =	vsub.f32 $0.0e+00, v14;
	[tilespmem:v12+s18+$0x0] =	vst.idx.add.f32.msk vm1, v13  }
0x3af: {  	v15 =	vsub.f32 $0.0e+00, v15;
	[tilespmem:v12+s19+$0x0] =	vst.idx.add.f32.msk vm1, v10  }
0x3b0: {  	v16 =	vimm.f32 $0.0e+00;
	v13 =	vimm.f32 $0.0e+00;
	[tilespmem:v12+s20+$0x0] =	vst.idx.add.f32.msk vm1, v14  }
0x3b1: {  	v10 =	vperm.xlane v11, v9;
	v14 =	vimm.f32 $0.0e+00;
	[tilespmem:v12+s23+$0x0] =	vst.idx.add.f32.msk vm1, v15;
	v15 =	vimm.f32 $0.0e+00  }
.LBB2_51:
0x3b2: {  	v13 =	vadd.f32 v17, v13;
	v16 =	vadd.f32 v19, v16  }
0x3b3: {  	v15 =	vadd.f32 v20, v15;
	v14 =	vadd.f32 v18, v14  }
.LBB2_52:
0x3b4: {  	v11 =	vld [tilespmem:s15+$0x0];
	_ =	sdelay $0x4  }
0x3b5: {  	v12 =	vperm.xlane v11, v1;
	_ =	sdelay $0x1  }
0x3b6: {  	vm2 =	vne.s32 v11, v10;
	vm1 =	vne.s32 v11, v12  }
0x3b7: {  	vm2 =	vmor vm2, vm1  }
0x3b8: {  	v17 =	vsel vm2, $0x3F800000, v0  }
0x3b9: {  	(xrf0) =	vmax.scan.msk.f32 $0xffff, v17;
	_ =	sdelay $0x5  }
0x3ba: {  	v17, _, _ =	vpop (xrf0)  }
0x3bb: {  	(v2sf) =	vpush v17, $0xF;
	_ =	sdelay $0x7  }
0x3bc: {  	v18 =	vld [tilespmem:s26+$0x0]  }
0x3bd: {  	v19 =	vld [tilespmem:s12+$0x0]  }
0x3be: {  	v20 =	vld [tilespmem:s13+$0x0]  }
0x3bf: {  	v21 =	vld [tilespmem:s14+$0x0]  }
0x3c0: {  	v17 =	vld [tilespmem:s25+$0x0];
	_ =	sdelay $0x2  }
0x3c1: {  	v22 =	vsub.f32 $1.000000000e+00, v19;
	s16 =	spop (v2sf)  }
0x3c2: {  	v20 =	vsub.f32 v20, v19;
	p0 =	sgt.f32 s16, $0.0e+00  }
.Ltmp40:
0x3c3: {  	v21 =	vsub.f32 v21, v22;
	v19 =	vsub.f32 v17, v18;
	(pc) =	sbr.rel @!p0 .LBB2_54-.Ltmp40, $3  }
0x3c4: {  	_ = 	snop  }
0x3c5: {  	v18 =	vmul.f32 v20, v18;
	v22 =	vmul.f32 v21, v19;
	_ =	sdelay $0x1  }
0x3c6: {  	v20 =	vmul.f32 v18, v20;
	v18 =	vmul.f32 v22, v21  }
0x3c7: {  	v21 =	vperm.xlane v13, v5  }
0x3c8: {  	v22 =	vperm.xlane v16, v5  }
0x3c9: {  	v56 =	vperm.xlane v15, v5;
	v13 =	vadd.f32 v21, v13  }
0x3ca: {  	v16 =	vadd.f32 v22, v16  }
0x3cb: {  	v57 =	vperm.xlane v14, v5;
	v15 =	vadd.f32 v56, v15;
	v58 =	vperm.xlane v13, v6  }
0x3cc: {  	v59 =	vperm.xlane v16, v6  }
0x3cd: {  	v14 =	vadd.f32 v57, v14;
	v60 =	vperm.xlane v15, v6;
	v13 =	vadd.f32 v58, v13  }
0x3ce: {  	v16 =	vadd.f32 v59, v16  }
0x3cf: {  	v61 =	vperm.xlane v14, v6;
	v15 =	vadd.f32 v60, v15;
	v62 =	vperm.xlane v13, v7  }
0x3d0: {  	(xrf2) =	vadd.scan.msk.f32 $0xffff, v17;
	v17 =	vperm.xlane v16, v7  }
0x3d1: {  	v14 =	vadd.f32 v61, v14;
	v63 =	vperm.xlane v15, v7;
	v13 =	vadd.f32 v62, v13  }
0x3d2: {  	(xrf2) =	vadd.scan.msk.f32 $0xffff, v19;
	v16 =	vadd.f32 v17, v16  }
0x3d3: {  	(xrf2) =	vadd.scan.msk.f32 $0xffff, v20;
	v17 =	vperm.xlane v14, v7;
	v15 =	vadd.f32 v63, v15;
	v19 =	vperm.xlane v13, v8  }
0x3d4: {  	(xrf2) =	vadd.scan.msk.f32 $0xffff, v18;
	v18 =	vperm.xlane v16, v8  }
0x3d5: {  	v14 =	vadd.f32 v17, v14;
	v17 =	vperm.xlane v15, v8;
	v13 =	vadd.f32 v19, v13  }
0x3d6: {  	vm2 =	vmor vm1, vm0;
	v16 =	vadd.f32 v18, v16  }
0x3d7: {  	v18 =	vperm.xlane v14, v8;
	[tilespmem:v10+s18+$0x0] =	vst.idx.add.f32.msk $0x1, v13;
	v13 =	vadd.f32 v17, v15;
	_ =	sdelay $0x1  }
0x3d8: {  	v14 =	vadd.f32 v18, v14;
	[tilespmem:v10+s19+$0x0] =	vst.idx.add.f32.msk $0x1, v16  }
0x3d9: {  	[tilespmem:v10+s20+$0x0] =	vst.idx.add.f32.msk $0x1, v13  }
0x3da: {  	[tilespmem:v10+s23+$0x0] =	vst.idx.add.f32.msk $0x1, v14;
	v13, _, _ =	vpop (xrf2)  }
0x3db: {  	v10, _, _ =	vpop (xrf2);
	[tilespmem:v11+s18+$0x0] =	vst.idx.add.f32.msk vm2, v13  }
0x3dc: {  	v14, _, _ =	vpop (xrf2);
	[tilespmem:v11+s19+$0x0] =	vst.idx.add.f32.msk vm2, v10  }
0x3dd: {  	v13 =	vsub.f32 $0.0e+00, v13;
	v15, _, _ =	vpop (xrf2);
	[tilespmem:v11+s20+$0x0] =	vst.idx.add.f32.msk vm2, v14  }
.Ltmp41:
0x3de: {  	v10 =	vsub.f32 $0.0e+00, v10;
	[tilespmem:v11+s23+$0x0] =	vst.idx.add.f32.msk vm2, v15;
	(pc) =	sbr.rel .LBB2_55-.Ltmp41, $4  }
0x3df: {  	v14 =	vsub.f32 $0.0e+00, v14;
	[tilespmem:v12+s18+$0x0] =	vst.idx.add.f32.msk vm1, v13  }
0x3e0: {  	v15 =	vsub.f32 $0.0e+00, v15;
	[tilespmem:v12+s19+$0x0] =	vst.idx.add.f32.msk vm1, v10  }
0x3e1: {  	v16 =	vimm.f32 $0.0e+00;
	v13 =	vimm.f32 $0.0e+00;
	[tilespmem:v12+s20+$0x0] =	vst.idx.add.f32.msk vm1, v14  }
0x3e2: {  	v10 =	vperm.xlane v11, v9;
	v14 =	vimm.f32 $0.0e+00;
	[tilespmem:v12+s23+$0x0] =	vst.idx.add.f32.msk vm1, v15;
	v15 =	vimm.f32 $0.0e+00  }
.LBB2_54:
0x3e3: {  	v13 =	vadd.f32 v17, v13;
	v16 =	vadd.f32 v19, v16  }
0x3e4: {  	v15 =	vadd.f32 v20, v15;
	v14 =	vadd.f32 v18, v14  }
.LBB2_55:
0x3e5: {  	v11 =	vld [tilespmem:s15+$0x10];
	_ =	sdelay $0x4  }
0x3e6: {  	v12 =	vperm.xlane v11, v1;
	_ =	sdelay $0x1  }
0x3e7: {  	vm2 =	vne.s32 v11, v10;
	vm1 =	vne.s32 v11, v12  }
0x3e8: {  	vm2 =	vmor vm2, vm1  }
0x3e9: {  	v17 =	vsel vm2, $0x3F800000, v0  }
0x3ea: {  	(xrf0) =	vmax.scan.msk.f32 $0xffff, v17;
	_ =	sdelay $0x5  }
0x3eb: {  	v17, _, _ =	vpop (xrf0)  }
0x3ec: {  	(v2sf) =	vpush v17, $0xF;
	_ =	sdelay $0x7  }
0x3ed: {  	v18 =	vld [tilespmem:s26+$0x10]  }
0x3ee: {  	v19 =	vld [tilespmem:s12+$0x10]  }
0x3ef: {  	v20 =	vld [tilespmem:s13+$0x10]  }
0x3f0: {  	v21 =	vld [tilespmem:s14+$0x10]  }
0x3f1: {  	v17 =	vld [tilespmem:s25+$0x10];
	_ =	sdelay $0x2  }
0x3f2: {  	v22 =	vsub.f32 $1.000000000e+00, v19;
	s16 =	spop (v2sf)  }
0x3f3: {  	v20 =	vsub.f32 v20, v19;
	p0 =	sgt.f32 s16, $0.0e+00  }
.Ltmp42:
0x3f4: {  	v21 =	vsub.f32 v21, v22;
	v19 =	vsub.f32 v17, v18;
	(pc) =	sbr.rel @!p0 .LBB2_57-.Ltmp42, $3  }
0x3f5: {  	_ = 	snop  }
0x3f6: {  	v18 =	vmul.f32 v20, v18;
	v22 =	vmul.f32 v21, v19;
	_ =	sdelay $0x1  }
0x3f7: {  	v20 =	vmul.f32 v18, v20;
	v18 =	vmul.f32 v22, v21  }
0x3f8: {  	v21 =	vperm.xlane v13, v5  }
0x3f9: {  	v22 =	vperm.xlane v16, v5  }
0x3fa: {  	v56 =	vperm.xlane v15, v5;
	v13 =	vadd.f32 v21, v13  }
0x3fb: {  	v16 =	vadd.f32 v22, v16  }
0x3fc: {  	v57 =	vperm.xlane v14, v5;
	v15 =	vadd.f32 v56, v15;
	v58 =	vperm.xlane v13, v6  }
0x3fd: {  	v59 =	vperm.xlane v16, v6  }
0x3fe: {  	v14 =	vadd.f32 v57, v14;
	v60 =	vperm.xlane v15, v6;
	v13 =	vadd.f32 v58, v13  }
0x3ff: {  	v16 =	vadd.f32 v59, v16  }
0x400: {  	v61 =	vperm.xlane v14, v6;
	v15 =	vadd.f32 v60, v15;
	v62 =	vperm.xlane v13, v7  }
0x401: {  	(xrf2) =	vadd.scan.msk.f32 $0xffff, v17;
	v17 =	vperm.xlane v16, v7  }
0x402: {  	v14 =	vadd.f32 v61, v14;
	v63 =	vperm.xlane v15, v7;
	v13 =	vadd.f32 v62, v13  }
0x403: {  	(xrf2) =	vadd.scan.msk.f32 $0xffff, v19;
	v16 =	vadd.f32 v17, v16  }
0x404: {  	(xrf2) =	vadd.scan.msk.f32 $0xffff, v20;
	v17 =	vperm.xlane v14, v7;
	v15 =	vadd.f32 v63, v15;
	v19 =	vperm.xlane v13, v8  }
0x405: {  	(xrf2) =	vadd.scan.msk.f32 $0xffff, v18;
	v18 =	vperm.xlane v16, v8  }
0x406: {  	v14 =	vadd.f32 v17, v14;
	v17 =	vperm.xlane v15, v8;
	v13 =	vadd.f32 v19, v13  }
0x407: {  	vm2 =	vmor vm1, vm0;
	v16 =	vadd.f32 v18, v16  }
0x408: {  	v18 =	vperm.xlane v14, v8;
	[tilespmem:v10+s18+$0x0] =	vst.idx.add.f32.msk $0x1, v13;
	v13 =	vadd.f32 v17, v15;
	_ =	sdelay $0x1  }
0x409: {  	v14 =	vadd.f32 v18, v14;
	[tilespmem:v10+s19+$0x0] =	vst.idx.add.f32.msk $0x1, v16  }
0x40a: {  	[tilespmem:v10+s20+$0x0] =	vst.idx.add.f32.msk $0x1, v13  }
0x40b: {  	[tilespmem:v10+s23+$0x0] =	vst.idx.add.f32.msk $0x1, v14;
	v13, _, _ =	vpop (xrf2)  }
0x40c: {  	v10, _, _ =	vpop (xrf2);
	[tilespmem:v11+s18+$0x0] =	vst.idx.add.f32.msk vm2, v13  }
0x40d: {  	v14, _, _ =	vpop (xrf2);
	[tilespmem:v11+s19+$0x0] =	vst.idx.add.f32.msk vm2, v10  }
0x40e: {  	v13 =	vsub.f32 $0.0e+00, v13;
	v15, _, _ =	vpop (xrf2);
	[tilespmem:v11+s20+$0x0] =	vst.idx.add.f32.msk vm2, v14  }
.Ltmp43:
0x40f: {  	v10 =	vsub.f32 $0.0e+00, v10;
	[tilespmem:v11+s23+$0x0] =	vst.idx.add.f32.msk vm2, v15;
	(pc) =	sbr.rel .LBB2_58-.Ltmp43, $4  }
0x410: {  	v14 =	vsub.f32 $0.0e+00, v14;
	[tilespmem:v12+s18+$0x0] =	vst.idx.add.f32.msk vm1, v13  }
0x411: {  	v15 =	vsub.f32 $0.0e+00, v15;
	[tilespmem:v12+s19+$0x0] =	vst.idx.add.f32.msk vm1, v10  }
0x412: {  	v17 =	vimm.f32 $0.0e+00;
	v16 =	vimm.f32 $0.0e+00;
	[tilespmem:v12+s20+$0x0] =	vst.idx.add.f32.msk vm1, v14  }
0x413: {  	v13 =	vimm.f32 $0.0e+00;
	v10 =	vperm.xlane v11, v9;
	[tilespmem:v12+s23+$0x0] =	vst.idx.add.f32.msk vm1, v15;
	v15 =	vimm.f32 $0.0e+00  }
.LBB2_57:
0x414: {  	v13 =	vadd.f32 v17, v13;
	v17 =	vadd.f32 v19, v16  }
0x415: {  	v16 =	vadd.f32 v20, v15;
	v15 =	vadd.f32 v18, v14  }
.LBB2_58:
0x416: {  	v11 =	vld [tilespmem:s15+$0x20];
	_ =	sdelay $0x4  }
0x417: {  	v12 =	vperm.xlane v11, v1;
	_ =	sdelay $0x1  }
0x418: {  	vm2 =	vne.s32 v11, v10;
	vm1 =	vne.s32 v11, v12  }
0x419: {  	vm2 =	vmor vm2, vm1  }
0x41a: {  	v14 =	vsel vm2, $0x3F800000, v0  }
0x41b: {  	(xrf0) =	vmax.scan.msk.f32 $0xffff, v14;
	_ =	sdelay $0x5  }
0x41c: {  	v14, _, _ =	vpop (xrf0)  }
0x41d: {  	(v2sf) =	vpush v14, $0xF;
	_ =	sdelay $0x7  }
0x41e: {  	v18 =	vld [tilespmem:s26+$0x20]  }
0x41f: {  	v19 =	vld [tilespmem:s12+$0x20]  }
0x420: {  	v20 =	vld [tilespmem:s13+$0x20]  }
0x421: {  	v21 =	vld [tilespmem:s14+$0x20]  }
0x422: {  	v14 =	vld [tilespmem:s25+$0x20];
	_ =	sdelay $0x2  }
0x423: {  	v22 =	vsub.f32 $1.000000000e+00, v19;
	s16 =	spop (v2sf)  }
0x424: {  	v20 =	vsub.f32 v20, v19;
	p0 =	sgt.f32 s16, $0.0e+00  }
.Ltmp44:
0x425: {  	v21 =	vsub.f32 v21, v22;
	v19 =	vsub.f32 v14, v18;
	(pc) =	sbr.rel @!p0 .LBB2_60-.Ltmp44, $3  }
0x426: {  	_ = 	snop  }
0x427: {  	v18 =	vmul.f32 v20, v18;
	v22 =	vmul.f32 v21, v19;
	_ =	sdelay $0x1  }
0x428: {  	v20 =	vmul.f32 v18, v20;
	v18 =	vmul.f32 v22, v21  }
0x429: {  	v21 =	vperm.xlane v13, v5;
	_ =	sdelay $0x1  }
0x42a: {  	v22 =	vperm.xlane v17, v5;
	v51 =	vperm.xlane v16, v5;
	v13 =	vadd.f32 v21, v13  }
0x42b: {  	v52 =	vperm.xlane v15, v5  }
0x42c: {  	v17 =	vadd.f32 v22, v17;
	v16 =	vadd.f32 v51, v16;
	v53 =	vperm.xlane v13, v6  }
0x42d: {  	v15 =	vadd.f32 v52, v15  }
0x42e: {  	v54 =	vperm.xlane v17, v6;
	v55 =	vperm.xlane v16, v6;
	v13 =	vadd.f32 v53, v13  }
0x42f: {  	v56 =	vperm.xlane v15, v6  }
0x430: {  	v17 =	vadd.f32 v54, v17;
	v16 =	vadd.f32 v55, v16;
	v57 =	vperm.xlane v13, v7  }
0x431: {  	v15 =	vadd.f32 v56, v15  }
0x432: {  	(xrf2) =	vadd.scan.msk.f32 $0xffff, v14;
	v14 =	vperm.xlane v17, v7;
	v58 =	vperm.xlane v16, v7;
	v13 =	vadd.f32 v57, v13  }
0x433: {  	(xrf2) =	vadd.scan.msk.f32 $0xffff, v19;
	v59 =	vperm.xlane v15, v7  }
0x434: {  	(xrf2) =	vadd.scan.msk.f32 $0xffff, v20;
	v14 =	vadd.f32 v14, v17;
	v16 =	vadd.f32 v58, v16;
	v60 =	vperm.xlane v13, v8  }
0x435: {  	(xrf2) =	vadd.scan.msk.f32 $0xffff, v18;
	v15 =	vadd.f32 v59, v15  }
0x436: {  	v61 =	vperm.xlane v14, v8;
	v62 =	vperm.xlane v16, v8;
	v13 =	vadd.f32 v60, v13  }
0x437: {  	vm2 =	vmor vm1, vm0;
	v63 =	vperm.xlane v15, v8  }
0x438: {  	v14 =	vadd.f32 v61, v14;
	[tilespmem:v10+s18+$0x0] =	vst.idx.add.f32.msk $0x1, v13;
	v13 =	vadd.f32 v62, v16;
	_ =	sdelay $0x1  }
0x439: {  	[tilespmem:v10+s19+$0x0] =	vst.idx.add.f32.msk $0x1, v14;
	v14 =	vadd.f32 v63, v15  }
0x43a: {  	[tilespmem:v10+s20+$0x0] =	vst.idx.add.f32.msk $0x1, v13  }
0x43b: {  	[tilespmem:v10+s23+$0x0] =	vst.idx.add.f32.msk $0x1, v14;
	v13, _, _ =	vpop (xrf2)  }
0x43c: {  	v10, _, _ =	vpop (xrf2);
	[tilespmem:v11+s18+$0x0] =	vst.idx.add.f32.msk vm2, v13  }
0x43d: {  	v14, _, _ =	vpop (xrf2);
	[tilespmem:v11+s19+$0x0] =	vst.idx.add.f32.msk vm2, v10  }
0x43e: {  	v13 =	vsub.f32 $0.0e+00, v13;
	v15, _, _ =	vpop (xrf2);
	[tilespmem:v11+s20+$0x0] =	vst.idx.add.f32.msk vm2, v14  }
.Ltmp45:
0x43f: {  	v10 =	vsub.f32 $0.0e+00, v10;
	[tilespmem:v11+s23+$0x0] =	vst.idx.add.f32.msk vm2, v15;
	(pc) =	sbr.rel .LBB2_62-.Ltmp45, $4  }
0x440: {  	v14 =	vsub.f32 $0.0e+00, v14;
	[tilespmem:v12+s18+$0x0] =	vst.idx.add.f32.msk vm1, v13  }
0x441: {  	v15 =	vsub.f32 $0.0e+00, v15;
	[tilespmem:v12+s19+$0x0] =	vst.idx.add.f32.msk vm1, v10  }
0x442: {  	v13 =	vimm.f32 $0.0e+00;
	v10 =	vperm.xlane v11, v9;
	[tilespmem:v12+s20+$0x0] =	vst.idx.add.f32.msk vm1, v14  }
0x443: {  	v11 =	vimm.f32 $0.0e+00;
	v14 =	vimm.f32 $0.0e+00;
	[tilespmem:v12+s23+$0x0] =	vst.idx.add.f32.msk vm1, v15;
	v12 =	vimm.f32 $0.0e+00  }
.LBB2_60:
.Ltmp46:
0x444: {  	(pc) =	sbr.rel .LBB2_62-.Ltmp46, $3  }
0x445: {  	_ =	sdelay $0x1  }
0x446: {  	v13 =	vadd.f32 v14, v13;
	v14 =	vadd.f32 v19, v17  }
0x447: {  	v12 =	vadd.f32 v20, v16;
	v11 =	vadd.f32 v18, v15  }
.LBB2_64:
0x448: {  	_ =	sfence.sel $0x180000  }
0x449: {  	[bflag:$0x0] =	sbarrier.arrive $0xFFFF  }
0x44a: {  	_ =	strace $0x90000047  }
0x44b: {  	s0 =	stileid.u32;
	[bflag:$0x2] =	sbarrier.arrive $0xFFFF  }
0x44c: {  	p0 =	sne.s32 s0, $0x0;
	s0 =	rddreg [dreg:$0x5]  }
0x44d: {  	s0 =	sadd.s32 @!p0 $0x100000, s0  }
0x44e: {  	[sflag:s0] =	ssyncadd.tile.s32 @!p0 $0x1;
	_ =	shalt  }
.Lfunc_end2:
_tile_overlayer_lowered:
.L_overlay_start_2:
0x44f: {  	(tag) =	ssettag $0x2  }
0x450: {  	s0 =	rddreg [dreg:$0x0];
	s2 =	stileid.u32  }
0x451: {  	s1 =	rddreg [dreg:$0x1];
	p0 =	sne.s32 s2, $0x0  }
0x452: {  	s3 =	rddreg [dreg:$0x2];
	[bflag:$0x3] =	sbarrier.arrive $0xFFFF;
	s2 =	simm.s32 @!p0 $0x1C03  }
0x453: {  	[timem:s3], [sflag:s2] =	dma.local @!p0 [hbm:s0], s1  }
0x454: {  	s0 =	simm.s32 @!p0 $0x3  }
0x455: {  	_ =	swait.ge @!p0 [sflag:s0], s1  }
0x456: {  	s1 =	ssub.s32 @!p0 $0x0, s1;
	[sflag:s0] =	ssyncset.done @!p0 $0x0  }
0x457: {  	[sflag:s0] =	ssyncadd.s32 @!p0 s1  }
0x458: {  	[bflag:$0x3] =	sbarrier.arrive $0xFFFF  }
0x459: {  	_ =	shalt  }

</sc_bundles>
